<compile_context>
chip_gen: v7x
topology: tpu7x:2x2x1
jax: 0.10.2.dev20260603
libtpu: 0.0.44.dev20260713+nightly
codegen_flags: <defaults>
</compile_context>

<pallas_src>
import functools
import math

import jax
import jax.numpy as jnp
from jax import lax
from jax.experimental import pallas as pl
from jax.experimental.pallas import tpu as pltpu
from jax.experimental.pallas import tpu_sc as plsc

N = 10000
E = 320000
DIN = 128
DOUT = 128
H = 8
DK = 16
NT = 3
ET = 4

BN = 1000
NBLK = N // BN
CH = 80
NCHUNK = (E // 32) // CH
EPW = E // 32
ROWS_A = 640
ROWS_B = 624
ZR = 104


def _proj_body(x_ref, oh_ref, kw_ref, qw_ref, vw_ref, wa_ref, wm_ref,
               krel_ref, vrel_ref, q_ref):
    x_b = x_ref[...]
    oh = oh_ref[...]
    k_b = jnp.zeros((BN, DOUT), jnp.float32)
    v_b = jnp.zeros((BN, DOUT), jnp.float32)
    q_b = jnp.zeros((BN, DOUT), jnp.float32)
    for t in range(NT):
        sel = oh[:, t][:, None]
        k_b = k_b + jnp.dot(x_b, kw_ref[t], preferred_element_type=jnp.float32) * sel
        v_b = v_b + jnp.dot(x_b, vw_ref[t], preferred_element_type=jnp.float32) * sel
        q_b = q_b + jnp.dot(x_b, qw_ref[t], preferred_element_type=jnp.float32) * sel
    q_ref[...] = q_b
    krel_ref[...] = jnp.dot(k_b, wa_ref[0], preferred_element_type=jnp.float32)
    vrel_ref[...] = jnp.dot(v_b, wm_ref[0], preferred_element_type=jnp.float32)


def _project(x, oh8, k_w, q_w, v_w, wa_blk, wm_blk):
    grid = (NBLK, ET)
    node_spec = pl.BlockSpec((BN, DIN), lambda i, e: (i, 0))
    oh_spec = pl.BlockSpec((BN, 8), lambda i, e: (i, 0))
    w_spec = pl.BlockSpec((NT, DIN, DOUT), lambda i, e: (0, 0, 0))
    rel_spec = pl.BlockSpec((1, DOUT, DOUT), lambda i, e: (e, 0, 0))
    out_rel_spec = pl.BlockSpec((BN, DOUT), lambda i, e: (e * NBLK + i, 0))
    return pl.pallas_call(
        _proj_body,
        grid=grid,
        in_specs=[node_spec, oh_spec, w_spec, w_spec, w_spec, rel_spec, rel_spec],
        out_specs=[out_rel_spec, out_rel_spec, node_spec],
        out_shape=[
            jax.ShapeDtypeStruct((ET * N, DOUT), jnp.float32),
            jax.ShapeDtypeStruct((ET * N, DOUT), jnp.float32),
            jax.ShapeDtypeStruct((N, DOUT), jnp.float32),
        ],
    )(x, oh8, k_w, q_w, v_w, wa_blk, wm_blk)


_GD = lax.GatherDimensionNumbers(
    offset_dims=(), collapsed_slice_dims=(0,), start_index_map=(0,))


def _lane_bcast(v, lane):
    idx = jnp.full((16, 1), lane, jnp.int32)
    return lax.gather(v, idx, _GD, slice_sizes=(1,),
                      mode=lax.GatherScatterMode.PROMISE_IN_BOUNDS)


def _perm(v, idx):
    return lax.gather(v, idx[:, None], _GD, slice_sizes=(1,),
                      mode=lax.GatherScatterMode.PROMISE_IN_BOUNDS)


def _sum_bcast(v, lanes):
    for m in (8, 4, 2, 1):
        v = v + _perm(v, lanes ^ m)
    return v
def _edge_body(krel_hbm, q_hbm, vrel_hbm, src_hbm, dst_hbm, et_hbm,
               accp_hbm, exv_hbm,
               srcv, dstv, etv, idxv, krows, qrows, vrows,
               exrow, idxf, idx64, semk, semq, semv, semS, semE, shacc):
    cid = lax.axis_index("c")
    sid = lax.axis_index("s")
    wid = cid * 16 + sid
    lanes = lax.iota(jnp.int32, 16)

    def _fill_iota(ref, base, length):
        for o in range(0, length, 16):
            ref[pl.ds(o, 16)] = base + o + lanes

    rbase = jnp.where(sid == 0, 0, ROWS_A + (sid - 1) * ROWS_B)

    z16 = jnp.zeros((16,), jnp.float32)

    def _zero_krows(i, _):
        for j in range(DOUT // 16):
            krows[i, pl.ds(j * 16, 16)] = z16
        return 0
    lax.fori_loop(0, CH, _zero_krows, 0)

    for r in range(7):
        _fill_iota(idxf, rbase + r * CH, CH)
        pltpu.sync_copy(krows, shacc.at[idxf])

    @pl.when(sid == 0)
    def _():
        _fill_iota(idxf, 7 * CH, CH)
        pltpu.sync_copy(krows, shacc.at[idxf])

    @pl.when(sid > 0)
    def _():
        _fill_iota(idx64, rbase + 7 * CH, 64)
        pltpu.sync_copy(krows.at[pl.ds(0, 64)], shacc.at[idx64])
    plsc.subcore_barrier()

    ebase = wid * EPW

    def _chunk(c, _):
        base = ebase + c * CH
        c1 = pltpu.async_copy(src_hbm.at[pl.ds(base, CH)], srcv, semk)
        c2 = pltpu.async_copy(dst_hbm.at[pl.ds(base, CH)], dstv, semq)
        c3 = pltpu.async_copy(et_hbm.at[pl.ds(base, CH)], etv, semv)
        c1.wait()
        c2.wait()
        c3.wait()
        for i in range(CH // 16):
            s16 = srcv[pl.ds(i * 16, 16)]
            e16 = etv[pl.ds(i * 16, 16)]
            idxv[pl.ds(i * 16, 16)] = e16 * N + s16
        ck = pltpu.async_copy(krel_hbm.at[idxv], krows, semk)
        cq = pltpu.async_copy(q_hbm.at[dstv], qrows, semq)
        cv = pltpu.async_copy(vrel_hbm.at[idxv], vrows, semv)
        ck.wait()
        cq.wait()
        cv.wait()

        def _pair(p, _):
            e0 = p * 2
            e1 = e0 + 1
            sc = jnp.zeros((16,), jnp.float32)
            for h in range(H):
                pk = krows[e0, pl.ds(h * DK, DK)] * qrows[e0, pl.ds(h * DK, DK)]
                sc = jnp.where(lanes == h, _sum_bcast(pk, lanes), sc)
                pk1 = krows[e1, pl.ds(h * DK, DK)] * qrows[e1, pl.ds(h * DK, DK)]
                sc = jnp.where(lanes == 15 - h, _sum_bcast(pk1, lanes), sc)
            exv = jnp.exp(jnp.clip(sc, -60.0, 60.0))
            exrow[e0, :] = jnp.where(lanes < 8, exv, 0.0)
            exrow[e1, :] = jnp.where(lanes < 8, lax.rev(exv, (0,)), 0.0)
            for h in range(H):
                b0 = _lane_bcast(exv, h)
                vrows[e0, pl.ds(h * DK, DK)] = vrows[e0, pl.ds(h * DK, DK)] * b0
                b1 = _lane_bcast(exv, 15 - h)
                vrows[e1, pl.ds(h * DK, DK)] = vrows[e1, pl.ds(h * DK, DK)] * b1
            return 0
        lax.fori_loop(0, CH // 2, _pair, 0)

        s1 = pltpu.async_copy(vrows, shacc.at[dstv], semS, add=True)
        s2 = pltpu.async_copy(exrow, exv_hbm.at[pl.ds(base, CH)], semE)
        s1.wait()
        s2.wait()
        return 0

    lax.fori_loop(0, NCHUNK, _chunk, 0)
    plsc.subcore_barrier()

    for r in range(7):
        fb = pl.multiple_of(rbase + r * CH, 8)
        _fill_iota(idxf, fb, CH)
        pltpu.sync_copy(shacc.at[idxf], krows)
        pltpu.sync_copy(krows, accp_hbm.at[cid].at[pl.ds(fb, CH)])

    @pl.when(sid == 0)
    def _():
        _fill_iota(idxf, 7 * CH, CH)
        pltpu.sync_copy(shacc.at[idxf], krows)
        pltpu.sync_copy(krows, accp_hbm.at[cid].at[pl.ds(7 * CH, CH)])

    @pl.when(sid > 0)
    def _():
        fb = pl.multiple_of(rbase + 7 * CH, 8)
        _fill_iota(idx64, fb, 64)
        pltpu.sync_copy(shacc.at[idx64], krows.at[pl.ds(0, 64)])
        pltpu.sync_copy(krows.at[pl.ds(0, 64)], accp_hbm.at[cid].at[pl.ds(fb, 64)])




def _edge_pass(krel, q, vrel, src, dst, et):
    mesh = plsc.VectorSubcoreMesh(core_axis_name="c", subcore_axis_name="s")
    fn = pl.kernel(
        _edge_body,
        out_type=[
            jax.ShapeDtypeStruct((2, N, DOUT), jnp.float32),
            jax.ShapeDtypeStruct((E, 16), jnp.float32),
        ],
        mesh=mesh,
        scratch_types=[
            pltpu.VMEM((CH,), jnp.int32),
            pltpu.VMEM((CH,), jnp.int32),
            pltpu.VMEM((CH,), jnp.int32),
            pltpu.VMEM((CH,), jnp.int32),
            pltpu.VMEM((CH, DOUT), jnp.float32),
            pltpu.VMEM((CH, DOUT), jnp.float32),
            pltpu.VMEM((CH, DOUT), jnp.float32),
            pltpu.VMEM((CH, 16), jnp.float32),
            pltpu.VMEM((CH,), jnp.int32),
            pltpu.VMEM((64,), jnp.int32),
            pltpu.SemaphoreType.DMA,
            pltpu.SemaphoreType.DMA,
            pltpu.SemaphoreType.DMA,
            pltpu.SemaphoreType.DMA,
            pltpu.SemaphoreType.DMA,
            pltpu.VMEM_SHARED((N, DOUT), jnp.float32),
        ],
    )
    return fn(krel, q, vrel, src, dst, et)


def _ex_body(dst_hbm, exv_hbm, exp2_hbm,
             dstv, exrow, exwide, idxf, idx64, shex):
    cid = lax.axis_index("c")
    sid = lax.axis_index("s")
    wid = cid * 16 + sid
    lanes = lax.iota(jnp.int32, 16)

    def _fill_iota(ref, base, length):
        for o in range(0, length, 16):
            ref[pl.ds(o, 16)] = base + o + lanes

    rbase = jnp.where(sid == 0, 0, ROWS_A + (sid - 1) * ROWS_B)

    z16 = jnp.zeros((16,), jnp.float32)

    def _zero_wide(i, _):
        for j in range(DOUT // 16):
            exwide[i, pl.ds(j * 16, 16)] = z16
        return 0
    lax.fori_loop(0, CH, _zero_wide, 0)

    for r in range(7):
        _fill_iota(idxf, rbase + r * CH, CH)
        pltpu.sync_copy(exwide, shex.at[idxf])

    @pl.when(sid == 0)
    def _():
        _fill_iota(idxf, 7 * CH, CH)
        pltpu.sync_copy(exwide, shex.at[idxf])

    @pl.when(sid > 0)
    def _():
        _fill_iota(idx64, rbase + 7 * CH, 64)
        pltpu.sync_copy(exwide.at[pl.ds(0, 64)], shex.at[idx64])
    plsc.subcore_barrier()

    ebase = wid * EPW

    def _chunk(c, _):
        base = ebase + c * CH
        pltpu.sync_copy(dst_hbm.at[pl.ds(base, CH)], dstv)
        pltpu.sync_copy(exv_hbm.at[pl.ds(base, CH)], exrow)

        def _widen(i, _):
            exwide[i, pl.ds(0, 16)] = exrow[i, :]
            return 0
        lax.fori_loop(0, CH, _widen, 0)
        pltpu.sync_copy(exwide, shex.at[dstv], add=True)
        return 0

    lax.fori_loop(0, NCHUNK, _chunk, 0)
    plsc.subcore_barrier()

    for r in range(7):
        fb = pl.multiple_of(rbase + r * CH, 8)
        _fill_iota(idxf, fb, CH)
        pltpu.sync_copy(shex.at[idxf], exwide)
        pltpu.sync_copy(exwide, exp2_hbm.at[cid].at[pl.ds(fb, CH)])

    @pl.when(sid == 0)
    def _():
        _fill_iota(idxf, 7 * CH, CH)
        pltpu.sync_copy(shex.at[idxf], exwide)
        pltpu.sync_copy(exwide, exp2_hbm.at[cid].at[pl.ds(7 * CH, CH)])

    @pl.when(sid > 0)
    def _():
        fb = pl.multiple_of(rbase + 7 * CH, 8)
        _fill_iota(idx64, fb, 64)
        pltpu.sync_copy(shex.at[idx64], exwide.at[pl.ds(0, 64)])
        pltpu.sync_copy(exwide.at[pl.ds(0, 64)],
                        exp2_hbm.at[cid].at[pl.ds(fb, 64)])


def _ex_pass(dst, exvals):
    mesh = plsc.VectorSubcoreMesh(core_axis_name="c", subcore_axis_name="s")
    fn = pl.kernel(
        _ex_body,
        out_type=[jax.ShapeDtypeStruct((2, N, DOUT), jnp.float32)],
        mesh=mesh,
        scratch_types=[
            pltpu.VMEM((CH,), jnp.int32),
            pltpu.VMEM((CH, 16), jnp.float32),
            pltpu.VMEM((CH, DOUT), jnp.float32),
            pltpu.VMEM((CH,), jnp.int32),
            pltpu.VMEM((64,), jnp.int32),
            pltpu.VMEM_SHARED((N, DOUT), jnp.float32),
        ],
    )
    return fn(dst, exvals)[0]


def _epi_body(accp_ref, exs_ref, x_ref, oh_ref, oha_ref, aw_ref, out_ref):
    acc = accp_ref[0] + accp_ref[1]
    ssum = exs_ref[0] + exs_ref[1]
    row = lax.broadcasted_iota(jnp.int32, (DOUT, DOUT), 0)
    col = lax.broadcasted_iota(jnp.int32, (DOUT, DOUT), 1)
    rep = jnp.where(col // DK == row, 1.0, 0.0).astype(jnp.float32)
    den = jnp.dot(ssum, rep, preferred_element_type=jnp.float32) + 1e-9
    agg = acc / den
    t = jax.nn.gelu(agg)
    oh = oh_ref[...]
    out = jnp.zeros((BN, DOUT), jnp.float32)
    for tt in range(NT):
        out = out + jnp.dot(t, aw_ref[tt], preferred_element_type=jnp.float32) * oh[:, tt][:, None]
    alpha = jnp.sum(oha_ref[...], axis=1, keepdims=True)
    out_ref[...] = alpha * out + (1.0 - alpha) * x_ref[...]


def _epilogue(accp, exs, x, oh8, oha, a_w):
    grid = (NBLK,)
    return pl.pallas_call(
        _epi_body,
        grid=grid,
        in_specs=[
            pl.BlockSpec((2, BN, DOUT), lambda i: (0, i, 0)),
            pl.BlockSpec((2, BN, DOUT), lambda i: (0, i, 0)),
            pl.BlockSpec((BN, DIN), lambda i: (i, 0)),
            pl.BlockSpec((BN, 8), lambda i: (i, 0)),
            pl.BlockSpec((BN, 8), lambda i: (i, 0)),
            pl.BlockSpec((NT, DOUT, DOUT), lambda i: (0, 0, 0)),
        ],
        out_specs=pl.BlockSpec((BN, DOUT), lambda i: (i, 0)),
        out_shape=jax.ShapeDtypeStruct((N, DOUT), jnp.float32),
    )(accp, exs, x, oh8, oha, a_w)


def kernel(x, edge_index, node_type, edge_type, k_w, q_w, v_w, a_w,
           w_att, w_msg, mu, skip):
    src = edge_index[0]
    dst = edge_index[1]

    oh = (node_type[:, None] == jnp.arange(NT, dtype=jnp.int32)[None, :])
    oh8 = jnp.pad(oh.astype(jnp.float32), ((0, 0), (0, 8 - NT)))
    alpha_t = jax.nn.sigmoid(skip)
    oha = oh8 * jnp.pad(alpha_t, (0, 8 - NT))[None, :]

    eye = jnp.eye(H, dtype=jnp.float32)
    wa = w_att * (mu / math.sqrt(DK))[:, :, None, None]
    wa_blk = jnp.einsum('thij,hg->thigj', wa, eye).reshape(ET, DOUT, DOUT)
    wm_blk = jnp.einsum('thij,hg->thigj', w_msg, eye).reshape(ET, DOUT, DOUT)

    krel, vrel, q = _project(x, oh8, k_w, q_w, v_w, wa_blk, wm_blk)
    accp, exvals = _edge_pass(krel, q, vrel, src, dst, edge_type)
    exp2 = _ex_pass(dst, exvals)
    return _epilogue(accp, exp2, x, oh8, oha, a_w)

# --- scband reference (transcript-rebuilt; emitter-appended) ---
"""Pipeline reference for scband-hgt-conv-54528904790449 (READ-ONLY COPY).

The authoritative reference and input builder live on the scoring server;
editing this copy changes nothing except your own understanding.
"""

import jax, jax.numpy as jnp
import numpy as np
import math

N = 10000
E = 320000
DIN = 128
DOUT = 128
H = 8
DK = DOUT // H
NT = 3
ET = 4


def setup_inputs(seed: int = 0) -> dict:
    key = jax.random.key(seed)
    ks = jax.random.split(key, 12)
    x = jax.random.normal(ks[0], (N, DIN), dtype=jnp.float32)
    edge_index = jax.random.randint(ks[1], (2, E), 0, N, dtype=jnp.int32)
    node_type = jax.random.randint(ks[2], (N,), 0, NT, dtype=jnp.int32)
    edge_type = jax.random.randint(ks[3], (E,), 0, ET, dtype=jnp.int32)
    s_in = 1.0 / math.sqrt(DIN)
    s_k = 1.0 / math.sqrt(DK)
    k_w = jax.random.normal(ks[4], (NT, DIN, DOUT), dtype=jnp.float32) * s_in
    q_w = jax.random.normal(ks[5], (NT, DIN, DOUT), dtype=jnp.float32) * s_in
    v_w = jax.random.normal(ks[6], (NT, DIN, DOUT), dtype=jnp.float32) * s_in
    a_w = jax.random.normal(ks[7], (NT, DOUT, DOUT), dtype=jnp.float32) * (1.0 / math.sqrt(DOUT))
    w_att = jax.random.normal(ks[8], (ET, H, DK, DK), dtype=jnp.float32) * s_k
    w_msg = jax.random.normal(ks[9], (ET, H, DK, DK), dtype=jnp.float32) * s_k
    mu = jnp.ones((ET, H), dtype=jnp.float32)
    skip = jnp.ones((NT,), dtype=jnp.float32)
    return {"x": x, "edge_index": edge_index, "node_type": node_type,
            "edge_type": edge_type, "k_w": k_w, "q_w": q_w, "v_w": v_w,
            "a_w": a_w, "w_att": w_att, "w_msg": w_msg, "mu": mu, "skip": skip}


def _per_type_linear(x, w, node_type):
    # x: [N, d_in], w: [T, d_in, d_out] -> select per-node-type projection
    all_t = jnp.einsum('ni,tio->nto', x, w)  # [N, T, d_out]
    idx = node_type[:, None, None].astype(jnp.int32)
    return jnp.take_along_axis(all_t, idx, axis=1).squeeze(1)  # [N, d_out]


def reference(x, edge_index, node_type, edge_type, k_w, q_w, v_w, a_w, w_att, w_msg, mu, skip):
    src = edge_index[0]
    dst = edge_index[1]

    # type-specific K/Q/V projections
    k = _per_type_linear(x, k_w, node_type).reshape(N, H, DK)
    q = _per_type_linear(x, q_w, node_type).reshape(N, H, DK)
    v = _per_type_linear(x, v_w, node_type).reshape(N, H, DK)

    # relation-specific transforms, precomputed for every (node, etype) pair
    k_rel_all = jnp.einsum('nhd,thde->nthe', k, w_att)  # [N, ET, H, DK]
    v_rel_all = jnp.einsum('nhd,thde->nthe', v, w_msg)  # [N, ET, H, DK]

    # per-edge gathers (SparseCore-style)
    k_e = k_rel_all[src, edge_type]  # [E, H, DK]
    v_e = v_rel_all[src, edge_type]  # [E, H, DK]
    q_e = q[dst]                     # [E, H, DK]

    # attention scores with relation prior
    score = (k_e * q_e).sum(-1) * mu[edge_type] / jnp.sqrt(jnp.float32(DK))  # [E, H]

    # segment softmax over incoming edges of each destination node
    smax = jax.ops.segment_max(score, dst, num_segments=N)  # [N, H]
    smax = jnp.where(jnp.isfinite(smax), smax, 0.0)
    ex = jnp.exp(score - smax[dst])
    ssum = jax.ops.segment_sum(ex, dst, num_segments=N)
    att = ex / (ssum[dst] + 1e-9)  # [E, H]

    # weighted message aggregation (scatter-add)
    msg = v_e * att[..., None]  # [E, H, DK]
    agg = jax.ops.segment_sum(msg, dst, num_segments=N).reshape(N, DOUT)

    # target-type-specific output projection + gated skip connection
    t = jax.nn.gelu(agg)
    out = _per_type_linear(t, a_w, node_type)
    alpha = jax.nn.sigmoid(skip)[node_type][:, None]
    h_new = alpha * out + (1.0 - alpha) * x
    return h_new

if __name__ == "__main__":
    import jax
    _d = setup_inputs()
    print(jax.jit(kernel)(*tuple(_d.values())))

</pallas_src>

<mosaic_0001>
#map = affine_map<(d0, d1) -> (0, 0)>
#map1 = affine_map<(d0, d1) -> (0)>
#map2 = affine_map<(d0, d1) -> (0, 0, 0)>
module attributes {stable_mosaic.version = 14 : i64} {
  func.func @_edge_body(%arg0: i32, %arg1: i32, %arg2: memref<40000x128xf32, #tpu.memory_space<hbm>>, %arg3: memref<10000x128xf32, #tpu.memory_space<hbm>>, %arg4: memref<40000x128xf32, #tpu.memory_space<hbm>>, %arg5: memref<320000xi32, #tpu.memory_space<hbm>>, %arg6: memref<320000xi32, #tpu.memory_space<hbm>>, %arg7: memref<320000xi32, #tpu.memory_space<hbm>>, %arg8: memref<2x10000x128xf32, #tpu.memory_space<hbm>>, %arg9: memref<320000x16xf32, #tpu.memory_space<hbm>>, %arg10: memref<80xi32, #tpu.memory_space<vmem>>, %arg11: memref<80xi32, #tpu.memory_space<vmem>>, %arg12: memref<80xi32, #tpu.memory_space<vmem>>, %arg13: memref<80xi32, #tpu.memory_space<vmem>>, %arg14: memref<80x128xf32, #tpu.memory_space<vmem>>, %arg15: memref<80x128xf32, #tpu.memory_space<vmem>>, %arg16: memref<80x128xf32, #tpu.memory_space<vmem>>, %arg17: memref<80x16xf32, #tpu.memory_space<vmem>>, %arg18: memref<80xi32, #tpu.memory_space<vmem>>, %arg19: memref<64xi32, #tpu.memory_space<vmem>>, %arg20: memref<!tpu.dma_semaphore, #tpu.memory_space<semaphore_mem>>, %arg21: memref<!tpu.dma_semaphore, #tpu.memory_space<semaphore_mem>>, %arg22: memref<!tpu.dma_semaphore, #tpu.memory_space<semaphore_mem>>, %arg23: memref<!tpu.dma_semaphore, #tpu.memory_space<semaphore_mem>>, %arg24: memref<!tpu.dma_semaphore, #tpu.memory_space<semaphore_mem>>, %arg25: memref<10000x128xf32, #tpu.memory_space<vmem_shared>>) attributes {dimension_semantics = [#tpu.dimension_semantics<core_parallel>, #tpu.dimension_semantics<subcore_parallel>], iteration_bounds = array<i64: 2, 16>, scalar_prefetch = 0 : i64, scratch_operands = 16 : i64, tpu.core_type = #tpu.core_type<sc_vector_subcore>, window_params = [{transform_indices = #map}, {transform_indices = #map}, {transform_indices = #map}, {transform_indices = #map1}, {transform_indices = #map1}, {transform_indices = #map1}, {transform_indices = #map2}, {transform_indices = #map}]} {
    %mul3A = arith.constant 16 : i32
    %mul3A_0 = arith.muli %arg0, %mul3A : i32
    %add3A = arith.addi %mul3A_0, %arg1 : i32
    %iota3A = tpu.iota {dimensions = array<i32: 0>} : vector<16xi32>
    %eq3A = arith.constant 0 : i32
    %eq3A_1 = arith.cmpi eq, %arg1, %eq3A : i32
    %sub3A = arith.constant 1 : i32
    %sub3A_2 = arith.subi %arg1, %sub3A : i32
    %mul3A_3 = arith.constant 624 : i32
    %mul3A_4 = arith.muli %sub3A_2, %mul3A_3 : i32
    %add3A_5 = arith.constant 640 : i32
    %add3A_6 = arith.addi %add3A_5, %mul3A_4 : i32
    %jit3A = arith.constant 0 : i32
    %select_n3A = arith.select %eq3A_1, %jit3A, %add3A_6 : i32
    %broadcast_in_dim3A = arith.constant 0.000000e+00 : f32
    %broadcast_in_dim3A_7 = vector.broadcast %broadcast_in_dim3A : f32 to vector<16xf32>
    %scan3A = arith.constant 0 : i32
    %scan3A_8 = arith.constant 0 : i32
    %scan3A_9 = arith.constant 80 : i32
    %scan3A_10 = arith.addi %scan3A_8, %scan3A_9 : i32
    %scan3A_11 = arith.constant 1 : i32
    %scan3A_12 = scf.for %scan3A_634 = %scan3A_8 to %scan3A_10 step %scan3A_11 iter_args(%scan3A_635 = %scan3A) -> (i32)  : i32 {
      %swap3A_636 = arith.index_cast %scan3A_634 : i32 to index
      %swap3A_637 = arith.constant 0 : index
      %swap3A_638 = tpu.vector_load %arg14[%swap3A_636, %swap3A_637] {strides = array<i32>} : memref<80x128xf32, #tpu.memory_space<vmem>>, vector<1x16xf32>,
      %swap3A_639 = vector.shape_cast %swap3A_638 : vector<1x16xf32> to vector<16xf32>
      %swap3A_640 = vector.shape_cast %broadcast_in_dim3A_7 : vector<16xf32> to vector<1x16xf32>
      tpu.vector_store %arg14[%swap3A_636, %swap3A_637], %swap3A_640 {strides = array<i32>} : memref<80x128xf32, #tpu.memory_space<vmem>>, vector<1x16xf32>,
      %swap3A_641 = arith.index_cast %scan3A_634 : i32 to index
      %swap3A_642 = arith.constant 16 : index
      %swap3A_643 = tpu.vector_load %arg14[%swap3A_641, %swap3A_642] {strides = array<i32>} : memref<80x128xf32, #tpu.memory_space<vmem>>, vector<1x16xf32>,
      %swap3A_644 = vector.shape_cast %swap3A_643 : vector<1x16xf32> to vector<16xf32>
      %swap3A_645 = vector.shape_cast %broadcast_in_dim3A_7 : vector<16xf32> to vector<1x16xf32>
      tpu.vector_store %arg14[%swap3A_641, %swap3A_642], %swap3A_645 {strides = array<i32>} : memref<80x128xf32, #tpu.memory_space<vmem>>, vector<1x16xf32>,
      %swap3A_646 = arith.index_cast %scan3A_634 : i32 to index
      %swap3A_647 = arith.constant 32 : index
      %swap3A_648 = tpu.vector_load %arg14[%swap3A_646, %swap3A_647] {strides = array<i32>} : memref<80x128xf32, #tpu.memory_space<vmem>>, vector<1x16xf32>,
      %swap3A_649 = vector.shape_cast %swap3A_648 : vector<1x16xf32> to vector<16xf32>
      %swap3A_650 = vector.shape_cast %broadcast_in_dim3A_7 : vector<16xf32> to vector<1x16xf32>
      tpu.vector_store %arg14[%swap3A_646, %swap3A_647], %swap3A_650 {strides = array<i32>} : memref<80x128xf32, #tpu.memory_space<vmem>>, vector<1x16xf32>,
      %swap3A_651 = arith.index_cast %scan3A_634 : i32 to index
      %swap3A_652 = arith.constant 48 : index
      %swap3A_653 = tpu.vector_load %arg14[%swap3A_651, %swap3A_652] {strides = array<i32>} : memref<80x128xf32, #tpu.memory_space<vmem>>, vector<1x16xf32>,
      %swap3A_654 = vector.shape_cast %swap3A_653 : vector<1x16xf32> to vector<16xf32>
      %swap3A_655 = vector.shape_cast %broadcast_in_dim3A_7 : vector<16xf32> to vector<1x16xf32>
      tpu.vector_store %arg14[%swap3A_651, %swap3A_652], %swap3A_655 {strides = array<i32>} : memref<80x128xf32, #tpu.memory_space<vmem>>, vector<1x16xf32>,
      %swap3A_656 = arith.index_cast %scan3A_634 : i32 to index
      %swap3A_657 = arith.constant 64 : index
      %swap3A_658 = tpu.vector_load %arg14[%swap3A_656, %swap3A_657] {strides = array<i32>} : memref<80x128xf32, #tpu.memory_space<vmem>>, vector<1x16xf32>,
      %swap3A_659 = vector.shape_cast %swap3A_658 : vector<1x16xf32> to vector<16xf32>
      %swap3A_660 = vector.shape_cast %broadcast_in_dim3A_7 : vector<16xf32> to vector<1x16xf32>
      tpu.vector_store %arg14[%swap3A_656, %swap3A_657], %swap3A_660 {strides = array<i32>} : memref<80x128xf32, #tpu.memory_space<vmem>>, vector<1x16xf32>,
      %swap3A_661 = arith.index_cast %scan3A_634 : i32 to index
      %swap3A_662 = arith.constant 80 : index
      %swap3A_663 = tpu.vector_load %arg14[%swap3A_661, %swap3A_662] {strides = array<i32>} : memref<80x128xf32, #tpu.memory_space<vmem>>, vector<1x16xf32>,
      %swap3A_664 = vector.shape_cast %swap3A_663 : vector<1x16xf32> to vector<16xf32>
      %swap3A_665 = vector.shape_cast %broadcast_in_dim3A_7 : vector<16xf32> to vector<1x16xf32>
      tpu.vector_store %arg14[%swap3A_661, %swap3A_662], %swap3A_665 {strides = array<i32>} : memref<80x128xf32, #tpu.memory_space<vmem>>, vector<1x16xf32>,
      %swap3A_666 = arith.index_cast %scan3A_634 : i32 to index
      %swap3A_667 = arith.constant 96 : index
      %swap3A_668 = tpu.vector_load %arg14[%swap3A_666, %swap3A_667] {strides = array<i32>} : memref<80x128xf32, #tpu.memory_space<vmem>>, vector<1x16xf32>,
      %swap3A_669 = vector.shape_cast %swap3A_668 : vector<1x16xf32> to vector<16xf32>
      %swap3A_670 = vector.shape_cast %broadcast_in_dim3A_7 : vector<16xf32> to vector<1x16xf32>
      tpu.vector_store %arg14[%swap3A_666, %swap3A_667], %swap3A_670 {strides = array<i32>} : memref<80x128xf32, #tpu.memory_space<vmem>>, vector<1x16xf32>,
      %swap3A_671 = arith.index_cast %scan3A_634 : i32 to index
      %swap3A_672 = arith.constant 112 : index
      %swap3A_673 = tpu.vector_load %arg14[%swap3A_671, %swap3A_672] {strides = array<i32>} : memref<80x128xf32, #tpu.memory_space<vmem>>, vector<1x16xf32>,
      %swap3A_674 = vector.shape_cast %swap3A_673 : vector<1x16xf32> to vector<16xf32>
      %swap3A_675 = vector.shape_cast %broadcast_in_dim3A_7 : vector<16xf32> to vector<1x16xf32>
      tpu.vector_store %arg14[%swap3A_671, %swap3A_672], %swap3A_675 {strides = array<i32>} : memref<80x128xf32, #tpu.memory_space<vmem>>, vector<1x16xf32>,
      %scan3A_676 = arith.constant 0 : i32
      scf.yield %scan3A_676 : i32
    }
    %scan3A_13 = arith.constant 80 : i32
    %add3A_14 = arith.constant 0 : i32
    %add3A_15 = arith.addi %select_n3A, %add3A_14 : i32
    %add3A_16 = arith.constant 0 : i32
    %add3A_17 = arith.addi %add3A_15, %add3A_16 : i32
    %add3A_18 = vector.broadcast %add3A_17 : i32 to vector<16xi32>
    %add3A_19 = arith.addi %add3A_18, %iota3A : vector<16xi32>
    %swap3A = arith.constant 0 : index
    %swap3A_20 = tpu.vector_load %arg18[%swap3A] {strides = array<i32>} : memref<80xi32, #tpu.memory_space<vmem>>, vector<16xi32>,
    %swap3A_21 = vector.shape_cast %swap3A_20 : vector<16xi32> to vector<16xi32>
    %swap3A_22 = vector.shape_cast %add3A_19 : vector<16xi32> to vector<16xi32>
    tpu.vector_store %arg18[%swap3A], %swap3A_22 {strides = array<i32>} : memref<80xi32, #tpu.memory_space<vmem>>, vector<16xi32>,
    %add3A_23 = arith.constant 16 : i32
    %add3A_24 = arith.addi %add3A_15, %add3A_23 : i32
    %add3A_25 = vector.broadcast %add3A_24 : i32 to vector<16xi32>
    %add3A_26 = arith.addi %add3A_25, %iota3A : vector<16xi32>
    %swap3A_27 = arith.constant 16 : index
    %swap3A_28 = tpu.vector_load %arg18[%swap3A_27] {strides = array<i32>} : memref<80xi32, #tpu.memory_space<vmem>>, vector<16xi32>,
    %swap3A_29 = vector.shape_cast %swap3A_28 : vector<16xi32> to vector<16xi32>
    %swap3A_30 = vector.shape_cast %add3A_26 : vector<16xi32> to vector<16xi32>
    tpu.vector_store %arg18[%swap3A_27], %swap3A_30 {strides = array<i32>} : memref<80xi32, #tpu.memory_space<vmem>>, vector<16xi32>,
    %add3A_31 = arith.constant 32 : i32
    %add3A_32 = arith.addi %add3A_15, %add3A_31 : i32
    %add3A_33 = vector.broadcast %add3A_32 : i32 to vector<16xi32>
    %add3A_34 = arith.addi %add3A_33, %iota3A : vector<16xi32>
    %swap3A_35 = arith.constant 32 : index
    %swap3A_36 = tpu.vector_load %arg18[%swap3A_35] {strides = array<i32>} : memref<80xi32, #tpu.memory_space<vmem>>, vector<16xi32>,
    %swap3A_37 = vector.shape_cast %swap3A_36 : vector<16xi32> to vector<16xi32>
    %swap3A_38 = vector.shape_cast %add3A_34 : vector<16xi32> to vector<16xi32>
    tpu.vector_store %arg18[%swap3A_35], %swap3A_38 {strides = array<i32>} : memref<80xi32, #tpu.memory_space<vmem>>, vector<16xi32>,
    %add3A_39 = arith.constant 48 : i32
    %add3A_40 = arith.addi %add3A_15, %add3A_39 : i32
    %add3A_41 = vector.broadcast %add3A_40 : i32 to vector<16xi32>
    %add3A_42 = arith.addi %add3A_41, %iota3A : vector<16xi32>
    %swap3A_43 = arith.constant 48 : index
    %swap3A_44 = tpu.vector_load %arg18[%swap3A_43] {strides = array<i32>} : memref<80xi32, #tpu.memory_space<vmem>>, vector<16xi32>,
    %swap3A_45 = vector.shape_cast %swap3A_44 : vector<16xi32> to vector<16xi32>
    %swap3A_46 = vector.shape_cast %add3A_42 : vector<16xi32> to vector<16xi32>
    tpu.vector_store %arg18[%swap3A_43], %swap3A_46 {strides = array<i32>} : memref<80xi32, #tpu.memory_space<vmem>>, vector<16xi32>,
    %add3A_47 = arith.constant 64 : i32
    %add3A_48 = arith.addi %add3A_15, %add3A_47 : i32
    %add3A_49 = vector.broadcast %add3A_48 : i32 to vector<16xi32>
    %add3A_50 = arith.addi %add3A_49, %iota3A : vector<16xi32>
    %swap3A_51 = arith.constant 64 : index
    %swap3A_52 = tpu.vector_load %arg18[%swap3A_51] {strides = array<i32>} : memref<80xi32, #tpu.memory_space<vmem>>, vector<16xi32>,
    %swap3A_53 = vector.shape_cast %swap3A_52 : vector<16xi32> to vector<16xi32>
    %swap3A_54 = vector.shape_cast %add3A_50 : vector<16xi32> to vector<16xi32>
    tpu.vector_store %arg18[%swap3A_51], %swap3A_54 {strides = array<i32>} : memref<80xi32, #tpu.memory_space<vmem>>, vector<16xi32>,
    "tpu.region"() ({
      %run_scoped3A = tpu.sem_alloc : memref<!tpu.dma_semaphore, #tpu.memory_space<semaphore_mem>>
      %dma_start3A = arith.constant 0 : i32
      %dma_start3A_634 = arith.constant 0 : i32
      %dma_start3A_635 = tpu.memref_slice %arg25[%dma_start3A, %dma_start3A_634] : memref<10000x128xf32, #tpu.memory_space<vmem_shared>> -> memref<10000x128xf32, #tpu.memory_space<vmem_shared>>
      tpu.enqueue_indirect_dma source(%arg14 : memref<80x128xf32, #tpu.memory_space<vmem>>) target(%dma_start3A_635 : memref<10000x128xf32, #tpu.memory_space<vmem_shared>>) offsets(%arg18 : memref<80xi32, #tpu.memory_space<vmem>>) semaphore(%run_scoped3A : memref<!tpu.dma_semaphore, #tpu.memory_space<semaphore_mem>>)
      %dma_wait3A = arith.constant 0 : i32
      %dma_wait3A_636 = arith.constant 0 : i32
      %dma_wait3A_637 = tpu.memref_slice %arg25[%dma_wait3A, %dma_wait3A_636] : memref<10000x128xf32, #tpu.memory_space<vmem_shared>> -> memref<10000x128xf32, #tpu.memory_space<vmem_shared>>
      tpu.wait_indirect_dma semaphore(%run_scoped3A : memref<!tpu.dma_semaphore, #tpu.memory_space<semaphore_mem>>) src(%arg14 : memref<80x128xf32, #tpu.memory_space<vmem>>) dst(%dma_wait3A_637 : memref<10000x128xf32, #tpu.memory_space<vmem_shared>>)
      tpu.yield
    }) : () -> ()
    %add3A_55 = arith.constant 80 : i32
    %add3A_56 = arith.addi %select_n3A, %add3A_55 : i32
    %add3A_57 = arith.constant 0 : i32
    %add3A_58 = arith.addi %add3A_56, %add3A_57 : i32
    %add3A_59 = vector.broadcast %add3A_58 : i32 to vector<16xi32>
    %add3A_60 = arith.addi %add3A_59, %iota3A : vector<16xi32>
    %swap3A_61 = arith.constant 0 : index
    %swap3A_62 = tpu.vector_load %arg18[%swap3A_61] {strides = array<i32>} : memref<80xi32, #tpu.memory_space<vmem>>, vector<16xi32>,
    %swap3A_63 = vector.shape_cast %swap3A_62 : vector<16xi32> to vector<16xi32>
    %swap3A_64 = vector.shape_cast %add3A_60 : vector<16xi32> to vector<16xi32>
    tpu.vector_store %arg18[%swap3A_61], %swap3A_64 {strides = array<i32>} : memref<80xi32, #tpu.memory_space<vmem>>, vector<16xi32>,
    %add3A_65 = arith.constant 16 : i32
    %add3A_66 = arith.addi %add3A_56, %add3A_65 : i32
    %add3A_67 = vector.broadcast %add3A_66 : i32 to vector<16xi32>
    %add3A_68 = arith.addi %add3A_67, %iota3A : vector<16xi32>
    %swap3A_69 = arith.constant 16 : index
    %swap3A_70 = tpu.vector_load %arg18[%swap3A_69] {strides = array<i32>} : memref<80xi32, #tpu.memory_space<vmem>>, vector<16xi32>,
    %swap3A_71 = vector.shape_cast %swap3A_70 : vector<16xi32> to vector<16xi32>
    %swap3A_72 = vector.shape_cast %add3A_68 : vector<16xi32> to vector<16xi32>
    tpu.vector_store %arg18[%swap3A_69], %swap3A_72 {strides = array<i32>} : memref<80xi32, #tpu.memory_space<vmem>>, vector<16xi32>,
    %add3A_73 = arith.constant 32 : i32
    %add3A_74 = arith.addi %add3A_56, %add3A_73 : i32
    %add3A_75 = vector.broadcast %add3A_74 : i32 to vector<16xi32>
    %add3A_76 = arith.addi %add3A_75, %iota3A : vector<16xi32>
    %swap3A_77 = arith.constant 32 : index
    %swap3A_78 = tpu.vector_load %arg18[%swap3A_77] {strides = array<i32>} : memref<80xi32, #tpu.memory_space<vmem>>, vector<16xi32>,
    %swap3A_79 = vector.shape_cast %swap3A_78 : vector<16xi32> to vector<16xi32>
    %swap3A_80 = vector.shape_cast %add3A_76 : vector<16xi32> to vector<16xi32>
    tpu.vector_store %arg18[%swap3A_77], %swap3A_80 {strides = array<i32>} : memref<80xi32, #tpu.memory_space<vmem>>, vector<16xi32>,
    %add3A_81 = arith.constant 48 : i32
    %add3A_82 = arith.addi %add3A_56, %add3A_81 : i32
    %add3A_83 = vector.broadcast %add3A_82 : i32 to vector<16xi32>
    %add3A_84 = arith.addi %add3A_83, %iota3A : vector<16xi32>
    %swap3A_85 = arith.constant 48 : index
    %swap3A_86 = tpu.vector_load %arg18[%swap3A_85] {strides = array<i32>} : memref<80xi32, #tpu.memory_space<vmem>>, vector<16xi32>,
    %swap3A_87 = vector.shape_cast %swap3A_86 : vector<16xi32> to vector<16xi32>
    %swap3A_88 = vector.shape_cast %add3A_84 : vector<16xi32> to vector<16xi32>
    tpu.vector_store %arg18[%swap3A_85], %swap3A_88 {strides = array<i32>} : memref<80xi32, #tpu.memory_space<vmem>>, vector<16xi32>,
    %add3A_89 = arith.constant 64 : i32
    %add3A_90 = arith.addi %add3A_56, %add3A_89 : i32
    %add3A_91 = vector.broadcast %add3A_90 : i32 to vector<16xi32>
    %add3A_92 = arith.addi %add3A_91, %iota3A : vector<16xi32>
    %swap3A_93 = arith.constant 64 : index
    %swap3A_94 = tpu.vector_load %arg18[%swap3A_93] {strides = array<i32>} : memref<80xi32, #tpu.memory_space<vmem>>, vector<16xi32>,
    %swap3A_95 = vector.shape_cast %swap3A_94 : vector<16xi32> to vector<16xi32>
    %swap3A_96 = vector.shape_cast %add3A_92 : vector<16xi32> to vector<16xi32>
    tpu.vector_store %arg18[%swap3A_93], %swap3A_96 {strides = array<i32>} : memref<80xi32, #tpu.memory_space<vmem>>, vector<16xi32>,
    "tpu.region"() ({
      %run_scoped3A = tpu.sem_alloc : memref<!tpu.dma_semaphore, #tpu.memory_space<semaphore_mem>>
      %dma_start3A = arith.constant 0 : i32
      %dma_start3A_634 = arith.constant 0 : i32
      %dma_start3A_635 = tpu.memref_slice %arg25[%dma_start3A, %dma_start3A_634] : memref<10000x128xf32, #tpu.memory_space<vmem_shared>> -> memref<10000x128xf32, #tpu.memory_space<vmem_shared>>
      tpu.enqueue_indirect_dma source(%arg14 : memref<80x128xf32, #tpu.memory_space<vmem>>) target(%dma_start3A_635 : memref<10000x128xf32, #tpu.memory_space<vmem_shared>>) offsets(%arg18 : memref<80xi32, #tpu.memory_space<vmem>>) semaphore(%run_scoped3A : memref<!tpu.dma_semaphore, #tpu.memory_space<semaphore_mem>>)
      %dma_wait3A = arith.constant 0 : i32
      %dma_wait3A_636 = arith.constant 0 : i32
      %dma_wait3A_637 = tpu.memref_slice %arg25[%dma_wait3A, %dma_wait3A_636] : memref<10000x128xf32, #tpu.memory_space<vmem_shared>> -> memref<10000x128xf32, #tpu.memory_space<vmem_shared>>
      tpu.wait_indirect_dma semaphore(%run_scoped3A : memref<!tpu.dma_semaphore, #tpu.memory_space<semaphore_mem>>) src(%arg14 : memref<80x128xf32, #tpu.memory_space<vmem>>) dst(%dma_wait3A_637 : memref<10000x128xf32, #tpu.memory_space<vmem_shared>>)
      tpu.yield
    }) : () -> ()
    %add3A_97 = arith.constant 160 : i32
    %add3A_98 = arith.addi %select_n3A, %add3A_97 : i32
    %add3A_99 = arith.constant 0 : i32
    %add3A_100 = arith.addi %add3A_98, %add3A_99 : i32
    %add3A_101 = vector.broadcast %add3A_100 : i32 to vector<16xi32>
    %add3A_102 = arith.addi %add3A_101, %iota3A : vector<16xi32>
    %swap3A_103 = arith.constant 0 : index
    %swap3A_104 = tpu.vector_load %arg18[%swap3A_103] {strides = array<i32>} : memref<80xi32, #tpu.memory_space<vmem>>, vector<16xi32>,
    %swap3A_105 = vector.shape_cast %swap3A_104 : vector<16xi32> to vector<16xi32>
    %swap3A_106 = vector.shape_cast %add3A_102 : vector<16xi32> to vector<16xi32>
    tpu.vector_store %arg18[%swap3A_103], %swap3A_106 {strides = array<i32>} : memref<80xi32, #tpu.memory_space<vmem>>, vector<16xi32>,
    %add3A_107 = arith.constant 16 : i32
    %add3A_108 = arith.addi %add3A_98, %add3A_107 : i32
    %add3A_109 = vector.broadcast %add3A_108 : i32 to vector<16xi32>
    %add3A_110 = arith.addi %add3A_109, %iota3A : vector<16xi32>
    %swap3A_111 = arith.constant 16 : index
    %swap3A_112 = tpu.vector_load %arg18[%swap3A_111] {strides = array<i32>} : memref<80xi32, #tpu.memory_space<vmem>>, vector<16xi32>,
    %swap3A_113 = vector.shape_cast %swap3A_112 : vector<16xi32> to vector<16xi32>
    %swap3A_114 = vector.shape_cast %add3A_110 : vector<16xi32> to vector<16xi32>
    tpu.vector_store %arg18[%swap3A_111], %swap3A_114 {strides = array<i32>} : memref<80xi32, #tpu.memory_space<vmem>>, vector<16xi32>,
    %add3A_115 = arith.constant 32 : i32
    %add3A_116 = arith.addi %add3A_98, %add3A_115 : i32
    %add3A_117 = vector.broadcast %add3A_116 : i32 to vector<16xi32>
    %add3A_118 = arith.addi %add3A_117, %iota3A : vector<16xi32>
    %swap3A_119 = arith.constant 32 : index
    %swap3A_120 = tpu.vector_load %arg18[%swap3A_119] {strides = array<i32>} : memref<80xi32, #tpu.memory_space<vmem>>, vector<16xi32>,
    %swap3A_121 = vector.shape_cast %swap3A_120 : vector<16xi32> to vector<16xi32>
    %swap3A_122 = vector.shape_cast %add3A_118 : vector<16xi32> to vector<16xi32>
    tpu.vector_store %arg18[%swap3A_119], %swap3A_122 {strides = array<i32>} : memref<80xi32, #tpu.memory_space<vmem>>, vector<16xi32>,
    %add3A_123 = arith.constant 48 : i32
    %add3A_124 = arith.addi %add3A_98, %add3A_123 : i32
    %add3A_125 = vector.broadcast %add3A_124 : i32 to vector<16xi32>
    %add3A_126 = arith.addi %add3A_125, %iota3A : vector<16xi32>
    %swap3A_127 = arith.constant 48 : index
    %swap3A_128 = tpu.vector_load %arg18[%swap3A_127] {strides = array<i32>} : memref<80xi32, #tpu.memory_space<vmem>>, vector<16xi32>,
    %swap3A_129 = vector.shape_cast %swap3A_128 : vector<16xi32> to vector<16xi32>
    %swap3A_130 = vector.shape_cast %add3A_126 : vector<16xi32> to vector<16xi32>
    tpu.vector_store %arg18[%swap3A_127], %swap3A_130 {strides = array<i32>} : memref<80xi32, #tpu.memory_space<vmem>>, vector<16xi32>,
    %add3A_131 = arith.constant 64 : i32
    %add3A_132 = arith.addi %add3A_98, %add3A_131 : i32
    %add3A_133 = vector.broadcast %add3A_132 : i32 to vector<16xi32>
    %add3A_134 = arith.addi %add3A_133, %iota3A : vector<16xi32>
    %swap3A_135 = arith.constant 64 : index
    %swap3A_136 = tpu.vector_load %arg18[%swap3A_135] {strides = array<i32>} : memref<80xi32, #tpu.memory_space<vmem>>, vector<16xi32>,
    %swap3A_137 = vector.shape_cast %swap3A_136 : vector<16xi32> to vector<16xi32>
    %swap3A_138 = vector.shape_cast %add3A_134 : vector<16xi32> to vector<16xi32>
    tpu.vector_store %arg18[%swap3A_135], %swap3A_138 {strides = array<i32>} : memref<80xi32, #tpu.memory_space<vmem>>, vector<16xi32>,
    "tpu.region"() ({
      %run_scoped3A = tpu.sem_alloc : memref<!tpu.dma_semaphore, #tpu.memory_space<semaphore_mem>>
      %dma_start3A = arith.constant 0 : i32
      %dma_start3A_634 = arith.constant 0 : i32
      %dma_start3A_635 = tpu.memref_slice %arg25[%dma_start3A, %dma_start3A_634] : memref<10000x128xf32, #tpu.memory_space<vmem_shared>> -> memref<10000x128xf32, #tpu.memory_space<vmem_shared>>
      tpu.enqueue_indirect_dma source(%arg14 : memref<80x128xf32, #tpu.memory_space<vmem>>) target(%dma_start3A_635 : memref<10000x128xf32, #tpu.memory_space<vmem_shared>>) offsets(%arg18 : memref<80xi32, #tpu.memory_space<vmem>>) semaphore(%run_scoped3A : memref<!tpu.dma_semaphore, #tpu.memory_space<semaphore_mem>>)
      %dma_wait3A = arith.constant 0 : i32
      %dma_wait3A_636 = arith.constant 0 : i32
      %dma_wait3A_637 = tpu.memref_slice %arg25[%dma_wait3A, %dma_wait3A_636] : memref<10000x128xf32, #tpu.memory_space<vmem_shared>> -> memref<10000x128xf32, #tpu.memory_space<vmem_shared>>
      tpu.wait_indirect_dma semaphore(%run_scoped3A : memref<!tpu.dma_semaphore, #tpu.memory_space<semaphore_mem>>) src(%arg14 : memref<80x128xf32, #tpu.memory_space<vmem>>) dst(%dma_wait3A_637 : memref<10000x128xf32, #tpu.memory_space<vmem_shared>>)
      tpu.yield
    }) : () -> ()
    %add3A_139 = arith.constant 240 : i32
    %add3A_140 = arith.addi %select_n3A, %add3A_139 : i32
    %add3A_141 = arith.constant 0 : i32
    %add3A_142 = arith.addi %add3A_140, %add3A_141 : i32
    %add3A_143 = vector.broadcast %add3A_142 : i32 to vector<16xi32>
    %add3A_144 = arith.addi %add3A_143, %iota3A : vector<16xi32>
    %swap3A_145 = arith.constant 0 : index
    %swap3A_146 = tpu.vector_load %arg18[%swap3A_145] {strides = array<i32>} : memref<80xi32, #tpu.memory_space<vmem>>, vector<16xi32>,
    %swap3A_147 = vector.shape_cast %swap3A_146 : vector<16xi32> to vector<16xi32>
    %swap3A_148 = vector.shape_cast %add3A_144 : vector<16xi32> to vector<16xi32>
    tpu.vector_store %arg18[%swap3A_145], %swap3A_148 {strides = array<i32>} : memref<80xi32, #tpu.memory_space<vmem>>, vector<16xi32>,
    %add3A_149 = arith.constant 16 : i32
    %add3A_150 = arith.addi %add3A_140, %add3A_149 : i32
    %add3A_151 = vector.broadcast %add3A_150 : i32 to vector<16xi32>
    %add3A_152 = arith.addi %add3A_151, %iota3A : vector<16xi32>
    %swap3A_153 = arith.constant 16 : index
    %swap3A_154 = tpu.vector_load %arg18[%swap3A_153] {strides = array<i32>} : memref<80xi32, #tpu.memory_space<vmem>>, vector<16xi32>,
    %swap3A_155 = vector.shape_cast %swap3A_154 : vector<16xi32> to vector<16xi32>
    %swap3A_156 = vector.shape_cast %add3A_152 : vector<16xi32> to vector<16xi32>
    tpu.vector_store %arg18[%swap3A_153], %swap3A_156 {strides = array<i32>} : memref<80xi32, #tpu.memory_space<vmem>>, vector<16xi32>,
    %add3A_157 = arith.constant 32 : i32
    %add3A_158 = arith.addi %add3A_140, %add3A_157 : i32
    %add3A_159 = vector.broadcast %add3A_158 : i32 to vector<16xi32>
    %add3A_160 = arith.addi %add3A_159, %iota3A : vector<16xi32>
    %swap3A_161 = arith.constant 32 : index
    %swap3A_162 = tpu.vector_load %arg18[%swap3A_161] {strides = array<i32>} : memref<80xi32, #tpu.memory_space<vmem>>, vector<16xi32>,
    %swap3A_163 = vector.shape_cast %swap3A_162 : vector<16xi32> to vector<16xi32>
    %swap3A_164 = vector.shape_cast %add3A_160 : vector<16xi32> to vector<16xi32>
    tpu.vector_store %arg18[%swap3A_161], %swap3A_164 {strides = array<i32>} : memref<80xi32, #tpu.memory_space<vmem>>, vector<16xi32>,
    %add3A_165 = arith.constant 48 : i32
    %add3A_166 = arith.addi %add3A_140, %add3A_165 : i32
    %add3A_167 = vector.broadcast %add3A_166 : i32 to vector<16xi32>
    %add3A_168 = arith.addi %add3A_167, %iota3A : vector<16xi32>
    %swap3A_169 = arith.constant 48 : index
    %swap3A_170 = tpu.vector_load %arg18[%swap3A_169] {strides = array<i32>} : memref<80xi32, #tpu.memory_space<vmem>>, vector<16xi32>,
    %swap3A_171 = vector.shape_cast %swap3A_170 : vector<16xi32> to vector<16xi32>
    %swap3A_172 = vector.shape_cast %add3A_168 : vector<16xi32> to vector<16xi32>
    tpu.vector_store %arg18[%swap3A_169], %swap3A_172 {strides = array<i32>} : memref<80xi32, #tpu.memory_space<vmem>>, vector<16xi32>,
    %add3A_173 = arith.constant 64 : i32
    %add3A_174 = arith.addi %add3A_140, %add3A_173 : i32
    %add3A_175 = vector.broadcast %add3A_174 : i32 to vector<16xi32>
    %add3A_176 = arith.addi %add3A_175, %iota3A : vector<16xi32>
    %swap3A_177 = arith.constant 64 : index
    %swap3A_178 = tpu.vector_load %arg18[%swap3A_177] {strides = array<i32>} : memref<80xi32, #tpu.memory_space<vmem>>, vector<16xi32>,
    %swap3A_179 = vector.shape_cast %swap3A_178 : vector<16xi32> to vector<16xi32>
    %swap3A_180 = vector.shape_cast %add3A_176 : vector<16xi32> to vector<16xi32>
    tpu.vector_store %arg18[%swap3A_177], %swap3A_180 {strides = array<i32>} : memref<80xi32, #tpu.memory_space<vmem>>, vector<16xi32>,
    "tpu.region"() ({
      %run_scoped3A = tpu.sem_alloc : memref<!tpu.dma_semaphore, #tpu.memory_space<semaphore_mem>>
      %dma_start3A = arith.constant 0 : i32
      %dma_start3A_634 = arith.constant 0 : i32
      %dma_start3A_635 = tpu.memref_slice %arg25[%dma_start3A, %dma_start3A_634] : memref<10000x128xf32, #tpu.memory_space<vmem_shared>> -> memref<10000x128xf32, #tpu.memory_space<vmem_shared>>
      tpu.enqueue_indirect_dma source(%arg14 : memref<80x128xf32, #tpu.memory_space<vmem>>) target(%dma_start3A_635 : memref<10000x128xf32, #tpu.memory_space<vmem_shared>>) offsets(%arg18 : memref<80xi32, #tpu.memory_space<vmem>>) semaphore(%run_scoped3A : memref<!tpu.dma_semaphore, #tpu.memory_space<semaphore_mem>>)
      %dma_wait3A = arith.constant 0 : i32
      %dma_wait3A_636 = arith.constant 0 : i32
      %dma_wait3A_637 = tpu.memref_slice %arg25[%dma_wait3A, %dma_wait3A_636] : memref<10000x128xf32, #tpu.memory_space<vmem_shared>> -> memref<10000x128xf32, #tpu.memory_space<vmem_shared>>
      tpu.wait_indirect_dma semaphore(%run_scoped3A : memref<!tpu.dma_semaphore, #tpu.memory_space<semaphore_mem>>) src(%arg14 : memref<80x128xf32, #tpu.memory_space<vmem>>) dst(%dma_wait3A_637 : memref<10000x128xf32, #tpu.memory_space<vmem_shared>>)
      tpu.yield
    }) : () -> ()
    %add3A_181 = arith.constant 320 : i32
    %add3A_182 = arith.addi %select_n3A, %add3A_181 : i32
    %add3A_183 = arith.constant 0 : i32
    %add3A_184 = arith.addi %add3A_182, %add3A_183 : i32
    %add3A_185 = vector.broadcast %add3A_184 : i32 to vector<16xi32>
    %add3A_186 = arith.addi %add3A_185, %iota3A : vector<16xi32>
    %swap3A_187 = arith.constant 0 : index
    %swap3A_188 = tpu.vector_load %arg18[%swap3A_187] {strides = array<i32>} : memref<80xi32, #tpu.memory_space<vmem>>, vector<16xi32>,
    %swap3A_189 = vector.shape_cast %swap3A_188 : vector<16xi32> to vector<16xi32>
    %swap3A_190 = vector.shape_cast %add3A_186 : vector<16xi32> to vector<16xi32>
    tpu.vector_store %arg18[%swap3A_187], %swap3A_190 {strides = array<i32>} : memref<80xi32, #tpu.memory_space<vmem>>, vector<16xi32>,
    %add3A_191 = arith.constant 16 : i32
    %add3A_192 = arith.addi %add3A_182, %add3A_191 : i32
    %add3A_193 = vector.broadcast %add3A_192 : i32 to vector<16xi32>
    %add3A_194 = arith.addi %add3A_193, %iota3A : vector<16xi32>
    %swap3A_195 = arith.constant 16 : index
    %swap3A_196 = tpu.vector_load %arg18[%swap3A_195] {strides = array<i32>} : memref<80xi32, #tpu.memory_space<vmem>>, vector<16xi32>,
    %swap3A_197 = vector.shape_cast %swap3A_196 : vector<16xi32> to vector<16xi32>
    %swap3A_198 = vector.shape_cast %add3A_194 : vector<16xi32> to vector<16xi32>
    tpu.vector_store %arg18[%swap3A_195], %swap3A_198 {strides = array<i32>} : memref<80xi32, #tpu.memory_space<vmem>>, vector<16xi32>,
    %add3A_199 = arith.constant 32 : i32
    %add3A_200 = arith.addi %add3A_182, %add3A_199 : i32
    %add3A_201 = vector.broadcast %add3A_200 : i32 to vector<16xi32>
    %add3A_202 = arith.addi %add3A_201, %iota3A : vector<16xi32>
    %swap3A_203 = arith.constant 32 : index
    %swap3A_204 = tpu.vector_load %arg18[%swap3A_203] {strides = array<i32>} : memref<80xi32, #tpu.memory_space<vmem>>, vector<16xi32>,
    %swap3A_205 = vector.shape_cast %swap3A_204 : vector<16xi32> to vector<16xi32>
    %swap3A_206 = vector.shape_cast %add3A_202 : vector<16xi32> to vector<16xi32>
    tpu.vector_store %arg18[%swap3A_203], %swap3A_206 {strides = array<i32>} : memref<80xi32, #tpu.memory_space<vmem>>, vector<16xi32>,
    %add3A_207 = arith.constant 48 : i32
    %add3A_208 = arith.addi %add3A_182, %add3A_207 : i32
    %add3A_209 = vector.broadcast %add3A_208 : i32 to vector<16xi32>
    %add3A_210 = arith.addi %add3A_209, %iota3A : vector<16xi32>
    %swap3A_211 = arith.constant 48 : index
    %swap3A_212 = tpu.vector_load %arg18[%swap3A_211] {strides = array<i32>} : memref<80xi32, #tpu.memory_space<vmem>>, vector<16xi32>,
    %swap3A_213 = vector.shape_cast %swap3A_212 : vector<16xi32> to vector<16xi32>
    %swap3A_214 = vector.shape_cast %add3A_210 : vector<16xi32> to vector<16xi32>
    tpu.vector_store %arg18[%swap3A_211], %swap3A_214 {strides = array<i32>} : memref<80xi32, #tpu.memory_space<vmem>>, vector<16xi32>,
    %add3A_215 = arith.constant 64 : i32
    %add3A_216 = arith.addi %add3A_182, %add3A_215 : i32
    %add3A_217 = vector.broadcast %add3A_216 : i32 to vector<16xi32>
    %add3A_218 = arith.addi %add3A_217, %iota3A : vector<16xi32>
    %swap3A_219 = arith.constant 64 : index
    %swap3A_220 = tpu.vector_load %arg18[%swap3A_219] {strides = array<i32>} : memref<80xi32, #tpu.memory_space<vmem>>, vector<16xi32>,
    %swap3A_221 = vector.shape_cast %swap3A_220 : vector<16xi32> to vector<16xi32>
    %swap3A_222 = vector.shape_cast %add3A_218 : vector<16xi32> to vector<16xi32>
    tpu.vector_store %arg18[%swap3A_219], %swap3A_222 {strides = array<i32>} : memref<80xi32, #tpu.memory_space<vmem>>, vector<16xi32>,
    "tpu.region"() ({
      %run_scoped3A = tpu.sem_alloc : memref<!tpu.dma_semaphore, #tpu.memory_space<semaphore_mem>>
      %dma_start3A = arith.constant 0 : i32
      %dma_start3A_634 = arith.constant 0 : i32
      %dma_start3A_635 = tpu.memref_slice %arg25[%dma_start3A, %dma_start3A_634] : memref<10000x128xf32, #tpu.memory_space<vmem_shared>> -> memref<10000x128xf32, #tpu.memory_space<vmem_shared>>
      tpu.enqueue_indirect_dma source(%arg14 : memref<80x128xf32, #tpu.memory_space<vmem>>) target(%dma_start3A_635 : memref<10000x128xf32, #tpu.memory_space<vmem_shared>>) offsets(%arg18 : memref<80xi32, #tpu.memory_space<vmem>>) semaphore(%run_scoped3A : memref<!tpu.dma_semaphore, #tpu.memory_space<semaphore_mem>>)
      %dma_wait3A = arith.constant 0 : i32
      %dma_wait3A_636 = arith.constant 0 : i32
      %dma_wait3A_637 = tpu.memref_slice %arg25[%dma_wait3A, %dma_wait3A_636] : memref<10000x128xf32, #tpu.memory_space<vmem_shared>> -> memref<10000x128xf32, #tpu.memory_space<vmem_shared>>
      tpu.wait_indirect_dma semaphore(%run_scoped3A : memref<!tpu.dma_semaphore, #tpu.memory_space<semaphore_mem>>) src(%arg14 : memref<80x128xf32, #tpu.memory_space<vmem>>) dst(%dma_wait3A_637 : memref<10000x128xf32, #tpu.memory_space<vmem_shared>>)
      tpu.yield
    }) : () -> ()
    %add3A_223 = arith.constant 400 : i32
    %add3A_224 = arith.addi %select_n3A, %add3A_223 : i32
    %add3A_225 = arith.constant 0 : i32
    %add3A_226 = arith.addi %add3A_224, %add3A_225 : i32
    %add3A_227 = vector.broadcast %add3A_226 : i32 to vector<16xi32>
    %add3A_228 = arith.addi %add3A_227, %iota3A : vector<16xi32>
    %swap3A_229 = arith.constant 0 : index
    %swap3A_230 = tpu.vector_load %arg18[%swap3A_229] {strides = array<i32>} : memref<80xi32, #tpu.memory_space<vmem>>, vector<16xi32>,
    %swap3A_231 = vector.shape_cast %swap3A_230 : vector<16xi32> to vector<16xi32>
    %swap3A_232 = vector.shape_cast %add3A_228 : vector<16xi32> to vector<16xi32>
    tpu.vector_store %arg18[%swap3A_229], %swap3A_232 {strides = array<i32>} : memref<80xi32, #tpu.memory_space<vmem>>, vector<16xi32>,
    %add3A_233 = arith.constant 16 : i32
    %add3A_234 = arith.addi %add3A_224, %add3A_233 : i32
    %add3A_235 = vector.broadcast %add3A_234 : i32 to vector<16xi32>
    %add3A_236 = arith.addi %add3A_235, %iota3A : vector<16xi32>
    %swap3A_237 = arith.constant 16 : index
    %swap3A_238 = tpu.vector_load %arg18[%swap3A_237] {strides = array<i32>} : memref<80xi32, #tpu.memory_space<vmem>>, vector<16xi32>,
    %swap3A_239 = vector.shape_cast %swap3A_238 : vector<16xi32> to vector<16xi32>
    %swap3A_240 = vector.shape_cast %add3A_236 : vector<16xi32> to vector<16xi32>
    tpu.vector_store %arg18[%swap3A_237], %swap3A_240 {strides = array<i32>} : memref<80xi32, #tpu.memory_space<vmem>>, vector<16xi32>,
    %add3A_241 = arith.constant 32 : i32
    %add3A_242 = arith.addi %add3A_224, %add3A_241 : i32
    %add3A_243 = vector.broadcast %add3A_242 : i32 to vector<16xi32>
    %add3A_244 = arith.addi %add3A_243, %iota3A : vector<16xi32>
    %swap3A_245 = arith.constant 32 : index
    %swap3A_246 = tpu.vector_load %arg18[%swap3A_245] {strides = array<i32>} : memref<80xi32, #tpu.memory_space<vmem>>, vector<16xi32>,
    %swap3A_247 = vector.shape_cast %swap3A_246 : vector<16xi32> to vector<16xi32>
    %swap3A_248 = vector.shape_cast %add3A_244 : vector<16xi32> to vector<16xi32>
    tpu.vector_store %arg18[%swap3A_245], %swap3A_248 {strides = array<i32>} : memref<80xi32, #tpu.memory_space<vmem>>, vector<16xi32>,
    %add3A_249 = arith.constant 48 : i32
    %add3A_250 = arith.addi %add3A_224, %add3A_249 : i32
    %add3A_251 = vector.broadcast %add3A_250 : i32 to vector<16xi32>
    %add3A_252 = arith.addi %add3A_251, %iota3A : vector<16xi32>
    %swap3A_253 = arith.constant 48 : index
    %swap3A_254 = tpu.vector_load %arg18[%swap3A_253] {strides = array<i32>} : memref<80xi32, #tpu.memory_space<vmem>>, vector<16xi32>,
    %swap3A_255 = vector.shape_cast %swap3A_254 : vector<16xi32> to vector<16xi32>
    %swap3A_256 = vector.shape_cast %add3A_252 : vector<16xi32> to vector<16xi32>
    tpu.vector_store %arg18[%swap3A_253], %swap3A_256 {strides = array<i32>} : memref<80xi32, #tpu.memory_space<vmem>>, vector<16xi32>,
    %add3A_257 = arith.constant 64 : i32
    %add3A_258 = arith.addi %add3A_224, %add3A_257 : i32
    %add3A_259 = vector.broadcast %add3A_258 : i32 to vector<16xi32>
    %add3A_260 = arith.addi %add3A_259, %iota3A : vector<16xi32>
    %swap3A_261 = arith.constant 64 : index
    %swap3A_262 = tpu.vector_load %arg18[%swap3A_261] {strides = array<i32>} : memref<80xi32, #tpu.memory_space<vmem>>, vector<16xi32>,
    %swap3A_263 = vector.shape_cast %swap3A_262 : vector<16xi32> to vector<16xi32>
    %swap3A_264 = vector.shape_cast %add3A_260 : vector<16xi32> to vector<16xi32>
    tpu.vector_store %arg18[%swap3A_261], %swap3A_264 {strides = array<i32>} : memref<80xi32, #tpu.memory_space<vmem>>, vector<16xi32>,
    "tpu.region"() ({
      %run_scoped3A = tpu.sem_alloc : memref<!tpu.dma_semaphore, #tpu.memory_space<semaphore_mem>>
      %dma_start3A = arith.constant 0 : i32
      %dma_start3A_634 = arith.constant 0 : i32
      %dma_start3A_635 = tpu.memref_slice %arg25[%dma_start3A, %dma_start3A_634] : memref<10000x128xf32, #tpu.memory_space<vmem_shared>> -> memref<10000x128xf32, #tpu.memory_space<vmem_shared>>
      tpu.enqueue_indirect_dma source(%arg14 : memref<80x128xf32, #tpu.memory_space<vmem>>) target(%dma_start3A_635 : memref<10000x128xf32, #tpu.memory_space<vmem_shared>>) offsets(%arg18 : memref<80xi32, #tpu.memory_space<vmem>>) semaphore(%run_scoped3A : memref<!tpu.dma_semaphore, #tpu.memory_space<semaphore_mem>>)
      %dma_wait3A = arith.constant 0 : i32
      %dma_wait3A_636 = arith.constant 0 : i32
      %dma_wait3A_637 = tpu.memref_slice %arg25[%dma_wait3A, %dma_wait3A_636] : memref<10000x128xf32, #tpu.memory_space<vmem_shared>> -> memref<10000x128xf32, #tpu.memory_space<vmem_shared>>
      tpu.wait_indirect_dma semaphore(%run_scoped3A : memref<!tpu.dma_semaphore, #tpu.memory_space<semaphore_mem>>) src(%arg14 : memref<80x128xf32, #tpu.memory_space<vmem>>) dst(%dma_wait3A_637 : memref<10000x128xf32, #tpu.memory_space<vmem_shared>>)
      tpu.yield
    }) : () -> ()
    %add3A_265 = arith.constant 480 : i32
    %add3A_266 = arith.addi %select_n3A, %add3A_265 : i32
    %add3A_267 = arith.constant 0 : i32
    %add3A_268 = arith.addi %add3A_266, %add3A_267 : i32
    %add3A_269 = vector.broadcast %add3A_268 : i32 to vector<16xi32>
    %add3A_270 = arith.addi %add3A_269, %iota3A : vector<16xi32>
    %swap3A_271 = arith.constant 0 : index
    %swap3A_272 = tpu.vector_load %arg18[%swap3A_271] {strides = array<i32>} : memref<80xi32, #tpu.memory_space<vmem>>, vector<16xi32>,
    %swap3A_273 = vector.shape_cast %swap3A_272 : vector<16xi32> to vector<16xi32>
    %swap3A_274 = vector.shape_cast %add3A_270 : vector<16xi32> to vector<16xi32>
    tpu.vector_store %arg18[%swap3A_271], %swap3A_274 {strides = array<i32>} : memref<80xi32, #tpu.memory_space<vmem>>, vector<16xi32>,
    %add3A_275 = arith.constant 16 : i32
    %add3A_276 = arith.addi %add3A_266, %add3A_275 : i32
    %add3A_277 = vector.broadcast %add3A_276 : i32 to vector<16xi32>
    %add3A_278 = arith.addi %add3A_277, %iota3A : vector<16xi32>
    %swap3A_279 = arith.constant 16 : index
    %swap3A_280 = tpu.vector_load %arg18[%swap3A_279] {strides = array<i32>} : memref<80xi32, #tpu.memory_space<vmem>>, vector<16xi32>,
    %swap3A_281 = vector.shape_cast %swap3A_280 : vector<16xi32> to vector<16xi32>
    %swap3A_282 = vector.shape_cast %add3A_278 : vector<16xi32> to vector<16xi32>
    tpu.vector_store %arg18[%swap3A_279], %swap3A_282 {strides = array<i32>} : memref<80xi32, #tpu.memory_space<vmem>>, vector<16xi32>,
    %add3A_283 = arith.constant 32 : i32
    %add3A_284 = arith.addi %add3A_266, %add3A_283 : i32
    %add3A_285 = vector.broadcast %add3A_284 : i32 to vector<16xi32>
    %add3A_286 = arith.addi %add3A_285, %iota3A : vector<16xi32>
    %swap3A_287 = arith.constant 32 : index
    %swap3A_288 = tpu.vector_load %arg18[%swap3A_287] {strides = array<i32>} : memref<80xi32, #tpu.memory_space<vmem>>, vector<16xi32>,
    %swap3A_289 = vector.shape_cast %swap3A_288 : vector<16xi32> to vector<16xi32>
    %swap3A_290 = vector.shape_cast %add3A_286 : vector<16xi32> to vector<16xi32>
    tpu.vector_store %arg18[%swap3A_287], %swap3A_290 {strides = array<i32>} : memref<80xi32, #tpu.memory_space<vmem>>, vector<16xi32>,
    %add3A_291 = arith.constant 48 : i32
    %add3A_292 = arith.addi %add3A_266, %add3A_291 : i32
    %add3A_293 = vector.broadcast %add3A_292 : i32 to vector<16xi32>
    %add3A_294 = arith.addi %add3A_293, %iota3A : vector<16xi32>
    %swap3A_295 = arith.constant 48 : index
    %swap3A_296 = tpu.vector_load %arg18[%swap3A_295] {strides = array<i32>} : memref<80xi32, #tpu.memory_space<vmem>>, vector<16xi32>,
    %swap3A_297 = vector.shape_cast %swap3A_296 : vector<16xi32> to vector<16xi32>
    %swap3A_298 = vector.shape_cast %add3A_294 : vector<16xi32> to vector<16xi32>
    tpu.vector_store %arg18[%swap3A_295], %swap3A_298 {strides = array<i32>} : memref<80xi32, #tpu.memory_space<vmem>>, vector<16xi32>,
    %add3A_299 = arith.constant 64 : i32
    %add3A_300 = arith.addi %add3A_266, %add3A_299 : i32
    %add3A_301 = vector.broadcast %add3A_300 : i32 to vector<16xi32>
    %add3A_302 = arith.addi %add3A_301, %iota3A : vector<16xi32>
    %swap3A_303 = arith.constant 64 : index
    %swap3A_304 = tpu.vector_load %arg18[%swap3A_303] {strides = array<i32>} : memref<80xi32, #tpu.memory_space<vmem>>, vector<16xi32>,
    %swap3A_305 = vector.shape_cast %swap3A_304 : vector<16xi32> to vector<16xi32>
    %swap3A_306 = vector.shape_cast %add3A_302 : vector<16xi32> to vector<16xi32>
    tpu.vector_store %arg18[%swap3A_303], %swap3A_306 {strides = array<i32>} : memref<80xi32, #tpu.memory_space<vmem>>, vector<16xi32>,
    "tpu.region"() ({
      %run_scoped3A = tpu.sem_alloc : memref<!tpu.dma_semaphore, #tpu.memory_space<semaphore_mem>>
      %dma_start3A = arith.constant 0 : i32
      %dma_start3A_634 = arith.constant 0 : i32
      %dma_start3A_635 = tpu.memref_slice %arg25[%dma_start3A, %dma_start3A_634] : memref<10000x128xf32, #tpu.memory_space<vmem_shared>> -> memref<10000x128xf32, #tpu.memory_space<vmem_shared>>
      tpu.enqueue_indirect_dma source(%arg14 : memref<80x128xf32, #tpu.memory_space<vmem>>) target(%dma_start3A_635 : memref<10000x128xf32, #tpu.memory_space<vmem_shared>>) offsets(%arg18 : memref<80xi32, #tpu.memory_space<vmem>>) semaphore(%run_scoped3A : memref<!tpu.dma_semaphore, #tpu.memory_space<semaphore_mem>>)
      %dma_wait3A = arith.constant 0 : i32
      %dma_wait3A_636 = arith.constant 0 : i32
      %dma_wait3A_637 = tpu.memref_slice %arg25[%dma_wait3A, %dma_wait3A_636] : memref<10000x128xf32, #tpu.memory_space<vmem_shared>> -> memref<10000x128xf32, #tpu.memory_space<vmem_shared>>
      tpu.wait_indirect_dma semaphore(%run_scoped3A : memref<!tpu.dma_semaphore, #tpu.memory_space<semaphore_mem>>) src(%arg14 : memref<80x128xf32, #tpu.memory_space<vmem>>) dst(%dma_wait3A_637 : memref<10000x128xf32, #tpu.memory_space<vmem_shared>>)
      tpu.yield
    }) : () -> ()
    %eq3A_307 = arith.constant 0 : i32
    %eq3A_308 = arith.cmpi eq, %arg1, %eq3A_307 : i32
    %convert_element_type3A = arith.extui %eq3A_308 : i1 to i32
    %cond3A = arith.constant 0 : i32
    %cond3A_309 = arith.cmpi ne, %convert_element_type3A, %cond3A : i32
    scf.if %cond3A_309 {
      %add3A_634 = arith.constant 560 : i32
      %add3A_635 = vector.broadcast %add3A_634 : i32 to vector<16xi32>
      %add3A_636 = arith.addi %add3A_635, %iota3A : vector<16xi32>
      %swap3A_637 = arith.constant 0 : index
      %swap3A_638 = tpu.vector_load %arg18[%swap3A_637] {strides = array<i32>} : memref<80xi32, #tpu.memory_space<vmem>>, vector<16xi32>,
      %swap3A_639 = vector.shape_cast %swap3A_638 : vector<16xi32> to vector<16xi32>
      %swap3A_640 = vector.shape_cast %add3A_636 : vector<16xi32> to vector<16xi32>
      tpu.vector_store %arg18[%swap3A_637], %swap3A_640 {strides = array<i32>} : memref<80xi32, #tpu.memory_space<vmem>>, vector<16xi32>,
      %add3A_641 = arith.constant 576 : i32
      %add3A_642 = vector.broadcast %add3A_641 : i32 to vector<16xi32>
      %add3A_643 = arith.addi %add3A_642, %iota3A : vector<16xi32>
      %swap3A_644 = arith.constant 16 : index
      %swap3A_645 = tpu.vector_load %arg18[%swap3A_644] {strides = array<i32>} : memref<80xi32, #tpu.memory_space<vmem>>, vector<16xi32>,
      %swap3A_646 = vector.shape_cast %swap3A_645 : vector<16xi32> to vector<16xi32>
      %swap3A_647 = vector.shape_cast %add3A_643 : vector<16xi32> to vector<16xi32>
      tpu.vector_store %arg18[%swap3A_644], %swap3A_647 {strides = array<i32>} : memref<80xi32, #tpu.memory_space<vmem>>, vector<16xi32>,
      %add3A_648 = arith.constant 592 : i32
      %add3A_649 = vector.broadcast %add3A_648 : i32 to vector<16xi32>
      %add3A_650 = arith.addi %add3A_649, %iota3A : vector<16xi32>
      %swap3A_651 = arith.constant 32 : index
      %swap3A_652 = tpu.vector_load %arg18[%swap3A_651] {strides = array<i32>} : memref<80xi32, #tpu.memory_space<vmem>>, vector<16xi32>,
      %swap3A_653 = vector.shape_cast %swap3A_652 : vector<16xi32> to vector<16xi32>
      %swap3A_654 = vector.shape_cast %add3A_650 : vector<16xi32> to vector<16xi32>
      tpu.vector_store %arg18[%swap3A_651], %swap3A_654 {strides = array<i32>} : memref<80xi32, #tpu.memory_space<vmem>>, vector<16xi32>,
      %add3A_655 = arith.constant 608 : i32
      %add3A_656 = vector.broadcast %add3A_655 : i32 to vector<16xi32>
      %add3A_657 = arith.addi %add3A_656, %iota3A : vector<16xi32>
      %swap3A_658 = arith.constant 48 : index
      %swap3A_659 = tpu.vector_load %arg18[%swap3A_658] {strides = array<i32>} : memref<80xi32, #tpu.memory_space<vmem>>, vector<16xi32>,
      %swap3A_660 = vector.shape_cast %swap3A_659 : vector<16xi32> to vector<16xi32>
      %swap3A_661 = vector.shape_cast %add3A_657 : vector<16xi32> to vector<16xi32>
      tpu.vector_store %arg18[%swap3A_658], %swap3A_661 {strides = array<i32>} : memref<80xi32, #tpu.memory_space<vmem>>, vector<16xi32>,
      %add3A_662 = arith.constant 624 : i32
      %add3A_663 = vector.broadcast %add3A_662 : i32 to vector<16xi32>
      %add3A_664 = arith.addi %add3A_663, %iota3A : vector<16xi32>
      %swap3A_665 = arith.constant 64 : index
      %swap3A_666 = tpu.vector_load %arg18[%swap3A_665] {strides = array<i32>} : memref<80xi32, #tpu.memory_space<vmem>>, vector<16xi32>,
      %swap3A_667 = vector.shape_cast %swap3A_666 : vector<16xi32> to vector<16xi32>
      %swap3A_668 = vector.shape_cast %add3A_664 : vector<16xi32> to vector<16xi32>
      tpu.vector_store %arg18[%swap3A_665], %swap3A_668 {strides = array<i32>} : memref<80xi32, #tpu.memory_space<vmem>>, vector<16xi32>,
      "tpu.region"() ({
        %run_scoped3A = tpu.sem_alloc : memref<!tpu.dma_semaphore, #tpu.memory_space<semaphore_mem>>
        %dma_start3A = arith.constant 0 : i32
        %dma_start3A_669 = arith.constant 0 : i32
        %dma_start3A_670 = tpu.memref_slice %arg25[%dma_start3A, %dma_start3A_669] : memref<10000x128xf32, #tpu.memory_space<vmem_shared>> -> memref<10000x128xf32, #tpu.memory_space<vmem_shared>>
        tpu.enqueue_indirect_dma source(%arg14 : memref<80x128xf32, #tpu.memory_space<vmem>>) target(%dma_start3A_670 : memref<10000x128xf32, #tpu.memory_space<vmem_shared>>) offsets(%arg18 : memref<80xi32, #tpu.memory_space<vmem>>) semaphore(%run_scoped3A : memref<!tpu.dma_semaphore, #tpu.memory_space<semaphore_mem>>)
        %dma_wait3A = arith.constant 0 : i32
        %dma_wait3A_671 = arith.constant 0 : i32
        %dma_wait3A_672 = tpu.memref_slice %arg25[%dma_wait3A, %dma_wait3A_671] : memref<10000x128xf32, #tpu.memory_space<vmem_shared>> -> memref<10000x128xf32, #tpu.memory_space<vmem_shared>>
        tpu.wait_indirect_dma semaphore(%run_scoped3A : memref<!tpu.dma_semaphore, #tpu.memory_space<semaphore_mem>>) src(%arg14 : memref<80x128xf32, #tpu.memory_space<vmem>>) dst(%dma_wait3A_672 : memref<10000x128xf32, #tpu.memory_space<vmem_shared>>)
        tpu.yield
      }) : () -> ()
    } else {
    }
    %gt3A = arith.constant 0 : i32
    %gt3A_310 = arith.cmpi sgt, %arg1, %gt3A : i32
    %convert_element_type3A_311 = arith.extui %gt3A_310 : i1 to i32
    %cond3A_312 = arith.constant 0 : i32
    %cond3A_313 = arith.cmpi ne, %convert_element_type3A_311, %cond3A_312 : i32
    scf.if %cond3A_313 {
      %add3A_634 = arith.constant 560 : i32
      %add3A_635 = arith.addi %select_n3A, %add3A_634 : i32
      %add3A_636 = arith.constant 0 : i32
      %add3A_637 = arith.addi %add3A_635, %add3A_636 : i32
      %add3A_638 = vector.broadcast %add3A_637 : i32 to vector<16xi32>
      %add3A_639 = arith.addi %add3A_638, %iota3A : vector<16xi32>
      %swap3A_640 = arith.constant 0 : index
      %swap3A_641 = tpu.vector_load %arg19[%swap3A_640] {strides = array<i32>} : memref<64xi32, #tpu.memory_space<vmem>>, vector<16xi32>,
      %swap3A_642 = vector.shape_cast %swap3A_641 : vector<16xi32> to vector<16xi32>
      %swap3A_643 = vector.shape_cast %add3A_639 : vector<16xi32> to vector<16xi32>
      tpu.vector_store %arg19[%swap3A_640], %swap3A_643 {strides = array<i32>} : memref<64xi32, #tpu.memory_space<vmem>>, vector<16xi32>,
      %add3A_644 = arith.constant 16 : i32
      %add3A_645 = arith.addi %add3A_635, %add3A_644 : i32
      %add3A_646 = vector.broadcast %add3A_645 : i32 to vector<16xi32>
      %add3A_647 = arith.addi %add3A_646, %iota3A : vector<16xi32>
      %swap3A_648 = arith.constant 16 : index
      %swap3A_649 = tpu.vector_load %arg19[%swap3A_648] {strides = array<i32>} : memref<64xi32, #tpu.memory_space<vmem>>, vector<16xi32>,
      %swap3A_650 = vector.shape_cast %swap3A_649 : vector<16xi32> to vector<16xi32>
      %swap3A_651 = vector.shape_cast %add3A_647 : vector<16xi32> to vector<16xi32>
      tpu.vector_store %arg19[%swap3A_648], %swap3A_651 {strides = array<i32>} : memref<64xi32, #tpu.memory_space<vmem>>, vector<16xi32>,
      %add3A_652 = arith.constant 32 : i32
      %add3A_653 = arith.addi %add3A_635, %add3A_652 : i32
      %add3A_654 = vector.broadcast %add3A_653 : i32 to vector<16xi32>
      %add3A_655 = arith.addi %add3A_654, %iota3A : vector<16xi32>
      %swap3A_656 = arith.constant 32 : index
      %swap3A_657 = tpu.vector_load %arg19[%swap3A_656] {strides = array<i32>} : memref<64xi32, #tpu.memory_space<vmem>>, vector<16xi32>,
      %swap3A_658 = vector.shape_cast %swap3A_657 : vector<16xi32> to vector<16xi32>
      %swap3A_659 = vector.shape_cast %add3A_655 : vector<16xi32> to vector<16xi32>
      tpu.vector_store %arg19[%swap3A_656], %swap3A_659 {strides = array<i32>} : memref<64xi32, #tpu.memory_space<vmem>>, vector<16xi32>,
      %add3A_660 = arith.constant 48 : i32
      %add3A_661 = arith.addi %add3A_635, %add3A_660 : i32
      %add3A_662 = vector.broadcast %add3A_661 : i32 to vector<16xi32>
      %add3A_663 = arith.addi %add3A_662, %iota3A : vector<16xi32>
      %swap3A_664 = arith.constant 48 : index
      %swap3A_665 = tpu.vector_load %arg19[%swap3A_664] {strides = array<i32>} : memref<64xi32, #tpu.memory_space<vmem>>, vector<16xi32>,
      %swap3A_666 = vector.shape_cast %swap3A_665 : vector<16xi32> to vector<16xi32>
      %swap3A_667 = vector.shape_cast %add3A_663 : vector<16xi32> to vector<16xi32>
      tpu.vector_store %arg19[%swap3A_664], %swap3A_667 {strides = array<i32>} : memref<64xi32, #tpu.memory_space<vmem>>, vector<16xi32>,
      "tpu.region"() ({
        %run_scoped3A = tpu.sem_alloc : memref<!tpu.dma_semaphore, #tpu.memory_space<semaphore_mem>>
        %dma_start3A = arith.constant 0 : i32
        %dma_start3A_668 = arith.constant 0 : i32
        %dma_start3A_669 = tpu.memref_slice %arg14[%dma_start3A, %dma_start3A_668] : memref<80x128xf32, #tpu.memory_space<vmem>> -> memref<64x128xf32, #tpu.memory_space<vmem>>
        %dma_start3A_670 = arith.constant 0 : i32
        %dma_start3A_671 = arith.constant 0 : i32
        %dma_start3A_672 = tpu.memref_slice %arg25[%dma_start3A_670, %dma_start3A_671] : memref<10000x128xf32, #tpu.memory_space<vmem_shared>> -> memref<10000x128xf32, #tpu.memory_space<vmem_shared>>
        tpu.enqueue_indirect_dma source(%dma_start3A_669 : memref<64x128xf32, #tpu.memory_space<vmem>>) target(%dma_start3A_672 : memref<10000x128xf32, #tpu.memory_space<vmem_shared>>) offsets(%arg19 : memref<64xi32, #tpu.memory_space<vmem>>) semaphore(%run_scoped3A : memref<!tpu.dma_semaphore, #tpu.memory_space<semaphore_mem>>)
        %dma_wait3A = arith.constant 0 : i32
        %dma_wait3A_673 = arith.constant 0 : i32
        %dma_wait3A_674 = tpu.memref_slice %arg14[%dma_wait3A, %dma_wait3A_673] : memref<80x128xf32, #tpu.memory_space<vmem>> -> memref<64x128xf32, #tpu.memory_space<vmem>>
        %dma_wait3A_675 = arith.constant 0 : i32
        %dma_wait3A_676 = arith.constant 0 : i32
        %dma_wait3A_677 = tpu.memref_slice %arg25[%dma_wait3A_675, %dma_wait3A_676] : memref<10000x128xf32, #tpu.memory_space<vmem_shared>> -> memref<10000x128xf32, #tpu.memory_space<vmem_shared>>
        tpu.wait_indirect_dma semaphore(%run_scoped3A : memref<!tpu.dma_semaphore, #tpu.memory_space<semaphore_mem>>) src(%dma_wait3A_674 : memref<64x128xf32, #tpu.memory_space<vmem>>) dst(%dma_wait3A_677 : memref<10000x128xf32, #tpu.memory_space<vmem_shared>>)
        tpu.yield
      }) : () -> ()
    } else {
    }
    %barrier3A = arith.constant 0 : index
    tpu.barrier barrier_id(%barrier3A)
    %mul3A_314 = arith.constant 10000 : i32
    %mul3A_315 = arith.muli %add3A, %mul3A_314 : i32
    %scan3A_316 = arith.constant 0 : i32
    %scan3A_317 = arith.constant 0 : i32
    %scan3A_318 = arith.constant 125 : i32
    %scan3A_319 = arith.addi %scan3A_317, %scan3A_318 : i32
    %scan3A_320 = arith.constant 1 : i32
    %scan3A_321 = scf.for %scan3A_634 = %scan3A_317 to %scan3A_319 step %scan3A_320 iter_args(%scan3A_635 = %scan3A_316) -> (i32)  : i32 {
      %mul3A_636 = arith.constant 80 : i32
      %mul3A_637 = arith.muli %scan3A_634, %mul3A_636 : i32
      %add3A_638 = arith.addi %mul3A_315, %mul3A_637 : i32
      %dma_start3A = tpu.memref_slice %arg5[%add3A_638] : memref<320000xi32, #tpu.memory_space<hbm>> -> memref<80xi32, #tpu.memory_space<hbm>>
      %dma_start3A_639 = tpu.memref_slice %arg5[%add3A_638] : memref<320000xi32, #tpu.memory_space<hbm>> -> memref<80xi32, #tpu.memory_space<hbm>>
      tpu.enqueue_dma source(%dma_start3A_639 : memref<80xi32, #tpu.memory_space<hbm>>) target(%arg10 : memref<80xi32, #tpu.memory_space<vmem>>) target_semaphore(%arg20 : memref<!tpu.dma_semaphore, #tpu.memory_space<semaphore_mem>>)
      %dma_start3A_640 = tpu.memref_slice %arg6[%add3A_638] : memref<320000xi32, #tpu.memory_space<hbm>> -> memref<80xi32, #tpu.memory_space<hbm>>
      %dma_start3A_641 = tpu.memref_slice %arg6[%add3A_638] : memref<320000xi32, #tpu.memory_space<hbm>> -> memref<80xi32, #tpu.memory_space<hbm>>
      tpu.enqueue_dma source(%dma_start3A_641 : memref<80xi32, #tpu.memory_space<hbm>>) target(%arg11 : memref<80xi32, #tpu.memory_space<vmem>>) target_semaphore(%arg21 : memref<!tpu.dma_semaphore, #tpu.memory_space<semaphore_mem>>)
      %dma_start3A_642 = tpu.memref_slice %arg7[%add3A_638] : memref<320000xi32, #tpu.memory_space<hbm>> -> memref<80xi32, #tpu.memory_space<hbm>>
      %dma_start3A_643 = tpu.memref_slice %arg7[%add3A_638] : memref<320000xi32, #tpu.memory_space<hbm>> -> memref<80xi32, #tpu.memory_space<hbm>>
      tpu.enqueue_dma source(%dma_start3A_643 : memref<80xi32, #tpu.memory_space<hbm>>) target(%arg12 : memref<80xi32, #tpu.memory_space<vmem>>) target_semaphore(%arg22 : memref<!tpu.dma_semaphore, #tpu.memory_space<semaphore_mem>>)
      %dma_wait3A = tpu.memref_slice %arg5[%add3A_638] : memref<320000xi32, #tpu.memory_space<hbm>> -> memref<80xi32, #tpu.memory_space<hbm>>
      %dma_wait3A_644 = tpu.memref_slice %arg5[%add3A_638] : memref<320000xi32, #tpu.memory_space<hbm>> -> memref<80xi32, #tpu.memory_space<hbm>>
      tpu.wait_dma2 semaphore(%arg20 : memref<!tpu.dma_semaphore, #tpu.memory_space<semaphore_mem>>) src(%dma_wait3A_644 : memref<80xi32, #tpu.memory_space<hbm>>) dst(%arg10 : memref<80xi32, #tpu.memory_space<vmem>>)
      %dma_wait3A_645 = tpu.memref_slice %arg6[%add3A_638] : memref<320000xi32, #tpu.memory_space<hbm>> -> memref<80xi32, #tpu.memory_space<hbm>>
      %dma_wait3A_646 = tpu.memref_slice %arg6[%add3A_638] : memref<320000xi32, #tpu.memory_space<hbm>> -> memref<80xi32, #tpu.memory_space<hbm>>
      tpu.wait_dma2 semaphore(%arg21 : memref<!tpu.dma_semaphore, #tpu.memory_space<semaphore_mem>>) src(%dma_wait3A_646 : memref<80xi32, #tpu.memory_space<hbm>>) dst(%arg11 : memref<80xi32, #tpu.memory_space<vmem>>)
      %dma_wait3A_647 = tpu.memref_slice %arg7[%add3A_638] : memref<320000xi32, #tpu.memory_space<hbm>> -> memref<80xi32, #tpu.memory_space<hbm>>
      %dma_wait3A_648 = tpu.memref_slice %arg7[%add3A_638] : memref<320000xi32, #tpu.memory_space<hbm>> -> memref<80xi32, #tpu.memory_space<hbm>>
      tpu.wait_dma2 semaphore(%arg22 : memref<!tpu.dma_semaphore, #tpu.memory_space<semaphore_mem>>) src(%dma_wait3A_648 : memref<80xi32, #tpu.memory_space<hbm>>) dst(%arg12 : memref<80xi32, #tpu.memory_space<vmem>>)
      %get3A = arith.constant 0 : index
      %get3A_649 = tpu.vector_load %arg10[%get3A] {strides = array<i32>} : memref<80xi32, #tpu.memory_space<vmem>>, vector<16xi32>,
      %get3A_650 = vector.shape_cast %get3A_649 : vector<16xi32> to vector<16xi32>
      %get3A_651 = arith.constant 0 : index
      %get3A_652 = tpu.vector_load %arg12[%get3A_651] {strides = array<i32>} : memref<80xi32, #tpu.memory_space<vmem>>, vector<16xi32>,
      %get3A_653 = vector.shape_cast %get3A_652 : vector<16xi32> to vector<16xi32>
      %mul3A_654 = arith.constant 10000 : i32
      %mul3A_655 = vector.broadcast %mul3A_654 : i32 to vector<16xi32>
      %mul3A_656 = arith.muli %get3A_653, %mul3A_655 : vector<16xi32>
      %add3A_657 = arith.addi %mul3A_656, %get3A_650 : vector<16xi32>
      %swap3A_658 = arith.constant 0 : index
      %swap3A_659 = tpu.vector_load %arg13[%swap3A_658] {strides = array<i32>} : memref<80xi32, #tpu.memory_space<vmem>>, vector<16xi32>,
      %swap3A_660 = vector.shape_cast %swap3A_659 : vector<16xi32> to vector<16xi32>
      %swap3A_661 = vector.shape_cast %add3A_657 : vector<16xi32> to vector<16xi32>
      tpu.vector_store %arg13[%swap3A_658], %swap3A_661 {strides = array<i32>} : memref<80xi32, #tpu.memory_space<vmem>>, vector<16xi32>,
      %get3A_662 = arith.constant 16 : index
      %get3A_663 = tpu.vector_load %arg10[%get3A_662] {strides = array<i32>} : memref<80xi32, #tpu.memory_space<vmem>>, vector<16xi32>,
      %get3A_664 = vector.shape_cast %get3A_663 : vector<16xi32> to vector<16xi32>
      %get3A_665 = arith.constant 16 : index
      %get3A_666 = tpu.vector_load %arg12[%get3A_665] {strides = array<i32>} : memref<80xi32, #tpu.memory_space<vmem>>, vector<16xi32>,
      %get3A_667 = vector.shape_cast %get3A_666 : vector<16xi32> to vector<16xi32>
      %mul3A_668 = arith.constant 10000 : i32
      %mul3A_669 = vector.broadcast %mul3A_668 : i32 to vector<16xi32>
      %mul3A_670 = arith.muli %get3A_667, %mul3A_669 : vector<16xi32>
      %add3A_671 = arith.addi %mul3A_670, %get3A_664 : vector<16xi32>
      %swap3A_672 = arith.constant 16 : index
      %swap3A_673 = tpu.vector_load %arg13[%swap3A_672] {strides = array<i32>} : memref<80xi32, #tpu.memory_space<vmem>>, vector<16xi32>,
      %swap3A_674 = vector.shape_cast %swap3A_673 : vector<16xi32> to vector<16xi32>
      %swap3A_675 = vector.shape_cast %add3A_671 : vector<16xi32> to vector<16xi32>
      tpu.vector_store %arg13[%swap3A_672], %swap3A_675 {strides = array<i32>} : memref<80xi32, #tpu.memory_space<vmem>>, vector<16xi32>,
      %get3A_676 = arith.constant 32 : index
      %get3A_677 = tpu.vector_load %arg10[%get3A_676] {strides = array<i32>} : memref<80xi32, #tpu.memory_space<vmem>>, vector<16xi32>,
      %get3A_678 = vector.shape_cast %get3A_677 : vector<16xi32> to vector<16xi32>
      %get3A_679 = arith.constant 32 : index
      %get3A_680 = tpu.vector_load %arg12[%get3A_679] {strides = array<i32>} : memref<80xi32, #tpu.memory_space<vmem>>, vector<16xi32>,
      %get3A_681 = vector.shape_cast %get3A_680 : vector<16xi32> to vector<16xi32>
      %mul3A_682 = arith.constant 10000 : i32
      %mul3A_683 = vector.broadcast %mul3A_682 : i32 to vector<16xi32>
      %mul3A_684 = arith.muli %get3A_681, %mul3A_683 : vector<16xi32>
      %add3A_685 = arith.addi %mul3A_684, %get3A_678 : vector<16xi32>
      %swap3A_686 = arith.constant 32 : index
      %swap3A_687 = tpu.vector_load %arg13[%swap3A_686] {strides = array<i32>} : memref<80xi32, #tpu.memory_space<vmem>>, vector<16xi32>,
      %swap3A_688 = vector.shape_cast %swap3A_687 : vector<16xi32> to vector<16xi32>
      %swap3A_689 = vector.shape_cast %add3A_685 : vector<16xi32> to vector<16xi32>
      tpu.vector_store %arg13[%swap3A_686], %swap3A_689 {strides = array<i32>} : memref<80xi32, #tpu.memory_space<vmem>>, vector<16xi32>,
      %get3A_690 = arith.constant 48 : index
      %get3A_691 = tpu.vector_load %arg10[%get3A_690] {strides = array<i32>} : memref<80xi32, #tpu.memory_space<vmem>>, vector<16xi32>,
      %get3A_692 = vector.shape_cast %get3A_691 : vector<16xi32> to vector<16xi32>
      %get3A_693 = arith.constant 48 : index
      %get3A_694 = tpu.vector_load %arg12[%get3A_693] {strides = array<i32>} : memref<80xi32, #tpu.memory_space<vmem>>, vector<16xi32>,
      %get3A_695 = vector.shape_cast %get3A_694 : vector<16xi32> to vector<16xi32>
      %mul3A_696 = arith.constant 10000 : i32
      %mul3A_697 = vector.broadcast %mul3A_696 : i32 to vector<16xi32>
      %mul3A_698 = arith.muli %get3A_695, %mul3A_697 : vector<16xi32>
      %add3A_699 = arith.addi %mul3A_698, %get3A_692 : vector<16xi32>
      %swap3A_700 = arith.constant 48 : index
      %swap3A_701 = tpu.vector_load %arg13[%swap3A_700] {strides = array<i32>} : memref<80xi32, #tpu.memory_space<vmem>>, vector<16xi32>,
      %swap3A_702 = vector.shape_cast %swap3A_701 : vector<16xi32> to vector<16xi32>
      %swap3A_703 = vector.shape_cast %add3A_699 : vector<16xi32> to vector<16xi32>
      tpu.vector_store %arg13[%swap3A_700], %swap3A_703 {strides = array<i32>} : memref<80xi32, #tpu.memory_space<vmem>>, vector<16xi32>,
      %get3A_704 = arith.constant 64 : index
      %get3A_705 = tpu.vector_load %arg10[%get3A_704] {strides = array<i32>} : memref<80xi32, #tpu.memory_space<vmem>>, vector<16xi32>,
      %get3A_706 = vector.shape_cast %get3A_705 : vector<16xi32> to vector<16xi32>
      %get3A_707 = arith.constant 64 : index
      %get3A_708 = tpu.vector_load %arg12[%get3A_707] {strides = array<i32>} : memref<80xi32, #tpu.memory_space<vmem>>, vector<16xi32>,
      %get3A_709 = vector.shape_cast %get3A_708 : vector<16xi32> to vector<16xi32>
      %mul3A_710 = arith.constant 10000 : i32
      %mul3A_711 = vector.broadcast %mul3A_710 : i32 to vector<16xi32>
      %mul3A_712 = arith.muli %get3A_709, %mul3A_711 : vector<16xi32>
      %add3A_713 = arith.addi %mul3A_712, %get3A_706 : vector<16xi32>
      %swap3A_714 = arith.constant 64 : index
      %swap3A_715 = tpu.vector_load %arg13[%swap3A_714] {strides = array<i32>} : memref<80xi32, #tpu.memory_space<vmem>>, vector<16xi32>,
      %swap3A_716 = vector.shape_cast %swap3A_715 : vector<16xi32> to vector<16xi32>
      %swap3A_717 = vector.shape_cast %add3A_713 : vector<16xi32> to vector<16xi32>
      tpu.vector_store %arg13[%swap3A_714], %swap3A_717 {strides = array<i32>} : memref<80xi32, #tpu.memory_space<vmem>>, vector<16xi32>,
      %dma_start3A_718 = arith.constant 0 : i32
      %dma_start3A_719 = arith.constant 0 : i32
      %dma_start3A_720 = tpu.memref_slice %arg2[%dma_start3A_718, %dma_start3A_719] : memref<40000x128xf32, #tpu.memory_space<hbm>> -> memref<40000x128xf32, #tpu.memory_space<hbm>>
      tpu.enqueue_indirect_dma source(%dma_start3A_720 : memref<40000x128xf32, #tpu.memory_space<hbm>>) target(%arg14 : memref<80x128xf32, #tpu.memory_space<vmem>>) offsets(%arg13 : memref<80xi32, #tpu.memory_space<vmem>>) semaphore(%arg20 : memref<!tpu.dma_semaphore, #tpu.memory_space<semaphore_mem>>)
      %dma_start3A_721 = arith.constant 0 : i32
      %dma_start3A_722 = arith.constant 0 : i32
      %dma_start3A_723 = tpu.memref_slice %arg3[%dma_start3A_721, %dma_start3A_722] : memref<10000x128xf32, #tpu.memory_space<hbm>> -> memref<10000x128xf32, #tpu.memory_space<hbm>>
      tpu.enqueue_indirect_dma source(%dma_start3A_723 : memref<10000x128xf32, #tpu.memory_space<hbm>>) target(%arg15 : memref<80x128xf32, #tpu.memory_space<vmem>>) offsets(%arg11 : memref<80xi32, #tpu.memory_space<vmem>>) semaphore(%arg21 : memref<!tpu.dma_semaphore, #tpu.memory_space<semaphore_mem>>)
      %dma_start3A_724 = arith.constant 0 : i32
      %dma_start3A_725 = arith.constant 0 : i32
      %dma_start3A_726 = tpu.memref_slice %arg4[%dma_start3A_724, %dma_start3A_725] : memref<40000x128xf32, #tpu.memory_space<hbm>> -> memref<40000x128xf32, #tpu.memory_space<hbm>>
      tpu.enqueue_indirect_dma source(%dma_start3A_726 : memref<40000x128xf32, #tpu.memory_space<hbm>>) target(%arg16 : memref<80x128xf32, #tpu.memory_space<vmem>>) offsets(%arg13 : memref<80xi32, #tpu.memory_space<vmem>>) semaphore(%arg22 : memref<!tpu.dma_semaphore, #tpu.memory_space<semaphore_mem>>)
      %dma_wait3A_727 = arith.constant 0 : i32
      %dma_wait3A_728 = arith.constant 0 : i32
      %dma_wait3A_729 = tpu.memref_slice %arg2[%dma_wait3A_727, %dma_wait3A_728] : memref<40000x128xf32, #tpu.memory_space<hbm>> -> memref<40000x128xf32, #tpu.memory_space<hbm>>
      tpu.wait_indirect_dma semaphore(%arg20 : memref<!tpu.dma_semaphore, #tpu.memory_space<semaphore_mem>>) src(%dma_wait3A_729 : memref<40000x128xf32, #tpu.memory_space<hbm>>) dst(%arg14 : memref<80x128xf32, #tpu.memory_space<vmem>>)
      %dma_wait3A_730 = arith.constant 0 : i32
      %dma_wait3A_731 = arith.constant 0 : i32
      %dma_wait3A_732 = tpu.memref_slice %arg3[%dma_wait3A_730, %dma_wait3A_731] : memref<10000x128xf32, #tpu.memory_space<hbm>> -> memref<10000x128xf32, #tpu.memory_space<hbm>>
      tpu.wait_indirect_dma semaphore(%arg21 : memref<!tpu.dma_semaphore, #tpu.memory_space<semaphore_mem>>) src(%dma_wait3A_732 : memref<10000x128xf32, #tpu.memory_space<hbm>>) dst(%arg15 : memref<80x128xf32, #tpu.memory_space<vmem>>)
      %dma_wait3A_733 = arith.constant 0 : i32
      %dma_wait3A_734 = arith.constant 0 : i32
      %dma_wait3A_735 = tpu.memref_slice %arg4[%dma_wait3A_733, %dma_wait3A_734] : memref<40000x128xf32, #tpu.memory_space<hbm>> -> memref<40000x128xf32, #tpu.memory_space<hbm>>
      tpu.wait_indirect_dma semaphore(%arg22 : memref<!tpu.dma_semaphore, #tpu.memory_space<semaphore_mem>>) src(%dma_wait3A_735 : memref<40000x128xf32, #tpu.memory_space<hbm>>) dst(%arg16 : memref<80x128xf32, #tpu.memory_space<vmem>>)
      %scan3A_736 = arith.constant 0 : i32
      %scan3A_737 = arith.constant 0 : i32
      %scan3A_738 = arith.constant 40 : i32
      %scan3A_739 = arith.addi %scan3A_737, %scan3A_738 : i32
      %scan3A_740 = arith.constant 1 : i32
      %scan3A_741 = scf.for %scan3A_758 = %scan3A_737 to %scan3A_739 step %scan3A_740 iter_args(%scan3A_759 = %scan3A_736) -> (i32)  : i32 {
        %mul3A_760 = arith.constant 2 : i32
        %mul3A_761 = arith.muli %scan3A_758, %mul3A_760 : i32
        %add3A_762 = arith.constant 1 : i32
        %add3A_763 = arith.addi %mul3A_761, %add3A_762 : i32
        %broadcast_in_dim3A_764 = arith.constant 0.000000e+00 : f32
        %broadcast_in_dim3A_765 = vector.broadcast %broadcast_in_dim3A_764 : f32 to vector<16xf32>
        %get3A_766 = arith.index_cast %mul3A_761 : i32 to index
        %get3A_767 = arith.constant 0 : index
        %get3A_768 = tpu.vector_load %arg14[%get3A_766, %get3A_767] {strides = array<i32>} : memref<80x128xf32, #tpu.memory_space<vmem>>, vector<1x16xf32>,
        %get3A_769 = vector.shape_cast %get3A_768 : vector<1x16xf32> to vector<16xf32>
        %get3A_770 = arith.index_cast %mul3A_761 : i32 to index
        %get3A_771 = arith.constant 0 : index
        %get3A_772 = tpu.vector_load %arg15[%get3A_770, %get3A_771] {strides = array<i32>} : memref<80x128xf32, #tpu.memory_space<vmem>>, vector<1x16xf32>,
        %get3A_773 = vector.shape_cast %get3A_772 : vector<1x16xf32> to vector<16xf32>
        %mul3A_774 = arith.mulf %get3A_769, %get3A_773 : vector<16xf32>
        %eq3A_775 = arith.constant 0 : i32
        %eq3A_776 = vector.broadcast %eq3A_775 : i32 to vector<16xi32>
        %eq3A_777 = arith.cmpi eq, %iota3A, %eq3A_776 : vector<16xi32>
        %xor3A = arith.constant 8 : i32
        %xor3A_778 = vector.broadcast %xor3A : i32 to vector<16xi32>
        %xor3A_779 = arith.xori %iota3A, %xor3A_778 : vector<16xi32>
        %broadcast_in_dim3A_780 = vector.shape_cast %xor3A_779 : vector<16xi32> to vector<16x1xi32>
        %gather3A = vector.shape_cast %broadcast_in_dim3A_780 : vector<16x1xi32> to vector<16xi32>
        %gather3A_781 = tpu.dynamic_gather %mul3A_774[%gather3A] in [0] : vector<16xf32>, vector<16xi32> -> vector<16xf32>
        %add3A_782 = arith.addf %mul3A_774, %gather3A_781 : vector<16xf32>
        %xor3A_783 = arith.constant 4 : i32
        %xor3A_784 = vector.broadcast %xor3A_783 : i32 to vector<16xi32>
        %xor3A_785 = arith.xori %iota3A, %xor3A_784 : vector<16xi32>
        %broadcast_in_dim3A_786 = vector.shape_cast %xor3A_785 : vector<16xi32> to vector<16x1xi32>
        %gather3A_787 = vector.shape_cast %broadcast_in_dim3A_786 : vector<16x1xi32> to vector<16xi32>
        %gather3A_788 = tpu.dynamic_gather %add3A_782[%gather3A_787] in [0] : vector<16xf32>, vector<16xi32> -> vector<16xf32>
        %add3A_789 = arith.addf %add3A_782, %gather3A_788 : vector<16xf32>
        %xor3A_790 = arith.constant 2 : i32
        %xor3A_791 = vector.broadcast %xor3A_790 : i32 to vector<16xi32>
        %xor3A_792 = arith.xori %iota3A, %xor3A_791 : vector<16xi32>
        %broadcast_in_dim3A_793 = vector.shape_cast %xor3A_792 : vector<16xi32> to vector<16x1xi32>
        %gather3A_794 = vector.shape_cast %broadcast_in_dim3A_793 : vector<16x1xi32> to vector<16xi32>
        %gather3A_795 = tpu.dynamic_gather %add3A_789[%gather3A_794] in [0] : vector<16xf32>, vector<16xi32> -> vector<16xf32>
        %add3A_796 = arith.addf %add3A_789, %gather3A_795 : vector<16xf32>
        %xor3A_797 = arith.constant 1 : i32
        %xor3A_798 = vector.broadcast %xor3A_797 : i32 to vector<16xi32>
        %xor3A_799 = arith.xori %iota3A, %xor3A_798 : vector<16xi32>
        %broadcast_in_dim3A_800 = vector.shape_cast %xor3A_799 : vector<16xi32> to vector<16x1xi32>
        %gather3A_801 = vector.shape_cast %broadcast_in_dim3A_800 : vector<16x1xi32> to vector<16xi32>
        %gather3A_802 = tpu.dynamic_gather %add3A_796[%gather3A_801] in [0] : vector<16xf32>, vector<16xi32> -> vector<16xf32>
        %add3A_803 = arith.addf %add3A_796, %gather3A_802 : vector<16xf32>
        %select_n3A_804 = arith.select %eq3A_777, %add3A_803, %broadcast_in_dim3A_765 : vector<16xi1>, vector<16xf32>
        %get3A_805 = arith.index_cast %add3A_763 : i32 to index
        %get3A_806 = arith.constant 0 : index
        %get3A_807 = tpu.vector_load %arg14[%get3A_805, %get3A_806] {strides = array<i32>} : memref<80x128xf32, #tpu.memory_space<vmem>>, vector<1x16xf32>,
        %get3A_808 = vector.shape_cast %get3A_807 : vector<1x16xf32> to vector<16xf32>
        %get3A_809 = arith.index_cast %add3A_763 : i32 to index
        %get3A_810 = arith.constant 0 : index
        %get3A_811 = tpu.vector_load %arg15[%get3A_809, %get3A_810] {strides = array<i32>} : memref<80x128xf32, #tpu.memory_space<vmem>>, vector<1x16xf32>,
        %get3A_812 = vector.shape_cast %get3A_811 : vector<1x16xf32> to vector<16xf32>
        %mul3A_813 = arith.mulf %get3A_808, %get3A_812 : vector<16xf32>
        %eq3A_814 = arith.constant 15 : i32
        %eq3A_815 = vector.broadcast %eq3A_814 : i32 to vector<16xi32>
        %eq3A_816 = arith.cmpi eq, %iota3A, %eq3A_815 : vector<16xi32>
        %xor3A_817 = arith.constant 8 : i32
        %xor3A_818 = vector.broadcast %xor3A_817 : i32 to vector<16xi32>
        %xor3A_819 = arith.xori %iota3A, %xor3A_818 : vector<16xi32>
        %broadcast_in_dim3A_820 = vector.shape_cast %xor3A_819 : vector<16xi32> to vector<16x1xi32>
        %gather3A_821 = vector.shape_cast %broadcast_in_dim3A_820 : vector<16x1xi32> to vector<16xi32>
        %gather3A_822 = tpu.dynamic_gather %mul3A_813[%gather3A_821] in [0] : vector<16xf32>, vector<16xi32> -> vector<16xf32>
        %add3A_823 = arith.addf %mul3A_813, %gather3A_822 : vector<16xf32>
        %xor3A_824 = arith.constant 4 : i32
        %xor3A_825 = vector.broadcast %xor3A_824 : i32 to vector<16xi32>
        %xor3A_826 = arith.xori %iota3A, %xor3A_825 : vector<16xi32>
        %broadcast_in_dim3A_827 = vector.shape_cast %xor3A_826 : vector<16xi32> to vector<16x1xi32>
        %gather3A_828 = vector.shape_cast %broadcast_in_dim3A_827 : vector<16x1xi32> to vector<16xi32>
        %gather3A_829 = tpu.dynamic_gather %add3A_823[%gather3A_828] in [0] : vector<16xf32>, vector<16xi32> -> vector<16xf32>
        %add3A_830 = arith.addf %add3A_823, %gather3A_829 : vector<16xf32>
        %xor3A_831 = arith.constant 2 : i32
        %xor3A_832 = vector.broadcast %xor3A_831 : i32 to vector<16xi32>
        %xor3A_833 = arith.xori %iota3A, %xor3A_832 : vector<16xi32>
        %broadcast_in_dim3A_834 = vector.shape_cast %xor3A_833 : vector<16xi32> to vector<16x1xi32>
        %gather3A_835 = vector.shape_cast %broadcast_in_dim3A_834 : vector<16x1xi32> to vector<16xi32>
        %gather3A_836 = tpu.dynamic_gather %add3A_830[%gather3A_835] in [0] : vector<16xf32>, vector<16xi32> -> vector<16xf32>
        %add3A_837 = arith.addf %add3A_830, %gather3A_836 : vector<16xf32>
        %xor3A_838 = arith.constant 1 : i32
        %xor3A_839 = vector.broadcast %xor3A_838 : i32 to vector<16xi32>
        %xor3A_840 = arith.xori %iota3A, %xor3A_839 : vector<16xi32>
        %broadcast_in_dim3A_841 = vector.shape_cast %xor3A_840 : vector<16xi32> to vector<16x1xi32>
        %gather3A_842 = vector.shape_cast %broadcast_in_dim3A_841 : vector<16x1xi32> to vector<16xi32>
        %gather3A_843 = tpu.dynamic_gather %add3A_837[%gather3A_842] in [0] : vector<16xf32>, vector<16xi32> -> vector<16xf32>
        %add3A_844 = arith.addf %add3A_837, %gather3A_843 : vector<16xf32>
        %select_n3A_845 = arith.select %eq3A_816, %add3A_844, %select_n3A_804 : vector<16xi1>, vector<16xf32>
        %get3A_846 = arith.index_cast %mul3A_761 : i32 to index
        %get3A_847 = arith.constant 16 : index
        %get3A_848 = tpu.vector_load %arg14[%get3A_846, %get3A_847] {strides = array<i32>} : memref<80x128xf32, #tpu.memory_space<vmem>>, vector<1x16xf32>,
        %get3A_849 = vector.shape_cast %get3A_848 : vector<1x16xf32> to vector<16xf32>
        %get3A_850 = arith.index_cast %mul3A_761 : i32 to index
        %get3A_851 = arith.constant 16 : index
        %get3A_852 = tpu.vector_load %arg15[%get3A_850, %get3A_851] {strides = array<i32>} : memref<80x128xf32, #tpu.memory_space<vmem>>, vector<1x16xf32>,
        %get3A_853 = vector.shape_cast %get3A_852 : vector<1x16xf32> to vector<16xf32>
        %mul3A_854 = arith.mulf %get3A_849, %get3A_853 : vector<16xf32>
        %eq3A_855 = arith.constant 1 : i32
        %eq3A_856 = vector.broadcast %eq3A_855 : i32 to vector<16xi32>
        %eq3A_857 = arith.cmpi eq, %iota3A, %eq3A_856 : vector<16xi32>
        %xor3A_858 = arith.constant 8 : i32
        %xor3A_859 = vector.broadcast %xor3A_858 : i32 to vector<16xi32>
        %xor3A_860 = arith.xori %iota3A, %xor3A_859 : vector<16xi32>
        %broadcast_in_dim3A_861 = vector.shape_cast %xor3A_860 : vector<16xi32> to vector<16x1xi32>
        %gather3A_862 = vector.shape_cast %broadcast_in_dim3A_861 : vector<16x1xi32> to vector<16xi32>
        %gather3A_863 = tpu.dynamic_gather %mul3A_854[%gather3A_862] in [0] : vector<16xf32>, vector<16xi32> -> vector<16xf32>
        %add3A_864 = arith.addf %mul3A_854, %gather3A_863 : vector<16xf32>
        %xor3A_865 = arith.constant 4 : i32
        %xor3A_866 = vector.broadcast %xor3A_865 : i32 to vector<16xi32>
        %xor3A_867 = arith.xori %iota3A, %xor3A_866 : vector<16xi32>
        %broadcast_in_dim3A_868 = vector.shape_cast %xor3A_867 : vector<16xi32> to vector<16x1xi32>
        %gather3A_869 = vector.shape_cast %broadcast_in_dim3A_868 : vector<16x1xi32> to vector<16xi32>
        %gather3A_870 = tpu.dynamic_gather %add3A_864[%gather3A_869] in [0] : vector<16xf32>, vector<16xi32> -> vector<16xf32>
        %add3A_871 = arith.addf %add3A_864, %gather3A_870 : vector<16xf32>
        %xor3A_872 = arith.constant 2 : i32
        %xor3A_873 = vector.broadcast %xor3A_872 : i32 to vector<16xi32>
        %xor3A_874 = arith.xori %iota3A, %xor3A_873 : vector<16xi32>
        %broadcast_in_dim3A_875 = vector.shape_cast %xor3A_874 : vector<16xi32> to vector<16x1xi32>
        %gather3A_876 = vector.shape_cast %broadcast_in_dim3A_875 : vector<16x1xi32> to vector<16xi32>
        %gather3A_877 = tpu.dynamic_gather %add3A_871[%gather3A_876] in [0] : vector<16xf32>, vector<16xi32> -> vector<16xf32>
        %add3A_878 = arith.addf %add3A_871, %gather3A_877 : vector<16xf32>
        %xor3A_879 = arith.constant 1 : i32
        %xor3A_880 = vector.broadcast %xor3A_879 : i32 to vector<16xi32>
        %xor3A_881 = arith.xori %iota3A, %xor3A_880 : vector<16xi32>
        %broadcast_in_dim3A_882 = vector.shape_cast %xor3A_881 : vector<16xi32> to vector<16x1xi32>
        %gather3A_883 = vector.shape_cast %broadcast_in_dim3A_882 : vector<16x1xi32> to vector<16xi32>
        %gather3A_884 = tpu.dynamic_gather %add3A_878[%gather3A_883] in [0] : vector<16xf32>, vector<16xi32> -> vector<16xf32>
        %add3A_885 = arith.addf %add3A_878, %gather3A_884 : vector<16xf32>
        %select_n3A_886 = arith.select %eq3A_857, %add3A_885, %select_n3A_845 : vector<16xi1>, vector<16xf32>
        %get3A_887 = arith.index_cast %add3A_763 : i32 to index
        %get3A_888 = arith.constant 16 : index
        %get3A_889 = tpu.vector_load %arg14[%get3A_887, %get3A_888] {strides = array<i32>} : memref<80x128xf32, #tpu.memory_space<vmem>>, vector<1x16xf32>,
        %get3A_890 = vector.shape_cast %get3A_889 : vector<1x16xf32> to vector<16xf32>
        %get3A_891 = arith.index_cast %add3A_763 : i32 to index
        %get3A_892 = arith.constant 16 : index
        %get3A_893 = tpu.vector_load %arg15[%get3A_891, %get3A_892] {strides = array<i32>} : memref<80x128xf32, #tpu.memory_space<vmem>>, vector<1x16xf32>,
        %get3A_894 = vector.shape_cast %get3A_893 : vector<1x16xf32> to vector<16xf32>
        %mul3A_895 = arith.mulf %get3A_890, %get3A_894 : vector<16xf32>
        %eq3A_896 = arith.constant 14 : i32
        %eq3A_897 = vector.broadcast %eq3A_896 : i32 to vector<16xi32>
        %eq3A_898 = arith.cmpi eq, %iota3A, %eq3A_897 : vector<16xi32>
        %xor3A_899 = arith.constant 8 : i32
        %xor3A_900 = vector.broadcast %xor3A_899 : i32 to vector<16xi32>
        %xor3A_901 = arith.xori %iota3A, %xor3A_900 : vector<16xi32>
        %broadcast_in_dim3A_902 = vector.shape_cast %xor3A_901 : vector<16xi32> to vector<16x1xi32>
        %gather3A_903 = vector.shape_cast %broadcast_in_dim3A_902 : vector<16x1xi32> to vector<16xi32>
        %gather3A_904 = tpu.dynamic_gather %mul3A_895[%gather3A_903] in [0] : vector<16xf32>, vector<16xi32> -> vector<16xf32>
        %add3A_905 = arith.addf %mul3A_895, %gather3A_904 : vector<16xf32>
        %xor3A_906 = arith.constant 4 : i32
        %xor3A_907 = vector.broadcast %xor3A_906 : i32 to vector<16xi32>
        %xor3A_908 = arith.xori %iota3A, %xor3A_907 : vector<16xi32>
        %broadcast_in_dim3A_909 = vector.shape_cast %xor3A_908 : vector<16xi32> to vector<16x1xi32>
        %gather3A_910 = vector.shape_cast %broadcast_in_dim3A_909 : vector<16x1xi32> to vector<16xi32>
        %gather3A_911 = tpu.dynamic_gather %add3A_905[%gather3A_910] in [0] : vector<16xf32>, vector<16xi32> -> vector<16xf32>
        %add3A_912 = arith.addf %add3A_905, %gather3A_911 : vector<16xf32>
        %xor3A_913 = arith.constant 2 : i32
        %xor3A_914 = vector.broadcast %xor3A_913 : i32 to vector<16xi32>
        %xor3A_915 = arith.xori %iota3A, %xor3A_914 : vector<16xi32>
        %broadcast_in_dim3A_916 = vector.shape_cast %xor3A_915 : vector<16xi32> to vector<16x1xi32>
        %gather3A_917 = vector.shape_cast %broadcast_in_dim3A_916 : vector<16x1xi32> to vector<16xi32>
        %gather3A_918 = tpu.dynamic_gather %add3A_912[%gather3A_917] in [0] : vector<16xf32>, vector<16xi32> -> vector<16xf32>
        %add3A_919 = arith.addf %add3A_912, %gather3A_918 : vector<16xf32>
        %xor3A_920 = arith.constant 1 : i32
        %xor3A_921 = vector.broadcast %xor3A_920 : i32 to vector<16xi32>
        %xor3A_922 = arith.xori %iota3A, %xor3A_921 : vector<16xi32>
        %broadcast_in_dim3A_923 = vector.shape_cast %xor3A_922 : vector<16xi32> to vector<16x1xi32>
        %gather3A_924 = vector.shape_cast %broadcast_in_dim3A_923 : vector<16x1xi32> to vector<16xi32>
        %gather3A_925 = tpu.dynamic_gather %add3A_919[%gather3A_924] in [0] : vector<16xf32>, vector<16xi32> -> vector<16xf32>
        %add3A_926 = arith.addf %add3A_919, %gather3A_925 : vector<16xf32>
        %select_n3A_927 = arith.select %eq3A_898, %add3A_926, %select_n3A_886 : vector<16xi1>, vector<16xf32>
        %get3A_928 = arith.index_cast %mul3A_761 : i32 to index
        %get3A_929 = arith.constant 32 : index
        %get3A_930 = tpu.vector_load %arg14[%get3A_928, %get3A_929] {strides = array<i32>} : memref<80x128xf32, #tpu.memory_space<vmem>>, vector<1x16xf32>,
        %get3A_931 = vector.shape_cast %get3A_930 : vector<1x16xf32> to vector<16xf32>
        %get3A_932 = arith.index_cast %mul3A_761 : i32 to index
        %get3A_933 = arith.constant 32 : index
        %get3A_934 = tpu.vector_load %arg15[%get3A_932, %get3A_933] {strides = array<i32>} : memref<80x128xf32, #tpu.memory_space<vmem>>, vector<1x16xf32>,
        %get3A_935 = vector.shape_cast %get3A_934 : vector<1x16xf32> to vector<16xf32>
        %mul3A_936 = arith.mulf %get3A_931, %get3A_935 : vector<16xf32>
        %eq3A_937 = arith.constant 2 : i32
        %eq3A_938 = vector.broadcast %eq3A_937 : i32 to vector<16xi32>
        %eq3A_939 = arith.cmpi eq, %iota3A, %eq3A_938 : vector<16xi32>
        %xor3A_940 = arith.constant 8 : i32
        %xor3A_941 = vector.broadcast %xor3A_940 : i32 to vector<16xi32>
        %xor3A_942 = arith.xori %iota3A, %xor3A_941 : vector<16xi32>
        %broadcast_in_dim3A_943 = vector.shape_cast %xor3A_942 : vector<16xi32> to vector<16x1xi32>
        %gather3A_944 = vector.shape_cast %broadcast_in_dim3A_943 : vector<16x1xi32> to vector<16xi32>
        %gather3A_945 = tpu.dynamic_gather %mul3A_936[%gather3A_944] in [0] : vector<16xf32>, vector<16xi32> -> vector<16xf32>
        %add3A_946 = arith.addf %mul3A_936, %gather3A_945 : vector<16xf32>
        %xor3A_947 = arith.constant 4 : i32
        %xor3A_948 = vector.broadcast %xor3A_947 : i32 to vector<16xi32>
        %xor3A_949 = arith.xori %iota3A, %xor3A_948 : vector<16xi32>
        %broadcast_in_dim3A_950 = vector.shape_cast %xor3A_949 : vector<16xi32> to vector<16x1xi32>
        %gather3A_951 = vector.shape_cast %broadcast_in_dim3A_950 : vector<16x1xi32> to vector<16xi32>
        %gather3A_952 = tpu.dynamic_gather %add3A_946[%gather3A_951] in [0] : vector<16xf32>, vector<16xi32> -> vector<16xf32>
        %add3A_953 = arith.addf %add3A_946, %gather3A_952 : vector<16xf32>
        %xor3A_954 = arith.constant 2 : i32
        %xor3A_955 = vector.broadcast %xor3A_954 : i32 to vector<16xi32>
        %xor3A_956 = arith.xori %iota3A, %xor3A_955 : vector<16xi32>
        %broadcast_in_dim3A_957 = vector.shape_cast %xor3A_956 : vector<16xi32> to vector<16x1xi32>
        %gather3A_958 = vector.shape_cast %broadcast_in_dim3A_957 : vector<16x1xi32> to vector<16xi32>
        %gather3A_959 = tpu.dynamic_gather %add3A_953[%gather3A_958] in [0] : vector<16xf32>, vector<16xi32> -> vector<16xf32>
        %add3A_960 = arith.addf %add3A_953, %gather3A_959 : vector<16xf32>
        %xor3A_961 = arith.constant 1 : i32
        %xor3A_962 = vector.broadcast %xor3A_961 : i32 to vector<16xi32>
        %xor3A_963 = arith.xori %iota3A, %xor3A_962 : vector<16xi32>
        %broadcast_in_dim3A_964 = vector.shape_cast %xor3A_963 : vector<16xi32> to vector<16x1xi32>
        %gather3A_965 = vector.shape_cast %broadcast_in_dim3A_964 : vector<16x1xi32> to vector<16xi32>
        %gather3A_966 = tpu.dynamic_gather %add3A_960[%gather3A_965] in [0] : vector<16xf32>, vector<16xi32> -> vector<16xf32>
        %add3A_967 = arith.addf %add3A_960, %gather3A_966 : vector<16xf32>
        %select_n3A_968 = arith.select %eq3A_939, %add3A_967, %select_n3A_927 : vector<16xi1>, vector<16xf32>
        %get3A_969 = arith.index_cast %add3A_763 : i32 to index
        %get3A_970 = arith.constant 32 : index
        %get3A_971 = tpu.vector_load %arg14[%get3A_969, %get3A_970] {strides = array<i32>} : memref<80x128xf32, #tpu.memory_space<vmem>>, vector<1x16xf32>,
        %get3A_972 = vector.shape_cast %get3A_971 : vector<1x16xf32> to vector<16xf32>
        %get3A_973 = arith.index_cast %add3A_763 : i32 to index
        %get3A_974 = arith.constant 32 : index
        %get3A_975 = tpu.vector_load %arg15[%get3A_973, %get3A_974] {strides = array<i32>} : memref<80x128xf32, #tpu.memory_space<vmem>>, vector<1x16xf32>,
        %get3A_976 = vector.shape_cast %get3A_975 : vector<1x16xf32> to vector<16xf32>
        %mul3A_977 = arith.mulf %get3A_972, %get3A_976 : vector<16xf32>
        %eq3A_978 = arith.constant 13 : i32
        %eq3A_979 = vector.broadcast %eq3A_978 : i32 to vector<16xi32>
        %eq3A_980 = arith.cmpi eq, %iota3A, %eq3A_979 : vector<16xi32>
        %xor3A_981 = arith.constant 8 : i32
        %xor3A_982 = vector.broadcast %xor3A_981 : i32 to vector<16xi32>
        %xor3A_983 = arith.xori %iota3A, %xor3A_982 : vector<16xi32>
        %broadcast_in_dim3A_984 = vector.shape_cast %xor3A_983 : vector<16xi32> to vector<16x1xi32>
        %gather3A_985 = vector.shape_cast %broadcast_in_dim3A_984 : vector<16x1xi32> to vector<16xi32>
        %gather3A_986 = tpu.dynamic_gather %mul3A_977[%gather3A_985] in [0] : vector<16xf32>, vector<16xi32> -> vector<16xf32>
        %add3A_987 = arith.addf %mul3A_977, %gather3A_986 : vector<16xf32>
        %xor3A_988 = arith.constant 4 : i32
        %xor3A_989 = vector.broadcast %xor3A_988 : i32 to vector<16xi32>
        %xor3A_990 = arith.xori %iota3A, %xor3A_989 : vector<16xi32>
        %broadcast_in_dim3A_991 = vector.shape_cast %xor3A_990 : vector<16xi32> to vector<16x1xi32>
        %gather3A_992 = vector.shape_cast %broadcast_in_dim3A_991 : vector<16x1xi32> to vector<16xi32>
        %gather3A_993 = tpu.dynamic_gather %add3A_987[%gather3A_992] in [0] : vector<16xf32>, vector<16xi32> -> vector<16xf32>
        %add3A_994 = arith.addf %add3A_987, %gather3A_993 : vector<16xf32>
        %xor3A_995 = arith.constant 2 : i32
        %xor3A_996 = vector.broadcast %xor3A_995 : i32 to vector<16xi32>
        %xor3A_997 = arith.xori %iota3A, %xor3A_996 : vector<16xi32>
        %broadcast_in_dim3A_998 = vector.shape_cast %xor3A_997 : vector<16xi32> to vector<16x1xi32>
        %gather3A_999 = vector.shape_cast %broadcast_in_dim3A_998 : vector<16x1xi32> to vector<16xi32>
        %gather3A_1000 = tpu.dynamic_gather %add3A_994[%gather3A_999] in [0] : vector<16xf32>, vector<16xi32> -> vector<16xf32>
        %add3A_1001 = arith.addf %add3A_994, %gather3A_1000 : vector<16xf32>
        %xor3A_1002 = arith.constant 1 : i32
        %xor3A_1003 = vector.broadcast %xor3A_1002 : i32 to vector<16xi32>
        %xor3A_1004 = arith.xori %iota3A, %xor3A_1003 : vector<16xi32>
        %broadcast_in_dim3A_1005 = vector.shape_cast %xor3A_1004 : vector<16xi32> to vector<16x1xi32>
        %gather3A_1006 = vector.shape_cast %broadcast_in_dim3A_1005 : vector<16x1xi32> to vector<16xi32>
        %gather3A_1007 = tpu.dynamic_gather %add3A_1001[%gather3A_1006] in [0] : vector<16xf32>, vector<16xi32> -> vector<16xf32>
        %add3A_1008 = arith.addf %add3A_1001, %gather3A_1007 : vector<16xf32>
        %select_n3A_1009 = arith.select %eq3A_980, %add3A_1008, %select_n3A_968 : vector<16xi1>, vector<16xf32>
        %get3A_1010 = arith.index_cast %mul3A_761 : i32 to index
        %get3A_1011 = arith.constant 48 : index
        %get3A_1012 = tpu.vector_load %arg14[%get3A_1010, %get3A_1011] {strides = array<i32>} : memref<80x128xf32, #tpu.memory_space<vmem>>, vector<1x16xf32>,
        %get3A_1013 = vector.shape_cast %get3A_1012 : vector<1x16xf32> to vector<16xf32>
        %get3A_1014 = arith.index_cast %mul3A_761 : i32 to index
        %get3A_1015 = arith.constant 48 : index
        %get3A_1016 = tpu.vector_load %arg15[%get3A_1014, %get3A_1015] {strides = array<i32>} : memref<80x128xf32, #tpu.memory_space<vmem>>, vector<1x16xf32>,
        %get3A_1017 = vector.shape_cast %get3A_1016 : vector<1x16xf32> to vector<16xf32>
        %mul3A_1018 = arith.mulf %get3A_1013, %get3A_1017 : vector<16xf32>
        %eq3A_1019 = arith.constant 3 : i32
        %eq3A_1020 = vector.broadcast %eq3A_1019 : i32 to vector<16xi32>
        %eq3A_1021 = arith.cmpi eq, %iota3A, %eq3A_1020 : vector<16xi32>
        %xor3A_1022 = arith.constant 8 : i32
        %xor3A_1023 = vector.broadcast %xor3A_1022 : i32 to vector<16xi32>
        %xor3A_1024 = arith.xori %iota3A, %xor3A_1023 : vector<16xi32>
        %broadcast_in_dim3A_1025 = vector.shape_cast %xor3A_1024 : vector<16xi32> to vector<16x1xi32>
        %gather3A_1026 = vector.shape_cast %broadcast_in_dim3A_1025 : vector<16x1xi32> to vector<16xi32>
        %gather3A_1027 = tpu.dynamic_gather %mul3A_1018[%gather3A_1026] in [0] : vector<16xf32>, vector<16xi32> -> vector<16xf32>
        %add3A_1028 = arith.addf %mul3A_1018, %gather3A_1027 : vector<16xf32>
        %xor3A_1029 = arith.constant 4 : i32
        %xor3A_1030 = vector.broadcast %xor3A_1029 : i32 to vector<16xi32>
        %xor3A_1031 = arith.xori %iota3A, %xor3A_1030 : vector<16xi32>
        %broadcast_in_dim3A_1032 = vector.shape_cast %xor3A_1031 : vector<16xi32> to vector<16x1xi32>
        %gather3A_1033 = vector.shape_cast %broadcast_in_dim3A_1032 : vector<16x1xi32> to vector<16xi32>
        %gather3A_1034 = tpu.dynamic_gather %add3A_1028[%gather3A_1033] in [0] : vector<16xf32>, vector<16xi32> -> vector<16xf32>
        %add3A_1035 = arith.addf %add3A_1028, %gather3A_1034 : vector<16xf32>
        %xor3A_1036 = arith.constant 2 : i32
        %xor3A_1037 = vector.broadcast %xor3A_1036 : i32 to vector<16xi32>
        %xor3A_1038 = arith.xori %iota3A, %xor3A_1037 : vector<16xi32>
        %broadcast_in_dim3A_1039 = vector.shape_cast %xor3A_1038 : vector<16xi32> to vector<16x1xi32>
        %gather3A_1040 = vector.shape_cast %broadcast_in_dim3A_1039 : vector<16x1xi32> to vector<16xi32>
        %gather3A_1041 = tpu.dynamic_gather %add3A_1035[%gather3A_1040] in [0] : vector<16xf32>, vector<16xi32> -> vector<16xf32>
        %add3A_1042 = arith.addf %add3A_1035, %gather3A_1041 : vector<16xf32>
        %xor3A_1043 = arith.constant 1 : i32
        %xor3A_1044 = vector.broadcast %xor3A_1043 : i32 to vector<16xi32>
        %xor3A_1045 = arith.xori %iota3A, %xor3A_1044 : vector<16xi32>
        %broadcast_in_dim3A_1046 = vector.shape_cast %xor3A_1045 : vector<16xi32> to vector<16x1xi32>
        %gather3A_1047 = vector.shape_cast %broadcast_in_dim3A_1046 : vector<16x1xi32> to vector<16xi32>
        %gather3A_1048 = tpu.dynamic_gather %add3A_1042[%gather3A_1047] in [0] : vector<16xf32>, vector<16xi32> -> vector<16xf32>
        %add3A_1049 = arith.addf %add3A_1042, %gather3A_1048 : vector<16xf32>
        %select_n3A_1050 = arith.select %eq3A_1021, %add3A_1049, %select_n3A_1009 : vector<16xi1>, vector<16xf32>
        %get3A_1051 = arith.index_cast %add3A_763 : i32 to index
        %get3A_1052 = arith.constant 48 : index
        %get3A_1053 = tpu.vector_load %arg14[%get3A_1051, %get3A_1052] {strides = array<i32>} : memref<80x128xf32, #tpu.memory_space<vmem>>, vector<1x16xf32>,
        %get3A_1054 = vector.shape_cast %get3A_1053 : vector<1x16xf32> to vector<16xf32>
        %get3A_1055 = arith.index_cast %add3A_763 : i32 to index
        %get3A_1056 = arith.constant 48 : index
        %get3A_1057 = tpu.vector_load %arg15[%get3A_1055, %get3A_1056] {strides = array<i32>} : memref<80x128xf32, #tpu.memory_space<vmem>>, vector<1x16xf32>,
        %get3A_1058 = vector.shape_cast %get3A_1057 : vector<1x16xf32> to vector<16xf32>
        %mul3A_1059 = arith.mulf %get3A_1054, %get3A_1058 : vector<16xf32>
        %eq3A_1060 = arith.constant 12 : i32
        %eq3A_1061 = vector.broadcast %eq3A_1060 : i32 to vector<16xi32>
        %eq3A_1062 = arith.cmpi eq, %iota3A, %eq3A_1061 : vector<16xi32>
        %xor3A_1063 = arith.constant 8 : i32
        %xor3A_1064 = vector.broadcast %xor3A_1063 : i32 to vector<16xi32>
        %xor3A_1065 = arith.xori %iota3A, %xor3A_1064 : vector<16xi32>
        %broadcast_in_dim3A_1066 = vector.shape_cast %xor3A_1065 : vector<16xi32> to vector<16x1xi32>
        %gather3A_1067 = vector.shape_cast %broadcast_in_dim3A_1066 : vector<16x1xi32> to vector<16xi32>
        %gather3A_1068 = tpu.dynamic_gather %mul3A_1059[%gather3A_1067] in [0] : vector<16xf32>, vector<16xi32> -> vector<16xf32>
        %add3A_1069 = arith.addf %mul3A_1059, %gather3A_1068 : vector<16xf32>
        %xor3A_1070 = arith.constant 4 : i32
        %xor3A_1071 = vector.broadcast %xor3A_1070 : i32 to vector<16xi32>
        %xor3A_1072 = arith.xori %iota3A, %xor3A_1071 : vector<16xi32>
        %broadcast_in_dim3A_1073 = vector.shape_cast %xor3A_1072 : vector<16xi32> to vector<16x1xi32>
        %gather3A_1074 = vector.shape_cast %broadcast_in_dim3A_1073 : vector<16x1xi32> to vector<16xi32>
        %gather3A_1075 = tpu.dynamic_gather %add3A_1069[%gather3A_1074] in [0] : vector<16xf32>, vector<16xi32> -> vector<16xf32>
        %add3A_1076 = arith.addf %add3A_1069, %gather3A_1075 : vector<16xf32>
        %xor3A_1077 = arith.constant 2 : i32
        %xor3A_1078 = vector.broadcast %xor3A_1077 : i32 to vector<16xi32>
        %xor3A_1079 = arith.xori %iota3A, %xor3A_1078 : vector<16xi32>
        %broadcast_in_dim3A_1080 = vector.shape_cast %xor3A_1079 : vector<16xi32> to vector<16x1xi32>
        %gather3A_1081 = vector.shape_cast %broadcast_in_dim3A_1080 : vector<16x1xi32> to vector<16xi32>
        %gather3A_1082 = tpu.dynamic_gather %add3A_1076[%gather3A_1081] in [0] : vector<16xf32>, vector<16xi32> -> vector<16xf32>
        %add3A_1083 = arith.addf %add3A_1076, %gather3A_1082 : vector<16xf32>
        %xor3A_1084 = arith.constant 1 : i32
        %xor3A_1085 = vector.broadcast %xor3A_1084 : i32 to vector<16xi32>
        %xor3A_1086 = arith.xori %iota3A, %xor3A_1085 : vector<16xi32>
        %broadcast_in_dim3A_1087 = vector.shape_cast %xor3A_1086 : vector<16xi32> to vector<16x1xi32>
        %gather3A_1088 = vector.shape_cast %broadcast_in_dim3A_1087 : vector<16x1xi32> to vector<16xi32>
        %gather3A_1089 = tpu.dynamic_gather %add3A_1083[%gather3A_1088] in [0] : vector<16xf32>, vector<16xi32> -> vector<16xf32>
        %add3A_1090 = arith.addf %add3A_1083, %gather3A_1089 : vector<16xf32>
        %select_n3A_1091 = arith.select %eq3A_1062, %add3A_1090, %select_n3A_1050 : vector<16xi1>, vector<16xf32>
        %get3A_1092 = arith.index_cast %mul3A_761 : i32 to index
        %get3A_1093 = arith.constant 64 : index
        %get3A_1094 = tpu.vector_load %arg14[%get3A_1092, %get3A_1093] {strides = array<i32>} : memref<80x128xf32, #tpu.memory_space<vmem>>, vector<1x16xf32>,
        %get3A_1095 = vector.shape_cast %get3A_1094 : vector<1x16xf32> to vector<16xf32>
        %get3A_1096 = arith.index_cast %mul3A_761 : i32 to index
        %get3A_1097 = arith.constant 64 : index
        %get3A_1098 = tpu.vector_load %arg15[%get3A_1096, %get3A_1097] {strides = array<i32>} : memref<80x128xf32, #tpu.memory_space<vmem>>, vector<1x16xf32>,
        %get3A_1099 = vector.shape_cast %get3A_1098 : vector<1x16xf32> to vector<16xf32>
        %mul3A_1100 = arith.mulf %get3A_1095, %get3A_1099 : vector<16xf32>
        %eq3A_1101 = arith.constant 4 : i32
        %eq3A_1102 = vector.broadcast %eq3A_1101 : i32 to vector<16xi32>
        %eq3A_1103 = arith.cmpi eq, %iota3A, %eq3A_1102 : vector<16xi32>
        %xor3A_1104 = arith.constant 8 : i32
        %xor3A_1105 = vector.broadcast %xor3A_1104 : i32 to vector<16xi32>
        %xor3A_1106 = arith.xori %iota3A, %xor3A_1105 : vector<16xi32>
        %broadcast_in_dim3A_1107 = vector.shape_cast %xor3A_1106 : vector<16xi32> to vector<16x1xi32>
        %gather3A_1108 = vector.shape_cast %broadcast_in_dim3A_1107 : vector<16x1xi32> to vector<16xi32>
        %gather3A_1109 = tpu.dynamic_gather %mul3A_1100[%gather3A_1108] in [0] : vector<16xf32>, vector<16xi32> -> vector<16xf32>
        %add3A_1110 = arith.addf %mul3A_1100, %gather3A_1109 : vector<16xf32>
        %xor3A_1111 = arith.constant 4 : i32
        %xor3A_1112 = vector.broadcast %xor3A_1111 : i32 to vector<16xi32>
        %xor3A_1113 = arith.xori %iota3A, %xor3A_1112 : vector<16xi32>
        %broadcast_in_dim3A_1114 = vector.shape_cast %xor3A_1113 : vector<16xi32> to vector<16x1xi32>
        %gather3A_1115 = vector.shape_cast %broadcast_in_dim3A_1114 : vector<16x1xi32> to vector<16xi32>
        %gather3A_1116 = tpu.dynamic_gather %add3A_1110[%gather3A_1115] in [0] : vector<16xf32>, vector<16xi32> -> vector<16xf32>
        %add3A_1117 = arith.addf %add3A_1110, %gather3A_1116 : vector<16xf32>
        %xor3A_1118 = arith.constant 2 : i32
        %xor3A_1119 = vector.broadcast %xor3A_1118 : i32 to vector<16xi32>
        %xor3A_1120 = arith.xori %iota3A, %xor3A_1119 : vector<16xi32>
        %broadcast_in_dim3A_1121 = vector.shape_cast %xor3A_1120 : vector<16xi32> to vector<16x1xi32>
        %gather3A_1122 = vector.shape_cast %broadcast_in_dim3A_1121 : vector<16x1xi32> to vector<16xi32>
        %gather3A_1123 = tpu.dynamic_gather %add3A_1117[%gather3A_1122] in [0] : vector<16xf32>, vector<16xi32> -> vector<16xf32>
        %add3A_1124 = arith.addf %add3A_1117, %gather3A_1123 : vector<16xf32>
        %xor3A_1125 = arith.constant 1 : i32
        %xor3A_1126 = vector.broadcast %xor3A_1125 : i32 to vector<16xi32>
        %xor3A_1127 = arith.xori %iota3A, %xor3A_1126 : vector<16xi32>
        %broadcast_in_dim3A_1128 = vector.shape_cast %xor3A_1127 : vector<16xi32> to vector<16x1xi32>
        %gather3A_1129 = vector.shape_cast %broadcast_in_dim3A_1128 : vector<16x1xi32> to vector<16xi32>
        %gather3A_1130 = tpu.dynamic_gather %add3A_1124[%gather3A_1129] in [0] : vector<16xf32>, vector<16xi32> -> vector<16xf32>
        %add3A_1131 = arith.addf %add3A_1124, %gather3A_1130 : vector<16xf32>
        %select_n3A_1132 = arith.select %eq3A_1103, %add3A_1131, %select_n3A_1091 : vector<16xi1>, vector<16xf32>
        %get3A_1133 = arith.index_cast %add3A_763 : i32 to index
        %get3A_1134 = arith.constant 64 : index
        %get3A_1135 = tpu.vector_load %arg14[%get3A_1133, %get3A_1134] {strides = array<i32>} : memref<80x128xf32, #tpu.memory_space<vmem>>, vector<1x16xf32>,
        %get3A_1136 = vector.shape_cast %get3A_1135 : vector<1x16xf32> to vector<16xf32>
        %get3A_1137 = arith.index_cast %add3A_763 : i32 to index
        %get3A_1138 = arith.constant 64 : index
        %get3A_1139 = tpu.vector_load %arg15[%get3A_1137, %get3A_1138] {strides = array<i32>} : memref<80x128xf32, #tpu.memory_space<vmem>>, vector<1x16xf32>,
        %get3A_1140 = vector.shape_cast %get3A_1139 : vector<1x16xf32> to vector<16xf32>
        %mul3A_1141 = arith.mulf %get3A_1136, %get3A_1140 : vector<16xf32>
        %eq3A_1142 = arith.constant 11 : i32
        %eq3A_1143 = vector.broadcast %eq3A_1142 : i32 to vector<16xi32>
        %eq3A_1144 = arith.cmpi eq, %iota3A, %eq3A_1143 : vector<16xi32>
        %xor3A_1145 = arith.constant 8 : i32
        %xor3A_1146 = vector.broadcast %xor3A_1145 : i32 to vector<16xi32>
        %xor3A_1147 = arith.xori %iota3A, %xor3A_1146 : vector<16xi32>
        %broadcast_in_dim3A_1148 = vector.shape_cast %xor3A_1147 : vector<16xi32> to vector<16x1xi32>
        %gather3A_1149 = vector.shape_cast %broadcast_in_dim3A_1148 : vector<16x1xi32> to vector<16xi32>
        %gather3A_1150 = tpu.dynamic_gather %mul3A_1141[%gather3A_1149] in [0] : vector<16xf32>, vector<16xi32> -> vector<16xf32>
        %add3A_1151 = arith.addf %mul3A_1141, %gather3A_1150 : vector<16xf32>
        %xor3A_1152 = arith.constant 4 : i32
        %xor3A_1153 = vector.broadcast %xor3A_1152 : i32 to vector<16xi32>
        %xor3A_1154 = arith.xori %iota3A, %xor3A_1153 : vector<16xi32>
        %broadcast_in_dim3A_1155 = vector.shape_cast %xor3A_1154 : vector<16xi32> to vector<16x1xi32>
        %gather3A_1156 = vector.shape_cast %broadcast_in_dim3A_1155 : vector<16x1xi32> to vector<16xi32>
        %gather3A_1157 = tpu.dynamic_gather %add3A_1151[%gather3A_1156] in [0] : vector<16xf32>, vector<16xi32> -> vector<16xf32>
        %add3A_1158 = arith.addf %add3A_1151, %gather3A_1157 : vector<16xf32>
        %xor3A_1159 = arith.constant 2 : i32
        %xor3A_1160 = vector.broadcast %xor3A_1159 : i32 to vector<16xi32>
        %xor3A_1161 = arith.xori %iota3A, %xor3A_1160 : vector<16xi32>
        %broadcast_in_dim3A_1162 = vector.shape_cast %xor3A_1161 : vector<16xi32> to vector<16x1xi32>
        %gather3A_1163 = vector.shape_cast %broadcast_in_dim3A_1162 : vector<16x1xi32> to vector<16xi32>
        %gather3A_1164 = tpu.dynamic_gather %add3A_1158[%gather3A_1163] in [0] : vector<16xf32>, vector<16xi32> -> vector<16xf32>
        %add3A_1165 = arith.addf %add3A_1158, %gather3A_1164 : vector<16xf32>
        %xor3A_1166 = arith.constant 1 : i32
        %xor3A_1167 = vector.broadcast %xor3A_1166 : i32 to vector<16xi32>
        %xor3A_1168 = arith.xori %iota3A, %xor3A_1167 : vector<16xi32>
        %broadcast_in_dim3A_1169 = vector.shape_cast %xor3A_1168 : vector<16xi32> to vector<16x1xi32>
        %gather3A_1170 = vector.shape_cast %broadcast_in_dim3A_1169 : vector<16x1xi32> to vector<16xi32>
        %gather3A_1171 = tpu.dynamic_gather %add3A_1165[%gather3A_1170] in [0] : vector<16xf32>, vector<16xi32> -> vector<16xf32>
        %add3A_1172 = arith.addf %add3A_1165, %gather3A_1171 : vector<16xf32>
        %select_n3A_1173 = arith.select %eq3A_1144, %add3A_1172, %select_n3A_1132 : vector<16xi1>, vector<16xf32>
        %get3A_1174 = arith.index_cast %mul3A_761 : i32 to index
        %get3A_1175 = arith.constant 80 : index
        %get3A_1176 = tpu.vector_load %arg14[%get3A_1174, %get3A_1175] {strides = array<i32>} : memref<80x128xf32, #tpu.memory_space<vmem>>, vector<1x16xf32>,
        %get3A_1177 = vector.shape_cast %get3A_1176 : vector<1x16xf32> to vector<16xf32>
        %get3A_1178 = arith.index_cast %mul3A_761 : i32 to index
        %get3A_1179 = arith.constant 80 : index
        %get3A_1180 = tpu.vector_load %arg15[%get3A_1178, %get3A_1179] {strides = array<i32>} : memref<80x128xf32, #tpu.memory_space<vmem>>, vector<1x16xf32>,
        %get3A_1181 = vector.shape_cast %get3A_1180 : vector<1x16xf32> to vector<16xf32>
        %mul3A_1182 = arith.mulf %get3A_1177, %get3A_1181 : vector<16xf32>
        %eq3A_1183 = arith.constant 5 : i32
        %eq3A_1184 = vector.broadcast %eq3A_1183 : i32 to vector<16xi32>
        %eq3A_1185 = arith.cmpi eq, %iota3A, %eq3A_1184 : vector<16xi32>
        %xor3A_1186 = arith.constant 8 : i32
        %xor3A_1187 = vector.broadcast %xor3A_1186 : i32 to vector<16xi32>
        %xor3A_1188 = arith.xori %iota3A, %xor3A_1187 : vector<16xi32>
        %broadcast_in_dim3A_1189 = vector.shape_cast %xor3A_1188 : vector<16xi32> to vector<16x1xi32>
        %gather3A_1190 = vector.shape_cast %broadcast_in_dim3A_1189 : vector<16x1xi32> to vector<16xi32>
        %gather3A_1191 = tpu.dynamic_gather %mul3A_1182[%gather3A_1190] in [0] : vector<16xf32>, vector<16xi32> -> vector<16xf32>
        %add3A_1192 = arith.addf %mul3A_1182, %gather3A_1191 : vector<16xf32>
        %xor3A_1193 = arith.constant 4 : i32
        %xor3A_1194 = vector.broadcast %xor3A_1193 : i32 to vector<16xi32>
        %xor3A_1195 = arith.xori %iota3A, %xor3A_1194 : vector<16xi32>
        %broadcast_in_dim3A_1196 = vector.shape_cast %xor3A_1195 : vector<16xi32> to vector<16x1xi32>
        %gather3A_1197 = vector.shape_cast %broadcast_in_dim3A_1196 : vector<16x1xi32> to vector<16xi32>
        %gather3A_1198 = tpu.dynamic_gather %add3A_1192[%gather3A_1197] in [0] : vector<16xf32>, vector<16xi32> -> vector<16xf32>
        %add3A_1199 = arith.addf %add3A_1192, %gather3A_1198 : vector<16xf32>
        %xor3A_1200 = arith.constant 2 : i32
        %xor3A_1201 = vector.broadcast %xor3A_1200 : i32 to vector<16xi32>
        %xor3A_1202 = arith.xori %iota3A, %xor3A_1201 : vector<16xi32>
        %broadcast_in_dim3A_1203 = vector.shape_cast %xor3A_1202 : vector<16xi32> to vector<16x1xi32>
        %gather3A_1204 = vector.shape_cast %broadcast_in_dim3A_1203 : vector<16x1xi32> to vector<16xi32>
        %gather3A_1205 = tpu.dynamic_gather %add3A_1199[%gather3A_1204] in [0] : vector<16xf32>, vector<16xi32> -> vector<16xf32>
        %add3A_1206 = arith.addf %add3A_1199, %gather3A_1205 : vector<16xf32>
        %xor3A_1207 = arith.constant 1 : i32
        %xor3A_1208 = vector.broadcast %xor3A_1207 : i32 to vector<16xi32>
        %xor3A_1209 = arith.xori %iota3A, %xor3A_1208 : vector<16xi32>
        %broadcast_in_dim3A_1210 = vector.shape_cast %xor3A_1209 : vector<16xi32> to vector<16x1xi32>
        %gather3A_1211 = vector.shape_cast %broadcast_in_dim3A_1210 : vector<16x1xi32> to vector<16xi32>
        %gather3A_1212 = tpu.dynamic_gather %add3A_1206[%gather3A_1211] in [0] : vector<16xf32>, vector<16xi32> -> vector<16xf32>
        %add3A_1213 = arith.addf %add3A_1206, %gather3A_1212 : vector<16xf32>
        %select_n3A_1214 = arith.select %eq3A_1185, %add3A_1213, %select_n3A_1173 : vector<16xi1>, vector<16xf32>
        %get3A_1215 = arith.index_cast %add3A_763 : i32 to index
        %get3A_1216 = arith.constant 80 : index
        %get3A_1217 = tpu.vector_load %arg14[%get3A_1215, %get3A_1216] {strides = array<i32>} : memref<80x128xf32, #tpu.memory_space<vmem>>, vector<1x16xf32>,
        %get3A_1218 = vector.shape_cast %get3A_1217 : vector<1x16xf32> to vector<16xf32>
        %get3A_1219 = arith.index_cast %add3A_763 : i32 to index
        %get3A_1220 = arith.constant 80 : index
        %get3A_1221 = tpu.vector_load %arg15[%get3A_1219, %get3A_1220] {strides = array<i32>} : memref<80x128xf32, #tpu.memory_space<vmem>>, vector<1x16xf32>,
        %get3A_1222 = vector.shape_cast %get3A_1221 : vector<1x16xf32> to vector<16xf32>
        %mul3A_1223 = arith.mulf %get3A_1218, %get3A_1222 : vector<16xf32>
        %eq3A_1224 = arith.constant 10 : i32
        %eq3A_1225 = vector.broadcast %eq3A_1224 : i32 to vector<16xi32>
        %eq3A_1226 = arith.cmpi eq, %iota3A, %eq3A_1225 : vector<16xi32>
        %xor3A_1227 = arith.constant 8 : i32
        %xor3A_1228 = vector.broadcast %xor3A_1227 : i32 to vector<16xi32>
        %xor3A_1229 = arith.xori %iota3A, %xor3A_1228 : vector<16xi32>
        %broadcast_in_dim3A_1230 = vector.shape_cast %xor3A_1229 : vector<16xi32> to vector<16x1xi32>
        %gather3A_1231 = vector.shape_cast %broadcast_in_dim3A_1230 : vector<16x1xi32> to vector<16xi32>
        %gather3A_1232 = tpu.dynamic_gather %mul3A_1223[%gather3A_1231] in [0] : vector<16xf32>, vector<16xi32> -> vector<16xf32>
        %add3A_1233 = arith.addf %mul3A_1223, %gather3A_1232 : vector<16xf32>
        %xor3A_1234 = arith.constant 4 : i32
        %xor3A_1235 = vector.broadcast %xor3A_1234 : i32 to vector<16xi32>
        %xor3A_1236 = arith.xori %iota3A, %xor3A_1235 : vector<16xi32>
        %broadcast_in_dim3A_1237 = vector.shape_cast %xor3A_1236 : vector<16xi32> to vector<16x1xi32>
        %gather3A_1238 = vector.shape_cast %broadcast_in_dim3A_1237 : vector<16x1xi32> to vector<16xi32>
        %gather3A_1239 = tpu.dynamic_gather %add3A_1233[%gather3A_1238] in [0] : vector<16xf32>, vector<16xi32> -> vector<16xf32>
        %add3A_1240 = arith.addf %add3A_1233, %gather3A_1239 : vector<16xf32>
        %xor3A_1241 = arith.constant 2 : i32
        %xor3A_1242 = vector.broadcast %xor3A_1241 : i32 to vector<16xi32>
        %xor3A_1243 = arith.xori %iota3A, %xor3A_1242 : vector<16xi32>
        %broadcast_in_dim3A_1244 = vector.shape_cast %xor3A_1243 : vector<16xi32> to vector<16x1xi32>
        %gather3A_1245 = vector.shape_cast %broadcast_in_dim3A_1244 : vector<16x1xi32> to vector<16xi32>
        %gather3A_1246 = tpu.dynamic_gather %add3A_1240[%gather3A_1245] in [0] : vector<16xf32>, vector<16xi32> -> vector<16xf32>
        %add3A_1247 = arith.addf %add3A_1240, %gather3A_1246 : vector<16xf32>
        %xor3A_1248 = arith.constant 1 : i32
        %xor3A_1249 = vector.broadcast %xor3A_1248 : i32 to vector<16xi32>
        %xor3A_1250 = arith.xori %iota3A, %xor3A_1249 : vector<16xi32>
        %broadcast_in_dim3A_1251 = vector.shape_cast %xor3A_1250 : vector<16xi32> to vector<16x1xi32>
        %gather3A_1252 = vector.shape_cast %broadcast_in_dim3A_1251 : vector<16x1xi32> to vector<16xi32>
        %gather3A_1253 = tpu.dynamic_gather %add3A_1247[%gather3A_1252] in [0] : vector<16xf32>, vector<16xi32> -> vector<16xf32>
        %add3A_1254 = arith.addf %add3A_1247, %gather3A_1253 : vector<16xf32>
        %select_n3A_1255 = arith.select %eq3A_1226, %add3A_1254, %select_n3A_1214 : vector<16xi1>, vector<16xf32>
        %get3A_1256 = arith.index_cast %mul3A_761 : i32 to index
        %get3A_1257 = arith.constant 96 : index
        %get3A_1258 = tpu.vector_load %arg14[%get3A_1256, %get3A_1257] {strides = array<i32>} : memref<80x128xf32, #tpu.memory_space<vmem>>, vector<1x16xf32>,
        %get3A_1259 = vector.shape_cast %get3A_1258 : vector<1x16xf32> to vector<16xf32>
        %get3A_1260 = arith.index_cast %mul3A_761 : i32 to index
        %get3A_1261 = arith.constant 96 : index
        %get3A_1262 = tpu.vector_load %arg15[%get3A_1260, %get3A_1261] {strides = array<i32>} : memref<80x128xf32, #tpu.memory_space<vmem>>, vector<1x16xf32>,
        %get3A_1263 = vector.shape_cast %get3A_1262 : vector<1x16xf32> to vector<16xf32>
        %mul3A_1264 = arith.mulf %get3A_1259, %get3A_1263 : vector<16xf32>
        %eq3A_1265 = arith.constant 6 : i32
        %eq3A_1266 = vector.broadcast %eq3A_1265 : i32 to vector<16xi32>
        %eq3A_1267 = arith.cmpi eq, %iota3A, %eq3A_1266 : vector<16xi32>
        %xor3A_1268 = arith.constant 8 : i32
        %xor3A_1269 = vector.broadcast %xor3A_1268 : i32 to vector<16xi32>
        %xor3A_1270 = arith.xori %iota3A, %xor3A_1269 : vector<16xi32>
        %broadcast_in_dim3A_1271 = vector.shape_cast %xor3A_1270 : vector<16xi32> to vector<16x1xi32>
        %gather3A_1272 = vector.shape_cast %broadcast_in_dim3A_1271 : vector<16x1xi32> to vector<16xi32>
        %gather3A_1273 = tpu.dynamic_gather %mul3A_1264[%gather3A_1272] in [0] : vector<16xf32>, vector<16xi32> -> vector<16xf32>
        %add3A_1274 = arith.addf %mul3A_1264, %gather3A_1273 : vector<16xf32>
        %xor3A_1275 = arith.constant 4 : i32
        %xor3A_1276 = vector.broadcast %xor3A_1275 : i32 to vector<16xi32>
        %xor3A_1277 = arith.xori %iota3A, %xor3A_1276 : vector<16xi32>
        %broadcast_in_dim3A_1278 = vector.shape_cast %xor3A_1277 : vector<16xi32> to vector<16x1xi32>
        %gather3A_1279 = vector.shape_cast %broadcast_in_dim3A_1278 : vector<16x1xi32> to vector<16xi32>
        %gather3A_1280 = tpu.dynamic_gather %add3A_1274[%gather3A_1279] in [0] : vector<16xf32>, vector<16xi32> -> vector<16xf32>
        %add3A_1281 = arith.addf %add3A_1274, %gather3A_1280 : vector<16xf32>
        %xor3A_1282 = arith.constant 2 : i32
        %xor3A_1283 = vector.broadcast %xor3A_1282 : i32 to vector<16xi32>
        %xor3A_1284 = arith.xori %iota3A, %xor3A_1283 : vector<16xi32>
        %broadcast_in_dim3A_1285 = vector.shape_cast %xor3A_1284 : vector<16xi32> to vector<16x1xi32>
        %gather3A_1286 = vector.shape_cast %broadcast_in_dim3A_1285 : vector<16x1xi32> to vector<16xi32>
        %gather3A_1287 = tpu.dynamic_gather %add3A_1281[%gather3A_1286] in [0] : vector<16xf32>, vector<16xi32> -> vector<16xf32>
        %add3A_1288 = arith.addf %add3A_1281, %gather3A_1287 : vector<16xf32>
        %xor3A_1289 = arith.constant 1 : i32
        %xor3A_1290 = vector.broadcast %xor3A_1289 : i32 to vector<16xi32>
        %xor3A_1291 = arith.xori %iota3A, %xor3A_1290 : vector<16xi32>
        %broadcast_in_dim3A_1292 = vector.shape_cast %xor3A_1291 : vector<16xi32> to vector<16x1xi32>
        %gather3A_1293 = vector.shape_cast %broadcast_in_dim3A_1292 : vector<16x1xi32> to vector<16xi32>
        %gather3A_1294 = tpu.dynamic_gather %add3A_1288[%gather3A_1293] in [0] : vector<16xf32>, vector<16xi32> -> vector<16xf32>
        %add3A_1295 = arith.addf %add3A_1288, %gather3A_1294 : vector<16xf32>
        %select_n3A_1296 = arith.select %eq3A_1267, %add3A_1295, %select_n3A_1255 : vector<16xi1>, vector<16xf32>
        %get3A_1297 = arith.index_cast %add3A_763 : i32 to index
        %get3A_1298 = arith.constant 96 : index
        %get3A_1299 = tpu.vector_load %arg14[%get3A_1297, %get3A_1298] {strides = array<i32>} : memref<80x128xf32, #tpu.memory_space<vmem>>, vector<1x16xf32>,
        %get3A_1300 = vector.shape_cast %get3A_1299 : vector<1x16xf32> to vector<16xf32>
        %get3A_1301 = arith.index_cast %add3A_763 : i32 to index
        %get3A_1302 = arith.constant 96 : index
        %get3A_1303 = tpu.vector_load %arg15[%get3A_1301, %get3A_1302] {strides = array<i32>} : memref<80x128xf32, #tpu.memory_space<vmem>>, vector<1x16xf32>,
        %get3A_1304 = vector.shape_cast %get3A_1303 : vector<1x16xf32> to vector<16xf32>
        %mul3A_1305 = arith.mulf %get3A_1300, %get3A_1304 : vector<16xf32>
        %eq3A_1306 = arith.constant 9 : i32
        %eq3A_1307 = vector.broadcast %eq3A_1306 : i32 to vector<16xi32>
        %eq3A_1308 = arith.cmpi eq, %iota3A, %eq3A_1307 : vector<16xi32>
        %xor3A_1309 = arith.constant 8 : i32
        %xor3A_1310 = vector.broadcast %xor3A_1309 : i32 to vector<16xi32>
        %xor3A_1311 = arith.xori %iota3A, %xor3A_1310 : vector<16xi32>
        %broadcast_in_dim3A_1312 = vector.shape_cast %xor3A_1311 : vector<16xi32> to vector<16x1xi32>
        %gather3A_1313 = vector.shape_cast %broadcast_in_dim3A_1312 : vector<16x1xi32> to vector<16xi32>
        %gather3A_1314 = tpu.dynamic_gather %mul3A_1305[%gather3A_1313] in [0] : vector<16xf32>, vector<16xi32> -> vector<16xf32>
        %add3A_1315 = arith.addf %mul3A_1305, %gather3A_1314 : vector<16xf32>
        %xor3A_1316 = arith.constant 4 : i32
        %xor3A_1317 = vector.broadcast %xor3A_1316 : i32 to vector<16xi32>
        %xor3A_1318 = arith.xori %iota3A, %xor3A_1317 : vector<16xi32>
        %broadcast_in_dim3A_1319 = vector.shape_cast %xor3A_1318 : vector<16xi32> to vector<16x1xi32>
        %gather3A_1320 = vector.shape_cast %broadcast_in_dim3A_1319 : vector<16x1xi32> to vector<16xi32>
        %gather3A_1321 = tpu.dynamic_gather %add3A_1315[%gather3A_1320] in [0] : vector<16xf32>, vector<16xi32> -> vector<16xf32>
        %add3A_1322 = arith.addf %add3A_1315, %gather3A_1321 : vector<16xf32>
        %xor3A_1323 = arith.constant 2 : i32
        %xor3A_1324 = vector.broadcast %xor3A_1323 : i32 to vector<16xi32>
        %xor3A_1325 = arith.xori %iota3A, %xor3A_1324 : vector<16xi32>
        %broadcast_in_dim3A_1326 = vector.shape_cast %xor3A_1325 : vector<16xi32> to vector<16x1xi32>
        %gather3A_1327 = vector.shape_cast %broadcast_in_dim3A_1326 : vector<16x1xi32> to vector<16xi32>
        %gather3A_1328 = tpu.dynamic_gather %add3A_1322[%gather3A_1327] in [0] : vector<16xf32>, vector<16xi32> -> vector<16xf32>
        %add3A_1329 = arith.addf %add3A_1322, %gather3A_1328 : vector<16xf32>
        %xor3A_1330 = arith.constant 1 : i32
        %xor3A_1331 = vector.broadcast %xor3A_1330 : i32 to vector<16xi32>
        %xor3A_1332 = arith.xori %iota3A, %xor3A_1331 : vector<16xi32>
        %broadcast_in_dim3A_1333 = vector.shape_cast %xor3A_1332 : vector<16xi32> to vector<16x1xi32>
        %gather3A_1334 = vector.shape_cast %broadcast_in_dim3A_1333 : vector<16x1xi32> to vector<16xi32>
        %gather3A_1335 = tpu.dynamic_gather %add3A_1329[%gather3A_1334] in [0] : vector<16xf32>, vector<16xi32> -> vector<16xf32>
        %add3A_1336 = arith.addf %add3A_1329, %gather3A_1335 : vector<16xf32>
        %select_n3A_1337 = arith.select %eq3A_1308, %add3A_1336, %select_n3A_1296 : vector<16xi1>, vector<16xf32>
        %get3A_1338 = arith.index_cast %mul3A_761 : i32 to index
        %get3A_1339 = arith.constant 112 : index
        %get3A_1340 = tpu.vector_load %arg14[%get3A_1338, %get3A_1339] {strides = array<i32>} : memref<80x128xf32, #tpu.memory_space<vmem>>, vector<1x16xf32>,
        %get3A_1341 = vector.shape_cast %get3A_1340 : vector<1x16xf32> to vector<16xf32>
        %get3A_1342 = arith.index_cast %mul3A_761 : i32 to index
        %get3A_1343 = arith.constant 112 : index
        %get3A_1344 = tpu.vector_load %arg15[%get3A_1342, %get3A_1343] {strides = array<i32>} : memref<80x128xf32, #tpu.memory_space<vmem>>, vector<1x16xf32>,
        %get3A_1345 = vector.shape_cast %get3A_1344 : vector<1x16xf32> to vector<16xf32>
        %mul3A_1346 = arith.mulf %get3A_1341, %get3A_1345 : vector<16xf32>
        %eq3A_1347 = arith.constant 7 : i32
        %eq3A_1348 = vector.broadcast %eq3A_1347 : i32 to vector<16xi32>
        %eq3A_1349 = arith.cmpi eq, %iota3A, %eq3A_1348 : vector<16xi32>
        %xor3A_1350 = arith.constant 8 : i32
        %xor3A_1351 = vector.broadcast %xor3A_1350 : i32 to vector<16xi32>
        %xor3A_1352 = arith.xori %iota3A, %xor3A_1351 : vector<16xi32>
        %broadcast_in_dim3A_1353 = vector.shape_cast %xor3A_1352 : vector<16xi32> to vector<16x1xi32>
        %gather3A_1354 = vector.shape_cast %broadcast_in_dim3A_1353 : vector<16x1xi32> to vector<16xi32>
        %gather3A_1355 = tpu.dynamic_gather %mul3A_1346[%gather3A_1354] in [0] : vector<16xf32>, vector<16xi32> -> vector<16xf32>
        %add3A_1356 = arith.addf %mul3A_1346, %gather3A_1355 : vector<16xf32>
        %xor3A_1357 = arith.constant 4 : i32
        %xor3A_1358 = vector.broadcast %xor3A_1357 : i32 to vector<16xi32>
        %xor3A_1359 = arith.xori %iota3A, %xor3A_1358 : vector<16xi32>
        %broadcast_in_dim3A_1360 = vector.shape_cast %xor3A_1359 : vector<16xi32> to vector<16x1xi32>
        %gather3A_1361 = vector.shape_cast %broadcast_in_dim3A_1360 : vector<16x1xi32> to vector<16xi32>
        %gather3A_1362 = tpu.dynamic_gather %add3A_1356[%gather3A_1361] in [0] : vector<16xf32>, vector<16xi32> -> vector<16xf32>
        %add3A_1363 = arith.addf %add3A_1356, %gather3A_1362 : vector<16xf32>
        %xor3A_1364 = arith.constant 2 : i32
        %xor3A_1365 = vector.broadcast %xor3A_1364 : i32 to vector<16xi32>
        %xor3A_1366 = arith.xori %iota3A, %xor3A_1365 : vector<16xi32>
        %broadcast_in_dim3A_1367 = vector.shape_cast %xor3A_1366 : vector<16xi32> to vector<16x1xi32>
        %gather3A_1368 = vector.shape_cast %broadcast_in_dim3A_1367 : vector<16x1xi32> to vector<16xi32>
        %gather3A_1369 = tpu.dynamic_gather %add3A_1363[%gather3A_1368] in [0] : vector<16xf32>, vector<16xi32> -> vector<16xf32>
        %add3A_1370 = arith.addf %add3A_1363, %gather3A_1369 : vector<16xf32>
        %xor3A_1371 = arith.constant 1 : i32
        %xor3A_1372 = vector.broadcast %xor3A_1371 : i32 to vector<16xi32>
        %xor3A_1373 = arith.xori %iota3A, %xor3A_1372 : vector<16xi32>
        %broadcast_in_dim3A_1374 = vector.shape_cast %xor3A_1373 : vector<16xi32> to vector<16x1xi32>
        %gather3A_1375 = vector.shape_cast %broadcast_in_dim3A_1374 : vector<16x1xi32> to vector<16xi32>
        %gather3A_1376 = tpu.dynamic_gather %add3A_1370[%gather3A_1375] in [0] : vector<16xf32>, vector<16xi32> -> vector<16xf32>
        %add3A_1377 = arith.addf %add3A_1370, %gather3A_1376 : vector<16xf32>
        %select_n3A_1378 = arith.select %eq3A_1349, %add3A_1377, %select_n3A_1337 : vector<16xi1>, vector<16xf32>
        %get3A_1379 = arith.index_cast %add3A_763 : i32 to index
        %get3A_1380 = arith.constant 112 : index
        %get3A_1381 = tpu.vector_load %arg14[%get3A_1379, %get3A_1380] {strides = array<i32>} : memref<80x128xf32, #tpu.memory_space<vmem>>, vector<1x16xf32>,
        %get3A_1382 = vector.shape_cast %get3A_1381 : vector<1x16xf32> to vector<16xf32>
        %get3A_1383 = arith.index_cast %add3A_763 : i32 to index
        %get3A_1384 = arith.constant 112 : index
        %get3A_1385 = tpu.vector_load %arg15[%get3A_1383, %get3A_1384] {strides = array<i32>} : memref<80x128xf32, #tpu.memory_space<vmem>>, vector<1x16xf32>,
        %get3A_1386 = vector.shape_cast %get3A_1385 : vector<1x16xf32> to vector<16xf32>
        %mul3A_1387 = arith.mulf %get3A_1382, %get3A_1386 : vector<16xf32>
        %eq3A_1388 = arith.constant 8 : i32
        %eq3A_1389 = vector.broadcast %eq3A_1388 : i32 to vector<16xi32>
        %eq3A_1390 = arith.cmpi eq, %iota3A, %eq3A_1389 : vector<16xi32>
        %xor3A_1391 = arith.constant 8 : i32
        %xor3A_1392 = vector.broadcast %xor3A_1391 : i32 to vector<16xi32>
        %xor3A_1393 = arith.xori %iota3A, %xor3A_1392 : vector<16xi32>
        %broadcast_in_dim3A_1394 = vector.shape_cast %xor3A_1393 : vector<16xi32> to vector<16x1xi32>
        %gather3A_1395 = vector.shape_cast %broadcast_in_dim3A_1394 : vector<16x1xi32> to vector<16xi32>
        %gather3A_1396 = tpu.dynamic_gather %mul3A_1387[%gather3A_1395] in [0] : vector<16xf32>, vector<16xi32> -> vector<16xf32>
        %add3A_1397 = arith.addf %mul3A_1387, %gather3A_1396 : vector<16xf32>
        %xor3A_1398 = arith.constant 4 : i32
        %xor3A_1399 = vector.broadcast %xor3A_1398 : i32 to vector<16xi32>
        %xor3A_1400 = arith.xori %iota3A, %xor3A_1399 : vector<16xi32>
        %broadcast_in_dim3A_1401 = vector.shape_cast %xor3A_1400 : vector<16xi32> to vector<16x1xi32>
        %gather3A_1402 = vector.shape_cast %broadcast_in_dim3A_1401 : vector<16x1xi32> to vector<16xi32>
        %gather3A_1403 = tpu.dynamic_gather %add3A_1397[%gather3A_1402] in [0] : vector<16xf32>, vector<16xi32> -> vector<16xf32>
        %add3A_1404 = arith.addf %add3A_1397, %gather3A_1403 : vector<16xf32>
        %xor3A_1405 = arith.constant 2 : i32
        %xor3A_1406 = vector.broadcast %xor3A_1405 : i32 to vector<16xi32>
        %xor3A_1407 = arith.xori %iota3A, %xor3A_1406 : vector<16xi32>
        %broadcast_in_dim3A_1408 = vector.shape_cast %xor3A_1407 : vector<16xi32> to vector<16x1xi32>
        %gather3A_1409 = vector.shape_cast %broadcast_in_dim3A_1408 : vector<16x1xi32> to vector<16xi32>
        %gather3A_1410 = tpu.dynamic_gather %add3A_1404[%gather3A_1409] in [0] : vector<16xf32>, vector<16xi32> -> vector<16xf32>
        %add3A_1411 = arith.addf %add3A_1404, %gather3A_1410 : vector<16xf32>
        %xor3A_1412 = arith.constant 1 : i32
        %xor3A_1413 = vector.broadcast %xor3A_1412 : i32 to vector<16xi32>
        %xor3A_1414 = arith.xori %iota3A, %xor3A_1413 : vector<16xi32>
        %broadcast_in_dim3A_1415 = vector.shape_cast %xor3A_1414 : vector<16xi32> to vector<16x1xi32>
        %gather3A_1416 = vector.shape_cast %broadcast_in_dim3A_1415 : vector<16x1xi32> to vector<16xi32>
        %gather3A_1417 = tpu.dynamic_gather %add3A_1411[%gather3A_1416] in [0] : vector<16xf32>, vector<16xi32> -> vector<16xf32>
        %add3A_1418 = arith.addf %add3A_1411, %gather3A_1417 : vector<16xf32>
        %select_n3A_1419 = arith.select %eq3A_1390, %add3A_1418, %select_n3A_1378 : vector<16xi1>, vector<16xf32>
        %jit3A_1420 = arith.constant -6.000000e+01 : f32
        %jit3A_1421 = arith.constant 6.000000e+01 : f32
        %max3A = vector.broadcast %jit3A_1420 : f32 to vector<16xf32>
        %max3A_1422 = arith.maximumf %max3A, %select_n3A_1419 : vector<16xf32>
        %min3A = vector.broadcast %jit3A_1421 : f32 to vector<16xf32>
        %min3A_1423 = arith.minimumf %min3A, %max3A_1422 : vector<16xf32>
        %exp3A = math.exp %min3A_1423 : vector<16xf32>
        %lt3A = arith.constant 8 : i32
        %lt3A_1424 = vector.broadcast %lt3A : i32 to vector<16xi32>
        %lt3A_1425 = arith.cmpi slt, %iota3A, %lt3A_1424 : vector<16xi32>
        %jit3A_1426 = arith.constant 0.000000e+00 : f32
        %broadcast_in_dim3A_1427 = vector.broadcast %jit3A_1426 : f32 to vector<16xf32>
        %select_n3A_1428 = arith.select %lt3A_1425, %exp3A, %broadcast_in_dim3A_1427 : vector<16xi1>, vector<16xf32>
        %swap3A_1429 = arith.index_cast %mul3A_761 : i32 to index
        %swap3A_1430 = arith.constant 0 : index
        %swap3A_1431 = tpu.vector_load %arg17[%swap3A_1429, %swap3A_1430] {strides = array<i32>} : memref<80x16xf32, #tpu.memory_space<vmem>>, vector<1x16xf32>,
        %swap3A_1432 = vector.shape_cast %swap3A_1431 : vector<1x16xf32> to vector<16xf32>
        %swap3A_1433 = vector.shape_cast %select_n3A_1428 : vector<16xf32> to vector<1x16xf32>
        tpu.vector_store %arg17[%swap3A_1429, %swap3A_1430], %swap3A_1433 {strides = array<i32>} : memref<80x16xf32, #tpu.memory_space<vmem>>, vector<1x16xf32>,
        %lt3A_1434 = arith.constant 8 : i32
        %lt3A_1435 = vector.broadcast %lt3A_1434 : i32 to vector<16xi32>
        %lt3A_1436 = arith.cmpi slt, %iota3A, %lt3A_1435 : vector<16xi32>
        %rev3A = arith.constant 15 : i32
        %rev3A_1437 = vector.broadcast %rev3A : i32 to vector<16xi32>
        %rev3A_1438 = tpu.iota {dimensions = array<i32: 0>} : vector<16xi32>
        %rev3A_1439 = arith.subi %rev3A_1437, %rev3A_1438 : vector<16xi32>
        %rev3A_1440 = tpu.dynamic_gather %exp3A[%rev3A_1439] in [0] : vector<16xf32>, vector<16xi32> -> vector<16xf32>
        %jit3A_1441 = arith.constant 0.000000e+00 : f32
        %broadcast_in_dim3A_1442 = vector.broadcast %jit3A_1441 : f32 to vector<16xf32>
        %select_n3A_1443 = arith.select %lt3A_1436, %rev3A_1440, %broadcast_in_dim3A_1442 : vector<16xi1>, vector<16xf32>
        %swap3A_1444 = arith.index_cast %add3A_763 : i32 to index
        %swap3A_1445 = arith.constant 0 : index
        %swap3A_1446 = tpu.vector_load %arg17[%swap3A_1444, %swap3A_1445] {strides = array<i32>} : memref<80x16xf32, #tpu.memory_space<vmem>>, vector<1x16xf32>,
        %swap3A_1447 = vector.shape_cast %swap3A_1446 : vector<1x16xf32> to vector<16xf32>
        %swap3A_1448 = vector.shape_cast %select_n3A_1443 : vector<16xf32> to vector<1x16xf32>
        tpu.vector_store %arg17[%swap3A_1444, %swap3A_1445], %swap3A_1448 {strides = array<i32>} : memref<80x16xf32, #tpu.memory_space<vmem>>, vector<1x16xf32>,
        %broadcast_in_dim3A_1449 = arith.constant 0 : i32
        %broadcast_in_dim3A_1450 = vector.broadcast %broadcast_in_dim3A_1449 : i32 to vector<16x1xi32>
        %gather3A_1451 = vector.shape_cast %broadcast_in_dim3A_1450 : vector<16x1xi32> to vector<16xi32>
        %gather3A_1452 = tpu.dynamic_gather %exp3A[%gather3A_1451] in [0] : vector<16xf32>, vector<16xi32> -> vector<16xf32>
        %get3A_1453 = arith.index_cast %mul3A_761 : i32 to index
        %get3A_1454 = arith.constant 0 : index
        %get3A_1455 = tpu.vector_load %arg16[%get3A_1453, %get3A_1454] {strides = array<i32>} : memref<80x128xf32, #tpu.memory_space<vmem>>, vector<1x16xf32>,
        %get3A_1456 = vector.shape_cast %get3A_1455 : vector<1x16xf32> to vector<16xf32>
        %mul3A_1457 = arith.mulf %get3A_1456, %gather3A_1452 : vector<16xf32>
        %swap3A_1458 = arith.index_cast %mul3A_761 : i32 to index
        %swap3A_1459 = arith.constant 0 : index
        %swap3A_1460 = tpu.vector_load %arg16[%swap3A_1458, %swap3A_1459] {strides = array<i32>} : memref<80x128xf32, #tpu.memory_space<vmem>>, vector<1x16xf32>,
        %swap3A_1461 = vector.shape_cast %swap3A_1460 : vector<1x16xf32> to vector<16xf32>
        %swap3A_1462 = vector.shape_cast %mul3A_1457 : vector<16xf32> to vector<1x16xf32>
        tpu.vector_store %arg16[%swap3A_1458, %swap3A_1459], %swap3A_1462 {strides = array<i32>} : memref<80x128xf32, #tpu.memory_space<vmem>>, vector<1x16xf32>,
        %broadcast_in_dim3A_1463 = arith.constant 15 : i32
        %broadcast_in_dim3A_1464 = vector.broadcast %broadcast_in_dim3A_1463 : i32 to vector<16x1xi32>
        %gather3A_1465 = vector.shape_cast %broadcast_in_dim3A_1464 : vector<16x1xi32> to vector<16xi32>
        %gather3A_1466 = tpu.dynamic_gather %exp3A[%gather3A_1465] in [0] : vector<16xf32>, vector<16xi32> -> vector<16xf32>
        %get3A_1467 = arith.index_cast %add3A_763 : i32 to index
        %get3A_1468 = arith.constant 0 : index
        %get3A_1469 = tpu.vector_load %arg16[%get3A_1467, %get3A_1468] {strides = array<i32>} : memref<80x128xf32, #tpu.memory_space<vmem>>, vector<1x16xf32>,
        %get3A_1470 = vector.shape_cast %get3A_1469 : vector<1x16xf32> to vector<16xf32>
        %mul3A_1471 = arith.mulf %get3A_1470, %gather3A_1466 : vector<16xf32>
        %swap3A_1472 = arith.index_cast %add3A_763 : i32 to index
        %swap3A_1473 = arith.constant 0 : index
        %swap3A_1474 = tpu.vector_load %arg16[%swap3A_1472, %swap3A_1473] {strides = array<i32>} : memref<80x128xf32, #tpu.memory_space<vmem>>, vector<1x16xf32>,
        %swap3A_1475 = vector.shape_cast %swap3A_1474 : vector<1x16xf32> to vector<16xf32>
        %swap3A_1476 = vector.shape_cast %mul3A_1471 : vector<16xf32> to vector<1x16xf32>
        tpu.vector_store %arg16[%swap3A_1472, %swap3A_1473], %swap3A_1476 {strides = array<i32>} : memref<80x128xf32, #tpu.memory_space<vmem>>, vector<1x16xf32>,
        %broadcast_in_dim3A_1477 = arith.constant 1 : i32
        %broadcast_in_dim3A_1478 = vector.broadcast %broadcast_in_dim3A_1477 : i32 to vector<16x1xi32>
        %gather3A_1479 = vector.shape_cast %broadcast_in_dim3A_1478 : vector<16x1xi32> to vector<16xi32>
        %gather3A_1480 = tpu.dynamic_gather %exp3A[%gather3A_1479] in [0] : vector<16xf32>, vector<16xi32> -> vector<16xf32>
        %get3A_1481 = arith.index_cast %mul3A_761 : i32 to index
        %get3A_1482 = arith.constant 16 : index
        %get3A_1483 = tpu.vector_load %arg16[%get3A_1481, %get3A_1482] {strides = array<i32>} : memref<80x128xf32, #tpu.memory_space<vmem>>, vector<1x16xf32>,
        %get3A_1484 = vector.shape_cast %get3A_1483 : vector<1x16xf32> to vector<16xf32>
        %mul3A_1485 = arith.mulf %get3A_1484, %gather3A_1480 : vector<16xf32>
        %swap3A_1486 = arith.index_cast %mul3A_761 : i32 to index
        %swap3A_1487 = arith.constant 16 : index
        %swap3A_1488 = tpu.vector_load %arg16[%swap3A_1486, %swap3A_1487] {strides = array<i32>} : memref<80x128xf32, #tpu.memory_space<vmem>>, vector<1x16xf32>,
        %swap3A_1489 = vector.shape_cast %swap3A_1488 : vector<1x16xf32> to vector<16xf32>
        %swap3A_1490 = vector.shape_cast %mul3A_1485 : vector<16xf32> to vector<1x16xf32>
        tpu.vector_store %arg16[%swap3A_1486, %swap3A_1487], %swap3A_1490 {strides = array<i32>} : memref<80x128xf32, #tpu.memory_space<vmem>>, vector<1x16xf32>,
        %broadcast_in_dim3A_1491 = arith.constant 14 : i32
        %broadcast_in_dim3A_1492 = vector.broadcast %broadcast_in_dim3A_1491 : i32 to vector<16x1xi32>
        %gather3A_1493 = vector.shape_cast %broadcast_in_dim3A_1492 : vector<16x1xi32> to vector<16xi32>
        %gather3A_1494 = tpu.dynamic_gather %exp3A[%gather3A_1493] in [0] : vector<16xf32>, vector<16xi32> -> vector<16xf32>
        %get3A_1495 = arith.index_cast %add3A_763 : i32 to index
        %get3A_1496 = arith.constant 16 : index
        %get3A_1497 = tpu.vector_load %arg16[%get3A_1495, %get3A_1496] {strides = array<i32>} : memref<80x128xf32, #tpu.memory_space<vmem>>, vector<1x16xf32>,
        %get3A_1498 = vector.shape_cast %get3A_1497 : vector<1x16xf32> to vector<16xf32>
        %mul3A_1499 = arith.mulf %get3A_1498, %gather3A_1494 : vector<16xf32>
        %swap3A_1500 = arith.index_cast %add3A_763 : i32 to index
        %swap3A_1501 = arith.constant 16 : index
        %swap3A_1502 = tpu.vector_load %arg16[%swap3A_1500, %swap3A_1501] {strides = array<i32>} : memref<80x128xf32, #tpu.memory_space<vmem>>, vector<1x16xf32>,
        %swap3A_1503 = vector.shape_cast %swap3A_1502 : vector<1x16xf32> to vector<16xf32>
        %swap3A_1504 = vector.shape_cast %mul3A_1499 : vector<16xf32> to vector<1x16xf32>
        tpu.vector_store %arg16[%swap3A_1500, %swap3A_1501], %swap3A_1504 {strides = array<i32>} : memref<80x128xf32, #tpu.memory_space<vmem>>, vector<1x16xf32>,
        %broadcast_in_dim3A_1505 = arith.constant 2 : i32
        %broadcast_in_dim3A_1506 = vector.broadcast %broadcast_in_dim3A_1505 : i32 to vector<16x1xi32>
        %gather3A_1507 = vector.shape_cast %broadcast_in_dim3A_1506 : vector<16x1xi32> to vector<16xi32>
        %gather3A_1508 = tpu.dynamic_gather %exp3A[%gather3A_1507] in [0] : vector<16xf32>, vector<16xi32> -> vector<16xf32>
        %get3A_1509 = arith.index_cast %mul3A_761 : i32 to index
        %get3A_1510 = arith.constant 32 : index
        %get3A_1511 = tpu.vector_load %arg16[%get3A_1509, %get3A_1510] {strides = array<i32>} : memref<80x128xf32, #tpu.memory_space<vmem>>, vector<1x16xf32>,
        %get3A_1512 = vector.shape_cast %get3A_1511 : vector<1x16xf32> to vector<16xf32>
        %mul3A_1513 = arith.mulf %get3A_1512, %gather3A_1508 : vector<16xf32>
        %swap3A_1514 = arith.index_cast %mul3A_761 : i32 to index
        %swap3A_1515 = arith.constant 32 : index
        %swap3A_1516 = tpu.vector_load %arg16[%swap3A_1514, %swap3A_1515] {strides = array<i32>} : memref<80x128xf32, #tpu.memory_space<vmem>>, vector<1x16xf32>,
        %swap3A_1517 = vector.shape_cast %swap3A_1516 : vector<1x16xf32> to vector<16xf32>
        %swap3A_1518 = vector.shape_cast %mul3A_1513 : vector<16xf32> to vector<1x16xf32>
        tpu.vector_store %arg16[%swap3A_1514, %swap3A_1515], %swap3A_1518 {strides = array<i32>} : memref<80x128xf32, #tpu.memory_space<vmem>>, vector<1x16xf32>,
        %broadcast_in_dim3A_1519 = arith.constant 13 : i32
        %broadcast_in_dim3A_1520 = vector.broadcast %broadcast_in_dim3A_1519 : i32 to vector<16x1xi32>
        %gather3A_1521 = vector.shape_cast %broadcast_in_dim3A_1520 : vector<16x1xi32> to vector<16xi32>
        %gather3A_1522 = tpu.dynamic_gather %exp3A[%gather3A_1521] in [0] : vector<16xf32>, vector<16xi32> -> vector<16xf32>
        %get3A_1523 = arith.index_cast %add3A_763 : i32 to index
        %get3A_1524 = arith.constant 32 : index
        %get3A_1525 = tpu.vector_load %arg16[%get3A_1523, %get3A_1524] {strides = array<i32>} : memref<80x128xf32, #tpu.memory_space<vmem>>, vector<1x16xf32>,
        %get3A_1526 = vector.shape_cast %get3A_1525 : vector<1x16xf32> to vector<16xf32>
        %mul3A_1527 = arith.mulf %get3A_1526, %gather3A_1522 : vector<16xf32>
        %swap3A_1528 = arith.index_cast %add3A_763 : i32 to index
        %swap3A_1529 = arith.constant 32 : index
        %swap3A_1530 = tpu.vector_load %arg16[%swap3A_1528, %swap3A_1529] {strides = array<i32>} : memref<80x128xf32, #tpu.memory_space<vmem>>, vector<1x16xf32>,
        %swap3A_1531 = vector.shape_cast %swap3A_1530 : vector<1x16xf32> to vector<16xf32>
        %swap3A_1532 = vector.shape_cast %mul3A_1527 : vector<16xf32> to vector<1x16xf32>
        tpu.vector_store %arg16[%swap3A_1528, %swap3A_1529], %swap3A_1532 {strides = array<i32>} : memref<80x128xf32, #tpu.memory_space<vmem>>, vector<1x16xf32>,
        %broadcast_in_dim3A_1533 = arith.constant 3 : i32
        %broadcast_in_dim3A_1534 = vector.broadcast %broadcast_in_dim3A_1533 : i32 to vector<16x1xi32>
        %gather3A_1535 = vector.shape_cast %broadcast_in_dim3A_1534 : vector<16x1xi32> to vector<16xi32>
        %gather3A_1536 = tpu.dynamic_gather %exp3A[%gather3A_1535] in [0] : vector<16xf32>, vector<16xi32> -> vector<16xf32>
        %get3A_1537 = arith.index_cast %mul3A_761 : i32 to index
        %get3A_1538 = arith.constant 48 : index
        %get3A_1539 = tpu.vector_load %arg16[%get3A_1537, %get3A_1538] {strides = array<i32>} : memref<80x128xf32, #tpu.memory_space<vmem>>, vector<1x16xf32>,
        %get3A_1540 = vector.shape_cast %get3A_1539 : vector<1x16xf32> to vector<16xf32>
        %mul3A_1541 = arith.mulf %get3A_1540, %gather3A_1536 : vector<16xf32>
        %swap3A_1542 = arith.index_cast %mul3A_761 : i32 to index
        %swap3A_1543 = arith.constant 48 : index
        %swap3A_1544 = tpu.vector_load %arg16[%swap3A_1542, %swap3A_1543] {strides = array<i32>} : memref<80x128xf32, #tpu.memory_space<vmem>>, vector<1x16xf32>,
        %swap3A_1545 = vector.shape_cast %swap3A_1544 : vector<1x16xf32> to vector<16xf32>
        %swap3A_1546 = vector.shape_cast %mul3A_1541 : vector<16xf32> to vector<1x16xf32>
        tpu.vector_store %arg16[%swap3A_1542, %swap3A_1543], %swap3A_1546 {strides = array<i32>} : memref<80x128xf32, #tpu.memory_space<vmem>>, vector<1x16xf32>,
        %broadcast_in_dim3A_1547 = arith.constant 12 : i32
        %broadcast_in_dim3A_1548 = vector.broadcast %broadcast_in_dim3A_1547 : i32 to vector<16x1xi32>
        %gather3A_1549 = vector.shape_cast %broadcast_in_dim3A_1548 : vector<16x1xi32> to vector<16xi32>
        %gather3A_1550 = tpu.dynamic_gather %exp3A[%gather3A_1549] in [0] : vector<16xf32>, vector<16xi32> -> vector<16xf32>
        %get3A_1551 = arith.index_cast %add3A_763 : i32 to index
        %get3A_1552 = arith.constant 48 : index
        %get3A_1553 = tpu.vector_load %arg16[%get3A_1551, %get3A_1552] {strides = array<i32>} : memref<80x128xf32, #tpu.memory_space<vmem>>, vector<1x16xf32>,
        %get3A_1554 = vector.shape_cast %get3A_1553 : vector<1x16xf32> to vector<16xf32>
        %mul3A_1555 = arith.mulf %get3A_1554, %gather3A_1550 : vector<16xf32>
        %swap3A_1556 = arith.index_cast %add3A_763 : i32 to index
        %swap3A_1557 = arith.constant 48 : index
        %swap3A_1558 = tpu.vector_load %arg16[%swap3A_1556, %swap3A_1557] {strides = array<i32>} : memref<80x128xf32, #tpu.memory_space<vmem>>, vector<1x16xf32>,
        %swap3A_1559 = vector.shape_cast %swap3A_1558 : vector<1x16xf32> to vector<16xf32>
        %swap3A_1560 = vector.shape_cast %mul3A_1555 : vector<16xf32> to vector<1x16xf32>
        tpu.vector_store %arg16[%swap3A_1556, %swap3A_1557], %swap3A_1560 {strides = array<i32>} : memref<80x128xf32, #tpu.memory_space<vmem>>, vector<1x16xf32>,
        %broadcast_in_dim3A_1561 = arith.constant 4 : i32
        %broadcast_in_dim3A_1562 = vector.broadcast %broadcast_in_dim3A_1561 : i32 to vector<16x1xi32>
        %gather3A_1563 = vector.shape_cast %broadcast_in_dim3A_1562 : vector<16x1xi32> to vector<16xi32>
        %gather3A_1564 = tpu.dynamic_gather %exp3A[%gather3A_1563] in [0] : vector<16xf32>, vector<16xi32> -> vector<16xf32>
        %get3A_1565 = arith.index_cast %mul3A_761 : i32 to index
        %get3A_1566 = arith.constant 64 : index
        %get3A_1567 = tpu.vector_load %arg16[%get3A_1565, %get3A_1566] {strides = array<i32>} : memref<80x128xf32, #tpu.memory_space<vmem>>, vector<1x16xf32>,
        %get3A_1568 = vector.shape_cast %get3A_1567 : vector<1x16xf32> to vector<16xf32>
        %mul3A_1569 = arith.mulf %get3A_1568, %gather3A_1564 : vector<16xf32>
        %swap3A_1570 = arith.index_cast %mul3A_761 : i32 to index
        %swap3A_1571 = arith.constant 64 : index
        %swap3A_1572 = tpu.vector_load %arg16[%swap3A_1570, %swap3A_1571] {strides = array<i32>} : memref<80x128xf32, #tpu.memory_space<vmem>>, vector<1x16xf32>,
        %swap3A_1573 = vector.shape_cast %swap3A_1572 : vector<1x16xf32> to vector<16xf32>
        %swap3A_1574 = vector.shape_cast %mul3A_1569 : vector<16xf32> to vector<1x16xf32>
        tpu.vector_store %arg16[%swap3A_1570, %swap3A_1571], %swap3A_1574 {strides = array<i32>} : memref<80x128xf32, #tpu.memory_space<vmem>>, vector<1x16xf32>,
        %broadcast_in_dim3A_1575 = arith.constant 11 : i32
        %broadcast_in_dim3A_1576 = vector.broadcast %broadcast_in_dim3A_1575 : i32 to vector<16x1xi32>
        %gather3A_1577 = vector.shape_cast %broadcast_in_dim3A_1576 : vector<16x1xi32> to vector<16xi32>
        %gather3A_1578 = tpu.dynamic_gather %exp3A[%gather3A_1577] in [0] : vector<16xf32>, vector<16xi32> -> vector<16xf32>
        %get3A_1579 = arith.index_cast %add3A_763 : i32 to index
        %get3A_1580 = arith.constant 64 : index
        %get3A_1581 = tpu.vector_load %arg16[%get3A_1579, %get3A_1580] {strides = array<i32>} : memref<80x128xf32, #tpu.memory_space<vmem>>, vector<1x16xf32>,
        %get3A_1582 = vector.shape_cast %get3A_1581 : vector<1x16xf32> to vector<16xf32>
        %mul3A_1583 = arith.mulf %get3A_1582, %gather3A_1578 : vector<16xf32>
        %swap3A_1584 = arith.index_cast %add3A_763 : i32 to index
        %swap3A_1585 = arith.constant 64 : index
        %swap3A_1586 = tpu.vector_load %arg16[%swap3A_1584, %swap3A_1585] {strides = array<i32>} : memref<80x128xf32, #tpu.memory_space<vmem>>, vector<1x16xf32>,
        %swap3A_1587 = vector.shape_cast %swap3A_1586 : vector<1x16xf32> to vector<16xf32>
        %swap3A_1588 = vector.shape_cast %mul3A_1583 : vector<16xf32> to vector<1x16xf32>
        tpu.vector_store %arg16[%swap3A_1584, %swap3A_1585], %swap3A_1588 {strides = array<i32>} : memref<80x128xf32, #tpu.memory_space<vmem>>, vector<1x16xf32>,
        %broadcast_in_dim3A_1589 = arith.constant 5 : i32
        %broadcast_in_dim3A_1590 = vector.broadcast %broadcast_in_dim3A_1589 : i32 to vector<16x1xi32>
        %gather3A_1591 = vector.shape_cast %broadcast_in_dim3A_1590 : vector<16x1xi32> to vector<16xi32>
        %gather3A_1592 = tpu.dynamic_gather %exp3A[%gather3A_1591] in [0] : vector<16xf32>, vector<16xi32> -> vector<16xf32>
        %get3A_1593 = arith.index_cast %mul3A_761 : i32 to index
        %get3A_1594 = arith.constant 80 : index
        %get3A_1595 = tpu.vector_load %arg16[%get3A_1593, %get3A_1594] {strides = array<i32>} : memref<80x128xf32, #tpu.memory_space<vmem>>, vector<1x16xf32>,
        %get3A_1596 = vector.shape_cast %get3A_1595 : vector<1x16xf32> to vector<16xf32>
        %mul3A_1597 = arith.mulf %get3A_1596, %gather3A_1592 : vector<16xf32>
        %swap3A_1598 = arith.index_cast %mul3A_761 : i32 to index
        %swap3A_1599 = arith.constant 80 : index
        %swap3A_1600 = tpu.vector_load %arg16[%swap3A_1598, %swap3A_1599] {strides = array<i32>} : memref<80x128xf32, #tpu.memory_space<vmem>>, vector<1x16xf32>,
        %swap3A_1601 = vector.shape_cast %swap3A_1600 : vector<1x16xf32> to vector<16xf32>
        %swap3A_1602 = vector.shape_cast %mul3A_1597 : vector<16xf32> to vector<1x16xf32>
        tpu.vector_store %arg16[%swap3A_1598, %swap3A_1599], %swap3A_1602 {strides = array<i32>} : memref<80x128xf32, #tpu.memory_space<vmem>>, vector<1x16xf32>,
        %broadcast_in_dim3A_1603 = arith.constant 10 : i32
        %broadcast_in_dim3A_1604 = vector.broadcast %broadcast_in_dim3A_1603 : i32 to vector<16x1xi32>
        %gather3A_1605 = vector.shape_cast %broadcast_in_dim3A_1604 : vector<16x1xi32> to vector<16xi32>
        %gather3A_1606 = tpu.dynamic_gather %exp3A[%gather3A_1605] in [0] : vector<16xf32>, vector<16xi32> -> vector<16xf32>
        %get3A_1607 = arith.index_cast %add3A_763 : i32 to index
        %get3A_1608 = arith.constant 80 : index
        %get3A_1609 = tpu.vector_load %arg16[%get3A_1607, %get3A_1608] {strides = array<i32>} : memref<80x128xf32, #tpu.memory_space<vmem>>, vector<1x16xf32>,
        %get3A_1610 = vector.shape_cast %get3A_1609 : vector<1x16xf32> to vector<16xf32>
        %mul3A_1611 = arith.mulf %get3A_1610, %gather3A_1606 : vector<16xf32>
        %swap3A_1612 = arith.index_cast %add3A_763 : i32 to index
        %swap3A_1613 = arith.constant 80 : index
        %swap3A_1614 = tpu.vector_load %arg16[%swap3A_1612, %swap3A_1613] {strides = array<i32>} : memref<80x128xf32, #tpu.memory_space<vmem>>, vector<1x16xf32>,
        %swap3A_1615 = vector.shape_cast %swap3A_1614 : vector<1x16xf32> to vector<16xf32>
        %swap3A_1616 = vector.shape_cast %mul3A_1611 : vector<16xf32> to vector<1x16xf32>
        tpu.vector_store %arg16[%swap3A_1612, %swap3A_1613], %swap3A_1616 {strides = array<i32>} : memref<80x128xf32, #tpu.memory_space<vmem>>, vector<1x16xf32>,
        %broadcast_in_dim3A_1617 = arith.constant 6 : i32
        %broadcast_in_dim3A_1618 = vector.broadcast %broadcast_in_dim3A_1617 : i32 to vector<16x1xi32>
        %gather3A_1619 = vector.shape_cast %broadcast_in_dim3A_1618 : vector<16x1xi32> to vector<16xi32>
        %gather3A_1620 = tpu.dynamic_gather %exp3A[%gather3A_1619] in [0] : vector<16xf32>, vector<16xi32> -> vector<16xf32>
        %get3A_1621 = arith.index_cast %mul3A_761 : i32 to index
        %get3A_1622 = arith.constant 96 : index
        %get3A_1623 = tpu.vector_load %arg16[%get3A_1621, %get3A_1622] {strides = array<i32>} : memref<80x128xf32, #tpu.memory_space<vmem>>, vector<1x16xf32>,
        %get3A_1624 = vector.shape_cast %get3A_1623 : vector<1x16xf32> to vector<16xf32>
        %mul3A_1625 = arith.mulf %get3A_1624, %gather3A_1620 : vector<16xf32>
        %swap3A_1626 = arith.index_cast %mul3A_761 : i32 to index
        %swap3A_1627 = arith.constant 96 : index
        %swap3A_1628 = tpu.vector_load %arg16[%swap3A_1626, %swap3A_1627] {strides = array<i32>} : memref<80x128xf32, #tpu.memory_space<vmem>>, vector<1x16xf32>,
        %swap3A_1629 = vector.shape_cast %swap3A_1628 : vector<1x16xf32> to vector<16xf32>
        %swap3A_1630 = vector.shape_cast %mul3A_1625 : vector<16xf32> to vector<1x16xf32>
        tpu.vector_store %arg16[%swap3A_1626, %swap3A_1627], %swap3A_1630 {strides = array<i32>} : memref<80x128xf32, #tpu.memory_space<vmem>>, vector<1x16xf32>,
        %broadcast_in_dim3A_1631 = arith.constant 9 : i32
        %broadcast_in_dim3A_1632 = vector.broadcast %broadcast_in_dim3A_1631 : i32 to vector<16x1xi32>
        %gather3A_1633 = vector.shape_cast %broadcast_in_dim3A_1632 : vector<16x1xi32> to vector<16xi32>
        %gather3A_1634 = tpu.dynamic_gather %exp3A[%gather3A_1633] in [0] : vector<16xf32>, vector<16xi32> -> vector<16xf32>
        %get3A_1635 = arith.index_cast %add3A_763 : i32 to index
        %get3A_1636 = arith.constant 96 : index
        %get3A_1637 = tpu.vector_load %arg16[%get3A_1635, %get3A_1636] {strides = array<i32>} : memref<80x128xf32, #tpu.memory_space<vmem>>, vector<1x16xf32>,
        %get3A_1638 = vector.shape_cast %get3A_1637 : vector<1x16xf32> to vector<16xf32>
        %mul3A_1639 = arith.mulf %get3A_1638, %gather3A_1634 : vector<16xf32>
        %swap3A_1640 = arith.index_cast %add3A_763 : i32 to index
        %swap3A_1641 = arith.constant 96 : index
        %swap3A_1642 = tpu.vector_load %arg16[%swap3A_1640, %swap3A_1641] {strides = array<i32>} : memref<80x128xf32, #tpu.memory_space<vmem>>, vector<1x16xf32>,
        %swap3A_1643 = vector.shape_cast %swap3A_1642 : vector<1x16xf32> to vector<16xf32>
        %swap3A_1644 = vector.shape_cast %mul3A_1639 : vector<16xf32> to vector<1x16xf32>
        tpu.vector_store %arg16[%swap3A_1640, %swap3A_1641], %swap3A_1644 {strides = array<i32>} : memref<80x128xf32, #tpu.memory_space<vmem>>, vector<1x16xf32>,
        %broadcast_in_dim3A_1645 = arith.constant 7 : i32
        %broadcast_in_dim3A_1646 = vector.broadcast %broadcast_in_dim3A_1645 : i32 to vector<16x1xi32>
        %gather3A_1647 = vector.shape_cast %broadcast_in_dim3A_1646 : vector<16x1xi32> to vector<16xi32>
        %gather3A_1648 = tpu.dynamic_gather %exp3A[%gather3A_1647] in [0] : vector<16xf32>, vector<16xi32> -> vector<16xf32>
        %get3A_1649 = arith.index_cast %mul3A_761 : i32 to index
        %get3A_1650 = arith.constant 112 : index
        %get3A_1651 = tpu.vector_load %arg16[%get3A_1649, %get3A_1650] {strides = array<i32>} : memref<80x128xf32, #tpu.memory_space<vmem>>, vector<1x16xf32>,
        %get3A_1652 = vector.shape_cast %get3A_1651 : vector<1x16xf32> to vector<16xf32>
        %mul3A_1653 = arith.mulf %get3A_1652, %gather3A_1648 : vector<16xf32>
        %swap3A_1654 = arith.index_cast %mul3A_761 : i32 to index
        %swap3A_1655 = arith.constant 112 : index
        %swap3A_1656 = tpu.vector_load %arg16[%swap3A_1654, %swap3A_1655] {strides = array<i32>} : memref<80x128xf32, #tpu.memory_space<vmem>>, vector<1x16xf32>,
        %swap3A_1657 = vector.shape_cast %swap3A_1656 : vector<1x16xf32> to vector<16xf32>
        %swap3A_1658 = vector.shape_cast %mul3A_1653 : vector<16xf32> to vector<1x16xf32>
        tpu.vector_store %arg16[%swap3A_1654, %swap3A_1655], %swap3A_1658 {strides = array<i32>} : memref<80x128xf32, #tpu.memory_space<vmem>>, vector<1x16xf32>,
        %broadcast_in_dim3A_1659 = arith.constant 8 : i32
        %broadcast_in_dim3A_1660 = vector.broadcast %broadcast_in_dim3A_1659 : i32 to vector<16x1xi32>
        %gather3A_1661 = vector.shape_cast %broadcast_in_dim3A_1660 : vector<16x1xi32> to vector<16xi32>
        %gather3A_1662 = tpu.dynamic_gather %exp3A[%gather3A_1661] in [0] : vector<16xf32>, vector<16xi32> -> vector<16xf32>
        %get3A_1663 = arith.index_cast %add3A_763 : i32 to index
        %get3A_1664 = arith.constant 112 : index
        %get3A_1665 = tpu.vector_load %arg16[%get3A_1663, %get3A_1664] {strides = array<i32>} : memref<80x128xf32, #tpu.memory_space<vmem>>, vector<1x16xf32>,
        %get3A_1666 = vector.shape_cast %get3A_1665 : vector<1x16xf32> to vector<16xf32>
        %mul3A_1667 = arith.mulf %get3A_1666, %gather3A_1662 : vector<16xf32>
        %swap3A_1668 = arith.index_cast %add3A_763 : i32 to index
        %swap3A_1669 = arith.constant 112 : index
        %swap3A_1670 = tpu.vector_load %arg16[%swap3A_1668, %swap3A_1669] {strides = array<i32>} : memref<80x128xf32, #tpu.memory_space<vmem>>, vector<1x16xf32>,
        %swap3A_1671 = vector.shape_cast %swap3A_1670 : vector<1x16xf32> to vector<16xf32>
        %swap3A_1672 = vector.shape_cast %mul3A_1667 : vector<16xf32> to vector<1x16xf32>
        tpu.vector_store %arg16[%swap3A_1668, %swap3A_1669], %swap3A_1672 {strides = array<i32>} : memref<80x128xf32, #tpu.memory_space<vmem>>, vector<1x16xf32>,
        %scan3A_1673 = arith.constant 0 : i32
        scf.yield %scan3A_1673 : i32
      }
      %scan3A_742 = arith.constant 40 : i32
      %dma_start3A_743 = arith.constant 0 : i32
      %dma_start3A_744 = arith.constant 0 : i32
      %dma_start3A_745 = tpu.memref_slice %arg25[%dma_start3A_743, %dma_start3A_744] : memref<10000x128xf32, #tpu.memory_space<vmem_shared>> -> memref<10000x128xf32, #tpu.memory_space<vmem_shared>>
      tpu.enqueue_indirect_dma source(%arg16 : memref<80x128xf32, #tpu.memory_space<vmem>>) target(%dma_start3A_745 : memref<10000x128xf32, #tpu.memory_space<vmem_shared>>) offsets(%arg11 : memref<80xi32, #tpu.memory_space<vmem>>) semaphore(%arg23 : memref<!tpu.dma_semaphore, #tpu.memory_space<semaphore_mem>>) {add = true}
      %dma_start3A_746 = arith.constant 0 : i32
      %dma_start3A_747 = tpu.memref_slice %arg9[%add3A_638, %dma_start3A_746] : memref<320000x16xf32, #tpu.memory_space<hbm>> -> memref<80x16xf32, #tpu.memory_space<hbm>>
      %dma_start3A_748 = arith.constant 0 : i32
      %dma_start3A_749 = tpu.memref_slice %arg9[%add3A_638, %dma_start3A_748] : memref<320000x16xf32, #tpu.memory_space<hbm>> -> memref<80x16xf32, #tpu.memory_space<hbm>>
      tpu.enqueue_dma source(%arg17 : memref<80x16xf32, #tpu.memory_space<vmem>>) target(%dma_start3A_749 : memref<80x16xf32, #tpu.memory_space<hbm>>) target_semaphore(%arg24 : memref<!tpu.dma_semaphore, #tpu.memory_space<semaphore_mem>>)
      %dma_wait3A_750 = arith.constant 0 : i32
      %dma_wait3A_751 = arith.constant 0 : i32
      %dma_wait3A_752 = tpu.memref_slice %arg25[%dma_wait3A_750, %dma_wait3A_751] : memref<10000x128xf32, #tpu.memory_space<vmem_shared>> -> memref<10000x128xf32, #tpu.memory_space<vmem_shared>>
      tpu.wait_indirect_dma semaphore(%arg23 : memref<!tpu.dma_semaphore, #tpu.memory_space<semaphore_mem>>) src(%arg16 : memref<80x128xf32, #tpu.memory_space<vmem>>) dst(%dma_wait3A_752 : memref<10000x128xf32, #tpu.memory_space<vmem_shared>>)
      %dma_wait3A_753 = arith.constant 0 : i32
      %dma_wait3A_754 = tpu.memref_slice %arg9[%add3A_638, %dma_wait3A_753] : memref<320000x16xf32, #tpu.memory_space<hbm>> -> memref<80x16xf32, #tpu.memory_space<hbm>>
      %dma_wait3A_755 = arith.constant 0 : i32
      %dma_wait3A_756 = tpu.memref_slice %arg9[%add3A_638, %dma_wait3A_755] : memref<320000x16xf32, #tpu.memory_space<hbm>> -> memref<80x16xf32, #tpu.memory_space<hbm>>
      tpu.wait_dma2 semaphore(%arg24 : memref<!tpu.dma_semaphore, #tpu.memory_space<semaphore_mem>>) src(%arg17 : memref<80x16xf32, #tpu.memory_space<vmem>>) dst(%dma_wait3A_756 : memref<80x16xf32, #tpu.memory_space<hbm>>)
      %scan3A_757 = arith.constant 0 : i32
      scf.yield %scan3A_757 : i32
    }
    %scan3A_322 = arith.constant 125 : i32
    %barrier3A_323 = arith.constant 0 : index
    tpu.barrier barrier_id(%barrier3A_323)
    %add3A_324 = arith.constant 0 : i32
    %add3A_325 = arith.addi %select_n3A, %add3A_324 : i32
    %multiple_of3A = tpu.assume_multiple %add3A_325, 8 : i32
    %add3A_326 = arith.constant 0 : i32
    %add3A_327 = arith.addi %multiple_of3A, %add3A_326 : i32
    %add3A_328 = vector.broadcast %add3A_327 : i32 to vector<16xi32>
    %add3A_329 = arith.addi %add3A_328, %iota3A : vector<16xi32>
    %swap3A_330 = arith.constant 0 : index
    %swap3A_331 = tpu.vector_load %arg18[%swap3A_330] {strides = array<i32>} : memref<80xi32, #tpu.memory_space<vmem>>, vector<16xi32>,
    %swap3A_332 = vector.shape_cast %swap3A_331 : vector<16xi32> to vector<16xi32>
    %swap3A_333 = vector.shape_cast %add3A_329 : vector<16xi32> to vector<16xi32>
    tpu.vector_store %arg18[%swap3A_330], %swap3A_333 {strides = array<i32>} : memref<80xi32, #tpu.memory_space<vmem>>, vector<16xi32>,
    %add3A_334 = arith.constant 16 : i32
    %add3A_335 = arith.addi %multiple_of3A, %add3A_334 : i32
    %add3A_336 = vector.broadcast %add3A_335 : i32 to vector<16xi32>
    %add3A_337 = arith.addi %add3A_336, %iota3A : vector<16xi32>
    %swap3A_338 = arith.constant 16 : index
    %swap3A_339 = tpu.vector_load %arg18[%swap3A_338] {strides = array<i32>} : memref<80xi32, #tpu.memory_space<vmem>>, vector<16xi32>,
    %swap3A_340 = vector.shape_cast %swap3A_339 : vector<16xi32> to vector<16xi32>
    %swap3A_341 = vector.shape_cast %add3A_337 : vector<16xi32> to vector<16xi32>
    tpu.vector_store %arg18[%swap3A_338], %swap3A_341 {strides = array<i32>} : memref<80xi32, #tpu.memory_space<vmem>>, vector<16xi32>,
    %add3A_342 = arith.constant 32 : i32
    %add3A_343 = arith.addi %multiple_of3A, %add3A_342 : i32
    %add3A_344 = vector.broadcast %add3A_343 : i32 to vector<16xi32>
    %add3A_345 = arith.addi %add3A_344, %iota3A : vector<16xi32>
    %swap3A_346 = arith.constant 32 : index
    %swap3A_347 = tpu.vector_load %arg18[%swap3A_346] {strides = array<i32>} : memref<80xi32, #tpu.memory_space<vmem>>, vector<16xi32>,
    %swap3A_348 = vector.shape_cast %swap3A_347 : vector<16xi32> to vector<16xi32>
    %swap3A_349 = vector.shape_cast %add3A_345 : vector<16xi32> to vector<16xi32>
    tpu.vector_store %arg18[%swap3A_346], %swap3A_349 {strides = array<i32>} : memref<80xi32, #tpu.memory_space<vmem>>, vector<16xi32>,
    %add3A_350 = arith.constant 48 : i32
    %add3A_351 = arith.addi %multiple_of3A, %add3A_350 : i32
    %add3A_352 = vector.broadcast %add3A_351 : i32 to vector<16xi32>
    %add3A_353 = arith.addi %add3A_352, %iota3A : vector<16xi32>
    %swap3A_354 = arith.constant 48 : index
    %swap3A_355 = tpu.vector_load %arg18[%swap3A_354] {strides = array<i32>} : memref<80xi32, #tpu.memory_space<vmem>>, vector<16xi32>,
    %swap3A_356 = vector.shape_cast %swap3A_355 : vector<16xi32> to vector<16xi32>
    %swap3A_357 = vector.shape_cast %add3A_353 : vector<16xi32> to vector<16xi32>
    tpu.vector_store %arg18[%swap3A_354], %swap3A_357 {strides = array<i32>} : memref<80xi32, #tpu.memory_space<vmem>>, vector<16xi32>,
    %add3A_358 = arith.constant 64 : i32
    %add3A_359 = arith.addi %multiple_of3A, %add3A_358 : i32
    %add3A_360 = vector.broadcast %add3A_359 : i32 to vector<16xi32>
    %add3A_361 = arith.addi %add3A_360, %iota3A : vector<16xi32>
    %swap3A_362 = arith.constant 64 : index
    %swap3A_363 = tpu.vector_load %arg18[%swap3A_362] {strides = array<i32>} : memref<80xi32, #tpu.memory_space<vmem>>, vector<16xi32>,
    %swap3A_364 = vector.shape_cast %swap3A_363 : vector<16xi32> to vector<16xi32>
    %swap3A_365 = vector.shape_cast %add3A_361 : vector<16xi32> to vector<16xi32>
    tpu.vector_store %arg18[%swap3A_362], %swap3A_365 {strides = array<i32>} : memref<80xi32, #tpu.memory_space<vmem>>, vector<16xi32>,
    "tpu.region"() ({
      %run_scoped3A = tpu.sem_alloc : memref<!tpu.dma_semaphore, #tpu.memory_space<semaphore_mem>>
      %dma_start3A = arith.constant 0 : i32
      %dma_start3A_634 = arith.constant 0 : i32
      %dma_start3A_635 = tpu.memref_slice %arg25[%dma_start3A, %dma_start3A_634] : memref<10000x128xf32, #tpu.memory_space<vmem_shared>> -> memref<10000x128xf32, #tpu.memory_space<vmem_shared>>
      tpu.enqueue_indirect_dma source(%dma_start3A_635 : memref<10000x128xf32, #tpu.memory_space<vmem_shared>>) target(%arg14 : memref<80x128xf32, #tpu.memory_space<vmem>>) offsets(%arg18 : memref<80xi32, #tpu.memory_space<vmem>>) semaphore(%run_scoped3A : memref<!tpu.dma_semaphore, #tpu.memory_space<semaphore_mem>>)
      %dma_wait3A = arith.constant 0 : i32
      %dma_wait3A_636 = arith.constant 0 : i32
      %dma_wait3A_637 = tpu.memref_slice %arg25[%dma_wait3A, %dma_wait3A_636] : memref<10000x128xf32, #tpu.memory_space<vmem_shared>> -> memref<10000x128xf32, #tpu.memory_space<vmem_shared>>
      tpu.wait_indirect_dma semaphore(%run_scoped3A : memref<!tpu.dma_semaphore, #tpu.memory_space<semaphore_mem>>) src(%dma_wait3A_637 : memref<10000x128xf32, #tpu.memory_space<vmem_shared>>) dst(%arg14 : memref<80x128xf32, #tpu.memory_space<vmem>>)
      tpu.yield
    }) : () -> ()
    "tpu.region"() ({
      %run_scoped3A = tpu.sem_alloc : memref<!tpu.dma_semaphore, #tpu.memory_space<semaphore_mem>>
      %dma_start3A = arith.constant 0 : i32
      %dma_start3A_634 = arith.constant 0 : i32
      %dma_start3A_635 = tpu.memref_slice %arg8[%arg0, %dma_start3A, %dma_start3A_634] : memref<2x10000x128xf32, #tpu.memory_space<hbm>> -> memref<1x10000x128xf32, #tpu.memory_space<hbm>>
      %dma_start3A_636 = tpu.memref_squeeze %dma_start3A_635 : memref<1x10000x128xf32, #tpu.memory_space<hbm>> -> memref<10000x128xf32, #tpu.memory_space<hbm>>
      %dma_start3A_637 = arith.constant 0 : i32
      %dma_start3A_638 = tpu.memref_slice %dma_start3A_636[%multiple_of3A, %dma_start3A_637] : memref<10000x128xf32, #tpu.memory_space<hbm>> -> memref<80x128xf32, #tpu.memory_space<hbm>>
      %dma_start3A_639 = arith.constant 0 : i32
      %dma_start3A_640 = arith.constant 0 : i32
      %dma_start3A_641 = tpu.memref_slice %arg8[%arg0, %dma_start3A_639, %dma_start3A_640] : memref<2x10000x128xf32, #tpu.memory_space<hbm>> -> memref<1x10000x128xf32, #tpu.memory_space<hbm>>
      %dma_start3A_642 = tpu.memref_squeeze %dma_start3A_641 : memref<1x10000x128xf32, #tpu.memory_space<hbm>> -> memref<10000x128xf32, #tpu.memory_space<hbm>>
      %dma_start3A_643 = arith.constant 0 : i32
      %dma_start3A_644 = tpu.memref_slice %dma_start3A_642[%multiple_of3A, %dma_start3A_643] : memref<10000x128xf32, #tpu.memory_space<hbm>> -> memref<80x128xf32, #tpu.memory_space<hbm>>
      tpu.enqueue_dma source(%arg14 : memref<80x128xf32, #tpu.memory_space<vmem>>) target(%dma_start3A_644 : memref<80x128xf32, #tpu.memory_space<hbm>>) target_semaphore(%run_scoped3A : memref<!tpu.dma_semaphore, #tpu.memory_space<semaphore_mem>>)
      %dma_wait3A = arith.constant 0 : i32
      %dma_wait3A_645 = arith.constant 0 : i32
      %dma_wait3A_646 = tpu.memref_slice %arg8[%arg0, %dma_wait3A, %dma_wait3A_645] : memref<2x10000x128xf32, #tpu.memory_space<hbm>> -> memref<1x10000x128xf32, #tpu.memory_space<hbm>>
      %dma_wait3A_647 = tpu.memref_squeeze %dma_wait3A_646 : memref<1x10000x128xf32, #tpu.memory_space<hbm>> -> memref<10000x128xf32, #tpu.memory_space<hbm>>
      %dma_wait3A_648 = arith.constant 0 : i32
      %dma_wait3A_649 = tpu.memref_slice %dma_wait3A_647[%multiple_of3A, %dma_wait3A_648] : memref<10000x128xf32, #tpu.memory_space<hbm>> -> memref<80x128xf32, #tpu.memory_space<hbm>>
      %dma_wait3A_650 = arith.constant 0 : i32
      %dma_wait3A_651 = arith.constant 0 : i32
      %dma_wait3A_652 = tpu.memref_slice %arg8[%arg0, %dma_wait3A_650, %dma_wait3A_651] : memref<2x10000x128xf32, #tpu.memory_space<hbm>> -> memref<1x10000x128xf32, #tpu.memory_space<hbm>>
      %dma_wait3A_653 = tpu.memref_squeeze %dma_wait3A_652 : memref<1x10000x128xf32, #tpu.memory_space<hbm>> -> memref<10000x128xf32, #tpu.memory_space<hbm>>
      %dma_wait3A_654 = arith.constant 0 : i32
      %dma_wait3A_655 = tpu.memref_slice %dma_wait3A_653[%multiple_of3A, %dma_wait3A_654] : memref<10000x128xf32, #tpu.memory_space<hbm>> -> memref<80x128xf32, #tpu.memory_space<hbm>>
      tpu.wait_dma2 semaphore(%run_scoped3A : memref<!tpu.dma_semaphore, #tpu.memory_space<semaphore_mem>>) src(%arg14 : memref<80x128xf32, #tpu.memory_space<vmem>>) dst(%dma_wait3A_655 : memref<80x128xf32, #tpu.memory_space<hbm>>)
      tpu.yield
    }) : () -> ()
    %add3A_366 = arith.constant 80 : i32
    %add3A_367 = arith.addi %select_n3A, %add3A_366 : i32
    %multiple_of3A_368 = tpu.assume_multiple %add3A_367, 8 : i32
    %add3A_369 = arith.constant 0 : i32
    %add3A_370 = arith.addi %multiple_of3A_368, %add3A_369 : i32
    %add3A_371 = vector.broadcast %add3A_370 : i32 to vector<16xi32>
    %add3A_372 = arith.addi %add3A_371, %iota3A : vector<16xi32>
    %swap3A_373 = arith.constant 0 : index
    %swap3A_374 = tpu.vector_load %arg18[%swap3A_373] {strides = array<i32>} : memref<80xi32, #tpu.memory_space<vmem>>, vector<16xi32>,
    %swap3A_375 = vector.shape_cast %swap3A_374 : vector<16xi32> to vector<16xi32>
    %swap3A_376 = vector.shape_cast %add3A_372 : vector<16xi32> to vector<16xi32>
    tpu.vector_store %arg18[%swap3A_373], %swap3A_376 {strides = array<i32>} : memref<80xi32, #tpu.memory_space<vmem>>, vector<16xi32>,
    %add3A_377 = arith.constant 16 : i32
    %add3A_378 = arith.addi %multiple_of3A_368, %add3A_377 : i32
    %add3A_379 = vector.broadcast %add3A_378 : i32 to vector<16xi32>
    %add3A_380 = arith.addi %add3A_379, %iota3A : vector<16xi32>
    %swap3A_381 = arith.constant 16 : index
    %swap3A_382 = tpu.vector_load %arg18[%swap3A_381] {strides = array<i32>} : memref<80xi32, #tpu.memory_space<vmem>>, vector<16xi32>,
    %swap3A_383 = vector.shape_cast %swap3A_382 : vector<16xi32> to vector<16xi32>
    %swap3A_384 = vector.shape_cast %add3A_380 : vector<16xi32> to vector<16xi32>
    tpu.vector_store %arg18[%swap3A_381], %swap3A_384 {strides = array<i32>} : memref<80xi32, #tpu.memory_space<vmem>>, vector<16xi32>,
    %add3A_385 = arith.constant 32 : i32
    %add3A_386 = arith.addi %multiple_of3A_368, %add3A_385 : i32
    %add3A_387 = vector.broadcast %add3A_386 : i32 to vector<16xi32>
    %add3A_388 = arith.addi %add3A_387, %iota3A : vector<16xi32>
    %swap3A_389 = arith.constant 32 : index
    %swap3A_390 = tpu.vector_load %arg18[%swap3A_389] {strides = array<i32>} : memref<80xi32, #tpu.memory_space<vmem>>, vector<16xi32>,
    %swap3A_391 = vector.shape_cast %swap3A_390 : vector<16xi32> to vector<16xi32>
    %swap3A_392 = vector.shape_cast %add3A_388 : vector<16xi32> to vector<16xi32>
    tpu.vector_store %arg18[%swap3A_389], %swap3A_392 {strides = array<i32>} : memref<80xi32, #tpu.memory_space<vmem>>, vector<16xi32>,
    %add3A_393 = arith.constant 48 : i32
    %add3A_394 = arith.addi %multiple_of3A_368, %add3A_393 : i32
    %add3A_395 = vector.broadcast %add3A_394 : i32 to vector<16xi32>
    %add3A_396 = arith.addi %add3A_395, %iota3A : vector<16xi32>
    %swap3A_397 = arith.constant 48 : index
    %swap3A_398 = tpu.vector_load %arg18[%swap3A_397] {strides = array<i32>} : memref<80xi32, #tpu.memory_space<vmem>>, vector<16xi32>,
    %swap3A_399 = vector.shape_cast %swap3A_398 : vector<16xi32> to vector<16xi32>
    %swap3A_400 = vector.shape_cast %add3A_396 : vector<16xi32> to vector<16xi32>
    tpu.vector_store %arg18[%swap3A_397], %swap3A_400 {strides = array<i32>} : memref<80xi32, #tpu.memory_space<vmem>>, vector<16xi32>,
    %add3A_401 = arith.constant 64 : i32
    %add3A_402 = arith.addi %multiple_of3A_368, %add3A_401 : i32
    %add3A_403 = vector.broadcast %add3A_402 : i32 to vector<16xi32>
    %add3A_404 = arith.addi %add3A_403, %iota3A : vector<16xi32>
    %swap3A_405 = arith.constant 64 : index
    %swap3A_406 = tpu.vector_load %arg18[%swap3A_405] {strides = array<i32>} : memref<80xi32, #tpu.memory_space<vmem>>, vector<16xi32>,
    %swap3A_407 = vector.shape_cast %swap3A_406 : vector<16xi32> to vector<16xi32>
    %swap3A_408 = vector.shape_cast %add3A_404 : vector<16xi32> to vector<16xi32>
    tpu.vector_store %arg18[%swap3A_405], %swap3A_408 {strides = array<i32>} : memref<80xi32, #tpu.memory_space<vmem>>, vector<16xi32>,
    "tpu.region"() ({
      %run_scoped3A = tpu.sem_alloc : memref<!tpu.dma_semaphore, #tpu.memory_space<semaphore_mem>>
      %dma_start3A = arith.constant 0 : i32
      %dma_start3A_634 = arith.constant 0 : i32
      %dma_start3A_635 = tpu.memref_slice %arg25[%dma_start3A, %dma_start3A_634] : memref<10000x128xf32, #tpu.memory_space<vmem_shared>> -> memref<10000x128xf32, #tpu.memory_space<vmem_shared>>
      tpu.enqueue_indirect_dma source(%dma_start3A_635 : memref<10000x128xf32, #tpu.memory_space<vmem_shared>>) target(%arg14 : memref<80x128xf32, #tpu.memory_space<vmem>>) offsets(%arg18 : memref<80xi32, #tpu.memory_space<vmem>>) semaphore(%run_scoped3A : memref<!tpu.dma_semaphore, #tpu.memory_space<semaphore_mem>>)
      %dma_wait3A = arith.constant 0 : i32
      %dma_wait3A_636 = arith.constant 0 : i32
      %dma_wait3A_637 = tpu.memref_slice %arg25[%dma_wait3A, %dma_wait3A_636] : memref<10000x128xf32, #tpu.memory_space<vmem_shared>> -> memref<10000x128xf32, #tpu.memory_space<vmem_shared>>
      tpu.wait_indirect_dma semaphore(%run_scoped3A : memref<!tpu.dma_semaphore, #tpu.memory_space<semaphore_mem>>) src(%dma_wait3A_637 : memref<10000x128xf32, #tpu.memory_space<vmem_shared>>) dst(%arg14 : memref<80x128xf32, #tpu.memory_space<vmem>>)
      tpu.yield
    }) : () -> ()
    "tpu.region"() ({
      %run_scoped3A = tpu.sem_alloc : memref<!tpu.dma_semaphore, #tpu.memory_space<semaphore_mem>>
      %dma_start3A = arith.constant 0 : i32
      %dma_start3A_634 = arith.constant 0 : i32
      %dma_start3A_635 = tpu.memref_slice %arg8[%arg0, %dma_start3A, %dma_start3A_634] : memref<2x10000x128xf32, #tpu.memory_space<hbm>> -> memref<1x10000x128xf32, #tpu.memory_space<hbm>>
      %dma_start3A_636 = tpu.memref_squeeze %dma_start3A_635 : memref<1x10000x128xf32, #tpu.memory_space<hbm>> -> memref<10000x128xf32, #tpu.memory_space<hbm>>
      %dma_start3A_637 = arith.constant 0 : i32
      %dma_start3A_638 = tpu.memref_slice %dma_start3A_636[%multiple_of3A_368, %dma_start3A_637] : memref<10000x128xf32, #tpu.memory_space<hbm>> -> memref<80x128xf32, #tpu.memory_space<hbm>>
      %dma_start3A_639 = arith.constant 0 : i32
      %dma_start3A_640 = arith.constant 0 : i32
      %dma_start3A_641 = tpu.memref_slice %arg8[%arg0, %dma_start3A_639, %dma_start3A_640] : memref<2x10000x128xf32, #tpu.memory_space<hbm>> -> memref<1x10000x128xf32, #tpu.memory_space<hbm>>
      %dma_start3A_642 = tpu.memref_squeeze %dma_start3A_641 : memref<1x10000x128xf32, #tpu.memory_space<hbm>> -> memref<10000x128xf32, #tpu.memory_space<hbm>>
      %dma_start3A_643 = arith.constant 0 : i32
      %dma_start3A_644 = tpu.memref_slice %dma_start3A_642[%multiple_of3A_368, %dma_start3A_643] : memref<10000x128xf32, #tpu.memory_space<hbm>> -> memref<80x128xf32, #tpu.memory_space<hbm>>
      tpu.enqueue_dma source(%arg14 : memref<80x128xf32, #tpu.memory_space<vmem>>) target(%dma_start3A_644 : memref<80x128xf32, #tpu.memory_space<hbm>>) target_semaphore(%run_scoped3A : memref<!tpu.dma_semaphore, #tpu.memory_space<semaphore_mem>>)
      %dma_wait3A = arith.constant 0 : i32
      %dma_wait3A_645 = arith.constant 0 : i32
      %dma_wait3A_646 = tpu.memref_slice %arg8[%arg0, %dma_wait3A, %dma_wait3A_645] : memref<2x10000x128xf32, #tpu.memory_space<hbm>> -> memref<1x10000x128xf32, #tpu.memory_space<hbm>>
      %dma_wait3A_647 = tpu.memref_squeeze %dma_wait3A_646 : memref<1x10000x128xf32, #tpu.memory_space<hbm>> -> memref<10000x128xf32, #tpu.memory_space<hbm>>
      %dma_wait3A_648 = arith.constant 0 : i32
      %dma_wait3A_649 = tpu.memref_slice %dma_wait3A_647[%multiple_of3A_368, %dma_wait3A_648] : memref<10000x128xf32, #tpu.memory_space<hbm>> -> memref<80x128xf32, #tpu.memory_space<hbm>>
      %dma_wait3A_650 = arith.constant 0 : i32
      %dma_wait3A_651 = arith.constant 0 : i32
      %dma_wait3A_652 = tpu.memref_slice %arg8[%arg0, %dma_wait3A_650, %dma_wait3A_651] : memref<2x10000x128xf32, #tpu.memory_space<hbm>> -> memref<1x10000x128xf32, #tpu.memory_space<hbm>>
      %dma_wait3A_653 = tpu.memref_squeeze %dma_wait3A_652 : memref<1x10000x128xf32, #tpu.memory_space<hbm>> -> memref<10000x128xf32, #tpu.memory_space<hbm>>
      %dma_wait3A_654 = arith.constant 0 : i32
      %dma_wait3A_655 = tpu.memref_slice %dma_wait3A_653[%multiple_of3A_368, %dma_wait3A_654] : memref<10000x128xf32, #tpu.memory_space<hbm>> -> memref<80x128xf32, #tpu.memory_space<hbm>>
      tpu.wait_dma2 semaphore(%run_scoped3A : memref<!tpu.dma_semaphore, #tpu.memory_space<semaphore_mem>>) src(%arg14 : memref<80x128xf32, #tpu.memory_space<vmem>>) dst(%dma_wait3A_655 : memref<80x128xf32, #tpu.memory_space<hbm>>)
      tpu.yield
    }) : () -> ()
    %add3A_409 = arith.constant 160 : i32
    %add3A_410 = arith.addi %select_n3A, %add3A_409 : i32
    %multiple_of3A_411 = tpu.assume_multiple %add3A_410, 8 : i32
    %add3A_412 = arith.constant 0 : i32
    %add3A_413 = arith.addi %multiple_of3A_411, %add3A_412 : i32
    %add3A_414 = vector.broadcast %add3A_413 : i32 to vector<16xi32>
    %add3A_415 = arith.addi %add3A_414, %iota3A : vector<16xi32>
    %swap3A_416 = arith.constant 0 : index
    %swap3A_417 = tpu.vector_load %arg18[%swap3A_416] {strides = array<i32>} : memref<80xi32, #tpu.memory_space<vmem>>, vector<16xi32>,
    %swap3A_418 = vector.shape_cast %swap3A_417 : vector<16xi32> to vector<16xi32>
    %swap3A_419 = vector.shape_cast %add3A_415 : vector<16xi32> to vector<16xi32>
    tpu.vector_store %arg18[%swap3A_416], %swap3A_419 {strides = array<i32>} : memref<80xi32, #tpu.memory_space<vmem>>, vector<16xi32>,
    %add3A_420 = arith.constant 16 : i32
    %add3A_421 = arith.addi %multiple_of3A_411, %add3A_420 : i32
    %add3A_422 = vector.broadcast %add3A_421 : i32 to vector<16xi32>
    %add3A_423 = arith.addi %add3A_422, %iota3A : vector<16xi32>
    %swap3A_424 = arith.constant 16 : index
    %swap3A_425 = tpu.vector_load %arg18[%swap3A_424] {strides = array<i32>} : memref<80xi32, #tpu.memory_space<vmem>>, vector<16xi32>,
    %swap3A_426 = vector.shape_cast %swap3A_425 : vector<16xi32> to vector<16xi32>
    %swap3A_427 = vector.shape_cast %add3A_423 : vector<16xi32> to vector<16xi32>
    tpu.vector_store %arg18[%swap3A_424], %swap3A_427 {strides = array<i32>} : memref<80xi32, #tpu.memory_space<vmem>>, vector<16xi32>,
    %add3A_428 = arith.constant 32 : i32
    %add3A_429 = arith.addi %multiple_of3A_411, %add3A_428 : i32
    %add3A_430 = vector.broadcast %add3A_429 : i32 to vector<16xi32>
    %add3A_431 = arith.addi %add3A_430, %iota3A : vector<16xi32>
    %swap3A_432 = arith.constant 32 : index
    %swap3A_433 = tpu.vector_load %arg18[%swap3A_432] {strides = array<i32>} : memref<80xi32, #tpu.memory_space<vmem>>, vector<16xi32>,
    %swap3A_434 = vector.shape_cast %swap3A_433 : vector<16xi32> to vector<16xi32>
    %swap3A_435 = vector.shape_cast %add3A_431 : vector<16xi32> to vector<16xi32>
    tpu.vector_store %arg18[%swap3A_432], %swap3A_435 {strides = array<i32>} : memref<80xi32, #tpu.memory_space<vmem>>, vector<16xi32>,
    %add3A_436 = arith.constant 48 : i32
    %add3A_437 = arith.addi %multiple_of3A_411, %add3A_436 : i32
    %add3A_438 = vector.broadcast %add3A_437 : i32 to vector<16xi32>
    %add3A_439 = arith.addi %add3A_438, %iota3A : vector<16xi32>
    %swap3A_440 = arith.constant 48 : index
    %swap3A_441 = tpu.vector_load %arg18[%swap3A_440] {strides = array<i32>} : memref<80xi32, #tpu.memory_space<vmem>>, vector<16xi32>,
    %swap3A_442 = vector.shape_cast %swap3A_441 : vector<16xi32> to vector<16xi32>
    %swap3A_443 = vector.shape_cast %add3A_439 : vector<16xi32> to vector<16xi32>
    tpu.vector_store %arg18[%swap3A_440], %swap3A_443 {strides = array<i32>} : memref<80xi32, #tpu.memory_space<vmem>>, vector<16xi32>,
    %add3A_444 = arith.constant 64 : i32
    %add3A_445 = arith.addi %multiple_of3A_411, %add3A_444 : i32
    %add3A_446 = vector.broadcast %add3A_445 : i32 to vector<16xi32>
    %add3A_447 = arith.addi %add3A_446, %iota3A : vector<16xi32>
    %swap3A_448 = arith.constant 64 : index
    %swap3A_449 = tpu.vector_load %arg18[%swap3A_448] {strides = array<i32>} : memref<80xi32, #tpu.memory_space<vmem>>, vector<16xi32>,
    %swap3A_450 = vector.shape_cast %swap3A_449 : vector<16xi32> to vector<16xi32>
    %swap3A_451 = vector.shape_cast %add3A_447 : vector<16xi32> to vector<16xi32>
    tpu.vector_store %arg18[%swap3A_448], %swap3A_451 {strides = array<i32>} : memref<80xi32, #tpu.memory_space<vmem>>, vector<16xi32>,
    "tpu.region"() ({
      %run_scoped3A = tpu.sem_alloc : memref<!tpu.dma_semaphore, #tpu.memory_space<semaphore_mem>>
      %dma_start3A = arith.constant 0 : i32
      %dma_start3A_634 = arith.constant 0 : i32
      %dma_start3A_635 = tpu.memref_slice %arg25[%dma_start3A, %dma_start3A_634] : memref<10000x128xf32, #tpu.memory_space<vmem_shared>> -> memref<10000x128xf32, #tpu.memory_space<vmem_shared>>
      tpu.enqueue_indirect_dma source(%dma_start3A_635 : memref<10000x128xf32, #tpu.memory_space<vmem_shared>>) target(%arg14 : memref<80x128xf32, #tpu.memory_space<vmem>>) offsets(%arg18 : memref<80xi32, #tpu.memory_space<vmem>>) semaphore(%run_scoped3A : memref<!tpu.dma_semaphore, #tpu.memory_space<semaphore_mem>>)
      %dma_wait3A = arith.constant 0 : i32
      %dma_wait3A_636 = arith.constant 0 : i32
      %dma_wait3A_637 = tpu.memref_slice %arg25[%dma_wait3A, %dma_wait3A_636] : memref<10000x128xf32, #tpu.memory_space<vmem_shared>> -> memref<10000x128xf32, #tpu.memory_space<vmem_shared>>
      tpu.wait_indirect_dma semaphore(%run_scoped3A : memref<!tpu.dma_semaphore, #tpu.memory_space<semaphore_mem>>) src(%dma_wait3A_637 : memref<10000x128xf32, #tpu.memory_space<vmem_shared>>) dst(%arg14 : memref<80x128xf32, #tpu.memory_space<vmem>>)
      tpu.yield
    }) : () -> ()
    "tpu.region"() ({
      %run_scoped3A = tpu.sem_alloc : memref<!tpu.dma_semaphore, #tpu.memory_space<semaphore_mem>>
      %dma_start3A = arith.constant 0 : i32
      %dma_start3A_634 = arith.constant 0 : i32
      %dma_start3A_635 = tpu.memref_slice %arg8[%arg0, %dma_start3A, %dma_start3A_634] : memref<2x10000x128xf32, #tpu.memory_space<hbm>> -> memref<1x10000x128xf32, #tpu.memory_space<hbm>>
      %dma_start3A_636 = tpu.memref_squeeze %dma_start3A_635 : memref<1x10000x128xf32, #tpu.memory_space<hbm>> -> memref<10000x128xf32, #tpu.memory_space<hbm>>
      %dma_start3A_637 = arith.constant 0 : i32
      %dma_start3A_638 = tpu.memref_slice %dma_start3A_636[%multiple_of3A_411, %dma_start3A_637] : memref<10000x128xf32, #tpu.memory_space<hbm>> -> memref<80x128xf32, #tpu.memory_space<hbm>>
      %dma_start3A_639 = arith.constant 0 : i32
      %dma_start3A_640 = arith.constant 0 : i32
      %dma_start3A_641 = tpu.memref_slice %arg8[%arg0, %dma_start3A_639, %dma_start3A_640] : memref<2x10000x128xf32, #tpu.memory_space<hbm>> -> memref<1x10000x128xf32, #tpu.memory_space<hbm>>
      %dma_start3A_642 = tpu.memref_squeeze %dma_start3A_641 : memref<1x10000x128xf32, #tpu.memory_space<hbm>> -> memref<10000x128xf32, #tpu.memory_space<hbm>>
      %dma_start3A_643 = arith.constant 0 : i32
      %dma_start3A_644 = tpu.memref_slice %dma_start3A_642[%multiple_of3A_411, %dma_start3A_643] : memref<10000x128xf32, #tpu.memory_space<hbm>> -> memref<80x128xf32, #tpu.memory_space<hbm>>
      tpu.enqueue_dma source(%arg14 : memref<80x128xf32, #tpu.memory_space<vmem>>) target(%dma_start3A_644 : memref<80x128xf32, #tpu.memory_space<hbm>>) target_semaphore(%run_scoped3A : memref<!tpu.dma_semaphore, #tpu.memory_space<semaphore_mem>>)
      %dma_wait3A = arith.constant 0 : i32
      %dma_wait3A_645 = arith.constant 0 : i32
      %dma_wait3A_646 = tpu.memref_slice %arg8[%arg0, %dma_wait3A, %dma_wait3A_645] : memref<2x10000x128xf32, #tpu.memory_space<hbm>> -> memref<1x10000x128xf32, #tpu.memory_space<hbm>>
      %dma_wait3A_647 = tpu.memref_squeeze %dma_wait3A_646 : memref<1x10000x128xf32, #tpu.memory_space<hbm>> -> memref<10000x128xf32, #tpu.memory_space<hbm>>
      %dma_wait3A_648 = arith.constant 0 : i32
      %dma_wait3A_649 = tpu.memref_slice %dma_wait3A_647[%multiple_of3A_411, %dma_wait3A_648] : memref<10000x128xf32, #tpu.memory_space<hbm>> -> memref<80x128xf32, #tpu.memory_space<hbm>>
      %dma_wait3A_650 = arith.constant 0 : i32
      %dma_wait3A_651 = arith.constant 0 : i32
      %dma_wait3A_652 = tpu.memref_slice %arg8[%arg0, %dma_wait3A_650, %dma_wait3A_651] : memref<2x10000x128xf32, #tpu.memory_space<hbm>> -> memref<1x10000x128xf32, #tpu.memory_space<hbm>>
      %dma_wait3A_653 = tpu.memref_squeeze %dma_wait3A_652 : memref<1x10000x128xf32, #tpu.memory_space<hbm>> -> memref<10000x128xf32, #tpu.memory_space<hbm>>
      %dma_wait3A_654 = arith.constant 0 : i32
      %dma_wait3A_655 = tpu.memref_slice %dma_wait3A_653[%multiple_of3A_411, %dma_wait3A_654] : memref<10000x128xf32, #tpu.memory_space<hbm>> -> memref<80x128xf32, #tpu.memory_space<hbm>>
      tpu.wait_dma2 semaphore(%run_scoped3A : memref<!tpu.dma_semaphore, #tpu.memory_space<semaphore_mem>>) src(%arg14 : memref<80x128xf32, #tpu.memory_space<vmem>>) dst(%dma_wait3A_655 : memref<80x128xf32, #tpu.memory_space<hbm>>)
      tpu.yield
    }) : () -> ()
    %add3A_452 = arith.constant 240 : i32
    %add3A_453 = arith.addi %select_n3A, %add3A_452 : i32
    %multiple_of3A_454 = tpu.assume_multiple %add3A_453, 8 : i32
    %add3A_455 = arith.constant 0 : i32
    %add3A_456 = arith.addi %multiple_of3A_454, %add3A_455 : i32
    %add3A_457 = vector.broadcast %add3A_456 : i32 to vector<16xi32>
    %add3A_458 = arith.addi %add3A_457, %iota3A : vector<16xi32>
    %swap3A_459 = arith.constant 0 : index
    %swap3A_460 = tpu.vector_load %arg18[%swap3A_459] {strides = array<i32>} : memref<80xi32, #tpu.memory_space<vmem>>, vector<16xi32>,
    %swap3A_461 = vector.shape_cast %swap3A_460 : vector<16xi32> to vector<16xi32>
    %swap3A_462 = vector.shape_cast %add3A_458 : vector<16xi32> to vector<16xi32>
    tpu.vector_store %arg18[%swap3A_459], %swap3A_462 {strides = array<i32>} : memref<80xi32, #tpu.memory_space<vmem>>, vector<16xi32>,
    %add3A_463 = arith.constant 16 : i32
    %add3A_464 = arith.addi %multiple_of3A_454, %add3A_463 : i32
    %add3A_465 = vector.broadcast %add3A_464 : i32 to vector<16xi32>
    %add3A_466 = arith.addi %add3A_465, %iota3A : vector<16xi32>
    %swap3A_467 = arith.constant 16 : index
    %swap3A_468 = tpu.vector_load %arg18[%swap3A_467] {strides = array<i32>} : memref<80xi32, #tpu.memory_space<vmem>>, vector<16xi32>,
    %swap3A_469 = vector.shape_cast %swap3A_468 : vector<16xi32> to vector<16xi32>
    %swap3A_470 = vector.shape_cast %add3A_466 : vector<16xi32> to vector<16xi32>
    tpu.vector_store %arg18[%swap3A_467], %swap3A_470 {strides = array<i32>} : memref<80xi32, #tpu.memory_space<vmem>>, vector<16xi32>,
    %add3A_471 = arith.constant 32 : i32
    %add3A_472 = arith.addi %multiple_of3A_454, %add3A_471 : i32
    %add3A_473 = vector.broadcast %add3A_472 : i32 to vector<16xi32>
    %add3A_474 = arith.addi %add3A_473, %iota3A : vector<16xi32>
    %swap3A_475 = arith.constant 32 : index
    %swap3A_476 = tpu.vector_load %arg18[%swap3A_475] {strides = array<i32>} : memref<80xi32, #tpu.memory_space<vmem>>, vector<16xi32>,
    %swap3A_477 = vector.shape_cast %swap3A_476 : vector<16xi32> to vector<16xi32>
    %swap3A_478 = vector.shape_cast %add3A_474 : vector<16xi32> to vector<16xi32>
    tpu.vector_store %arg18[%swap3A_475], %swap3A_478 {strides = array<i32>} : memref<80xi32, #tpu.memory_space<vmem>>, vector<16xi32>,
    %add3A_479 = arith.constant 48 : i32
    %add3A_480 = arith.addi %multiple_of3A_454, %add3A_479 : i32
    %add3A_481 = vector.broadcast %add3A_480 : i32 to vector<16xi32>
    %add3A_482 = arith.addi %add3A_481, %iota3A : vector<16xi32>
    %swap3A_483 = arith.constant 48 : index
    %swap3A_484 = tpu.vector_load %arg18[%swap3A_483] {strides = array<i32>} : memref<80xi32, #tpu.memory_space<vmem>>, vector<16xi32>,
    %swap3A_485 = vector.shape_cast %swap3A_484 : vector<16xi32> to vector<16xi32>
    %swap3A_486 = vector.shape_cast %add3A_482 : vector<16xi32> to vector<16xi32>
    tpu.vector_store %arg18[%swap3A_483], %swap3A_486 {strides = array<i32>} : memref<80xi32, #tpu.memory_space<vmem>>, vector<16xi32>,
    %add3A_487 = arith.constant 64 : i32
    %add3A_488 = arith.addi %multiple_of3A_454, %add3A_487 : i32
    %add3A_489 = vector.broadcast %add3A_488 : i32 to vector<16xi32>
    %add3A_490 = arith.addi %add3A_489, %iota3A : vector<16xi32>
    %swap3A_491 = arith.constant 64 : index
    %swap3A_492 = tpu.vector_load %arg18[%swap3A_491] {strides = array<i32>} : memref<80xi32, #tpu.memory_space<vmem>>, vector<16xi32>,
    %swap3A_493 = vector.shape_cast %swap3A_492 : vector<16xi32> to vector<16xi32>
    %swap3A_494 = vector.shape_cast %add3A_490 : vector<16xi32> to vector<16xi32>
    tpu.vector_store %arg18[%swap3A_491], %swap3A_494 {strides = array<i32>} : memref<80xi32, #tpu.memory_space<vmem>>, vector<16xi32>,
    "tpu.region"() ({
      %run_scoped3A = tpu.sem_alloc : memref<!tpu.dma_semaphore, #tpu.memory_space<semaphore_mem>>
      %dma_start3A = arith.constant 0 : i32
      %dma_start3A_634 = arith.constant 0 : i32
      %dma_start3A_635 = tpu.memref_slice %arg25[%dma_start3A, %dma_start3A_634] : memref<10000x128xf32, #tpu.memory_space<vmem_shared>> -> memref<10000x128xf32, #tpu.memory_space<vmem_shared>>
      tpu.enqueue_indirect_dma source(%dma_start3A_635 : memref<10000x128xf32, #tpu.memory_space<vmem_shared>>) target(%arg14 : memref<80x128xf32, #tpu.memory_space<vmem>>) offsets(%arg18 : memref<80xi32, #tpu.memory_space<vmem>>) semaphore(%run_scoped3A : memref<!tpu.dma_semaphore, #tpu.memory_space<semaphore_mem>>)
      %dma_wait3A = arith.constant 0 : i32
      %dma_wait3A_636 = arith.constant 0 : i32
      %dma_wait3A_637 = tpu.memref_slice %arg25[%dma_wait3A, %dma_wait3A_636] : memref<10000x128xf32, #tpu.memory_space<vmem_shared>> -> memref<10000x128xf32, #tpu.memory_space<vmem_shared>>
      tpu.wait_indirect_dma semaphore(%run_scoped3A : memref<!tpu.dma_semaphore, #tpu.memory_space<semaphore_mem>>) src(%dma_wait3A_637 : memref<10000x128xf32, #tpu.memory_space<vmem_shared>>) dst(%arg14 : memref<80x128xf32, #tpu.memory_space<vmem>>)
      tpu.yield
    }) : () -> ()
    "tpu.region"() ({
      %run_scoped3A = tpu.sem_alloc : memref<!tpu.dma_semaphore, #tpu.memory_space<semaphore_mem>>
      %dma_start3A = arith.constant 0 : i32
      %dma_start3A_634 = arith.constant 0 : i32
      %dma_start3A_635 = tpu.memref_slice %arg8[%arg0, %dma_start3A, %dma_start3A_634] : memref<2x10000x128xf32, #tpu.memory_space<hbm>> -> memref<1x10000x128xf32, #tpu.memory_space<hbm>>
      %dma_start3A_636 = tpu.memref_squeeze %dma_start3A_635 : memref<1x10000x128xf32, #tpu.memory_space<hbm>> -> memref<10000x128xf32, #tpu.memory_space<hbm>>
      %dma_start3A_637 = arith.constant 0 : i32
      %dma_start3A_638 = tpu.memref_slice %dma_start3A_636[%multiple_of3A_454, %dma_start3A_637] : memref<10000x128xf32, #tpu.memory_space<hbm>> -> memref<80x128xf32, #tpu.memory_space<hbm>>
      %dma_start3A_639 = arith.constant 0 : i32
      %dma_start3A_640 = arith.constant 0 : i32
      %dma_start3A_641 = tpu.memref_slice %arg8[%arg0, %dma_start3A_639, %dma_start3A_640] : memref<2x10000x128xf32, #tpu.memory_space<hbm>> -> memref<1x10000x128xf32, #tpu.memory_space<hbm>>
      %dma_start3A_642 = tpu.memref_squeeze %dma_start3A_641 : memref<1x10000x128xf32, #tpu.memory_space<hbm>> -> memref<10000x128xf32, #tpu.memory_space<hbm>>
      %dma_start3A_643 = arith.constant 0 : i32
      %dma_start3A_644 = tpu.memref_slice %dma_start3A_642[%multiple_of3A_454, %dma_start3A_643] : memref<10000x128xf32, #tpu.memory_space<hbm>> -> memref<80x128xf32, #tpu.memory_space<hbm>>
      tpu.enqueue_dma source(%arg14 : memref<80x128xf32, #tpu.memory_space<vmem>>) target(%dma_start3A_644 : memref<80x128xf32, #tpu.memory_space<hbm>>) target_semaphore(%run_scoped3A : memref<!tpu.dma_semaphore, #tpu.memory_space<semaphore_mem>>)
      %dma_wait3A = arith.constant 0 : i32
      %dma_wait3A_645 = arith.constant 0 : i32
      %dma_wait3A_646 = tpu.memref_slice %arg8[%arg0, %dma_wait3A, %dma_wait3A_645] : memref<2x10000x128xf32, #tpu.memory_space<hbm>> -> memref<1x10000x128xf32, #tpu.memory_space<hbm>>
      %dma_wait3A_647 = tpu.memref_squeeze %dma_wait3A_646 : memref<1x10000x128xf32, #tpu.memory_space<hbm>> -> memref<10000x128xf32, #tpu.memory_space<hbm>>
      %dma_wait3A_648 = arith.constant 0 : i32
      %dma_wait3A_649 = tpu.memref_slice %dma_wait3A_647[%multiple_of3A_454, %dma_wait3A_648] : memref<10000x128xf32, #tpu.memory_space<hbm>> -> memref<80x128xf32, #tpu.memory_space<hbm>>
      %dma_wait3A_650 = arith.constant 0 : i32
      %dma_wait3A_651 = arith.constant 0 : i32
      %dma_wait3A_652 = tpu.memref_slice %arg8[%arg0, %dma_wait3A_650, %dma_wait3A_651] : memref<2x10000x128xf32, #tpu.memory_space<hbm>> -> memref<1x10000x128xf32, #tpu.memory_space<hbm>>
      %dma_wait3A_653 = tpu.memref_squeeze %dma_wait3A_652 : memref<1x10000x128xf32, #tpu.memory_space<hbm>> -> memref<10000x128xf32, #tpu.memory_space<hbm>>
      %dma_wait3A_654 = arith.constant 0 : i32
      %dma_wait3A_655 = tpu.memref_slice %dma_wait3A_653[%multiple_of3A_454, %dma_wait3A_654] : memref<10000x128xf32, #tpu.memory_space<hbm>> -> memref<80x128xf32, #tpu.memory_space<hbm>>
      tpu.wait_dma2 semaphore(%run_scoped3A : memref<!tpu.dma_semaphore, #tpu.memory_space<semaphore_mem>>) src(%arg14 : memref<80x128xf32, #tpu.memory_space<vmem>>) dst(%dma_wait3A_655 : memref<80x128xf32, #tpu.memory_space<hbm>>)
      tpu.yield
    }) : () -> ()
    %add3A_495 = arith.constant 320 : i32
    %add3A_496 = arith.addi %select_n3A, %add3A_495 : i32
    %multiple_of3A_497 = tpu.assume_multiple %add3A_496, 8 : i32
    %add3A_498 = arith.constant 0 : i32
    %add3A_499 = arith.addi %multiple_of3A_497, %add3A_498 : i32
    %add3A_500 = vector.broadcast %add3A_499 : i32 to vector<16xi32>
    %add3A_501 = arith.addi %add3A_500, %iota3A : vector<16xi32>
    %swap3A_502 = arith.constant 0 : index
    %swap3A_503 = tpu.vector_load %arg18[%swap3A_502] {strides = array<i32>} : memref<80xi32, #tpu.memory_space<vmem>>, vector<16xi32>,
    %swap3A_504 = vector.shape_cast %swap3A_503 : vector<16xi32> to vector<16xi32>
    %swap3A_505 = vector.shape_cast %add3A_501 : vector<16xi32> to vector<16xi32>
    tpu.vector_store %arg18[%swap3A_502], %swap3A_505 {strides = array<i32>} : memref<80xi32, #tpu.memory_space<vmem>>, vector<16xi32>,
    %add3A_506 = arith.constant 16 : i32
    %add3A_507 = arith.addi %multiple_of3A_497, %add3A_506 : i32
    %add3A_508 = vector.broadcast %add3A_507 : i32 to vector<16xi32>
    %add3A_509 = arith.addi %add3A_508, %iota3A : vector<16xi32>
    %swap3A_510 = arith.constant 16 : index
    %swap3A_511 = tpu.vector_load %arg18[%swap3A_510] {strides = array<i32>} : memref<80xi32, #tpu.memory_space<vmem>>, vector<16xi32>,
    %swap3A_512 = vector.shape_cast %swap3A_511 : vector<16xi32> to vector<16xi32>
    %swap3A_513 = vector.shape_cast %add3A_509 : vector<16xi32> to vector<16xi32>
    tpu.vector_store %arg18[%swap3A_510], %swap3A_513 {strides = array<i32>} : memref<80xi32, #tpu.memory_space<vmem>>, vector<16xi32>,
    %add3A_514 = arith.constant 32 : i32
    %add3A_515 = arith.addi %multiple_of3A_497, %add3A_514 : i32
    %add3A_516 = vector.broadcast %add3A_515 : i32 to vector<16xi32>
    %add3A_517 = arith.addi %add3A_516, %iota3A : vector<16xi32>
    %swap3A_518 = arith.constant 32 : index
    %swap3A_519 = tpu.vector_load %arg18[%swap3A_518] {strides = array<i32>} : memref<80xi32, #tpu.memory_space<vmem>>, vector<16xi32>,
    %swap3A_520 = vector.shape_cast %swap3A_519 : vector<16xi32> to vector<16xi32>
    %swap3A_521 = vector.shape_cast %add3A_517 : vector<16xi32> to vector<16xi32>
    tpu.vector_store %arg18[%swap3A_518], %swap3A_521 {strides = array<i32>} : memref<80xi32, #tpu.memory_space<vmem>>, vector<16xi32>,
    %add3A_522 = arith.constant 48 : i32
    %add3A_523 = arith.addi %multiple_of3A_497, %add3A_522 : i32
    %add3A_524 = vector.broadcast %add3A_523 : i32 to vector<16xi32>
    %add3A_525 = arith.addi %add3A_524, %iota3A : vector<16xi32>
    %swap3A_526 = arith.constant 48 : index
    %swap3A_527 = tpu.vector_load %arg18[%swap3A_526] {strides = array<i32>} : memref<80xi32, #tpu.memory_space<vmem>>, vector<16xi32>,
    %swap3A_528 = vector.shape_cast %swap3A_527 : vector<16xi32> to vector<16xi32>
    %swap3A_529 = vector.shape_cast %add3A_525 : vector<16xi32> to vector<16xi32>
    tpu.vector_store %arg18[%swap3A_526], %swap3A_529 {strides = array<i32>} : memref<80xi32, #tpu.memory_space<vmem>>, vector<16xi32>,
    %add3A_530 = arith.constant 64 : i32
    %add3A_531 = arith.addi %multiple_of3A_497, %add3A_530 : i32
    %add3A_532 = vector.broadcast %add3A_531 : i32 to vector<16xi32>
    %add3A_533 = arith.addi %add3A_532, %iota3A : vector<16xi32>
    %swap3A_534 = arith.constant 64 : index
    %swap3A_535 = tpu.vector_load %arg18[%swap3A_534] {strides = array<i32>} : memref<80xi32, #tpu.memory_space<vmem>>, vector<16xi32>,
    %swap3A_536 = vector.shape_cast %swap3A_535 : vector<16xi32> to vector<16xi32>
    %swap3A_537 = vector.shape_cast %add3A_533 : vector<16xi32> to vector<16xi32>
    tpu.vector_store %arg18[%swap3A_534], %swap3A_537 {strides = array<i32>} : memref<80xi32, #tpu.memory_space<vmem>>, vector<16xi32>,
    "tpu.region"() ({
      %run_scoped3A = tpu.sem_alloc : memref<!tpu.dma_semaphore, #tpu.memory_space<semaphore_mem>>
      %dma_start3A = arith.constant 0 : i32
      %dma_start3A_634 = arith.constant 0 : i32
      %dma_start3A_635 = tpu.memref_slice %arg25[%dma_start3A, %dma_start3A_634] : memref<10000x128xf32, #tpu.memory_space<vmem_shared>> -> memref<10000x128xf32, #tpu.memory_space<vmem_shared>>
      tpu.enqueue_indirect_dma source(%dma_start3A_635 : memref<10000x128xf32, #tpu.memory_space<vmem_shared>>) target(%arg14 : memref<80x128xf32, #tpu.memory_space<vmem>>) offsets(%arg18 : memref<80xi32, #tpu.memory_space<vmem>>) semaphore(%run_scoped3A : memref<!tpu.dma_semaphore, #tpu.memory_space<semaphore_mem>>)
      %dma_wait3A = arith.constant 0 : i32
      %dma_wait3A_636 = arith.constant 0 : i32
      %dma_wait3A_637 = tpu.memref_slice %arg25[%dma_wait3A, %dma_wait3A_636] : memref<10000x128xf32, #tpu.memory_space<vmem_shared>> -> memref<10000x128xf32, #tpu.memory_space<vmem_shared>>
      tpu.wait_indirect_dma semaphore(%run_scoped3A : memref<!tpu.dma_semaphore, #tpu.memory_space<semaphore_mem>>) src(%dma_wait3A_637 : memref<10000x128xf32, #tpu.memory_space<vmem_shared>>) dst(%arg14 : memref<80x128xf32, #tpu.memory_space<vmem>>)
      tpu.yield
    }) : () -> ()
    "tpu.region"() ({
      %run_scoped3A = tpu.sem_alloc : memref<!tpu.dma_semaphore, #tpu.memory_space<semaphore_mem>>
      %dma_start3A = arith.constant 0 : i32
      %dma_start3A_634 = arith.constant 0 : i32
      %dma_start3A_635 = tpu.memref_slice %arg8[%arg0, %dma_start3A, %dma_start3A_634] : memref<2x10000x128xf32, #tpu.memory_space<hbm>> -> memref<1x10000x128xf32, #tpu.memory_space<hbm>>
      %dma_start3A_636 = tpu.memref_squeeze %dma_start3A_635 : memref<1x10000x128xf32, #tpu.memory_space<hbm>> -> memref<10000x128xf32, #tpu.memory_space<hbm>>
      %dma_start3A_637 = arith.constant 0 : i32
      %dma_start3A_638 = tpu.memref_slice %dma_start3A_636[%multiple_of3A_497, %dma_start3A_637] : memref<10000x128xf32, #tpu.memory_space<hbm>> -> memref<80x128xf32, #tpu.memory_space<hbm>>
      %dma_start3A_639 = arith.constant 0 : i32
      %dma_start3A_640 = arith.constant 0 : i32
      %dma_start3A_641 = tpu.memref_slice %arg8[%arg0, %dma_start3A_639, %dma_start3A_640] : memref<2x10000x128xf32, #tpu.memory_space<hbm>> -> memref<1x10000x128xf32, #tpu.memory_space<hbm>>
      %dma_start3A_642 = tpu.memref_squeeze %dma_start3A_641 : memref<1x10000x128xf32, #tpu.memory_space<hbm>> -> memref<10000x128xf32, #tpu.memory_space<hbm>>
      %dma_start3A_643 = arith.constant 0 : i32
      %dma_start3A_644 = tpu.memref_slice %dma_start3A_642[%multiple_of3A_497, %dma_start3A_643] : memref<10000x128xf32, #tpu.memory_space<hbm>> -> memref<80x128xf32, #tpu.memory_space<hbm>>
      tpu.enqueue_dma source(%arg14 : memref<80x128xf32, #tpu.memory_space<vmem>>) target(%dma_start3A_644 : memref<80x128xf32, #tpu.memory_space<hbm>>) target_semaphore(%run_scoped3A : memref<!tpu.dma_semaphore, #tpu.memory_space<semaphore_mem>>)
      %dma_wait3A = arith.constant 0 : i32
      %dma_wait3A_645 = arith.constant 0 : i32
      %dma_wait3A_646 = tpu.memref_slice %arg8[%arg0, %dma_wait3A, %dma_wait3A_645] : memref<2x10000x128xf32, #tpu.memory_space<hbm>> -> memref<1x10000x128xf32, #tpu.memory_space<hbm>>
      %dma_wait3A_647 = tpu.memref_squeeze %dma_wait3A_646 : memref<1x10000x128xf32, #tpu.memory_space<hbm>> -> memref<10000x128xf32, #tpu.memory_space<hbm>>
      %dma_wait3A_648 = arith.constant 0 : i32
      %dma_wait3A_649 = tpu.memref_slice %dma_wait3A_647[%multiple_of3A_497, %dma_wait3A_648] : memref<10000x128xf32, #tpu.memory_space<hbm>> -> memref<80x128xf32, #tpu.memory_space<hbm>>
      %dma_wait3A_650 = arith.constant 0 : i32
      %dma_wait3A_651 = arith.constant 0 : i32
      %dma_wait3A_652 = tpu.memref_slice %arg8[%arg0, %dma_wait3A_650, %dma_wait3A_651] : memref<2x10000x128xf32, #tpu.memory_space<hbm>> -> memref<1x10000x128xf32, #tpu.memory_space<hbm>>
      %dma_wait3A_653 = tpu.memref_squeeze %dma_wait3A_652 : memref<1x10000x128xf32, #tpu.memory_space<hbm>> -> memref<10000x128xf32, #tpu.memory_space<hbm>>
      %dma_wait3A_654 = arith.constant 0 : i32
      %dma_wait3A_655 = tpu.memref_slice %dma_wait3A_653[%multiple_of3A_497, %dma_wait3A_654] : memref<10000x128xf32, #tpu.memory_space<hbm>> -> memref<80x128xf32, #tpu.memory_space<hbm>>
      tpu.wait_dma2 semaphore(%run_scoped3A : memref<!tpu.dma_semaphore, #tpu.memory_space<semaphore_mem>>) src(%arg14 : memref<80x128xf32, #tpu.memory_space<vmem>>) dst(%dma_wait3A_655 : memref<80x128xf32, #tpu.memory_space<hbm>>)
      tpu.yield
    }) : () -> ()
    %add3A_538 = arith.constant 400 : i32
    %add3A_539 = arith.addi %select_n3A, %add3A_538 : i32
    %multiple_of3A_540 = tpu.assume_multiple %add3A_539, 8 : i32
    %add3A_541 = arith.constant 0 : i32
    %add3A_542 = arith.addi %multiple_of3A_540, %add3A_541 : i32
    %add3A_543 = vector.broadcast %add3A_542 : i32 to vector<16xi32>
    %add3A_544 = arith.addi %add3A_543, %iota3A : vector<16xi32>
    %swap3A_545 = arith.constant 0 : index
    %swap3A_546 = tpu.vector_load %arg18[%swap3A_545] {strides = array<i32>} : memref<80xi32, #tpu.memory_space<vmem>>, vector<16xi32>,
    %swap3A_547 = vector.shape_cast %swap3A_546 : vector<16xi32> to vector<16xi32>
    %swap3A_548 = vector.shape_cast %add3A_544 : vector<16xi32> to vector<16xi32>
    tpu.vector_store %arg18[%swap3A_545], %swap3A_548 {strides = array<i32>} : memref<80xi32, #tpu.memory_space<vmem>>, vector<16xi32>,
    %add3A_549 = arith.constant 16 : i32
    %add3A_550 = arith.addi %multiple_of3A_540, %add3A_549 : i32
    %add3A_551 = vector.broadcast %add3A_550 : i32 to vector<16xi32>
    %add3A_552 = arith.addi %add3A_551, %iota3A : vector<16xi32>
    %swap3A_553 = arith.constant 16 : index
    %swap3A_554 = tpu.vector_load %arg18[%swap3A_553] {strides = array<i32>} : memref<80xi32, #tpu.memory_space<vmem>>, vector<16xi32>,
    %swap3A_555 = vector.shape_cast %swap3A_554 : vector<16xi32> to vector<16xi32>
    %swap3A_556 = vector.shape_cast %add3A_552 : vector<16xi32> to vector<16xi32>
    tpu.vector_store %arg18[%swap3A_553], %swap3A_556 {strides = array<i32>} : memref<80xi32, #tpu.memory_space<vmem>>, vector<16xi32>,
    %add3A_557 = arith.constant 32 : i32
    %add3A_558 = arith.addi %multiple_of3A_540, %add3A_557 : i32
    %add3A_559 = vector.broadcast %add3A_558 : i32 to vector<16xi32>
    %add3A_560 = arith.addi %add3A_559, %iota3A : vector<16xi32>
    %swap3A_561 = arith.constant 32 : index
    %swap3A_562 = tpu.vector_load %arg18[%swap3A_561] {strides = array<i32>} : memref<80xi32, #tpu.memory_space<vmem>>, vector<16xi32>,
    %swap3A_563 = vector.shape_cast %swap3A_562 : vector<16xi32> to vector<16xi32>
    %swap3A_564 = vector.shape_cast %add3A_560 : vector<16xi32> to vector<16xi32>
    tpu.vector_store %arg18[%swap3A_561], %swap3A_564 {strides = array<i32>} : memref<80xi32, #tpu.memory_space<vmem>>, vector<16xi32>,
    %add3A_565 = arith.constant 48 : i32
    %add3A_566 = arith.addi %multiple_of3A_540, %add3A_565 : i32
    %add3A_567 = vector.broadcast %add3A_566 : i32 to vector<16xi32>
    %add3A_568 = arith.addi %add3A_567, %iota3A : vector<16xi32>
    %swap3A_569 = arith.constant 48 : index
    %swap3A_570 = tpu.vector_load %arg18[%swap3A_569] {strides = array<i32>} : memref<80xi32, #tpu.memory_space<vmem>>, vector<16xi32>,
    %swap3A_571 = vector.shape_cast %swap3A_570 : vector<16xi32> to vector<16xi32>
    %swap3A_572 = vector.shape_cast %add3A_568 : vector<16xi32> to vector<16xi32>
    tpu.vector_store %arg18[%swap3A_569], %swap3A_572 {strides = array<i32>} : memref<80xi32, #tpu.memory_space<vmem>>, vector<16xi32>,
    %add3A_573 = arith.constant 64 : i32
    %add3A_574 = arith.addi %multiple_of3A_540, %add3A_573 : i32
    %add3A_575 = vector.broadcast %add3A_574 : i32 to vector<16xi32>
    %add3A_576 = arith.addi %add3A_575, %iota3A : vector<16xi32>
    %swap3A_577 = arith.constant 64 : index
    %swap3A_578 = tpu.vector_load %arg18[%swap3A_577] {strides = array<i32>} : memref<80xi32, #tpu.memory_space<vmem>>, vector<16xi32>,
    %swap3A_579 = vector.shape_cast %swap3A_578 : vector<16xi32> to vector<16xi32>
    %swap3A_580 = vector.shape_cast %add3A_576 : vector<16xi32> to vector<16xi32>
    tpu.vector_store %arg18[%swap3A_577], %swap3A_580 {strides = array<i32>} : memref<80xi32, #tpu.memory_space<vmem>>, vector<16xi32>,
    "tpu.region"() ({
      %run_scoped3A = tpu.sem_alloc : memref<!tpu.dma_semaphore, #tpu.memory_space<semaphore_mem>>
      %dma_start3A = arith.constant 0 : i32
      %dma_start3A_634 = arith.constant 0 : i32
      %dma_start3A_635 = tpu.memref_slice %arg25[%dma_start3A, %dma_start3A_634] : memref<10000x128xf32, #tpu.memory_space<vmem_shared>> -> memref<10000x128xf32, #tpu.memory_space<vmem_shared>>
      tpu.enqueue_indirect_dma source(%dma_start3A_635 : memref<10000x128xf32, #tpu.memory_space<vmem_shared>>) target(%arg14 : memref<80x128xf32, #tpu.memory_space<vmem>>) offsets(%arg18 : memref<80xi32, #tpu.memory_space<vmem>>) semaphore(%run_scoped3A : memref<!tpu.dma_semaphore, #tpu.memory_space<semaphore_mem>>)
      %dma_wait3A = arith.constant 0 : i32
      %dma_wait3A_636 = arith.constant 0 : i32
      %dma_wait3A_637 = tpu.memref_slice %arg25[%dma_wait3A, %dma_wait3A_636] : memref<10000x128xf32, #tpu.memory_space<vmem_shared>> -> memref<10000x128xf32, #tpu.memory_space<vmem_shared>>
      tpu.wait_indirect_dma semaphore(%run_scoped3A : memref<!tpu.dma_semaphore, #tpu.memory_space<semaphore_mem>>) src(%dma_wait3A_637 : memref<10000x128xf32, #tpu.memory_space<vmem_shared>>) dst(%arg14 : memref<80x128xf32, #tpu.memory_space<vmem>>)
      tpu.yield
    }) : () -> ()
    "tpu.region"() ({
      %run_scoped3A = tpu.sem_alloc : memref<!tpu.dma_semaphore, #tpu.memory_space<semaphore_mem>>
      %dma_start3A = arith.constant 0 : i32
      %dma_start3A_634 = arith.constant 0 : i32
      %dma_start3A_635 = tpu.memref_slice %arg8[%arg0, %dma_start3A, %dma_start3A_634] : memref<2x10000x128xf32, #tpu.memory_space<hbm>> -> memref<1x10000x128xf32, #tpu.memory_space<hbm>>
      %dma_start3A_636 = tpu.memref_squeeze %dma_start3A_635 : memref<1x10000x128xf32, #tpu.memory_space<hbm>> -> memref<10000x128xf32, #tpu.memory_space<hbm>>
      %dma_start3A_637 = arith.constant 0 : i32
      %dma_start3A_638 = tpu.memref_slice %dma_start3A_636[%multiple_of3A_540, %dma_start3A_637] : memref<10000x128xf32, #tpu.memory_space<hbm>> -> memref<80x128xf32, #tpu.memory_space<hbm>>
      %dma_start3A_639 = arith.constant 0 : i32
      %dma_start3A_640 = arith.constant 0 : i32
      %dma_start3A_641 = tpu.memref_slice %arg8[%arg0, %dma_start3A_639, %dma_start3A_640] : memref<2x10000x128xf32, #tpu.memory_space<hbm>> -> memref<1x10000x128xf32, #tpu.memory_space<hbm>>
      %dma_start3A_642 = tpu.memref_squeeze %dma_start3A_641 : memref<1x10000x128xf32, #tpu.memory_space<hbm>> -> memref<10000x128xf32, #tpu.memory_space<hbm>>
      %dma_start3A_643 = arith.constant 0 : i32
      %dma_start3A_644 = tpu.memref_slice %dma_start3A_642[%multiple_of3A_540, %dma_start3A_643] : memref<10000x128xf32, #tpu.memory_space<hbm>> -> memref<80x128xf32, #tpu.memory_space<hbm>>
      tpu.enqueue_dma source(%arg14 : memref<80x128xf32, #tpu.memory_space<vmem>>) target(%dma_start3A_644 : memref<80x128xf32, #tpu.memory_space<hbm>>) target_semaphore(%run_scoped3A : memref<!tpu.dma_semaphore, #tpu.memory_space<semaphore_mem>>)
      %dma_wait3A = arith.constant 0 : i32
      %dma_wait3A_645 = arith.constant 0 : i32
      %dma_wait3A_646 = tpu.memref_slice %arg8[%arg0, %dma_wait3A, %dma_wait3A_645] : memref<2x10000x128xf32, #tpu.memory_space<hbm>> -> memref<1x10000x128xf32, #tpu.memory_space<hbm>>
      %dma_wait3A_647 = tpu.memref_squeeze %dma_wait3A_646 : memref<1x10000x128xf32, #tpu.memory_space<hbm>> -> memref<10000x128xf32, #tpu.memory_space<hbm>>
      %dma_wait3A_648 = arith.constant 0 : i32
      %dma_wait3A_649 = tpu.memref_slice %dma_wait3A_647[%multiple_of3A_540, %dma_wait3A_648] : memref<10000x128xf32, #tpu.memory_space<hbm>> -> memref<80x128xf32, #tpu.memory_space<hbm>>
      %dma_wait3A_650 = arith.constant 0 : i32
      %dma_wait3A_651 = arith.constant 0 : i32
      %dma_wait3A_652 = tpu.memref_slice %arg8[%arg0, %dma_wait3A_650, %dma_wait3A_651] : memref<2x10000x128xf32, #tpu.memory_space<hbm>> -> memref<1x10000x128xf32, #tpu.memory_space<hbm>>
      %dma_wait3A_653 = tpu.memref_squeeze %dma_wait3A_652 : memref<1x10000x128xf32, #tpu.memory_space<hbm>> -> memref<10000x128xf32, #tpu.memory_space<hbm>>
      %dma_wait3A_654 = arith.constant 0 : i32
      %dma_wait3A_655 = tpu.memref_slice %dma_wait3A_653[%multiple_of3A_540, %dma_wait3A_654] : memref<10000x128xf32, #tpu.memory_space<hbm>> -> memref<80x128xf32, #tpu.memory_space<hbm>>
      tpu.wait_dma2 semaphore(%run_scoped3A : memref<!tpu.dma_semaphore, #tpu.memory_space<semaphore_mem>>) src(%arg14 : memref<80x128xf32, #tpu.memory_space<vmem>>) dst(%dma_wait3A_655 : memref<80x128xf32, #tpu.memory_space<hbm>>)
      tpu.yield
    }) : () -> ()
    %add3A_581 = arith.constant 480 : i32
    %add3A_582 = arith.addi %select_n3A, %add3A_581 : i32
    %multiple_of3A_583 = tpu.assume_multiple %add3A_582, 8 : i32
    %add3A_584 = arith.constant 0 : i32
    %add3A_585 = arith.addi %multiple_of3A_583, %add3A_584 : i32
    %add3A_586 = vector.broadcast %add3A_585 : i32 to vector<16xi32>
    %add3A_587 = arith.addi %add3A_586, %iota3A : vector<16xi32>
    %swap3A_588 = arith.constant 0 : index
    %swap3A_589 = tpu.vector_load %arg18[%swap3A_588] {strides = array<i32>} : memref<80xi32, #tpu.memory_space<vmem>>, vector<16xi32>,
    %swap3A_590 = vector.shape_cast %swap3A_589 : vector<16xi32> to vector<16xi32>
    %swap3A_591 = vector.shape_cast %add3A_587 : vector<16xi32> to vector<16xi32>
    tpu.vector_store %arg18[%swap3A_588], %swap3A_591 {strides = array<i32>} : memref<80xi32, #tpu.memory_space<vmem>>, vector<16xi32>,
    %add3A_592 = arith.constant 16 : i32
    %add3A_593 = arith.addi %multiple_of3A_583, %add3A_592 : i32
    %add3A_594 = vector.broadcast %add3A_593 : i32 to vector<16xi32>
    %add3A_595 = arith.addi %add3A_594, %iota3A : vector<16xi32>
    %swap3A_596 = arith.constant 16 : index
    %swap3A_597 = tpu.vector_load %arg18[%swap3A_596] {strides = array<i32>} : memref<80xi32, #tpu.memory_space<vmem>>, vector<16xi32>,
    %swap3A_598 = vector.shape_cast %swap3A_597 : vector<16xi32> to vector<16xi32>
    %swap3A_599 = vector.shape_cast %add3A_595 : vector<16xi32> to vector<16xi32>
    tpu.vector_store %arg18[%swap3A_596], %swap3A_599 {strides = array<i32>} : memref<80xi32, #tpu.memory_space<vmem>>, vector<16xi32>,
    %add3A_600 = arith.constant 32 : i32
    %add3A_601 = arith.addi %multiple_of3A_583, %add3A_600 : i32
    %add3A_602 = vector.broadcast %add3A_601 : i32 to vector<16xi32>
    %add3A_603 = arith.addi %add3A_602, %iota3A : vector<16xi32>
    %swap3A_604 = arith.constant 32 : index
    %swap3A_605 = tpu.vector_load %arg18[%swap3A_604] {strides = array<i32>} : memref<80xi32, #tpu.memory_space<vmem>>, vector<16xi32>,
    %swap3A_606 = vector.shape_cast %swap3A_605 : vector<16xi32> to vector<16xi32>
    %swap3A_607 = vector.shape_cast %add3A_603 : vector<16xi32> to vector<16xi32>
    tpu.vector_store %arg18[%swap3A_604], %swap3A_607 {strides = array<i32>} : memref<80xi32, #tpu.memory_space<vmem>>, vector<16xi32>,
    %add3A_608 = arith.constant 48 : i32
    %add3A_609 = arith.addi %multiple_of3A_583, %add3A_608 : i32
    %add3A_610 = vector.broadcast %add3A_609 : i32 to vector<16xi32>
    %add3A_611 = arith.addi %add3A_610, %iota3A : vector<16xi32>
    %swap3A_612 = arith.constant 48 : index
    %swap3A_613 = tpu.vector_load %arg18[%swap3A_612] {strides = array<i32>} : memref<80xi32, #tpu.memory_space<vmem>>, vector<16xi32>,
    %swap3A_614 = vector.shape_cast %swap3A_613 : vector<16xi32> to vector<16xi32>
    %swap3A_615 = vector.shape_cast %add3A_611 : vector<16xi32> to vector<16xi32>
    tpu.vector_store %arg18[%swap3A_612], %swap3A_615 {strides = array<i32>} : memref<80xi32, #tpu.memory_space<vmem>>, vector<16xi32>,
    %add3A_616 = arith.constant 64 : i32
    %add3A_617 = arith.addi %multiple_of3A_583, %add3A_616 : i32
    %add3A_618 = vector.broadcast %add3A_617 : i32 to vector<16xi32>
    %add3A_619 = arith.addi %add3A_618, %iota3A : vector<16xi32>
    %swap3A_620 = arith.constant 64 : index
    %swap3A_621 = tpu.vector_load %arg18[%swap3A_620] {strides = array<i32>} : memref<80xi32, #tpu.memory_space<vmem>>, vector<16xi32>,
    %swap3A_622 = vector.shape_cast %swap3A_621 : vector<16xi32> to vector<16xi32>
    %swap3A_623 = vector.shape_cast %add3A_619 : vector<16xi32> to vector<16xi32>
    tpu.vector_store %arg18[%swap3A_620], %swap3A_623 {strides = array<i32>} : memref<80xi32, #tpu.memory_space<vmem>>, vector<16xi32>,
    "tpu.region"() ({
      %run_scoped3A = tpu.sem_alloc : memref<!tpu.dma_semaphore, #tpu.memory_space<semaphore_mem>>
      %dma_start3A = arith.constant 0 : i32
      %dma_start3A_634 = arith.constant 0 : i32
      %dma_start3A_635 = tpu.memref_slice %arg25[%dma_start3A, %dma_start3A_634] : memref<10000x128xf32, #tpu.memory_space<vmem_shared>> -> memref<10000x128xf32, #tpu.memory_space<vmem_shared>>
      tpu.enqueue_indirect_dma source(%dma_start3A_635 : memref<10000x128xf32, #tpu.memory_space<vmem_shared>>) target(%arg14 : memref<80x128xf32, #tpu.memory_space<vmem>>) offsets(%arg18 : memref<80xi32, #tpu.memory_space<vmem>>) semaphore(%run_scoped3A : memref<!tpu.dma_semaphore, #tpu.memory_space<semaphore_mem>>)
      %dma_wait3A = arith.constant 0 : i32
      %dma_wait3A_636 = arith.constant 0 : i32
      %dma_wait3A_637 = tpu.memref_slice %arg25[%dma_wait3A, %dma_wait3A_636] : memref<10000x128xf32, #tpu.memory_space<vmem_shared>> -> memref<10000x128xf32, #tpu.memory_space<vmem_shared>>
      tpu.wait_indirect_dma semaphore(%run_scoped3A : memref<!tpu.dma_semaphore, #tpu.memory_space<semaphore_mem>>) src(%dma_wait3A_637 : memref<10000x128xf32, #tpu.memory_space<vmem_shared>>) dst(%arg14 : memref<80x128xf32, #tpu.memory_space<vmem>>)
      tpu.yield
    }) : () -> ()
    "tpu.region"() ({
      %run_scoped3A = tpu.sem_alloc : memref<!tpu.dma_semaphore, #tpu.memory_space<semaphore_mem>>
      %dma_start3A = arith.constant 0 : i32
      %dma_start3A_634 = arith.constant 0 : i32
      %dma_start3A_635 = tpu.memref_slice %arg8[%arg0, %dma_start3A, %dma_start3A_634] : memref<2x10000x128xf32, #tpu.memory_space<hbm>> -> memref<1x10000x128xf32, #tpu.memory_space<hbm>>
      %dma_start3A_636 = tpu.memref_squeeze %dma_start3A_635 : memref<1x10000x128xf32, #tpu.memory_space<hbm>> -> memref<10000x128xf32, #tpu.memory_space<hbm>>
      %dma_start3A_637 = arith.constant 0 : i32
      %dma_start3A_638 = tpu.memref_slice %dma_start3A_636[%multiple_of3A_583, %dma_start3A_637] : memref<10000x128xf32, #tpu.memory_space<hbm>> -> memref<80x128xf32, #tpu.memory_space<hbm>>
      %dma_start3A_639 = arith.constant 0 : i32
      %dma_start3A_640 = arith.constant 0 : i32
      %dma_start3A_641 = tpu.memref_slice %arg8[%arg0, %dma_start3A_639, %dma_start3A_640] : memref<2x10000x128xf32, #tpu.memory_space<hbm>> -> memref<1x10000x128xf32, #tpu.memory_space<hbm>>
      %dma_start3A_642 = tpu.memref_squeeze %dma_start3A_641 : memref<1x10000x128xf32, #tpu.memory_space<hbm>> -> memref<10000x128xf32, #tpu.memory_space<hbm>>
      %dma_start3A_643 = arith.constant 0 : i32
      %dma_start3A_644 = tpu.memref_slice %dma_start3A_642[%multiple_of3A_583, %dma_start3A_643] : memref<10000x128xf32, #tpu.memory_space<hbm>> -> memref<80x128xf32, #tpu.memory_space<hbm>>
      tpu.enqueue_dma source(%arg14 : memref<80x128xf32, #tpu.memory_space<vmem>>) target(%dma_start3A_644 : memref<80x128xf32, #tpu.memory_space<hbm>>) target_semaphore(%run_scoped3A : memref<!tpu.dma_semaphore, #tpu.memory_space<semaphore_mem>>)
      %dma_wait3A = arith.constant 0 : i32
      %dma_wait3A_645 = arith.constant 0 : i32
      %dma_wait3A_646 = tpu.memref_slice %arg8[%arg0, %dma_wait3A, %dma_wait3A_645] : memref<2x10000x128xf32, #tpu.memory_space<hbm>> -> memref<1x10000x128xf32, #tpu.memory_space<hbm>>
      %dma_wait3A_647 = tpu.memref_squeeze %dma_wait3A_646 : memref<1x10000x128xf32, #tpu.memory_space<hbm>> -> memref<10000x128xf32, #tpu.memory_space<hbm>>
      %dma_wait3A_648 = arith.constant 0 : i32
      %dma_wait3A_649 = tpu.memref_slice %dma_wait3A_647[%multiple_of3A_583, %dma_wait3A_648] : memref<10000x128xf32, #tpu.memory_space<hbm>> -> memref<80x128xf32, #tpu.memory_space<hbm>>
      %dma_wait3A_650 = arith.constant 0 : i32
      %dma_wait3A_651 = arith.constant 0 : i32
      %dma_wait3A_652 = tpu.memref_slice %arg8[%arg0, %dma_wait3A_650, %dma_wait3A_651] : memref<2x10000x128xf32, #tpu.memory_space<hbm>> -> memref<1x10000x128xf32, #tpu.memory_space<hbm>>
      %dma_wait3A_653 = tpu.memref_squeeze %dma_wait3A_652 : memref<1x10000x128xf32, #tpu.memory_space<hbm>> -> memref<10000x128xf32, #tpu.memory_space<hbm>>
      %dma_wait3A_654 = arith.constant 0 : i32
      %dma_wait3A_655 = tpu.memref_slice %dma_wait3A_653[%multiple_of3A_583, %dma_wait3A_654] : memref<10000x128xf32, #tpu.memory_space<hbm>> -> memref<80x128xf32, #tpu.memory_space<hbm>>
      tpu.wait_dma2 semaphore(%run_scoped3A : memref<!tpu.dma_semaphore, #tpu.memory_space<semaphore_mem>>) src(%arg14 : memref<80x128xf32, #tpu.memory_space<vmem>>) dst(%dma_wait3A_655 : memref<80x128xf32, #tpu.memory_space<hbm>>)
      tpu.yield
    }) : () -> ()
    %eq3A_624 = arith.constant 0 : i32
    %eq3A_625 = arith.cmpi eq, %arg1, %eq3A_624 : i32
    %convert_element_type3A_626 = arith.extui %eq3A_625 : i1 to i32
    %cond3A_627 = arith.constant 0 : i32
    %cond3A_628 = arith.cmpi ne, %convert_element_type3A_626, %cond3A_627 : i32
    scf.if %cond3A_628 {
      %add3A_634 = arith.constant 560 : i32
      %add3A_635 = vector.broadcast %add3A_634 : i32 to vector<16xi32>
      %add3A_636 = arith.addi %add3A_635, %iota3A : vector<16xi32>
      %swap3A_637 = arith.constant 0 : index
      %swap3A_638 = tpu.vector_load %arg18[%swap3A_637] {strides = array<i32>} : memref<80xi32, #tpu.memory_space<vmem>>, vector<16xi32>,
      %swap3A_639 = vector.shape_cast %swap3A_638 : vector<16xi32> to vector<16xi32>
      %swap3A_640 = vector.shape_cast %add3A_636 : vector<16xi32> to vector<16xi32>
      tpu.vector_store %arg18[%swap3A_637], %swap3A_640 {strides = array<i32>} : memref<80xi32, #tpu.memory_space<vmem>>, vector<16xi32>,
      %add3A_641 = arith.constant 576 : i32
      %add3A_642 = vector.broadcast %add3A_641 : i32 to vector<16xi32>
      %add3A_643 = arith.addi %add3A_642, %iota3A : vector<16xi32>
      %swap3A_644 = arith.constant 16 : index
      %swap3A_645 = tpu.vector_load %arg18[%swap3A_644] {strides = array<i32>} : memref<80xi32, #tpu.memory_space<vmem>>, vector<16xi32>,
      %swap3A_646 = vector.shape_cast %swap3A_645 : vector<16xi32> to vector<16xi32>
      %swap3A_647 = vector.shape_cast %add3A_643 : vector<16xi32> to vector<16xi32>
      tpu.vector_store %arg18[%swap3A_644], %swap3A_647 {strides = array<i32>} : memref<80xi32, #tpu.memory_space<vmem>>, vector<16xi32>,
      %add3A_648 = arith.constant 592 : i32
      %add3A_649 = vector.broadcast %add3A_648 : i32 to vector<16xi32>
      %add3A_650 = arith.addi %add3A_649, %iota3A : vector<16xi32>
      %swap3A_651 = arith.constant 32 : index
      %swap3A_652 = tpu.vector_load %arg18[%swap3A_651] {strides = array<i32>} : memref<80xi32, #tpu.memory_space<vmem>>, vector<16xi32>,
      %swap3A_653 = vector.shape_cast %swap3A_652 : vector<16xi32> to vector<16xi32>
      %swap3A_654 = vector.shape_cast %add3A_650 : vector<16xi32> to vector<16xi32>
      tpu.vector_store %arg18[%swap3A_651], %swap3A_654 {strides = array<i32>} : memref<80xi32, #tpu.memory_space<vmem>>, vector<16xi32>,
      %add3A_655 = arith.constant 608 : i32
      %add3A_656 = vector.broadcast %add3A_655 : i32 to vector<16xi32>
      %add3A_657 = arith.addi %add3A_656, %iota3A : vector<16xi32>
      %swap3A_658 = arith.constant 48 : index
      %swap3A_659 = tpu.vector_load %arg18[%swap3A_658] {strides = array<i32>} : memref<80xi32, #tpu.memory_space<vmem>>, vector<16xi32>,
      %swap3A_660 = vector.shape_cast %swap3A_659 : vector<16xi32> to vector<16xi32>
      %swap3A_661 = vector.shape_cast %add3A_657 : vector<16xi32> to vector<16xi32>
      tpu.vector_store %arg18[%swap3A_658], %swap3A_661 {strides = array<i32>} : memref<80xi32, #tpu.memory_space<vmem>>, vector<16xi32>,
      %add3A_662 = arith.constant 624 : i32
      %add3A_663 = vector.broadcast %add3A_662 : i32 to vector<16xi32>
      %add3A_664 = arith.addi %add3A_663, %iota3A : vector<16xi32>
      %swap3A_665 = arith.constant 64 : index
      %swap3A_666 = tpu.vector_load %arg18[%swap3A_665] {strides = array<i32>} : memref<80xi32, #tpu.memory_space<vmem>>, vector<16xi32>,
      %swap3A_667 = vector.shape_cast %swap3A_666 : vector<16xi32> to vector<16xi32>
      %swap3A_668 = vector.shape_cast %add3A_664 : vector<16xi32> to vector<16xi32>
      tpu.vector_store %arg18[%swap3A_665], %swap3A_668 {strides = array<i32>} : memref<80xi32, #tpu.memory_space<vmem>>, vector<16xi32>,
      "tpu.region"() ({
        %run_scoped3A = tpu.sem_alloc : memref<!tpu.dma_semaphore, #tpu.memory_space<semaphore_mem>>
        %dma_start3A = arith.constant 0 : i32
        %dma_start3A_669 = arith.constant 0 : i32
        %dma_start3A_670 = tpu.memref_slice %arg25[%dma_start3A, %dma_start3A_669] : memref<10000x128xf32, #tpu.memory_space<vmem_shared>> -> memref<10000x128xf32, #tpu.memory_space<vmem_shared>>
        tpu.enqueue_indirect_dma source(%dma_start3A_670 : memref<10000x128xf32, #tpu.memory_space<vmem_shared>>) target(%arg14 : memref<80x128xf32, #tpu.memory_space<vmem>>) offsets(%arg18 : memref<80xi32, #tpu.memory_space<vmem>>) semaphore(%run_scoped3A : memref<!tpu.dma_semaphore, #tpu.memory_space<semaphore_mem>>)
        %dma_wait3A = arith.constant 0 : i32
        %dma_wait3A_671 = arith.constant 0 : i32
        %dma_wait3A_672 = tpu.memref_slice %arg25[%dma_wait3A, %dma_wait3A_671] : memref<10000x128xf32, #tpu.memory_space<vmem_shared>> -> memref<10000x128xf32, #tpu.memory_space<vmem_shared>>
        tpu.wait_indirect_dma semaphore(%run_scoped3A : memref<!tpu.dma_semaphore, #tpu.memory_space<semaphore_mem>>) src(%dma_wait3A_672 : memref<10000x128xf32, #tpu.memory_space<vmem_shared>>) dst(%arg14 : memref<80x128xf32, #tpu.memory_space<vmem>>)
        tpu.yield
      }) : () -> ()
      "tpu.region"() ({
        %run_scoped3A = tpu.sem_alloc : memref<!tpu.dma_semaphore, #tpu.memory_space<semaphore_mem>>
        %dma_start3A = arith.constant 0 : i32
        %dma_start3A_669 = arith.constant 0 : i32
        %dma_start3A_670 = tpu.memref_slice %arg8[%arg0, %dma_start3A, %dma_start3A_669] : memref<2x10000x128xf32, #tpu.memory_space<hbm>> -> memref<1x10000x128xf32, #tpu.memory_space<hbm>>
        %dma_start3A_671 = tpu.memref_squeeze %dma_start3A_670 : memref<1x10000x128xf32, #tpu.memory_space<hbm>> -> memref<10000x128xf32, #tpu.memory_space<hbm>>
        %dma_start3A_672 = arith.constant 560 : i32
        %dma_start3A_673 = arith.constant 0 : i32
        %dma_start3A_674 = tpu.memref_slice %dma_start3A_671[%dma_start3A_672, %dma_start3A_673] : memref<10000x128xf32, #tpu.memory_space<hbm>> -> memref<80x128xf32, #tpu.memory_space<hbm>>
        %dma_start3A_675 = arith.constant 0 : i32
        %dma_start3A_676 = arith.constant 0 : i32
        %dma_start3A_677 = tpu.memref_slice %arg8[%arg0, %dma_start3A_675, %dma_start3A_676] : memref<2x10000x128xf32, #tpu.memory_space<hbm>> -> memref<1x10000x128xf32, #tpu.memory_space<hbm>>
        %dma_start3A_678 = tpu.memref_squeeze %dma_start3A_677 : memref<1x10000x128xf32, #tpu.memory_space<hbm>> -> memref<10000x128xf32, #tpu.memory_space<hbm>>
        %dma_start3A_679 = arith.constant 560 : i32
        %dma_start3A_680 = arith.constant 0 : i32
        %dma_start3A_681 = tpu.memref_slice %dma_start3A_678[%dma_start3A_679, %dma_start3A_680] : memref<10000x128xf32, #tpu.memory_space<hbm>> -> memref<80x128xf32, #tpu.memory_space<hbm>>
        tpu.enqueue_dma source(%arg14 : memref<80x128xf32, #tpu.memory_space<vmem>>) target(%dma_start3A_681 : memref<80x128xf32, #tpu.memory_space<hbm>>) target_semaphore(%run_scoped3A : memref<!tpu.dma_semaphore, #tpu.memory_space<semaphore_mem>>)
        %dma_wait3A = arith.constant 0 : i32
        %dma_wait3A_682 = arith.constant 0 : i32
        %dma_wait3A_683 = tpu.memref_slice %arg8[%arg0, %dma_wait3A, %dma_wait3A_682] : memref<2x10000x128xf32, #tpu.memory_space<hbm>> -> memref<1x10000x128xf32, #tpu.memory_space<hbm>>
        %dma_wait3A_684 = tpu.memref_squeeze %dma_wait3A_683 : memref<1x10000x128xf32, #tpu.memory_space<hbm>> -> memref<10000x128xf32, #tpu.memory_space<hbm>>
        %dma_wait3A_685 = arith.constant 560 : i32
        %dma_wait3A_686 = arith.constant 0 : i32
        %dma_wait3A_687 = tpu.memref_slice %dma_wait3A_684[%dma_wait3A_685, %dma_wait3A_686] : memref<10000x128xf32, #tpu.memory_space<hbm>> -> memref<80x128xf32, #tpu.memory_space<hbm>>
        %dma_wait3A_688 = arith.constant 0 : i32
        %dma_wait3A_689 = arith.constant 0 : i32
        %dma_wait3A_690 = tpu.memref_slice %arg8[%arg0, %dma_wait3A_688, %dma_wait3A_689] : memref<2x10000x128xf32, #tpu.memory_space<hbm>> -> memref<1x10000x128xf32, #tpu.memory_space<hbm>>
        %dma_wait3A_691 = tpu.memref_squeeze %dma_wait3A_690 : memref<1x10000x128xf32, #tpu.memory_space<hbm>> -> memref<10000x128xf32, #tpu.memory_space<hbm>>
        %dma_wait3A_692 = arith.constant 560 : i32
        %dma_wait3A_693 = arith.constant 0 : i32
        %dma_wait3A_694 = tpu.memref_slice %dma_wait3A_691[%dma_wait3A_692, %dma_wait3A_693] : memref<10000x128xf32, #tpu.memory_space<hbm>> -> memref<80x128xf32, #tpu.memory_space<hbm>>
        tpu.wait_dma2 semaphore(%run_scoped3A : memref<!tpu.dma_semaphore, #tpu.memory_space<semaphore_mem>>) src(%arg14 : memref<80x128xf32, #tpu.memory_space<vmem>>) dst(%dma_wait3A_694 : memref<80x128xf32, #tpu.memory_space<hbm>>)
        tpu.yield
      }) : () -> ()
    } else {
    }
    %gt3A_629 = arith.constant 0 : i32
    %gt3A_630 = arith.cmpi sgt, %arg1, %gt3A_629 : i32
    %convert_element_type3A_631 = arith.extui %gt3A_630 : i1 to i32
    %cond3A_632 = arith.constant 0 : i32
    %cond3A_633 = arith.cmpi ne, %convert_element_type3A_631, %cond3A_632 : i32
    scf.if %cond3A_633 {
      %add3A_634 = arith.constant 560 : i32
      %add3A_635 = arith.addi %select_n3A, %add3A_634 : i32
      %multiple_of3A_636 = tpu.assume_multiple %add3A_635, 8 : i32
      %add3A_637 = arith.constant 0 : i32
      %add3A_638 = arith.addi %multiple_of3A_636, %add3A_637 : i32
      %add3A_639 = vector.broadcast %add3A_638 : i32 to vector<16xi32>
      %add3A_640 = arith.addi %add3A_639, %iota3A : vector<16xi32>
      %swap3A_641 = arith.constant 0 : index
      %swap3A_642 = tpu.vector_load %arg19[%swap3A_641] {strides = array<i32>} : memref<64xi32, #tpu.memory_space<vmem>>, vector<16xi32>,
      %swap3A_643 = vector.shape_cast %swap3A_642 : vector<16xi32> to vector<16xi32>
      %swap3A_644 = vector.shape_cast %add3A_640 : vector<16xi32> to vector<16xi32>
      tpu.vector_store %arg19[%swap3A_641], %swap3A_644 {strides = array<i32>} : memref<64xi32, #tpu.memory_space<vmem>>, vector<16xi32>,
      %add3A_645 = arith.constant 16 : i32
      %add3A_646 = arith.addi %multiple_of3A_636, %add3A_645 : i32
      %add3A_647 = vector.broadcast %add3A_646 : i32 to vector<16xi32>
      %add3A_648 = arith.addi %add3A_647, %iota3A : vector<16xi32>
      %swap3A_649 = arith.constant 16 : index
      %swap3A_650 = tpu.vector_load %arg19[%swap3A_649] {strides = array<i32>} : memref<64xi32, #tpu.memory_space<vmem>>, vector<16xi32>,
      %swap3A_651 = vector.shape_cast %swap3A_650 : vector<16xi32> to vector<16xi32>
      %swap3A_652 = vector.shape_cast %add3A_648 : vector<16xi32> to vector<16xi32>
      tpu.vector_store %arg19[%swap3A_649], %swap3A_652 {strides = array<i32>} : memref<64xi32, #tpu.memory_space<vmem>>, vector<16xi32>,
      %add3A_653 = arith.constant 32 : i32
      %add3A_654 = arith.addi %multiple_of3A_636, %add3A_653 : i32
      %add3A_655 = vector.broadcast %add3A_654 : i32 to vector<16xi32>
      %add3A_656 = arith.addi %add3A_655, %iota3A : vector<16xi32>
      %swap3A_657 = arith.constant 32 : index
      %swap3A_658 = tpu.vector_load %arg19[%swap3A_657] {strides = array<i32>} : memref<64xi32, #tpu.memory_space<vmem>>, vector<16xi32>,
      %swap3A_659 = vector.shape_cast %swap3A_658 : vector<16xi32> to vector<16xi32>
      %swap3A_660 = vector.shape_cast %add3A_656 : vector<16xi32> to vector<16xi32>
      tpu.vector_store %arg19[%swap3A_657], %swap3A_660 {strides = array<i32>} : memref<64xi32, #tpu.memory_space<vmem>>, vector<16xi32>,
      %add3A_661 = arith.constant 48 : i32
      %add3A_662 = arith.addi %multiple_of3A_636, %add3A_661 : i32
      %add3A_663 = vector.broadcast %add3A_662 : i32 to vector<16xi32>
      %add3A_664 = arith.addi %add3A_663, %iota3A : vector<16xi32>
      %swap3A_665 = arith.constant 48 : index
      %swap3A_666 = tpu.vector_load %arg19[%swap3A_665] {strides = array<i32>} : memref<64xi32, #tpu.memory_space<vmem>>, vector<16xi32>,
      %swap3A_667 = vector.shape_cast %swap3A_666 : vector<16xi32> to vector<16xi32>
      %swap3A_668 = vector.shape_cast %add3A_664 : vector<16xi32> to vector<16xi32>
      tpu.vector_store %arg19[%swap3A_665], %swap3A_668 {strides = array<i32>} : memref<64xi32, #tpu.memory_space<vmem>>, vector<16xi32>,
      "tpu.region"() ({
        %run_scoped3A = tpu.sem_alloc : memref<!tpu.dma_semaphore, #tpu.memory_space<semaphore_mem>>
        %dma_start3A = arith.constant 0 : i32
        %dma_start3A_669 = arith.constant 0 : i32
        %dma_start3A_670 = tpu.memref_slice %arg14[%dma_start3A, %dma_start3A_669] : memref<80x128xf32, #tpu.memory_space<vmem>> -> memref<64x128xf32, #tpu.memory_space<vmem>>
        %dma_start3A_671 = arith.constant 0 : i32
        %dma_start3A_672 = arith.constant 0 : i32
        %dma_start3A_673 = tpu.memref_slice %arg25[%dma_start3A_671, %dma_start3A_672] : memref<10000x128xf32, #tpu.memory_space<vmem_shared>> -> memref<10000x128xf32, #tpu.memory_space<vmem_shared>>
        tpu.enqueue_indirect_dma source(%dma_start3A_673 : memref<10000x128xf32, #tpu.memory_space<vmem_shared>>) target(%dma_start3A_670 : memref<64x128xf32, #tpu.memory_space<vmem>>) offsets(%arg19 : memref<64xi32, #tpu.memory_space<vmem>>) semaphore(%run_scoped3A : memref<!tpu.dma_semaphore, #tpu.memory_space<semaphore_mem>>)
        %dma_wait3A = arith.constant 0 : i32
        %dma_wait3A_674 = arith.constant 0 : i32
        %dma_wait3A_675 = tpu.memref_slice %arg14[%dma_wait3A, %dma_wait3A_674] : memref<80x128xf32, #tpu.memory_space<vmem>> -> memref<64x128xf32, #tpu.memory_space<vmem>>
        %dma_wait3A_676 = arith.constant 0 : i32
        %dma_wait3A_677 = arith.constant 0 : i32
        %dma_wait3A_678 = tpu.memref_slice %arg25[%dma_wait3A_676, %dma_wait3A_677] : memref<10000x128xf32, #tpu.memory_space<vmem_shared>> -> memref<10000x128xf32, #tpu.memory_space<vmem_shared>>
        tpu.wait_indirect_dma semaphore(%run_scoped3A : memref<!tpu.dma_semaphore, #tpu.memory_space<semaphore_mem>>) src(%dma_wait3A_678 : memref<10000x128xf32, #tpu.memory_space<vmem_shared>>) dst(%dma_wait3A_675 : memref<64x128xf32, #tpu.memory_space<vmem>>)
        tpu.yield
      }) : () -> ()
      "tpu.region"() ({
        %run_scoped3A = tpu.sem_alloc : memref<!tpu.dma_semaphore, #tpu.memory_space<semaphore_mem>>
        %dma_start3A = arith.constant 0 : i32
        %dma_start3A_669 = arith.constant 0 : i32
        %dma_start3A_670 = tpu.memref_slice %arg14[%dma_start3A, %dma_start3A_669] : memref<80x128xf32, #tpu.memory_space<vmem>> -> memref<64x128xf32, #tpu.memory_space<vmem>>
        %dma_start3A_671 = arith.constant 0 : i32
        %dma_start3A_672 = arith.constant 0 : i32
        %dma_start3A_673 = tpu.memref_slice %arg8[%arg0, %dma_start3A_671, %dma_start3A_672] : memref<2x10000x128xf32, #tpu.memory_space<hbm>> -> memref<1x10000x128xf32, #tpu.memory_space<hbm>>
        %dma_start3A_674 = tpu.memref_squeeze %dma_start3A_673 : memref<1x10000x128xf32, #tpu.memory_space<hbm>> -> memref<10000x128xf32, #tpu.memory_space<hbm>>
        %dma_start3A_675 = arith.constant 0 : i32
        %dma_start3A_676 = tpu.memref_slice %dma_start3A_674[%multiple_of3A_636, %dma_start3A_675] : memref<10000x128xf32, #tpu.memory_space<hbm>> -> memref<64x128xf32, #tpu.memory_space<hbm>>
        %dma_start3A_677 = arith.constant 0 : i32
        %dma_start3A_678 = arith.constant 0 : i32
        %dma_start3A_679 = tpu.memref_slice %arg8[%arg0, %dma_start3A_677, %dma_start3A_678] : memref<2x10000x128xf32, #tpu.memory_space<hbm>> -> memref<1x10000x128xf32, #tpu.memory_space<hbm>>
        %dma_start3A_680 = tpu.memref_squeeze %dma_start3A_679 : memref<1x10000x128xf32, #tpu.memory_space<hbm>> -> memref<10000x128xf32, #tpu.memory_space<hbm>>
        %dma_start3A_681 = arith.constant 0 : i32
        %dma_start3A_682 = tpu.memref_slice %dma_start3A_680[%multiple_of3A_636, %dma_start3A_681] : memref<10000x128xf32, #tpu.memory_space<hbm>> -> memref<64x128xf32, #tpu.memory_space<hbm>>
        %dma_start3A_683 = arith.constant 0 : i32
        %dma_start3A_684 = arith.constant 0 : i32
        %dma_start3A_685 = tpu.memref_slice %arg14[%dma_start3A_683, %dma_start3A_684] : memref<80x128xf32, #tpu.memory_space<vmem>> -> memref<64x128xf32, #tpu.memory_space<vmem>>
        tpu.enqueue_dma source(%dma_start3A_685 : memref<64x128xf32, #tpu.memory_space<vmem>>) target(%dma_start3A_682 : memref<64x128xf32, #tpu.memory_space<hbm>>) target_semaphore(%run_scoped3A : memref<!tpu.dma_semaphore, #tpu.memory_space<semaphore_mem>>)
        %dma_wait3A = arith.constant 0 : i32
        %dma_wait3A_686 = arith.constant 0 : i32
        %dma_wait3A_687 = tpu.memref_slice %arg14[%dma_wait3A, %dma_wait3A_686] : memref<80x128xf32, #tpu.memory_space<vmem>> -> memref<64x128xf32, #tpu.memory_space<vmem>>
        %dma_wait3A_688 = arith.constant 0 : i32
        %dma_wait3A_689 = arith.constant 0 : i32
        %dma_wait3A_690 = tpu.memref_slice %arg8[%arg0, %dma_wait3A_688, %dma_wait3A_689] : memref<2x10000x128xf32, #tpu.memory_space<hbm>> -> memref<1x10000x128xf32, #tpu.memory_space<hbm>>
        %dma_wait3A_691 = tpu.memref_squeeze %dma_wait3A_690 : memref<1x10000x128xf32, #tpu.memory_space<hbm>> -> memref<10000x128xf32, #tpu.memory_space<hbm>>
        %dma_wait3A_692 = arith.constant 0 : i32
        %dma_wait3A_693 = tpu.memref_slice %dma_wait3A_691[%multiple_of3A_636, %dma_wait3A_692] : memref<10000x128xf32, #tpu.memory_space<hbm>> -> memref<64x128xf32, #tpu.memory_space<hbm>>
        %dma_wait3A_694 = arith.constant 0 : i32
        %dma_wait3A_695 = arith.constant 0 : i32
        %dma_wait3A_696 = tpu.memref_slice %arg8[%arg0, %dma_wait3A_694, %dma_wait3A_695] : memref<2x10000x128xf32, #tpu.memory_space<hbm>> -> memref<1x10000x128xf32, #tpu.memory_space<hbm>>
        %dma_wait3A_697 = tpu.memref_squeeze %dma_wait3A_696 : memref<1x10000x128xf32, #tpu.memory_space<hbm>> -> memref<10000x128xf32, #tpu.memory_space<hbm>>
        %dma_wait3A_698 = arith.constant 0 : i32
        %dma_wait3A_699 = tpu.memref_slice %dma_wait3A_697[%multiple_of3A_636, %dma_wait3A_698] : memref<10000x128xf32, #tpu.memory_space<hbm>> -> memref<64x128xf32, #tpu.memory_space<hbm>>
        %dma_wait3A_700 = arith.constant 0 : i32
        %dma_wait3A_701 = arith.constant 0 : i32
        %dma_wait3A_702 = tpu.memref_slice %arg14[%dma_wait3A_700, %dma_wait3A_701] : memref<80x128xf32, #tpu.memory_space<vmem>> -> memref<64x128xf32, #tpu.memory_space<vmem>>
        tpu.wait_dma2 semaphore(%run_scoped3A : memref<!tpu.dma_semaphore, #tpu.memory_space<semaphore_mem>>) src(%dma_wait3A_702 : memref<64x128xf32, #tpu.memory_space<vmem>>) dst(%dma_wait3A_699 : memref<64x128xf32, #tpu.memory_space<hbm>>)
        tpu.yield
      }) : () -> ()
    } else {
    }
    return
  }
}

#map = affine_map<(d0, d1) -> (0)>
#map1 = affine_map<(d0, d1) -> (0, 0)>
#map2 = affine_map<(d0, d1) -> (0, 0, 0)>
module attributes {stable_mosaic.version = 14 : i64} {
  func.func @_ex_body(%arg0: i32, %arg1: i32, %arg2: memref<320000xi32, #tpu.memory_space<hbm>>, %arg3: memref<320000x16xf32, #tpu.memory_space<hbm>>, %arg4: memref<2x10000x128xf32, #tpu.memory_space<hbm>>, %arg5: memref<80xi32, #tpu.memory_space<vmem>>, %arg6: memref<80x16xf32, #tpu.memory_space<vmem>>, %arg7: memref<80x128xf32, #tpu.memory_space<vmem>>, %arg8: memref<80xi32, #tpu.memory_space<vmem>>, %arg9: memref<64xi32, #tpu.memory_space<vmem>>, %arg10: memref<10000x128xf32, #tpu.memory_space<vmem_shared>>) attributes {dimension_semantics = [#tpu.dimension_semantics<core_parallel>, #tpu.dimension_semantics<subcore_parallel>], iteration_bounds = array<i64: 2, 16>, scalar_prefetch = 0 : i64, scratch_operands = 6 : i64, tpu.core_type = #tpu.core_type<sc_vector_subcore>, window_params = [{transform_indices = #map}, {transform_indices = #map1}, {transform_indices = #map2}]} {
    %mul3A = arith.constant 16 : i32
    %mul3A_0 = arith.muli %arg0, %mul3A : i32
    %add3A = arith.addi %mul3A_0, %arg1 : i32
    %iota3A = tpu.iota {dimensions = array<i32: 0>} : vector<16xi32>
    %eq3A = arith.constant 0 : i32
    %eq3A_1 = arith.cmpi eq, %arg1, %eq3A : i32
    %sub3A = arith.constant 1 : i32
    %sub3A_2 = arith.subi %arg1, %sub3A : i32
    %mul3A_3 = arith.constant 624 : i32
    %mul3A_4 = arith.muli %sub3A_2, %mul3A_3 : i32
    %add3A_5 = arith.constant 640 : i32
    %add3A_6 = arith.addi %add3A_5, %mul3A_4 : i32
    %jit3A = arith.constant 0 : i32
    %select_n3A = arith.select %eq3A_1, %jit3A, %add3A_6 : i32
    %broadcast_in_dim3A = arith.constant 0.000000e+00 : f32
    %broadcast_in_dim3A_7 = vector.broadcast %broadcast_in_dim3A : f32 to vector<16xf32>
    %scan3A = arith.constant 0 : i32
    %scan3A_8 = arith.constant 0 : i32
    %scan3A_9 = arith.constant 80 : i32
    %scan3A_10 = arith.addi %scan3A_8, %scan3A_9 : i32
    %scan3A_11 = arith.constant 1 : i32
    %scan3A_12 = scf.for %scan3A_634 = %scan3A_8 to %scan3A_10 step %scan3A_11 iter_args(%scan3A_635 = %scan3A) -> (i32)  : i32 {
      %swap3A_636 = arith.index_cast %scan3A_634 : i32 to index
      %swap3A_637 = arith.constant 0 : index
      %swap3A_638 = tpu.vector_load %arg7[%swap3A_636, %swap3A_637] {strides = array<i32>} : memref<80x128xf32, #tpu.memory_space<vmem>>, vector<1x16xf32>,
      %swap3A_639 = vector.shape_cast %swap3A_638 : vector<1x16xf32> to vector<16xf32>
      %swap3A_640 = vector.shape_cast %broadcast_in_dim3A_7 : vector<16xf32> to vector<1x16xf32>
      tpu.vector_store %arg7[%swap3A_636, %swap3A_637], %swap3A_640 {strides = array<i32>} : memref<80x128xf32, #tpu.memory_space<vmem>>, vector<1x16xf32>,
      %swap3A_641 = arith.index_cast %scan3A_634 : i32 to index
      %swap3A_642 = arith.constant 16 : index
      %swap3A_643 = tpu.vector_load %arg7[%swap3A_641, %swap3A_642] {strides = array<i32>} : memref<80x128xf32, #tpu.memory_space<vmem>>, vector<1x16xf32>,
      %swap3A_644 = vector.shape_cast %swap3A_643 : vector<1x16xf32> to vector<16xf32>
      %swap3A_645 = vector.shape_cast %broadcast_in_dim3A_7 : vector<16xf32> to vector<1x16xf32>
      tpu.vector_store %arg7[%swap3A_641, %swap3A_642], %swap3A_645 {strides = array<i32>} : memref<80x128xf32, #tpu.memory_space<vmem>>, vector<1x16xf32>,
      %swap3A_646 = arith.index_cast %scan3A_634 : i32 to index
      %swap3A_647 = arith.constant 32 : index
      %swap3A_648 = tpu.vector_load %arg7[%swap3A_646, %swap3A_647] {strides = array<i32>} : memref<80x128xf32, #tpu.memory_space<vmem>>, vector<1x16xf32>,
      %swap3A_649 = vector.shape_cast %swap3A_648 : vector<1x16xf32> to vector<16xf32>
      %swap3A_650 = vector.shape_cast %broadcast_in_dim3A_7 : vector<16xf32> to vector<1x16xf32>
      tpu.vector_store %arg7[%swap3A_646, %swap3A_647], %swap3A_650 {strides = array<i32>} : memref<80x128xf32, #tpu.memory_space<vmem>>, vector<1x16xf32>,
      %swap3A_651 = arith.index_cast %scan3A_634 : i32 to index
      %swap3A_652 = arith.constant 48 : index
      %swap3A_653 = tpu.vector_load %arg7[%swap3A_651, %swap3A_652] {strides = array<i32>} : memref<80x128xf32, #tpu.memory_space<vmem>>, vector<1x16xf32>,
      %swap3A_654 = vector.shape_cast %swap3A_653 : vector<1x16xf32> to vector<16xf32>
      %swap3A_655 = vector.shape_cast %broadcast_in_dim3A_7 : vector<16xf32> to vector<1x16xf32>
      tpu.vector_store %arg7[%swap3A_651, %swap3A_652], %swap3A_655 {strides = array<i32>} : memref<80x128xf32, #tpu.memory_space<vmem>>, vector<1x16xf32>,
      %swap3A_656 = arith.index_cast %scan3A_634 : i32 to index
      %swap3A_657 = arith.constant 64 : index
      %swap3A_658 = tpu.vector_load %arg7[%swap3A_656, %swap3A_657] {strides = array<i32>} : memref<80x128xf32, #tpu.memory_space<vmem>>, vector<1x16xf32>,
      %swap3A_659 = vector.shape_cast %swap3A_658 : vector<1x16xf32> to vector<16xf32>
      %swap3A_660 = vector.shape_cast %broadcast_in_dim3A_7 : vector<16xf32> to vector<1x16xf32>
      tpu.vector_store %arg7[%swap3A_656, %swap3A_657], %swap3A_660 {strides = array<i32>} : memref<80x128xf32, #tpu.memory_space<vmem>>, vector<1x16xf32>,
      %swap3A_661 = arith.index_cast %scan3A_634 : i32 to index
      %swap3A_662 = arith.constant 80 : index
      %swap3A_663 = tpu.vector_load %arg7[%swap3A_661, %swap3A_662] {strides = array<i32>} : memref<80x128xf32, #tpu.memory_space<vmem>>, vector<1x16xf32>,
      %swap3A_664 = vector.shape_cast %swap3A_663 : vector<1x16xf32> to vector<16xf32>
      %swap3A_665 = vector.shape_cast %broadcast_in_dim3A_7 : vector<16xf32> to vector<1x16xf32>
      tpu.vector_store %arg7[%swap3A_661, %swap3A_662], %swap3A_665 {strides = array<i32>} : memref<80x128xf32, #tpu.memory_space<vmem>>, vector<1x16xf32>,
      %swap3A_666 = arith.index_cast %scan3A_634 : i32 to index
      %swap3A_667 = arith.constant 96 : index
      %swap3A_668 = tpu.vector_load %arg7[%swap3A_666, %swap3A_667] {strides = array<i32>} : memref<80x128xf32, #tpu.memory_space<vmem>>, vector<1x16xf32>,
      %swap3A_669 = vector.shape_cast %swap3A_668 : vector<1x16xf32> to vector<16xf32>
      %swap3A_670 = vector.shape_cast %broadcast_in_dim3A_7 : vector<16xf32> to vector<1x16xf32>
      tpu.vector_store %arg7[%swap3A_666, %swap3A_667], %swap3A_670 {strides = array<i32>} : memref<80x128xf32, #tpu.memory_space<vmem>>, vector<1x16xf32>,
      %swap3A_671 = arith.index_cast %scan3A_634 : i32 to index
      %swap3A_672 = arith.constant 112 : index
      %swap3A_673 = tpu.vector_load %arg7[%swap3A_671, %swap3A_672] {strides = array<i32>} : memref<80x128xf32, #tpu.memory_space<vmem>>, vector<1x16xf32>,
      %swap3A_674 = vector.shape_cast %swap3A_673 : vector<1x16xf32> to vector<16xf32>
      %swap3A_675 = vector.shape_cast %broadcast_in_dim3A_7 : vector<16xf32> to vector<1x16xf32>
      tpu.vector_store %arg7[%swap3A_671, %swap3A_672], %swap3A_675 {strides = array<i32>} : memref<80x128xf32, #tpu.memory_space<vmem>>, vector<1x16xf32>,
      %scan3A_676 = arith.constant 0 : i32
      scf.yield %scan3A_676 : i32
    }
    %scan3A_13 = arith.constant 80 : i32
    %add3A_14 = arith.constant 0 : i32
    %add3A_15 = arith.addi %select_n3A, %add3A_14 : i32
    %add3A_16 = arith.constant 0 : i32
    %add3A_17 = arith.addi %add3A_15, %add3A_16 : i32
    %add3A_18 = vector.broadcast %add3A_17 : i32 to vector<16xi32>
    %add3A_19 = arith.addi %add3A_18, %iota3A : vector<16xi32>
    %swap3A = arith.constant 0 : index
    %swap3A_20 = tpu.vector_load %arg8[%swap3A] {strides = array<i32>} : memref<80xi32, #tpu.memory_space<vmem>>, vector<16xi32>,
    %swap3A_21 = vector.shape_cast %swap3A_20 : vector<16xi32> to vector<16xi32>
    %swap3A_22 = vector.shape_cast %add3A_19 : vector<16xi32> to vector<16xi32>
    tpu.vector_store %arg8[%swap3A], %swap3A_22 {strides = array<i32>} : memref<80xi32, #tpu.memory_space<vmem>>, vector<16xi32>,
    %add3A_23 = arith.constant 16 : i32
    %add3A_24 = arith.addi %add3A_15, %add3A_23 : i32
    %add3A_25 = vector.broadcast %add3A_24 : i32 to vector<16xi32>
    %add3A_26 = arith.addi %add3A_25, %iota3A : vector<16xi32>
    %swap3A_27 = arith.constant 16 : index
    %swap3A_28 = tpu.vector_load %arg8[%swap3A_27] {strides = array<i32>} : memref<80xi32, #tpu.memory_space<vmem>>, vector<16xi32>,
    %swap3A_29 = vector.shape_cast %swap3A_28 : vector<16xi32> to vector<16xi32>
    %swap3A_30 = vector.shape_cast %add3A_26 : vector<16xi32> to vector<16xi32>
    tpu.vector_store %arg8[%swap3A_27], %swap3A_30 {strides = array<i32>} : memref<80xi32, #tpu.memory_space<vmem>>, vector<16xi32>,
    %add3A_31 = arith.constant 32 : i32
    %add3A_32 = arith.addi %add3A_15, %add3A_31 : i32
    %add3A_33 = vector.broadcast %add3A_32 : i32 to vector<16xi32>
    %add3A_34 = arith.addi %add3A_33, %iota3A : vector<16xi32>
    %swap3A_35 = arith.constant 32 : index
    %swap3A_36 = tpu.vector_load %arg8[%swap3A_35] {strides = array<i32>} : memref<80xi32, #tpu.memory_space<vmem>>, vector<16xi32>,
    %swap3A_37 = vector.shape_cast %swap3A_36 : vector<16xi32> to vector<16xi32>
    %swap3A_38 = vector.shape_cast %add3A_34 : vector<16xi32> to vector<16xi32>
    tpu.vector_store %arg8[%swap3A_35], %swap3A_38 {strides = array<i32>} : memref<80xi32, #tpu.memory_space<vmem>>, vector<16xi32>,
    %add3A_39 = arith.constant 48 : i32
    %add3A_40 = arith.addi %add3A_15, %add3A_39 : i32
    %add3A_41 = vector.broadcast %add3A_40 : i32 to vector<16xi32>
    %add3A_42 = arith.addi %add3A_41, %iota3A : vector<16xi32>
    %swap3A_43 = arith.constant 48 : index
    %swap3A_44 = tpu.vector_load %arg8[%swap3A_43] {strides = array<i32>} : memref<80xi32, #tpu.memory_space<vmem>>, vector<16xi32>,
    %swap3A_45 = vector.shape_cast %swap3A_44 : vector<16xi32> to vector<16xi32>
    %swap3A_46 = vector.shape_cast %add3A_42 : vector<16xi32> to vector<16xi32>
    tpu.vector_store %arg8[%swap3A_43], %swap3A_46 {strides = array<i32>} : memref<80xi32, #tpu.memory_space<vmem>>, vector<16xi32>,
    %add3A_47 = arith.constant 64 : i32
    %add3A_48 = arith.addi %add3A_15, %add3A_47 : i32
    %add3A_49 = vector.broadcast %add3A_48 : i32 to vector<16xi32>
    %add3A_50 = arith.addi %add3A_49, %iota3A : vector<16xi32>
    %swap3A_51 = arith.constant 64 : index
    %swap3A_52 = tpu.vector_load %arg8[%swap3A_51] {strides = array<i32>} : memref<80xi32, #tpu.memory_space<vmem>>, vector<16xi32>,
    %swap3A_53 = vector.shape_cast %swap3A_52 : vector<16xi32> to vector<16xi32>
    %swap3A_54 = vector.shape_cast %add3A_50 : vector<16xi32> to vector<16xi32>
    tpu.vector_store %arg8[%swap3A_51], %swap3A_54 {strides = array<i32>} : memref<80xi32, #tpu.memory_space<vmem>>, vector<16xi32>,
    "tpu.region"() ({
      %run_scoped3A = tpu.sem_alloc : memref<!tpu.dma_semaphore, #tpu.memory_space<semaphore_mem>>
      %dma_start3A = arith.constant 0 : i32
      %dma_start3A_634 = arith.constant 0 : i32
      %dma_start3A_635 = tpu.memref_slice %arg10[%dma_start3A, %dma_start3A_634] : memref<10000x128xf32, #tpu.memory_space<vmem_shared>> -> memref<10000x128xf32, #tpu.memory_space<vmem_shared>>
      tpu.enqueue_indirect_dma source(%arg7 : memref<80x128xf32, #tpu.memory_space<vmem>>) target(%dma_start3A_635 : memref<10000x128xf32, #tpu.memory_space<vmem_shared>>) offsets(%arg8 : memref<80xi32, #tpu.memory_space<vmem>>) semaphore(%run_scoped3A : memref<!tpu.dma_semaphore, #tpu.memory_space<semaphore_mem>>)
      %dma_wait3A = arith.constant 0 : i32
      %dma_wait3A_636 = arith.constant 0 : i32
      %dma_wait3A_637 = tpu.memref_slice %arg10[%dma_wait3A, %dma_wait3A_636] : memref<10000x128xf32, #tpu.memory_space<vmem_shared>> -> memref<10000x128xf32, #tpu.memory_space<vmem_shared>>
      tpu.wait_indirect_dma semaphore(%run_scoped3A : memref<!tpu.dma_semaphore, #tpu.memory_space<semaphore_mem>>) src(%arg7 : memref<80x128xf32, #tpu.memory_space<vmem>>) dst(%dma_wait3A_637 : memref<10000x128xf32, #tpu.memory_space<vmem_shared>>)
      tpu.yield
    }) : () -> ()
    %add3A_55 = arith.constant 80 : i32
    %add3A_56 = arith.addi %select_n3A, %add3A_55 : i32
    %add3A_57 = arith.constant 0 : i32
    %add3A_58 = arith.addi %add3A_56, %add3A_57 : i32
    %add3A_59 = vector.broadcast %add3A_58 : i32 to vector<16xi32>
    %add3A_60 = arith.addi %add3A_59, %iota3A : vector<16xi32>
    %swap3A_61 = arith.constant 0 : index
    %swap3A_62 = tpu.vector_load %arg8[%swap3A_61] {strides = array<i32>} : memref<80xi32, #tpu.memory_space<vmem>>, vector<16xi32>,
    %swap3A_63 = vector.shape_cast %swap3A_62 : vector<16xi32> to vector<16xi32>
    %swap3A_64 = vector.shape_cast %add3A_60 : vector<16xi32> to vector<16xi32>
    tpu.vector_store %arg8[%swap3A_61], %swap3A_64 {strides = array<i32>} : memref<80xi32, #tpu.memory_space<vmem>>, vector<16xi32>,
    %add3A_65 = arith.constant 16 : i32
    %add3A_66 = arith.addi %add3A_56, %add3A_65 : i32
    %add3A_67 = vector.broadcast %add3A_66 : i32 to vector<16xi32>
    %add3A_68 = arith.addi %add3A_67, %iota3A : vector<16xi32>
    %swap3A_69 = arith.constant 16 : index
    %swap3A_70 = tpu.vector_load %arg8[%swap3A_69] {strides = array<i32>} : memref<80xi32, #tpu.memory_space<vmem>>, vector<16xi32>,
    %swap3A_71 = vector.shape_cast %swap3A_70 : vector<16xi32> to vector<16xi32>
    %swap3A_72 = vector.shape_cast %add3A_68 : vector<16xi32> to vector<16xi32>
    tpu.vector_store %arg8[%swap3A_69], %swap3A_72 {strides = array<i32>} : memref<80xi32, #tpu.memory_space<vmem>>, vector<16xi32>,
    %add3A_73 = arith.constant 32 : i32
    %add3A_74 = arith.addi %add3A_56, %add3A_73 : i32
    %add3A_75 = vector.broadcast %add3A_74 : i32 to vector<16xi32>
    %add3A_76 = arith.addi %add3A_75, %iota3A : vector<16xi32>
    %swap3A_77 = arith.constant 32 : index
    %swap3A_78 = tpu.vector_load %arg8[%swap3A_77] {strides = array<i32>} : memref<80xi32, #tpu.memory_space<vmem>>, vector<16xi32>,
    %swap3A_79 = vector.shape_cast %swap3A_78 : vector<16xi32> to vector<16xi32>
    %swap3A_80 = vector.shape_cast %add3A_76 : vector<16xi32> to vector<16xi32>
    tpu.vector_store %arg8[%swap3A_77], %swap3A_80 {strides = array<i32>} : memref<80xi32, #tpu.memory_space<vmem>>, vector<16xi32>,
    %add3A_81 = arith.constant 48 : i32
    %add3A_82 = arith.addi %add3A_56, %add3A_81 : i32
    %add3A_83 = vector.broadcast %add3A_82 : i32 to vector<16xi32>
    %add3A_84 = arith.addi %add3A_83, %iota3A : vector<16xi32>
    %swap3A_85 = arith.constant 48 : index
    %swap3A_86 = tpu.vector_load %arg8[%swap3A_85] {strides = array<i32>} : memref<80xi32, #tpu.memory_space<vmem>>, vector<16xi32>,
    %swap3A_87 = vector.shape_cast %swap3A_86 : vector<16xi32> to vector<16xi32>
    %swap3A_88 = vector.shape_cast %add3A_84 : vector<16xi32> to vector<16xi32>
    tpu.vector_store %arg8[%swap3A_85], %swap3A_88 {strides = array<i32>} : memref<80xi32, #tpu.memory_space<vmem>>, vector<16xi32>,
    %add3A_89 = arith.constant 64 : i32
    %add3A_90 = arith.addi %add3A_56, %add3A_89 : i32
    %add3A_91 = vector.broadcast %add3A_90 : i32 to vector<16xi32>
    %add3A_92 = arith.addi %add3A_91, %iota3A : vector<16xi32>
    %swap3A_93 = arith.constant 64 : index
    %swap3A_94 = tpu.vector_load %arg8[%swap3A_93] {strides = array<i32>} : memref<80xi32, #tpu.memory_space<vmem>>, vector<16xi32>,
    %swap3A_95 = vector.shape_cast %swap3A_94 : vector<16xi32> to vector<16xi32>
    %swap3A_96 = vector.shape_cast %add3A_92 : vector<16xi32> to vector<16xi32>
    tpu.vector_store %arg8[%swap3A_93], %swap3A_96 {strides = array<i32>} : memref<80xi32, #tpu.memory_space<vmem>>, vector<16xi32>,
    "tpu.region"() ({
      %run_scoped3A = tpu.sem_alloc : memref<!tpu.dma_semaphore, #tpu.memory_space<semaphore_mem>>
      %dma_start3A = arith.constant 0 : i32
      %dma_start3A_634 = arith.constant 0 : i32
      %dma_start3A_635 = tpu.memref_slice %arg10[%dma_start3A, %dma_start3A_634] : memref<10000x128xf32, #tpu.memory_space<vmem_shared>> -> memref<10000x128xf32, #tpu.memory_space<vmem_shared>>
      tpu.enqueue_indirect_dma source(%arg7 : memref<80x128xf32, #tpu.memory_space<vmem>>) target(%dma_start3A_635 : memref<10000x128xf32, #tpu.memory_space<vmem_shared>>) offsets(%arg8 : memref<80xi32, #tpu.memory_space<vmem>>) semaphore(%run_scoped3A : memref<!tpu.dma_semaphore, #tpu.memory_space<semaphore_mem>>)
      %dma_wait3A = arith.constant 0 : i32
      %dma_wait3A_636 = arith.constant 0 : i32
      %dma_wait3A_637 = tpu.memref_slice %arg10[%dma_wait3A, %dma_wait3A_636] : memref<10000x128xf32, #tpu.memory_space<vmem_shared>> -> memref<10000x128xf32, #tpu.memory_space<vmem_shared>>
      tpu.wait_indirect_dma semaphore(%run_scoped3A : memref<!tpu.dma_semaphore, #tpu.memory_space<semaphore_mem>>) src(%arg7 : memref<80x128xf32, #tpu.memory_space<vmem>>) dst(%dma_wait3A_637 : memref<10000x128xf32, #tpu.memory_space<vmem_shared>>)
      tpu.yield
    }) : () -> ()
    %add3A_97 = arith.constant 160 : i32
    %add3A_98 = arith.addi %select_n3A, %add3A_97 : i32
    %add3A_99 = arith.constant 0 : i32
    %add3A_100 = arith.addi %add3A_98, %add3A_99 : i32
    %add3A_101 = vector.broadcast %add3A_100 : i32 to vector<16xi32>
    %add3A_102 = arith.addi %add3A_101, %iota3A : vector<16xi32>
    %swap3A_103 = arith.constant 0 : index
    %swap3A_104 = tpu.vector_load %arg8[%swap3A_103] {strides = array<i32>} : memref<80xi32, #tpu.memory_space<vmem>>, vector<16xi32>,
    %swap3A_105 = vector.shape_cast %swap3A_104 : vector<16xi32> to vector<16xi32>
    %swap3A_106 = vector.shape_cast %add3A_102 : vector<16xi32> to vector<16xi32>
    tpu.vector_store %arg8[%swap3A_103], %swap3A_106 {strides = array<i32>} : memref<80xi32, #tpu.memory_space<vmem>>, vector<16xi32>,
    %add3A_107 = arith.constant 16 : i32
    %add3A_108 = arith.addi %add3A_98, %add3A_107 : i32
    %add3A_109 = vector.broadcast %add3A_108 : i32 to vector<16xi32>
    %add3A_110 = arith.addi %add3A_109, %iota3A : vector<16xi32>
    %swap3A_111 = arith.constant 16 : index
    %swap3A_112 = tpu.vector_load %arg8[%swap3A_111] {strides = array<i32>} : memref<80xi32, #tpu.memory_space<vmem>>, vector<16xi32>,
    %swap3A_113 = vector.shape_cast %swap3A_112 : vector<16xi32> to vector<16xi32>
    %swap3A_114 = vector.shape_cast %add3A_110 : vector<16xi32> to vector<16xi32>
    tpu.vector_store %arg8[%swap3A_111], %swap3A_114 {strides = array<i32>} : memref<80xi32, #tpu.memory_space<vmem>>, vector<16xi32>,
    %add3A_115 = arith.constant 32 : i32
    %add3A_116 = arith.addi %add3A_98, %add3A_115 : i32
    %add3A_117 = vector.broadcast %add3A_116 : i32 to vector<16xi32>
    %add3A_118 = arith.addi %add3A_117, %iota3A : vector<16xi32>
    %swap3A_119 = arith.constant 32 : index
    %swap3A_120 = tpu.vector_load %arg8[%swap3A_119] {strides = array<i32>} : memref<80xi32, #tpu.memory_space<vmem>>, vector<16xi32>,
    %swap3A_121 = vector.shape_cast %swap3A_120 : vector<16xi32> to vector<16xi32>
    %swap3A_122 = vector.shape_cast %add3A_118 : vector<16xi32> to vector<16xi32>
    tpu.vector_store %arg8[%swap3A_119], %swap3A_122 {strides = array<i32>} : memref<80xi32, #tpu.memory_space<vmem>>, vector<16xi32>,
    %add3A_123 = arith.constant 48 : i32
    %add3A_124 = arith.addi %add3A_98, %add3A_123 : i32
    %add3A_125 = vector.broadcast %add3A_124 : i32 to vector<16xi32>
    %add3A_126 = arith.addi %add3A_125, %iota3A : vector<16xi32>
    %swap3A_127 = arith.constant 48 : index
    %swap3A_128 = tpu.vector_load %arg8[%swap3A_127] {strides = array<i32>} : memref<80xi32, #tpu.memory_space<vmem>>, vector<16xi32>,
    %swap3A_129 = vector.shape_cast %swap3A_128 : vector<16xi32> to vector<16xi32>
    %swap3A_130 = vector.shape_cast %add3A_126 : vector<16xi32> to vector<16xi32>
    tpu.vector_store %arg8[%swap3A_127], %swap3A_130 {strides = array<i32>} : memref<80xi32, #tpu.memory_space<vmem>>, vector<16xi32>,
    %add3A_131 = arith.constant 64 : i32
    %add3A_132 = arith.addi %add3A_98, %add3A_131 : i32
    %add3A_133 = vector.broadcast %add3A_132 : i32 to vector<16xi32>
    %add3A_134 = arith.addi %add3A_133, %iota3A : vector<16xi32>
    %swap3A_135 = arith.constant 64 : index
    %swap3A_136 = tpu.vector_load %arg8[%swap3A_135] {strides = array<i32>} : memref<80xi32, #tpu.memory_space<vmem>>, vector<16xi32>,
    %swap3A_137 = vector.shape_cast %swap3A_136 : vector<16xi32> to vector<16xi32>
    %swap3A_138 = vector.shape_cast %add3A_134 : vector<16xi32> to vector<16xi32>
    tpu.vector_store %arg8[%swap3A_135], %swap3A_138 {strides = array<i32>} : memref<80xi32, #tpu.memory_space<vmem>>, vector<16xi32>,
    "tpu.region"() ({
      %run_scoped3A = tpu.sem_alloc : memref<!tpu.dma_semaphore, #tpu.memory_space<semaphore_mem>>
      %dma_start3A = arith.constant 0 : i32
      %dma_start3A_634 = arith.constant 0 : i32
      %dma_start3A_635 = tpu.memref_slice %arg10[%dma_start3A, %dma_start3A_634] : memref<10000x128xf32, #tpu.memory_space<vmem_shared>> -> memref<10000x128xf32, #tpu.memory_space<vmem_shared>>
      tpu.enqueue_indirect_dma source(%arg7 : memref<80x128xf32, #tpu.memory_space<vmem>>) target(%dma_start3A_635 : memref<10000x128xf32, #tpu.memory_space<vmem_shared>>) offsets(%arg8 : memref<80xi32, #tpu.memory_space<vmem>>) semaphore(%run_scoped3A : memref<!tpu.dma_semaphore, #tpu.memory_space<semaphore_mem>>)
      %dma_wait3A = arith.constant 0 : i32
      %dma_wait3A_636 = arith.constant 0 : i32
      %dma_wait3A_637 = tpu.memref_slice %arg10[%dma_wait3A, %dma_wait3A_636] : memref<10000x128xf32, #tpu.memory_space<vmem_shared>> -> memref<10000x128xf32, #tpu.memory_space<vmem_shared>>
      tpu.wait_indirect_dma semaphore(%run_scoped3A : memref<!tpu.dma_semaphore, #tpu.memory_space<semaphore_mem>>) src(%arg7 : memref<80x128xf32, #tpu.memory_space<vmem>>) dst(%dma_wait3A_637 : memref<10000x128xf32, #tpu.memory_space<vmem_shared>>)
      tpu.yield
    }) : () -> ()
    %add3A_139 = arith.constant 240 : i32
    %add3A_140 = arith.addi %select_n3A, %add3A_139 : i32
    %add3A_141 = arith.constant 0 : i32
    %add3A_142 = arith.addi %add3A_140, %add3A_141 : i32
    %add3A_143 = vector.broadcast %add3A_142 : i32 to vector<16xi32>
    %add3A_144 = arith.addi %add3A_143, %iota3A : vector<16xi32>
    %swap3A_145 = arith.constant 0 : index
    %swap3A_146 = tpu.vector_load %arg8[%swap3A_145] {strides = array<i32>} : memref<80xi32, #tpu.memory_space<vmem>>, vector<16xi32>,
    %swap3A_147 = vector.shape_cast %swap3A_146 : vector<16xi32> to vector<16xi32>
    %swap3A_148 = vector.shape_cast %add3A_144 : vector<16xi32> to vector<16xi32>
    tpu.vector_store %arg8[%swap3A_145], %swap3A_148 {strides = array<i32>} : memref<80xi32, #tpu.memory_space<vmem>>, vector<16xi32>,
    %add3A_149 = arith.constant 16 : i32
    %add3A_150 = arith.addi %add3A_140, %add3A_149 : i32
    %add3A_151 = vector.broadcast %add3A_150 : i32 to vector<16xi32>
    %add3A_152 = arith.addi %add3A_151, %iota3A : vector<16xi32>
    %swap3A_153 = arith.constant 16 : index
    %swap3A_154 = tpu.vector_load %arg8[%swap3A_153] {strides = array<i32>} : memref<80xi32, #tpu.memory_space<vmem>>, vector<16xi32>,
    %swap3A_155 = vector.shape_cast %swap3A_154 : vector<16xi32> to vector<16xi32>
    %swap3A_156 = vector.shape_cast %add3A_152 : vector<16xi32> to vector<16xi32>
    tpu.vector_store %arg8[%swap3A_153], %swap3A_156 {strides = array<i32>} : memref<80xi32, #tpu.memory_space<vmem>>, vector<16xi32>,
    %add3A_157 = arith.constant 32 : i32
    %add3A_158 = arith.addi %add3A_140, %add3A_157 : i32
    %add3A_159 = vector.broadcast %add3A_158 : i32 to vector<16xi32>
    %add3A_160 = arith.addi %add3A_159, %iota3A : vector<16xi32>
    %swap3A_161 = arith.constant 32 : index
    %swap3A_162 = tpu.vector_load %arg8[%swap3A_161] {strides = array<i32>} : memref<80xi32, #tpu.memory_space<vmem>>, vector<16xi32>,
    %swap3A_163 = vector.shape_cast %swap3A_162 : vector<16xi32> to vector<16xi32>
    %swap3A_164 = vector.shape_cast %add3A_160 : vector<16xi32> to vector<16xi32>
    tpu.vector_store %arg8[%swap3A_161], %swap3A_164 {strides = array<i32>} : memref<80xi32, #tpu.memory_space<vmem>>, vector<16xi32>,
    %add3A_165 = arith.constant 48 : i32
    %add3A_166 = arith.addi %add3A_140, %add3A_165 : i32
    %add3A_167 = vector.broadcast %add3A_166 : i32 to vector<16xi32>
    %add3A_168 = arith.addi %add3A_167, %iota3A : vector<16xi32>
    %swap3A_169 = arith.constant 48 : index
    %swap3A_170 = tpu.vector_load %arg8[%swap3A_169] {strides = array<i32>} : memref<80xi32, #tpu.memory_space<vmem>>, vector<16xi32>,
    %swap3A_171 = vector.shape_cast %swap3A_170 : vector<16xi32> to vector<16xi32>
    %swap3A_172 = vector.shape_cast %add3A_168 : vector<16xi32> to vector<16xi32>
    tpu.vector_store %arg8[%swap3A_169], %swap3A_172 {strides = array<i32>} : memref<80xi32, #tpu.memory_space<vmem>>, vector<16xi32>,
    %add3A_173 = arith.constant 64 : i32
    %add3A_174 = arith.addi %add3A_140, %add3A_173 : i32
    %add3A_175 = vector.broadcast %add3A_174 : i32 to vector<16xi32>
    %add3A_176 = arith.addi %add3A_175, %iota3A : vector<16xi32>
    %swap3A_177 = arith.constant 64 : index
    %swap3A_178 = tpu.vector_load %arg8[%swap3A_177] {strides = array<i32>} : memref<80xi32, #tpu.memory_space<vmem>>, vector<16xi32>,
    %swap3A_179 = vector.shape_cast %swap3A_178 : vector<16xi32> to vector<16xi32>
    %swap3A_180 = vector.shape_cast %add3A_176 : vector<16xi32> to vector<16xi32>
    tpu.vector_store %arg8[%swap3A_177], %swap3A_180 {strides = array<i32>} : memref<80xi32, #tpu.memory_space<vmem>>, vector<16xi32>,
    "tpu.region"() ({
      %run_scoped3A = tpu.sem_alloc : memref<!tpu.dma_semaphore, #tpu.memory_space<semaphore_mem>>
      %dma_start3A = arith.constant 0 : i32
      %dma_start3A_634 = arith.constant 0 : i32
      %dma_start3A_635 = tpu.memref_slice %arg10[%dma_start3A, %dma_start3A_634] : memref<10000x128xf32, #tpu.memory_space<vmem_shared>> -> memref<10000x128xf32, #tpu.memory_space<vmem_shared>>
      tpu.enqueue_indirect_dma source(%arg7 : memref<80x128xf32, #tpu.memory_space<vmem>>) target(%dma_start3A_635 : memref<10000x128xf32, #tpu.memory_space<vmem_shared>>) offsets(%arg8 : memref<80xi32, #tpu.memory_space<vmem>>) semaphore(%run_scoped3A : memref<!tpu.dma_semaphore, #tpu.memory_space<semaphore_mem>>)
      %dma_wait3A = arith.constant 0 : i32
      %dma_wait3A_636 = arith.constant 0 : i32
      %dma_wait3A_637 = tpu.memref_slice %arg10[%dma_wait3A, %dma_wait3A_636] : memref<10000x128xf32, #tpu.memory_space<vmem_shared>> -> memref<10000x128xf32, #tpu.memory_space<vmem_shared>>
      tpu.wait_indirect_dma semaphore(%run_scoped3A : memref<!tpu.dma_semaphore, #tpu.memory_space<semaphore_mem>>) src(%arg7 : memref<80x128xf32, #tpu.memory_space<vmem>>) dst(%dma_wait3A_637 : memref<10000x128xf32, #tpu.memory_space<vmem_shared>>)
      tpu.yield
    }) : () -> ()
    %add3A_181 = arith.constant 320 : i32
    %add3A_182 = arith.addi %select_n3A, %add3A_181 : i32
    %add3A_183 = arith.constant 0 : i32
    %add3A_184 = arith.addi %add3A_182, %add3A_183 : i32
    %add3A_185 = vector.broadcast %add3A_184 : i32 to vector<16xi32>
    %add3A_186 = arith.addi %add3A_185, %iota3A : vector<16xi32>
    %swap3A_187 = arith.constant 0 : index
    %swap3A_188 = tpu.vector_load %arg8[%swap3A_187] {strides = array<i32>} : memref<80xi32, #tpu.memory_space<vmem>>, vector<16xi32>,
    %swap3A_189 = vector.shape_cast %swap3A_188 : vector<16xi32> to vector<16xi32>
    %swap3A_190 = vector.shape_cast %add3A_186 : vector<16xi32> to vector<16xi32>
    tpu.vector_store %arg8[%swap3A_187], %swap3A_190 {strides = array<i32>} : memref<80xi32, #tpu.memory_space<vmem>>, vector<16xi32>,
    %add3A_191 = arith.constant 16 : i32
    %add3A_192 = arith.addi %add3A_182, %add3A_191 : i32
    %add3A_193 = vector.broadcast %add3A_192 : i32 to vector<16xi32>
    %add3A_194 = arith.addi %add3A_193, %iota3A : vector<16xi32>
    %swap3A_195 = arith.constant 16 : index
    %swap3A_196 = tpu.vector_load %arg8[%swap3A_195] {strides = array<i32>} : memref<80xi32, #tpu.memory_space<vmem>>, vector<16xi32>,
    %swap3A_197 = vector.shape_cast %swap3A_196 : vector<16xi32> to vector<16xi32>
    %swap3A_198 = vector.shape_cast %add3A_194 : vector<16xi32> to vector<16xi32>
    tpu.vector_store %arg8[%swap3A_195], %swap3A_198 {strides = array<i32>} : memref<80xi32, #tpu.memory_space<vmem>>, vector<16xi32>,
    %add3A_199 = arith.constant 32 : i32
    %add3A_200 = arith.addi %add3A_182, %add3A_199 : i32
    %add3A_201 = vector.broadcast %add3A_200 : i32 to vector<16xi32>
    %add3A_202 = arith.addi %add3A_201, %iota3A : vector<16xi32>
    %swap3A_203 = arith.constant 32 : index
    %swap3A_204 = tpu.vector_load %arg8[%swap3A_203] {strides = array<i32>} : memref<80xi32, #tpu.memory_space<vmem>>, vector<16xi32>,
    %swap3A_205 = vector.shape_cast %swap3A_204 : vector<16xi32> to vector<16xi32>
    %swap3A_206 = vector.shape_cast %add3A_202 : vector<16xi32> to vector<16xi32>
    tpu.vector_store %arg8[%swap3A_203], %swap3A_206 {strides = array<i32>} : memref<80xi32, #tpu.memory_space<vmem>>, vector<16xi32>,
    %add3A_207 = arith.constant 48 : i32
    %add3A_208 = arith.addi %add3A_182, %add3A_207 : i32
    %add3A_209 = vector.broadcast %add3A_208 : i32 to vector<16xi32>
    %add3A_210 = arith.addi %add3A_209, %iota3A : vector<16xi32>
    %swap3A_211 = arith.constant 48 : index
    %swap3A_212 = tpu.vector_load %arg8[%swap3A_211] {strides = array<i32>} : memref<80xi32, #tpu.memory_space<vmem>>, vector<16xi32>,
    %swap3A_213 = vector.shape_cast %swap3A_212 : vector<16xi32> to vector<16xi32>
    %swap3A_214 = vector.shape_cast %add3A_210 : vector<16xi32> to vector<16xi32>
    tpu.vector_store %arg8[%swap3A_211], %swap3A_214 {strides = array<i32>} : memref<80xi32, #tpu.memory_space<vmem>>, vector<16xi32>,
    %add3A_215 = arith.constant 64 : i32
    %add3A_216 = arith.addi %add3A_182, %add3A_215 : i32
    %add3A_217 = vector.broadcast %add3A_216 : i32 to vector<16xi32>
    %add3A_218 = arith.addi %add3A_217, %iota3A : vector<16xi32>
    %swap3A_219 = arith.constant 64 : index
    %swap3A_220 = tpu.vector_load %arg8[%swap3A_219] {strides = array<i32>} : memref<80xi32, #tpu.memory_space<vmem>>, vector<16xi32>,
    %swap3A_221 = vector.shape_cast %swap3A_220 : vector<16xi32> to vector<16xi32>
    %swap3A_222 = vector.shape_cast %add3A_218 : vector<16xi32> to vector<16xi32>
    tpu.vector_store %arg8[%swap3A_219], %swap3A_222 {strides = array<i32>} : memref<80xi32, #tpu.memory_space<vmem>>, vector<16xi32>,
    "tpu.region"() ({
      %run_scoped3A = tpu.sem_alloc : memref<!tpu.dma_semaphore, #tpu.memory_space<semaphore_mem>>
      %dma_start3A = arith.constant 0 : i32
      %dma_start3A_634 = arith.constant 0 : i32
      %dma_start3A_635 = tpu.memref_slice %arg10[%dma_start3A, %dma_start3A_634] : memref<10000x128xf32, #tpu.memory_space<vmem_shared>> -> memref<10000x128xf32, #tpu.memory_space<vmem_shared>>
      tpu.enqueue_indirect_dma source(%arg7 : memref<80x128xf32, #tpu.memory_space<vmem>>) target(%dma_start3A_635 : memref<10000x128xf32, #tpu.memory_space<vmem_shared>>) offsets(%arg8 : memref<80xi32, #tpu.memory_space<vmem>>) semaphore(%run_scoped3A : memref<!tpu.dma_semaphore, #tpu.memory_space<semaphore_mem>>)
      %dma_wait3A = arith.constant 0 : i32
      %dma_wait3A_636 = arith.constant 0 : i32
      %dma_wait3A_637 = tpu.memref_slice %arg10[%dma_wait3A, %dma_wait3A_636] : memref<10000x128xf32, #tpu.memory_space<vmem_shared>> -> memref<10000x128xf32, #tpu.memory_space<vmem_shared>>
      tpu.wait_indirect_dma semaphore(%run_scoped3A : memref<!tpu.dma_semaphore, #tpu.memory_space<semaphore_mem>>) src(%arg7 : memref<80x128xf32, #tpu.memory_space<vmem>>) dst(%dma_wait3A_637 : memref<10000x128xf32, #tpu.memory_space<vmem_shared>>)
      tpu.yield
    }) : () -> ()
    %add3A_223 = arith.constant 400 : i32
    %add3A_224 = arith.addi %select_n3A, %add3A_223 : i32
    %add3A_225 = arith.constant 0 : i32
    %add3A_226 = arith.addi %add3A_224, %add3A_225 : i32
    %add3A_227 = vector.broadcast %add3A_226 : i32 to vector<16xi32>
    %add3A_228 = arith.addi %add3A_227, %iota3A : vector<16xi32>
    %swap3A_229 = arith.constant 0 : index
    %swap3A_230 = tpu.vector_load %arg8[%swap3A_229] {strides = array<i32>} : memref<80xi32, #tpu.memory_space<vmem>>, vector<16xi32>,
    %swap3A_231 = vector.shape_cast %swap3A_230 : vector<16xi32> to vector<16xi32>
    %swap3A_232 = vector.shape_cast %add3A_228 : vector<16xi32> to vector<16xi32>
    tpu.vector_store %arg8[%swap3A_229], %swap3A_232 {strides = array<i32>} : memref<80xi32, #tpu.memory_space<vmem>>, vector<16xi32>,
    %add3A_233 = arith.constant 16 : i32
    %add3A_234 = arith.addi %add3A_224, %add3A_233 : i32
    %add3A_235 = vector.broadcast %add3A_234 : i32 to vector<16xi32>
    %add3A_236 = arith.addi %add3A_235, %iota3A : vector<16xi32>
    %swap3A_237 = arith.constant 16 : index
    %swap3A_238 = tpu.vector_load %arg8[%swap3A_237] {strides = array<i32>} : memref<80xi32, #tpu.memory_space<vmem>>, vector<16xi32>,
    %swap3A_239 = vector.shape_cast %swap3A_238 : vector<16xi32> to vector<16xi32>
    %swap3A_240 = vector.shape_cast %add3A_236 : vector<16xi32> to vector<16xi32>
    tpu.vector_store %arg8[%swap3A_237], %swap3A_240 {strides = array<i32>} : memref<80xi32, #tpu.memory_space<vmem>>, vector<16xi32>,
    %add3A_241 = arith.constant 32 : i32
    %add3A_242 = arith.addi %add3A_224, %add3A_241 : i32
    %add3A_243 = vector.broadcast %add3A_242 : i32 to vector<16xi32>
    %add3A_244 = arith.addi %add3A_243, %iota3A : vector<16xi32>
    %swap3A_245 = arith.constant 32 : index
    %swap3A_246 = tpu.vector_load %arg8[%swap3A_245] {strides = array<i32>} : memref<80xi32, #tpu.memory_space<vmem>>, vector<16xi32>,
    %swap3A_247 = vector.shape_cast %swap3A_246 : vector<16xi32> to vector<16xi32>
    %swap3A_248 = vector.shape_cast %add3A_244 : vector<16xi32> to vector<16xi32>
    tpu.vector_store %arg8[%swap3A_245], %swap3A_248 {strides = array<i32>} : memref<80xi32, #tpu.memory_space<vmem>>, vector<16xi32>,
    %add3A_249 = arith.constant 48 : i32
    %add3A_250 = arith.addi %add3A_224, %add3A_249 : i32
    %add3A_251 = vector.broadcast %add3A_250 : i32 to vector<16xi32>
    %add3A_252 = arith.addi %add3A_251, %iota3A : vector<16xi32>
    %swap3A_253 = arith.constant 48 : index
    %swap3A_254 = tpu.vector_load %arg8[%swap3A_253] {strides = array<i32>} : memref<80xi32, #tpu.memory_space<vmem>>, vector<16xi32>,
    %swap3A_255 = vector.shape_cast %swap3A_254 : vector<16xi32> to vector<16xi32>
    %swap3A_256 = vector.shape_cast %add3A_252 : vector<16xi32> to vector<16xi32>
    tpu.vector_store %arg8[%swap3A_253], %swap3A_256 {strides = array<i32>} : memref<80xi32, #tpu.memory_space<vmem>>, vector<16xi32>,
    %add3A_257 = arith.constant 64 : i32
    %add3A_258 = arith.addi %add3A_224, %add3A_257 : i32
    %add3A_259 = vector.broadcast %add3A_258 : i32 to vector<16xi32>
    %add3A_260 = arith.addi %add3A_259, %iota3A : vector<16xi32>
    %swap3A_261 = arith.constant 64 : index
    %swap3A_262 = tpu.vector_load %arg8[%swap3A_261] {strides = array<i32>} : memref<80xi32, #tpu.memory_space<vmem>>, vector<16xi32>,
    %swap3A_263 = vector.shape_cast %swap3A_262 : vector<16xi32> to vector<16xi32>
    %swap3A_264 = vector.shape_cast %add3A_260 : vector<16xi32> to vector<16xi32>
    tpu.vector_store %arg8[%swap3A_261], %swap3A_264 {strides = array<i32>} : memref<80xi32, #tpu.memory_space<vmem>>, vector<16xi32>,
    "tpu.region"() ({
      %run_scoped3A = tpu.sem_alloc : memref<!tpu.dma_semaphore, #tpu.memory_space<semaphore_mem>>
      %dma_start3A = arith.constant 0 : i32
      %dma_start3A_634 = arith.constant 0 : i32
      %dma_start3A_635 = tpu.memref_slice %arg10[%dma_start3A, %dma_start3A_634] : memref<10000x128xf32, #tpu.memory_space<vmem_shared>> -> memref<10000x128xf32, #tpu.memory_space<vmem_shared>>
      tpu.enqueue_indirect_dma source(%arg7 : memref<80x128xf32, #tpu.memory_space<vmem>>) target(%dma_start3A_635 : memref<10000x128xf32, #tpu.memory_space<vmem_shared>>) offsets(%arg8 : memref<80xi32, #tpu.memory_space<vmem>>) semaphore(%run_scoped3A : memref<!tpu.dma_semaphore, #tpu.memory_space<semaphore_mem>>)
      %dma_wait3A = arith.constant 0 : i32
      %dma_wait3A_636 = arith.constant 0 : i32
      %dma_wait3A_637 = tpu.memref_slice %arg10[%dma_wait3A, %dma_wait3A_636] : memref<10000x128xf32, #tpu.memory_space<vmem_shared>> -> memref<10000x128xf32, #tpu.memory_space<vmem_shared>>
      tpu.wait_indirect_dma semaphore(%run_scoped3A : memref<!tpu.dma_semaphore, #tpu.memory_space<semaphore_mem>>) src(%arg7 : memref<80x128xf32, #tpu.memory_space<vmem>>) dst(%dma_wait3A_637 : memref<10000x128xf32, #tpu.memory_space<vmem_shared>>)
      tpu.yield
    }) : () -> ()
    %add3A_265 = arith.constant 480 : i32
    %add3A_266 = arith.addi %select_n3A, %add3A_265 : i32
    %add3A_267 = arith.constant 0 : i32
    %add3A_268 = arith.addi %add3A_266, %add3A_267 : i32
    %add3A_269 = vector.broadcast %add3A_268 : i32 to vector<16xi32>
    %add3A_270 = arith.addi %add3A_269, %iota3A : vector<16xi32>
    %swap3A_271 = arith.constant 0 : index
    %swap3A_272 = tpu.vector_load %arg8[%swap3A_271] {strides = array<i32>} : memref<80xi32, #tpu.memory_space<vmem>>, vector<16xi32>,
    %swap3A_273 = vector.shape_cast %swap3A_272 : vector<16xi32> to vector<16xi32>
    %swap3A_274 = vector.shape_cast %add3A_270 : vector<16xi32> to vector<16xi32>
    tpu.vector_store %arg8[%swap3A_271], %swap3A_274 {strides = array<i32>} : memref<80xi32, #tpu.memory_space<vmem>>, vector<16xi32>,
    %add3A_275 = arith.constant 16 : i32
    %add3A_276 = arith.addi %add3A_266, %add3A_275 : i32
    %add3A_277 = vector.broadcast %add3A_276 : i32 to vector<16xi32>
    %add3A_278 = arith.addi %add3A_277, %iota3A : vector<16xi32>
    %swap3A_279 = arith.constant 16 : index
    %swap3A_280 = tpu.vector_load %arg8[%swap3A_279] {strides = array<i32>} : memref<80xi32, #tpu.memory_space<vmem>>, vector<16xi32>,
    %swap3A_281 = vector.shape_cast %swap3A_280 : vector<16xi32> to vector<16xi32>
    %swap3A_282 = vector.shape_cast %add3A_278 : vector<16xi32> to vector<16xi32>
    tpu.vector_store %arg8[%swap3A_279], %swap3A_282 {strides = array<i32>} : memref<80xi32, #tpu.memory_space<vmem>>, vector<16xi32>,
    %add3A_283 = arith.constant 32 : i32
    %add3A_284 = arith.addi %add3A_266, %add3A_283 : i32
    %add3A_285 = vector.broadcast %add3A_284 : i32 to vector<16xi32>
    %add3A_286 = arith.addi %add3A_285, %iota3A : vector<16xi32>
    %swap3A_287 = arith.constant 32 : index
    %swap3A_288 = tpu.vector_load %arg8[%swap3A_287] {strides = array<i32>} : memref<80xi32, #tpu.memory_space<vmem>>, vector<16xi32>,
    %swap3A_289 = vector.shape_cast %swap3A_288 : vector<16xi32> to vector<16xi32>
    %swap3A_290 = vector.shape_cast %add3A_286 : vector<16xi32> to vector<16xi32>
    tpu.vector_store %arg8[%swap3A_287], %swap3A_290 {strides = array<i32>} : memref<80xi32, #tpu.memory_space<vmem>>, vector<16xi32>,
    %add3A_291 = arith.constant 48 : i32
    %add3A_292 = arith.addi %add3A_266, %add3A_291 : i32
    %add3A_293 = vector.broadcast %add3A_292 : i32 to vector<16xi32>
    %add3A_294 = arith.addi %add3A_293, %iota3A : vector<16xi32>
    %swap3A_295 = arith.constant 48 : index
    %swap3A_296 = tpu.vector_load %arg8[%swap3A_295] {strides = array<i32>} : memref<80xi32, #tpu.memory_space<vmem>>, vector<16xi32>,
    %swap3A_297 = vector.shape_cast %swap3A_296 : vector<16xi32> to vector<16xi32>
    %swap3A_298 = vector.shape_cast %add3A_294 : vector<16xi32> to vector<16xi32>
    tpu.vector_store %arg8[%swap3A_295], %swap3A_298 {strides = array<i32>} : memref<80xi32, #tpu.memory_space<vmem>>, vector<16xi32>,
    %add3A_299 = arith.constant 64 : i32
    %add3A_300 = arith.addi %add3A_266, %add3A_299 : i32
    %add3A_301 = vector.broadcast %add3A_300 : i32 to vector<16xi32>
    %add3A_302 = arith.addi %add3A_301, %iota3A : vector<16xi32>
    %swap3A_303 = arith.constant 64 : index
    %swap3A_304 = tpu.vector_load %arg8[%swap3A_303] {strides = array<i32>} : memref<80xi32, #tpu.memory_space<vmem>>, vector<16xi32>,
    %swap3A_305 = vector.shape_cast %swap3A_304 : vector<16xi32> to vector<16xi32>
    %swap3A_306 = vector.shape_cast %add3A_302 : vector<16xi32> to vector<16xi32>
    tpu.vector_store %arg8[%swap3A_303], %swap3A_306 {strides = array<i32>} : memref<80xi32, #tpu.memory_space<vmem>>, vector<16xi32>,
    "tpu.region"() ({
      %run_scoped3A = tpu.sem_alloc : memref<!tpu.dma_semaphore, #tpu.memory_space<semaphore_mem>>
      %dma_start3A = arith.constant 0 : i32
      %dma_start3A_634 = arith.constant 0 : i32
      %dma_start3A_635 = tpu.memref_slice %arg10[%dma_start3A, %dma_start3A_634] : memref<10000x128xf32, #tpu.memory_space<vmem_shared>> -> memref<10000x128xf32, #tpu.memory_space<vmem_shared>>
      tpu.enqueue_indirect_dma source(%arg7 : memref<80x128xf32, #tpu.memory_space<vmem>>) target(%dma_start3A_635 : memref<10000x128xf32, #tpu.memory_space<vmem_shared>>) offsets(%arg8 : memref<80xi32, #tpu.memory_space<vmem>>) semaphore(%run_scoped3A : memref<!tpu.dma_semaphore, #tpu.memory_space<semaphore_mem>>)
      %dma_wait3A = arith.constant 0 : i32
      %dma_wait3A_636 = arith.constant 0 : i32
      %dma_wait3A_637 = tpu.memref_slice %arg10[%dma_wait3A, %dma_wait3A_636] : memref<10000x128xf32, #tpu.memory_space<vmem_shared>> -> memref<10000x128xf32, #tpu.memory_space<vmem_shared>>
      tpu.wait_indirect_dma semaphore(%run_scoped3A : memref<!tpu.dma_semaphore, #tpu.memory_space<semaphore_mem>>) src(%arg7 : memref<80x128xf32, #tpu.memory_space<vmem>>) dst(%dma_wait3A_637 : memref<10000x128xf32, #tpu.memory_space<vmem_shared>>)
      tpu.yield
    }) : () -> ()
    %eq3A_307 = arith.constant 0 : i32
    %eq3A_308 = arith.cmpi eq, %arg1, %eq3A_307 : i32
    %convert_element_type3A = arith.extui %eq3A_308 : i1 to i32
    %cond3A = arith.constant 0 : i32
    %cond3A_309 = arith.cmpi ne, %convert_element_type3A, %cond3A : i32
    scf.if %cond3A_309 {
      %add3A_634 = arith.constant 560 : i32
      %add3A_635 = vector.broadcast %add3A_634 : i32 to vector<16xi32>
      %add3A_636 = arith.addi %add3A_635, %iota3A : vector<16xi32>
      %swap3A_637 = arith.constant 0 : index
      %swap3A_638 = tpu.vector_load %arg8[%swap3A_637] {strides = array<i32>} : memref<80xi32, #tpu.memory_space<vmem>>, vector<16xi32>,
      %swap3A_639 = vector.shape_cast %swap3A_638 : vector<16xi32> to vector<16xi32>
      %swap3A_640 = vector.shape_cast %add3A_636 : vector<16xi32> to vector<16xi32>
      tpu.vector_store %arg8[%swap3A_637], %swap3A_640 {strides = array<i32>} : memref<80xi32, #tpu.memory_space<vmem>>, vector<16xi32>,
      %add3A_641 = arith.constant 576 : i32
      %add3A_642 = vector.broadcast %add3A_641 : i32 to vector<16xi32>
      %add3A_643 = arith.addi %add3A_642, %iota3A : vector<16xi32>
      %swap3A_644 = arith.constant 16 : index
      %swap3A_645 = tpu.vector_load %arg8[%swap3A_644] {strides = array<i32>} : memref<80xi32, #tpu.memory_space<vmem>>, vector<16xi32>,
      %swap3A_646 = vector.shape_cast %swap3A_645 : vector<16xi32> to vector<16xi32>
      %swap3A_647 = vector.shape_cast %add3A_643 : vector<16xi32> to vector<16xi32>
      tpu.vector_store %arg8[%swap3A_644], %swap3A_647 {strides = array<i32>} : memref<80xi32, #tpu.memory_space<vmem>>, vector<16xi32>,
      %add3A_648 = arith.constant 592 : i32
      %add3A_649 = vector.broadcast %add3A_648 : i32 to vector<16xi32>
      %add3A_650 = arith.addi %add3A_649, %iota3A : vector<16xi32>
      %swap3A_651 = arith.constant 32 : index
      %swap3A_652 = tpu.vector_load %arg8[%swap3A_651] {strides = array<i32>} : memref<80xi32, #tpu.memory_space<vmem>>, vector<16xi32>,
      %swap3A_653 = vector.shape_cast %swap3A_652 : vector<16xi32> to vector<16xi32>
      %swap3A_654 = vector.shape_cast %add3A_650 : vector<16xi32> to vector<16xi32>
      tpu.vector_store %arg8[%swap3A_651], %swap3A_654 {strides = array<i32>} : memref<80xi32, #tpu.memory_space<vmem>>, vector<16xi32>,
      %add3A_655 = arith.constant 608 : i32
      %add3A_656 = vector.broadcast %add3A_655 : i32 to vector<16xi32>
      %add3A_657 = arith.addi %add3A_656, %iota3A : vector<16xi32>
      %swap3A_658 = arith.constant 48 : index
      %swap3A_659 = tpu.vector_load %arg8[%swap3A_658] {strides = array<i32>} : memref<80xi32, #tpu.memory_space<vmem>>, vector<16xi32>,
      %swap3A_660 = vector.shape_cast %swap3A_659 : vector<16xi32> to vector<16xi32>
      %swap3A_661 = vector.shape_cast %add3A_657 : vector<16xi32> to vector<16xi32>
      tpu.vector_store %arg8[%swap3A_658], %swap3A_661 {strides = array<i32>} : memref<80xi32, #tpu.memory_space<vmem>>, vector<16xi32>,
      %add3A_662 = arith.constant 624 : i32
      %add3A_663 = vector.broadcast %add3A_662 : i32 to vector<16xi32>
      %add3A_664 = arith.addi %add3A_663, %iota3A : vector<16xi32>
      %swap3A_665 = arith.constant 64 : index
      %swap3A_666 = tpu.vector_load %arg8[%swap3A_665] {strides = array<i32>} : memref<80xi32, #tpu.memory_space<vmem>>, vector<16xi32>,
      %swap3A_667 = vector.shape_cast %swap3A_666 : vector<16xi32> to vector<16xi32>
      %swap3A_668 = vector.shape_cast %add3A_664 : vector<16xi32> to vector<16xi32>
      tpu.vector_store %arg8[%swap3A_665], %swap3A_668 {strides = array<i32>} : memref<80xi32, #tpu.memory_space<vmem>>, vector<16xi32>,
      "tpu.region"() ({
        %run_scoped3A = tpu.sem_alloc : memref<!tpu.dma_semaphore, #tpu.memory_space<semaphore_mem>>
        %dma_start3A = arith.constant 0 : i32
        %dma_start3A_669 = arith.constant 0 : i32
        %dma_start3A_670 = tpu.memref_slice %arg10[%dma_start3A, %dma_start3A_669] : memref<10000x128xf32, #tpu.memory_space<vmem_shared>> -> memref<10000x128xf32, #tpu.memory_space<vmem_shared>>
        tpu.enqueue_indirect_dma source(%arg7 : memref<80x128xf32, #tpu.memory_space<vmem>>) target(%dma_start3A_670 : memref<10000x128xf32, #tpu.memory_space<vmem_shared>>) offsets(%arg8 : memref<80xi32, #tpu.memory_space<vmem>>) semaphore(%run_scoped3A : memref<!tpu.dma_semaphore, #tpu.memory_space<semaphore_mem>>)
        %dma_wait3A = arith.constant 0 : i32
        %dma_wait3A_671 = arith.constant 0 : i32
        %dma_wait3A_672 = tpu.memref_slice %arg10[%dma_wait3A, %dma_wait3A_671] : memref<10000x128xf32, #tpu.memory_space<vmem_shared>> -> memref<10000x128xf32, #tpu.memory_space<vmem_shared>>
        tpu.wait_indirect_dma semaphore(%run_scoped3A : memref<!tpu.dma_semaphore, #tpu.memory_space<semaphore_mem>>) src(%arg7 : memref<80x128xf32, #tpu.memory_space<vmem>>) dst(%dma_wait3A_672 : memref<10000x128xf32, #tpu.memory_space<vmem_shared>>)
        tpu.yield
      }) : () -> ()
    } else {
    }
    %gt3A = arith.constant 0 : i32
    %gt3A_310 = arith.cmpi sgt, %arg1, %gt3A : i32
    %convert_element_type3A_311 = arith.extui %gt3A_310 : i1 to i32
    %cond3A_312 = arith.constant 0 : i32
    %cond3A_313 = arith.cmpi ne, %convert_element_type3A_311, %cond3A_312 : i32
    scf.if %cond3A_313 {
      %add3A_634 = arith.constant 560 : i32
      %add3A_635 = arith.addi %select_n3A, %add3A_634 : i32
      %add3A_636 = arith.constant 0 : i32
      %add3A_637 = arith.addi %add3A_635, %add3A_636 : i32
      %add3A_638 = vector.broadcast %add3A_637 : i32 to vector<16xi32>
      %add3A_639 = arith.addi %add3A_638, %iota3A : vector<16xi32>
      %swap3A_640 = arith.constant 0 : index
      %swap3A_641 = tpu.vector_load %arg9[%swap3A_640] {strides = array<i32>} : memref<64xi32, #tpu.memory_space<vmem>>, vector<16xi32>,
      %swap3A_642 = vector.shape_cast %swap3A_641 : vector<16xi32> to vector<16xi32>
      %swap3A_643 = vector.shape_cast %add3A_639 : vector<16xi32> to vector<16xi32>
      tpu.vector_store %arg9[%swap3A_640], %swap3A_643 {strides = array<i32>} : memref<64xi32, #tpu.memory_space<vmem>>, vector<16xi32>,
      %add3A_644 = arith.constant 16 : i32
      %add3A_645 = arith.addi %add3A_635, %add3A_644 : i32
      %add3A_646 = vector.broadcast %add3A_645 : i32 to vector<16xi32>
      %add3A_647 = arith.addi %add3A_646, %iota3A : vector<16xi32>
      %swap3A_648 = arith.constant 16 : index
      %swap3A_649 = tpu.vector_load %arg9[%swap3A_648] {strides = array<i32>} : memref<64xi32, #tpu.memory_space<vmem>>, vector<16xi32>,
      %swap3A_650 = vector.shape_cast %swap3A_649 : vector<16xi32> to vector<16xi32>
      %swap3A_651 = vector.shape_cast %add3A_647 : vector<16xi32> to vector<16xi32>
      tpu.vector_store %arg9[%swap3A_648], %swap3A_651 {strides = array<i32>} : memref<64xi32, #tpu.memory_space<vmem>>, vector<16xi32>,
      %add3A_652 = arith.constant 32 : i32
      %add3A_653 = arith.addi %add3A_635, %add3A_652 : i32
      %add3A_654 = vector.broadcast %add3A_653 : i32 to vector<16xi32>
      %add3A_655 = arith.addi %add3A_654, %iota3A : vector<16xi32>
      %swap3A_656 = arith.constant 32 : index
      %swap3A_657 = tpu.vector_load %arg9[%swap3A_656] {strides = array<i32>} : memref<64xi32, #tpu.memory_space<vmem>>, vector<16xi32>,
      %swap3A_658 = vector.shape_cast %swap3A_657 : vector<16xi32> to vector<16xi32>
      %swap3A_659 = vector.shape_cast %add3A_655 : vector<16xi32> to vector<16xi32>
      tpu.vector_store %arg9[%swap3A_656], %swap3A_659 {strides = array<i32>} : memref<64xi32, #tpu.memory_space<vmem>>, vector<16xi32>,
      %add3A_660 = arith.constant 48 : i32
      %add3A_661 = arith.addi %add3A_635, %add3A_660 : i32
      %add3A_662 = vector.broadcast %add3A_661 : i32 to vector<16xi32>
      %add3A_663 = arith.addi %add3A_662, %iota3A : vector<16xi32>
      %swap3A_664 = arith.constant 48 : index
      %swap3A_665 = tpu.vector_load %arg9[%swap3A_664] {strides = array<i32>} : memref<64xi32, #tpu.memory_space<vmem>>, vector<16xi32>,
      %swap3A_666 = vector.shape_cast %swap3A_665 : vector<16xi32> to vector<16xi32>
      %swap3A_667 = vector.shape_cast %add3A_663 : vector<16xi32> to vector<16xi32>
      tpu.vector_store %arg9[%swap3A_664], %swap3A_667 {strides = array<i32>} : memref<64xi32, #tpu.memory_space<vmem>>, vector<16xi32>,
      "tpu.region"() ({
        %run_scoped3A = tpu.sem_alloc : memref<!tpu.dma_semaphore, #tpu.memory_space<semaphore_mem>>
        %dma_start3A = arith.constant 0 : i32
        %dma_start3A_668 = arith.constant 0 : i32
        %dma_start3A_669 = tpu.memref_slice %arg7[%dma_start3A, %dma_start3A_668] : memref<80x128xf32, #tpu.memory_space<vmem>> -> memref<64x128xf32, #tpu.memory_space<vmem>>
        %dma_start3A_670 = arith.constant 0 : i32
        %dma_start3A_671 = arith.constant 0 : i32
        %dma_start3A_672 = tpu.memref_slice %arg10[%dma_start3A_670, %dma_start3A_671] : memref<10000x128xf32, #tpu.memory_space<vmem_shared>> -> memref<10000x128xf32, #tpu.memory_space<vmem_shared>>
        tpu.enqueue_indirect_dma source(%dma_start3A_669 : memref<64x128xf32, #tpu.memory_space<vmem>>) target(%dma_start3A_672 : memref<10000x128xf32, #tpu.memory_space<vmem_shared>>) offsets(%arg9 : memref<64xi32, #tpu.memory_space<vmem>>) semaphore(%run_scoped3A : memref<!tpu.dma_semaphore, #tpu.memory_space<semaphore_mem>>)
        %dma_wait3A = arith.constant 0 : i32
        %dma_wait3A_673 = arith.constant 0 : i32
        %dma_wait3A_674 = tpu.memref_slice %arg7[%dma_wait3A, %dma_wait3A_673] : memref<80x128xf32, #tpu.memory_space<vmem>> -> memref<64x128xf32, #tpu.memory_space<vmem>>
        %dma_wait3A_675 = arith.constant 0 : i32
        %dma_wait3A_676 = arith.constant 0 : i32
        %dma_wait3A_677 = tpu.memref_slice %arg10[%dma_wait3A_675, %dma_wait3A_676] : memref<10000x128xf32, #tpu.memory_space<vmem_shared>> -> memref<10000x128xf32, #tpu.memory_space<vmem_shared>>
        tpu.wait_indirect_dma semaphore(%run_scoped3A : memref<!tpu.dma_semaphore, #tpu.memory_space<semaphore_mem>>) src(%dma_wait3A_674 : memref<64x128xf32, #tpu.memory_space<vmem>>) dst(%dma_wait3A_677 : memref<10000x128xf32, #tpu.memory_space<vmem_shared>>)
        tpu.yield
      }) : () -> ()
    } else {
    }
    %barrier3A = arith.constant 0 : index
    tpu.barrier barrier_id(%barrier3A)
    %mul3A_314 = arith.constant 10000 : i32
    %mul3A_315 = arith.muli %add3A, %mul3A_314 : i32
    %scan3A_316 = arith.constant 0 : i32
    %scan3A_317 = arith.constant 0 : i32
    %scan3A_318 = arith.constant 125 : i32
    %scan3A_319 = arith.addi %scan3A_317, %scan3A_318 : i32
    %scan3A_320 = arith.constant 1 : i32
    %scan3A_321 = scf.for %scan3A_634 = %scan3A_317 to %scan3A_319 step %scan3A_320 iter_args(%scan3A_635 = %scan3A_316) -> (i32)  : i32 {
      %mul3A_636 = arith.constant 80 : i32
      %mul3A_637 = arith.muli %scan3A_634, %mul3A_636 : i32
      %add3A_638 = arith.addi %mul3A_315, %mul3A_637 : i32
      "tpu.region"() ({
        %run_scoped3A = tpu.sem_alloc : memref<!tpu.dma_semaphore, #tpu.memory_space<semaphore_mem>>
        %dma_start3A = tpu.memref_slice %arg2[%add3A_638] : memref<320000xi32, #tpu.memory_space<hbm>> -> memref<80xi32, #tpu.memory_space<hbm>>
        %dma_start3A_647 = tpu.memref_slice %arg2[%add3A_638] : memref<320000xi32, #tpu.memory_space<hbm>> -> memref<80xi32, #tpu.memory_space<hbm>>
        tpu.enqueue_dma source(%dma_start3A_647 : memref<80xi32, #tpu.memory_space<hbm>>) target(%arg5 : memref<80xi32, #tpu.memory_space<vmem>>) target_semaphore(%run_scoped3A : memref<!tpu.dma_semaphore, #tpu.memory_space<semaphore_mem>>)
        %dma_wait3A = tpu.memref_slice %arg2[%add3A_638] : memref<320000xi32, #tpu.memory_space<hbm>> -> memref<80xi32, #tpu.memory_space<hbm>>
        %dma_wait3A_648 = tpu.memref_slice %arg2[%add3A_638] : memref<320000xi32, #tpu.memory_space<hbm>> -> memref<80xi32, #tpu.memory_space<hbm>>
        tpu.wait_dma2 semaphore(%run_scoped3A : memref<!tpu.dma_semaphore, #tpu.memory_space<semaphore_mem>>) src(%dma_wait3A_648 : memref<80xi32, #tpu.memory_space<hbm>>) dst(%arg5 : memref<80xi32, #tpu.memory_space<vmem>>)
        tpu.yield
      }) : () -> ()
      "tpu.region"() ({
        %run_scoped3A = tpu.sem_alloc : memref<!tpu.dma_semaphore, #tpu.memory_space<semaphore_mem>>
        %dma_start3A = arith.constant 0 : i32
        %dma_start3A_647 = tpu.memref_slice %arg3[%add3A_638, %dma_start3A] : memref<320000x16xf32, #tpu.memory_space<hbm>> -> memref<80x16xf32, #tpu.memory_space<hbm>>
        %dma_start3A_648 = arith.constant 0 : i32
        %dma_start3A_649 = tpu.memref_slice %arg3[%add3A_638, %dma_start3A_648] : memref<320000x16xf32, #tpu.memory_space<hbm>> -> memref<80x16xf32, #tpu.memory_space<hbm>>
        tpu.enqueue_dma source(%dma_start3A_649 : memref<80x16xf32, #tpu.memory_space<hbm>>) target(%arg6 : memref<80x16xf32, #tpu.memory_space<vmem>>) target_semaphore(%run_scoped3A : memref<!tpu.dma_semaphore, #tpu.memory_space<semaphore_mem>>)
        %dma_wait3A = arith.constant 0 : i32
        %dma_wait3A_650 = tpu.memref_slice %arg3[%add3A_638, %dma_wait3A] : memref<320000x16xf32, #tpu.memory_space<hbm>> -> memref<80x16xf32, #tpu.memory_space<hbm>>
        %dma_wait3A_651 = arith.constant 0 : i32
        %dma_wait3A_652 = tpu.memref_slice %arg3[%add3A_638, %dma_wait3A_651] : memref<320000x16xf32, #tpu.memory_space<hbm>> -> memref<80x16xf32, #tpu.memory_space<hbm>>
        tpu.wait_dma2 semaphore(%run_scoped3A : memref<!tpu.dma_semaphore, #tpu.memory_space<semaphore_mem>>) src(%dma_wait3A_652 : memref<80x16xf32, #tpu.memory_space<hbm>>) dst(%arg6 : memref<80x16xf32, #tpu.memory_space<vmem>>)
        tpu.yield
      }) : () -> ()
      %scan3A_639 = arith.constant 0 : i32
      %scan3A_640 = arith.constant 0 : i32
      %scan3A_641 = arith.constant 80 : i32
      %scan3A_642 = arith.addi %scan3A_640, %scan3A_641 : i32
      %scan3A_643 = arith.constant 1 : i32
      %scan3A_644 = scf.for %scan3A_647 = %scan3A_640 to %scan3A_642 step %scan3A_643 iter_args(%scan3A_648 = %scan3A_639) -> (i32)  : i32 {
        %get3A = arith.index_cast %scan3A_647 : i32 to index
        %get3A_649 = arith.constant 0 : index
        %get3A_650 = tpu.vector_load %arg6[%get3A, %get3A_649] {strides = array<i32>} : memref<80x16xf32, #tpu.memory_space<vmem>>, vector<1x16xf32>,
        %get3A_651 = vector.shape_cast %get3A_650 : vector<1x16xf32> to vector<16xf32>
        %swap3A_652 = arith.index_cast %scan3A_647 : i32 to index
        %swap3A_653 = arith.constant 0 : index
        %swap3A_654 = tpu.vector_load %arg7[%swap3A_652, %swap3A_653] {strides = array<i32>} : memref<80x128xf32, #tpu.memory_space<vmem>>, vector<1x16xf32>,
        %swap3A_655 = vector.shape_cast %swap3A_654 : vector<1x16xf32> to vector<16xf32>
        %swap3A_656 = vector.shape_cast %get3A_651 : vector<16xf32> to vector<1x16xf32>
        tpu.vector_store %arg7[%swap3A_652, %swap3A_653], %swap3A_656 {strides = array<i32>} : memref<80x128xf32, #tpu.memory_space<vmem>>, vector<1x16xf32>,
        %scan3A_657 = arith.constant 0 : i32
        scf.yield %scan3A_657 : i32
      }
      %scan3A_645 = arith.constant 80 : i32
      "tpu.region"() ({
        %run_scoped3A = tpu.sem_alloc : memref<!tpu.dma_semaphore, #tpu.memory_space<semaphore_mem>>
        %dma_start3A = arith.constant 0 : i32
        %dma_start3A_647 = arith.constant 0 : i32
        %dma_start3A_648 = tpu.memref_slice %arg10[%dma_start3A, %dma_start3A_647] : memref<10000x128xf32, #tpu.memory_space<vmem_shared>> -> memref<10000x128xf32, #tpu.memory_space<vmem_shared>>
        tpu.enqueue_indirect_dma source(%arg7 : memref<80x128xf32, #tpu.memory_space<vmem>>) target(%dma_start3A_648 : memref<10000x128xf32, #tpu.memory_space<vmem_shared>>) offsets(%arg5 : memref<80xi32, #tpu.memory_space<vmem>>) semaphore(%run_scoped3A : memref<!tpu.dma_semaphore, #tpu.memory_space<semaphore_mem>>) {add = true}
        %dma_wait3A = arith.constant 0 : i32
        %dma_wait3A_649 = arith.constant 0 : i32
        %dma_wait3A_650 = tpu.memref_slice %arg10[%dma_wait3A, %dma_wait3A_649] : memref<10000x128xf32, #tpu.memory_space<vmem_shared>> -> memref<10000x128xf32, #tpu.memory_space<vmem_shared>>
        tpu.wait_indirect_dma semaphore(%run_scoped3A : memref<!tpu.dma_semaphore, #tpu.memory_space<semaphore_mem>>) src(%arg7 : memref<80x128xf32, #tpu.memory_space<vmem>>) dst(%dma_wait3A_650 : memref<10000x128xf32, #tpu.memory_space<vmem_shared>>)
        tpu.yield
      }) : () -> ()
      %scan3A_646 = arith.constant 0 : i32
      scf.yield %scan3A_646 : i32
    }
    %scan3A_322 = arith.constant 125 : i32
    %barrier3A_323 = arith.constant 0 : index
    tpu.barrier barrier_id(%barrier3A_323)
    %add3A_324 = arith.constant 0 : i32
    %add3A_325 = arith.addi %select_n3A, %add3A_324 : i32
    %multiple_of3A = tpu.assume_multiple %add3A_325, 8 : i32
    %add3A_326 = arith.constant 0 : i32
    %add3A_327 = arith.addi %multiple_of3A, %add3A_326 : i32
    %add3A_328 = vector.broadcast %add3A_327 : i32 to vector<16xi32>
    %add3A_329 = arith.addi %add3A_328, %iota3A : vector<16xi32>
    %swap3A_330 = arith.constant 0 : index
    %swap3A_331 = tpu.vector_load %arg8[%swap3A_330] {strides = array<i32>} : memref<80xi32, #tpu.memory_space<vmem>>, vector<16xi32>,
    %swap3A_332 = vector.shape_cast %swap3A_331 : vector<16xi32> to vector<16xi32>
    %swap3A_333 = vector.shape_cast %add3A_329 : vector<16xi32> to vector<16xi32>
    tpu.vector_store %arg8[%swap3A_330], %swap3A_333 {strides = array<i32>} : memref<80xi32, #tpu.memory_space<vmem>>, vector<16xi32>,
    %add3A_334 = arith.constant 16 : i32
    %add3A_335 = arith.addi %multiple_of3A, %add3A_334 : i32
    %add3A_336 = vector.broadcast %add3A_335 : i32 to vector<16xi32>
    %add3A_337 = arith.addi %add3A_336, %iota3A : vector<16xi32>
    %swap3A_338 = arith.constant 16 : index
    %swap3A_339 = tpu.vector_load %arg8[%swap3A_338] {strides = array<i32>} : memref<80xi32, #tpu.memory_space<vmem>>, vector<16xi32>,
    %swap3A_340 = vector.shape_cast %swap3A_339 : vector<16xi32> to vector<16xi32>
    %swap3A_341 = vector.shape_cast %add3A_337 : vector<16xi32> to vector<16xi32>
    tpu.vector_store %arg8[%swap3A_338], %swap3A_341 {strides = array<i32>} : memref<80xi32, #tpu.memory_space<vmem>>, vector<16xi32>,
    %add3A_342 = arith.constant 32 : i32
    %add3A_343 = arith.addi %multiple_of3A, %add3A_342 : i32
    %add3A_344 = vector.broadcast %add3A_343 : i32 to vector<16xi32>
    %add3A_345 = arith.addi %add3A_344, %iota3A : vector<16xi32>
    %swap3A_346 = arith.constant 32 : index
    %swap3A_347 = tpu.vector_load %arg8[%swap3A_346] {strides = array<i32>} : memref<80xi32, #tpu.memory_space<vmem>>, vector<16xi32>,
    %swap3A_348 = vector.shape_cast %swap3A_347 : vector<16xi32> to vector<16xi32>
    %swap3A_349 = vector.shape_cast %add3A_345 : vector<16xi32> to vector<16xi32>
    tpu.vector_store %arg8[%swap3A_346], %swap3A_349 {strides = array<i32>} : memref<80xi32, #tpu.memory_space<vmem>>, vector<16xi32>,
    %add3A_350 = arith.constant 48 : i32
    %add3A_351 = arith.addi %multiple_of3A, %add3A_350 : i32
    %add3A_352 = vector.broadcast %add3A_351 : i32 to vector<16xi32>
    %add3A_353 = arith.addi %add3A_352, %iota3A : vector<16xi32>
    %swap3A_354 = arith.constant 48 : index
    %swap3A_355 = tpu.vector_load %arg8[%swap3A_354] {strides = array<i32>} : memref<80xi32, #tpu.memory_space<vmem>>, vector<16xi32>,
    %swap3A_356 = vector.shape_cast %swap3A_355 : vector<16xi32> to vector<16xi32>
    %swap3A_357 = vector.shape_cast %add3A_353 : vector<16xi32> to vector<16xi32>
    tpu.vector_store %arg8[%swap3A_354], %swap3A_357 {strides = array<i32>} : memref<80xi32, #tpu.memory_space<vmem>>, vector<16xi32>,
    %add3A_358 = arith.constant 64 : i32
    %add3A_359 = arith.addi %multiple_of3A, %add3A_358 : i32
    %add3A_360 = vector.broadcast %add3A_359 : i32 to vector<16xi32>
    %add3A_361 = arith.addi %add3A_360, %iota3A : vector<16xi32>
    %swap3A_362 = arith.constant 64 : index
    %swap3A_363 = tpu.vector_load %arg8[%swap3A_362] {strides = array<i32>} : memref<80xi32, #tpu.memory_space<vmem>>, vector<16xi32>,
    %swap3A_364 = vector.shape_cast %swap3A_363 : vector<16xi32> to vector<16xi32>
    %swap3A_365 = vector.shape_cast %add3A_361 : vector<16xi32> to vector<16xi32>
    tpu.vector_store %arg8[%swap3A_362], %swap3A_365 {strides = array<i32>} : memref<80xi32, #tpu.memory_space<vmem>>, vector<16xi32>,
    "tpu.region"() ({
      %run_scoped3A = tpu.sem_alloc : memref<!tpu.dma_semaphore, #tpu.memory_space<semaphore_mem>>
      %dma_start3A = arith.constant 0 : i32
      %dma_start3A_634 = arith.constant 0 : i32
      %dma_start3A_635 = tpu.memref_slice %arg10[%dma_start3A, %dma_start3A_634] : memref<10000x128xf32, #tpu.memory_space<vmem_shared>> -> memref<10000x128xf32, #tpu.memory_space<vmem_shared>>
      tpu.enqueue_indirect_dma source(%dma_start3A_635 : memref<10000x128xf32, #tpu.memory_space<vmem_shared>>) target(%arg7 : memref<80x128xf32, #tpu.memory_space<vmem>>) offsets(%arg8 : memref<80xi32, #tpu.memory_space<vmem>>) semaphore(%run_scoped3A : memref<!tpu.dma_semaphore, #tpu.memory_space<semaphore_mem>>)
      %dma_wait3A = arith.constant 0 : i32
      %dma_wait3A_636 = arith.constant 0 : i32
      %dma_wait3A_637 = tpu.memref_slice %arg10[%dma_wait3A, %dma_wait3A_636] : memref<10000x128xf32, #tpu.memory_space<vmem_shared>> -> memref<10000x128xf32, #tpu.memory_space<vmem_shared>>
      tpu.wait_indirect_dma semaphore(%run_scoped3A : memref<!tpu.dma_semaphore, #tpu.memory_space<semaphore_mem>>) src(%dma_wait3A_637 : memref<10000x128xf32, #tpu.memory_space<vmem_shared>>) dst(%arg7 : memref<80x128xf32, #tpu.memory_space<vmem>>)
      tpu.yield
    }) : () -> ()
    "tpu.region"() ({
      %run_scoped3A = tpu.sem_alloc : memref<!tpu.dma_semaphore, #tpu.memory_space<semaphore_mem>>
      %dma_start3A = arith.constant 0 : i32
      %dma_start3A_634 = arith.constant 0 : i32
      %dma_start3A_635 = tpu.memref_slice %arg4[%arg0, %dma_start3A, %dma_start3A_634] : memref<2x10000x128xf32, #tpu.memory_space<hbm>> -> memref<1x10000x128xf32, #tpu.memory_space<hbm>>
      %dma_start3A_636 = tpu.memref_squeeze %dma_start3A_635 : memref<1x10000x128xf32, #tpu.memory_space<hbm>> -> memref<10000x128xf32, #tpu.memory_space<hbm>>
      %dma_start3A_637 = arith.constant 0 : i32
      %dma_start3A_638 = tpu.memref_slice %dma_start3A_636[%multiple_of3A, %dma_start3A_637] : memref<10000x128xf32, #tpu.memory_space<hbm>> -> memref<80x128xf32, #tpu.memory_space<hbm>>
      %dma_start3A_639 = arith.constant 0 : i32
      %dma_start3A_640 = arith.constant 0 : i32
      %dma_start3A_641 = tpu.memref_slice %arg4[%arg0, %dma_start3A_639, %dma_start3A_640] : memref<2x10000x128xf32, #tpu.memory_space<hbm>> -> memref<1x10000x128xf32, #tpu.memory_space<hbm>>
      %dma_start3A_642 = tpu.memref_squeeze %dma_start3A_641 : memref<1x10000x128xf32, #tpu.memory_space<hbm>> -> memref<10000x128xf32, #tpu.memory_space<hbm>>
      %dma_start3A_643 = arith.constant 0 : i32
      %dma_start3A_644 = tpu.memref_slice %dma_start3A_642[%multiple_of3A, %dma_start3A_643] : memref<10000x128xf32, #tpu.memory_space<hbm>> -> memref<80x128xf32, #tpu.memory_space<hbm>>
      tpu.enqueue_dma source(%arg7 : memref<80x128xf32, #tpu.memory_space<vmem>>) target(%dma_start3A_644 : memref<80x128xf32, #tpu.memory_space<hbm>>) target_semaphore(%run_scoped3A : memref<!tpu.dma_semaphore, #tpu.memory_space<semaphore_mem>>)
      %dma_wait3A = arith.constant 0 : i32
      %dma_wait3A_645 = arith.constant 0 : i32
      %dma_wait3A_646 = tpu.memref_slice %arg4[%arg0, %dma_wait3A, %dma_wait3A_645] : memref<2x10000x128xf32, #tpu.memory_space<hbm>> -> memref<1x10000x128xf32, #tpu.memory_space<hbm>>
      %dma_wait3A_647 = tpu.memref_squeeze %dma_wait3A_646 : memref<1x10000x128xf32, #tpu.memory_space<hbm>> -> memref<10000x128xf32, #tpu.memory_space<hbm>>
      %dma_wait3A_648 = arith.constant 0 : i32
      %dma_wait3A_649 = tpu.memref_slice %dma_wait3A_647[%multiple_of3A, %dma_wait3A_648] : memref<10000x128xf32, #tpu.memory_space<hbm>> -> memref<80x128xf32, #tpu.memory_space<hbm>>
      %dma_wait3A_650 = arith.constant 0 : i32
      %dma_wait3A_651 = arith.constant 0 : i32
      %dma_wait3A_652 = tpu.memref_slice %arg4[%arg0, %dma_wait3A_650, %dma_wait3A_651] : memref<2x10000x128xf32, #tpu.memory_space<hbm>> -> memref<1x10000x128xf32, #tpu.memory_space<hbm>>
      %dma_wait3A_653 = tpu.memref_squeeze %dma_wait3A_652 : memref<1x10000x128xf32, #tpu.memory_space<hbm>> -> memref<10000x128xf32, #tpu.memory_space<hbm>>
      %dma_wait3A_654 = arith.constant 0 : i32
      %dma_wait3A_655 = tpu.memref_slice %dma_wait3A_653[%multiple_of3A, %dma_wait3A_654] : memref<10000x128xf32, #tpu.memory_space<hbm>> -> memref<80x128xf32, #tpu.memory_space<hbm>>
      tpu.wait_dma2 semaphore(%run_scoped3A : memref<!tpu.dma_semaphore, #tpu.memory_space<semaphore_mem>>) src(%arg7 : memref<80x128xf32, #tpu.memory_space<vmem>>) dst(%dma_wait3A_655 : memref<80x128xf32, #tpu.memory_space<hbm>>)
      tpu.yield
    }) : () -> ()
    %add3A_366 = arith.constant 80 : i32
    %add3A_367 = arith.addi %select_n3A, %add3A_366 : i32
    %multiple_of3A_368 = tpu.assume_multiple %add3A_367, 8 : i32
    %add3A_369 = arith.constant 0 : i32
    %add3A_370 = arith.addi %multiple_of3A_368, %add3A_369 : i32
    %add3A_371 = vector.broadcast %add3A_370 : i32 to vector<16xi32>
    %add3A_372 = arith.addi %add3A_371, %iota3A : vector<16xi32>
    %swap3A_373 = arith.constant 0 : index
    %swap3A_374 = tpu.vector_load %arg8[%swap3A_373] {strides = array<i32>} : memref<80xi32, #tpu.memory_space<vmem>>, vector<16xi32>,
    %swap3A_375 = vector.shape_cast %swap3A_374 : vector<16xi32> to vector<16xi32>
    %swap3A_376 = vector.shape_cast %add3A_372 : vector<16xi32> to vector<16xi32>
    tpu.vector_store %arg8[%swap3A_373], %swap3A_376 {strides = array<i32>} : memref<80xi32, #tpu.memory_space<vmem>>, vector<16xi32>,
    %add3A_377 = arith.constant 16 : i32
    %add3A_378 = arith.addi %multiple_of3A_368, %add3A_377 : i32
    %add3A_379 = vector.broadcast %add3A_378 : i32 to vector<16xi32>
    %add3A_380 = arith.addi %add3A_379, %iota3A : vector<16xi32>
    %swap3A_381 = arith.constant 16 : index
    %swap3A_382 = tpu.vector_load %arg8[%swap3A_381] {strides = array<i32>} : memref<80xi32, #tpu.memory_space<vmem>>, vector<16xi32>,
    %swap3A_383 = vector.shape_cast %swap3A_382 : vector<16xi32> to vector<16xi32>
    %swap3A_384 = vector.shape_cast %add3A_380 : vector<16xi32> to vector<16xi32>
    tpu.vector_store %arg8[%swap3A_381], %swap3A_384 {strides = array<i32>} : memref<80xi32, #tpu.memory_space<vmem>>, vector<16xi32>,
    %add3A_385 = arith.constant 32 : i32
    %add3A_386 = arith.addi %multiple_of3A_368, %add3A_385 : i32
    %add3A_387 = vector.broadcast %add3A_386 : i32 to vector<16xi32>
    %add3A_388 = arith.addi %add3A_387, %iota3A : vector<16xi32>
    %swap3A_389 = arith.constant 32 : index
    %swap3A_390 = tpu.vector_load %arg8[%swap3A_389] {strides = array<i32>} : memref<80xi32, #tpu.memory_space<vmem>>, vector<16xi32>,
    %swap3A_391 = vector.shape_cast %swap3A_390 : vector<16xi32> to vector<16xi32>
    %swap3A_392 = vector.shape_cast %add3A_388 : vector<16xi32> to vector<16xi32>
    tpu.vector_store %arg8[%swap3A_389], %swap3A_392 {strides = array<i32>} : memref<80xi32, #tpu.memory_space<vmem>>, vector<16xi32>,
    %add3A_393 = arith.constant 48 : i32
    %add3A_394 = arith.addi %multiple_of3A_368, %add3A_393 : i32
    %add3A_395 = vector.broadcast %add3A_394 : i32 to vector<16xi32>
    %add3A_396 = arith.addi %add3A_395, %iota3A : vector<16xi32>
    %swap3A_397 = arith.constant 48 : index
    %swap3A_398 = tpu.vector_load %arg8[%swap3A_397] {strides = array<i32>} : memref<80xi32, #tpu.memory_space<vmem>>, vector<16xi32>,
    %swap3A_399 = vector.shape_cast %swap3A_398 : vector<16xi32> to vector<16xi32>
    %swap3A_400 = vector.shape_cast %add3A_396 : vector<16xi32> to vector<16xi32>
    tpu.vector_store %arg8[%swap3A_397], %swap3A_400 {strides = array<i32>} : memref<80xi32, #tpu.memory_space<vmem>>, vector<16xi32>,
    %add3A_401 = arith.constant 64 : i32
    %add3A_402 = arith.addi %multiple_of3A_368, %add3A_401 : i32
    %add3A_403 = vector.broadcast %add3A_402 : i32 to vector<16xi32>
    %add3A_404 = arith.addi %add3A_403, %iota3A : vector<16xi32>
    %swap3A_405 = arith.constant 64 : index
    %swap3A_406 = tpu.vector_load %arg8[%swap3A_405] {strides = array<i32>} : memref<80xi32, #tpu.memory_space<vmem>>, vector<16xi32>,
    %swap3A_407 = vector.shape_cast %swap3A_406 : vector<16xi32> to vector<16xi32>
    %swap3A_408 = vector.shape_cast %add3A_404 : vector<16xi32> to vector<16xi32>
    tpu.vector_store %arg8[%swap3A_405], %swap3A_408 {strides = array<i32>} : memref<80xi32, #tpu.memory_space<vmem>>, vector<16xi32>,
    "tpu.region"() ({
      %run_scoped3A = tpu.sem_alloc : memref<!tpu.dma_semaphore, #tpu.memory_space<semaphore_mem>>
      %dma_start3A = arith.constant 0 : i32
      %dma_start3A_634 = arith.constant 0 : i32
      %dma_start3A_635 = tpu.memref_slice %arg10[%dma_start3A, %dma_start3A_634] : memref<10000x128xf32, #tpu.memory_space<vmem_shared>> -> memref<10000x128xf32, #tpu.memory_space<vmem_shared>>
      tpu.enqueue_indirect_dma source(%dma_start3A_635 : memref<10000x128xf32, #tpu.memory_space<vmem_shared>>) target(%arg7 : memref<80x128xf32, #tpu.memory_space<vmem>>) offsets(%arg8 : memref<80xi32, #tpu.memory_space<vmem>>) semaphore(%run_scoped3A : memref<!tpu.dma_semaphore, #tpu.memory_space<semaphore_mem>>)
      %dma_wait3A = arith.constant 0 : i32
      %dma_wait3A_636 = arith.constant 0 : i32
      %dma_wait3A_637 = tpu.memref_slice %arg10[%dma_wait3A, %dma_wait3A_636] : memref<10000x128xf32, #tpu.memory_space<vmem_shared>> -> memref<10000x128xf32, #tpu.memory_space<vmem_shared>>
      tpu.wait_indirect_dma semaphore(%run_scoped3A : memref<!tpu.dma_semaphore, #tpu.memory_space<semaphore_mem>>) src(%dma_wait3A_637 : memref<10000x128xf32, #tpu.memory_space<vmem_shared>>) dst(%arg7 : memref<80x128xf32, #tpu.memory_space<vmem>>)
      tpu.yield
    }) : () -> ()
    "tpu.region"() ({
      %run_scoped3A = tpu.sem_alloc : memref<!tpu.dma_semaphore, #tpu.memory_space<semaphore_mem>>
      %dma_start3A = arith.constant 0 : i32
      %dma_start3A_634 = arith.constant 0 : i32
      %dma_start3A_635 = tpu.memref_slice %arg4[%arg0, %dma_start3A, %dma_start3A_634] : memref<2x10000x128xf32, #tpu.memory_space<hbm>> -> memref<1x10000x128xf32, #tpu.memory_space<hbm>>
      %dma_start3A_636 = tpu.memref_squeeze %dma_start3A_635 : memref<1x10000x128xf32, #tpu.memory_space<hbm>> -> memref<10000x128xf32, #tpu.memory_space<hbm>>
      %dma_start3A_637 = arith.constant 0 : i32
      %dma_start3A_638 = tpu.memref_slice %dma_start3A_636[%multiple_of3A_368, %dma_start3A_637] : memref<10000x128xf32, #tpu.memory_space<hbm>> -> memref<80x128xf32, #tpu.memory_space<hbm>>
      %dma_start3A_639 = arith.constant 0 : i32
      %dma_start3A_640 = arith.constant 0 : i32
      %dma_start3A_641 = tpu.memref_slice %arg4[%arg0, %dma_start3A_639, %dma_start3A_640] : memref<2x10000x128xf32, #tpu.memory_space<hbm>> -> memref<1x10000x128xf32, #tpu.memory_space<hbm>>
      %dma_start3A_642 = tpu.memref_squeeze %dma_start3A_641 : memref<1x10000x128xf32, #tpu.memory_space<hbm>> -> memref<10000x128xf32, #tpu.memory_space<hbm>>
      %dma_start3A_643 = arith.constant 0 : i32
      %dma_start3A_644 = tpu.memref_slice %dma_start3A_642[%multiple_of3A_368, %dma_start3A_643] : memref<10000x128xf32, #tpu.memory_space<hbm>> -> memref<80x128xf32, #tpu.memory_space<hbm>>
      tpu.enqueue_dma source(%arg7 : memref<80x128xf32, #tpu.memory_space<vmem>>) target(%dma_start3A_644 : memref<80x128xf32, #tpu.memory_space<hbm>>) target_semaphore(%run_scoped3A : memref<!tpu.dma_semaphore, #tpu.memory_space<semaphore_mem>>)
      %dma_wait3A = arith.constant 0 : i32
      %dma_wait3A_645 = arith.constant 0 : i32
      %dma_wait3A_646 = tpu.memref_slice %arg4[%arg0, %dma_wait3A, %dma_wait3A_645] : memref<2x10000x128xf32, #tpu.memory_space<hbm>> -> memref<1x10000x128xf32, #tpu.memory_space<hbm>>
      %dma_wait3A_647 = tpu.memref_squeeze %dma_wait3A_646 : memref<1x10000x128xf32, #tpu.memory_space<hbm>> -> memref<10000x128xf32, #tpu.memory_space<hbm>>
      %dma_wait3A_648 = arith.constant 0 : i32
      %dma_wait3A_649 = tpu.memref_slice %dma_wait3A_647[%multiple_of3A_368, %dma_wait3A_648] : memref<10000x128xf32, #tpu.memory_space<hbm>> -> memref<80x128xf32, #tpu.memory_space<hbm>>
      %dma_wait3A_650 = arith.constant 0 : i32
      %dma_wait3A_651 = arith.constant 0 : i32
      %dma_wait3A_652 = tpu.memref_slice %arg4[%arg0, %dma_wait3A_650, %dma_wait3A_651] : memref<2x10000x128xf32, #tpu.memory_space<hbm>> -> memref<1x10000x128xf32, #tpu.memory_space<hbm>>
      %dma_wait3A_653 = tpu.memref_squeeze %dma_wait3A_652 : memref<1x10000x128xf32, #tpu.memory_space<hbm>> -> memref<10000x128xf32, #tpu.memory_space<hbm>>
      %dma_wait3A_654 = arith.constant 0 : i32
      %dma_wait3A_655 = tpu.memref_slice %dma_wait3A_653[%multiple_of3A_368, %dma_wait3A_654] : memref<10000x128xf32, #tpu.memory_space<hbm>> -> memref<80x128xf32, #tpu.memory_space<hbm>>
      tpu.wait_dma2 semaphore(%run_scoped3A : memref<!tpu.dma_semaphore, #tpu.memory_space<semaphore_mem>>) src(%arg7 : memref<80x128xf32, #tpu.memory_space<vmem>>) dst(%dma_wait3A_655 : memref<80x128xf32, #tpu.memory_space<hbm>>)
      tpu.yield
    }) : () -> ()
    %add3A_409 = arith.constant 160 : i32
    %add3A_410 = arith.addi %select_n3A, %add3A_409 : i32
    %multiple_of3A_411 = tpu.assume_multiple %add3A_410, 8 : i32
    %add3A_412 = arith.constant 0 : i32
    %add3A_413 = arith.addi %multiple_of3A_411, %add3A_412 : i32
    %add3A_414 = vector.broadcast %add3A_413 : i32 to vector<16xi32>
    %add3A_415 = arith.addi %add3A_414, %iota3A : vector<16xi32>
    %swap3A_416 = arith.constant 0 : index
    %swap3A_417 = tpu.vector_load %arg8[%swap3A_416] {strides = array<i32>} : memref<80xi32, #tpu.memory_space<vmem>>, vector<16xi32>,
    %swap3A_418 = vector.shape_cast %swap3A_417 : vector<16xi32> to vector<16xi32>
    %swap3A_419 = vector.shape_cast %add3A_415 : vector<16xi32> to vector<16xi32>
    tpu.vector_store %arg8[%swap3A_416], %swap3A_419 {strides = array<i32>} : memref<80xi32, #tpu.memory_space<vmem>>, vector<16xi32>,
    %add3A_420 = arith.constant 16 : i32
    %add3A_421 = arith.addi %multiple_of3A_411, %add3A_420 : i32
    %add3A_422 = vector.broadcast %add3A_421 : i32 to vector<16xi32>
    %add3A_423 = arith.addi %add3A_422, %iota3A : vector<16xi32>
    %swap3A_424 = arith.constant 16 : index
    %swap3A_425 = tpu.vector_load %arg8[%swap3A_424] {strides = array<i32>} : memref<80xi32, #tpu.memory_space<vmem>>, vector<16xi32>,
    %swap3A_426 = vector.shape_cast %swap3A_425 : vector<16xi32> to vector<16xi32>
    %swap3A_427 = vector.shape_cast %add3A_423 : vector<16xi32> to vector<16xi32>
    tpu.vector_store %arg8[%swap3A_424], %swap3A_427 {strides = array<i32>} : memref<80xi32, #tpu.memory_space<vmem>>, vector<16xi32>,
    %add3A_428 = arith.constant 32 : i32
    %add3A_429 = arith.addi %multiple_of3A_411, %add3A_428 : i32
    %add3A_430 = vector.broadcast %add3A_429 : i32 to vector<16xi32>
    %add3A_431 = arith.addi %add3A_430, %iota3A : vector<16xi32>
    %swap3A_432 = arith.constant 32 : index
    %swap3A_433 = tpu.vector_load %arg8[%swap3A_432] {strides = array<i32>} : memref<80xi32, #tpu.memory_space<vmem>>, vector<16xi32>,
    %swap3A_434 = vector.shape_cast %swap3A_433 : vector<16xi32> to vector<16xi32>
    %swap3A_435 = vector.shape_cast %add3A_431 : vector<16xi32> to vector<16xi32>
    tpu.vector_store %arg8[%swap3A_432], %swap3A_435 {strides = array<i32>} : memref<80xi32, #tpu.memory_space<vmem>>, vector<16xi32>,
    %add3A_436 = arith.constant 48 : i32
    %add3A_437 = arith.addi %multiple_of3A_411, %add3A_436 : i32
    %add3A_438 = vector.broadcast %add3A_437 : i32 to vector<16xi32>
    %add3A_439 = arith.addi %add3A_438, %iota3A : vector<16xi32>
    %swap3A_440 = arith.constant 48 : index
    %swap3A_441 = tpu.vector_load %arg8[%swap3A_440] {strides = array<i32>} : memref<80xi32, #tpu.memory_space<vmem>>, vector<16xi32>,
    %swap3A_442 = vector.shape_cast %swap3A_441 : vector<16xi32> to vector<16xi32>
    %swap3A_443 = vector.shape_cast %add3A_439 : vector<16xi32> to vector<16xi32>
    tpu.vector_store %arg8[%swap3A_440], %swap3A_443 {strides = array<i32>} : memref<80xi32, #tpu.memory_space<vmem>>, vector<16xi32>,
    %add3A_444 = arith.constant 64 : i32
    %add3A_445 = arith.addi %multiple_of3A_411, %add3A_444 : i32
    %add3A_446 = vector.broadcast %add3A_445 : i32 to vector<16xi32>
    %add3A_447 = arith.addi %add3A_446, %iota3A : vector<16xi32>
    %swap3A_448 = arith.constant 64 : index
    %swap3A_449 = tpu.vector_load %arg8[%swap3A_448] {strides = array<i32>} : memref<80xi32, #tpu.memory_space<vmem>>, vector<16xi32>,
    %swap3A_450 = vector.shape_cast %swap3A_449 : vector<16xi32> to vector<16xi32>
    %swap3A_451 = vector.shape_cast %add3A_447 : vector<16xi32> to vector<16xi32>
    tpu.vector_store %arg8[%swap3A_448], %swap3A_451 {strides = array<i32>} : memref<80xi32, #tpu.memory_space<vmem>>, vector<16xi32>,
    "tpu.region"() ({
      %run_scoped3A = tpu.sem_alloc : memref<!tpu.dma_semaphore, #tpu.memory_space<semaphore_mem>>
      %dma_start3A = arith.constant 0 : i32
      %dma_start3A_634 = arith.constant 0 : i32
      %dma_start3A_635 = tpu.memref_slice %arg10[%dma_start3A, %dma_start3A_634] : memref<10000x128xf32, #tpu.memory_space<vmem_shared>> -> memref<10000x128xf32, #tpu.memory_space<vmem_shared>>
      tpu.enqueue_indirect_dma source(%dma_start3A_635 : memref<10000x128xf32, #tpu.memory_space<vmem_shared>>) target(%arg7 : memref<80x128xf32, #tpu.memory_space<vmem>>) offsets(%arg8 : memref<80xi32, #tpu.memory_space<vmem>>) semaphore(%run_scoped3A : memref<!tpu.dma_semaphore, #tpu.memory_space<semaphore_mem>>)
      %dma_wait3A = arith.constant 0 : i32
      %dma_wait3A_636 = arith.constant 0 : i32
      %dma_wait3A_637 = tpu.memref_slice %arg10[%dma_wait3A, %dma_wait3A_636] : memref<10000x128xf32, #tpu.memory_space<vmem_shared>> -> memref<10000x128xf32, #tpu.memory_space<vmem_shared>>
      tpu.wait_indirect_dma semaphore(%run_scoped3A : memref<!tpu.dma_semaphore, #tpu.memory_space<semaphore_mem>>) src(%dma_wait3A_637 : memref<10000x128xf32, #tpu.memory_space<vmem_shared>>) dst(%arg7 : memref<80x128xf32, #tpu.memory_space<vmem>>)
      tpu.yield
    }) : () -> ()
    "tpu.region"() ({
      %run_scoped3A = tpu.sem_alloc : memref<!tpu.dma_semaphore, #tpu.memory_space<semaphore_mem>>
      %dma_start3A = arith.constant 0 : i32
      %dma_start3A_634 = arith.constant 0 : i32
      %dma_start3A_635 = tpu.memref_slice %arg4[%arg0, %dma_start3A, %dma_start3A_634] : memref<2x10000x128xf32, #tpu.memory_space<hbm>> -> memref<1x10000x128xf32, #tpu.memory_space<hbm>>
      %dma_start3A_636 = tpu.memref_squeeze %dma_start3A_635 : memref<1x10000x128xf32, #tpu.memory_space<hbm>> -> memref<10000x128xf32, #tpu.memory_space<hbm>>
      %dma_start3A_637 = arith.constant 0 : i32
      %dma_start3A_638 = tpu.memref_slice %dma_start3A_636[%multiple_of3A_411, %dma_start3A_637] : memref<10000x128xf32, #tpu.memory_space<hbm>> -> memref<80x128xf32, #tpu.memory_space<hbm>>
      %dma_start3A_639 = arith.constant 0 : i32
      %dma_start3A_640 = arith.constant 0 : i32
      %dma_start3A_641 = tpu.memref_slice %arg4[%arg0, %dma_start3A_639, %dma_start3A_640] : memref<2x10000x128xf32, #tpu.memory_space<hbm>> -> memref<1x10000x128xf32, #tpu.memory_space<hbm>>
      %dma_start3A_642 = tpu.memref_squeeze %dma_start3A_641 : memref<1x10000x128xf32, #tpu.memory_space<hbm>> -> memref<10000x128xf32, #tpu.memory_space<hbm>>
      %dma_start3A_643 = arith.constant 0 : i32
      %dma_start3A_644 = tpu.memref_slice %dma_start3A_642[%multiple_of3A_411, %dma_start3A_643] : memref<10000x128xf32, #tpu.memory_space<hbm>> -> memref<80x128xf32, #tpu.memory_space<hbm>>
      tpu.enqueue_dma source(%arg7 : memref<80x128xf32, #tpu.memory_space<vmem>>) target(%dma_start3A_644 : memref<80x128xf32, #tpu.memory_space<hbm>>) target_semaphore(%run_scoped3A : memref<!tpu.dma_semaphore, #tpu.memory_space<semaphore_mem>>)
      %dma_wait3A = arith.constant 0 : i32
      %dma_wait3A_645 = arith.constant 0 : i32
      %dma_wait3A_646 = tpu.memref_slice %arg4[%arg0, %dma_wait3A, %dma_wait3A_645] : memref<2x10000x128xf32, #tpu.memory_space<hbm>> -> memref<1x10000x128xf32, #tpu.memory_space<hbm>>
      %dma_wait3A_647 = tpu.memref_squeeze %dma_wait3A_646 : memref<1x10000x128xf32, #tpu.memory_space<hbm>> -> memref<10000x128xf32, #tpu.memory_space<hbm>>
      %dma_wait3A_648 = arith.constant 0 : i32
      %dma_wait3A_649 = tpu.memref_slice %dma_wait3A_647[%multiple_of3A_411, %dma_wait3A_648] : memref<10000x128xf32, #tpu.memory_space<hbm>> -> memref<80x128xf32, #tpu.memory_space<hbm>>
      %dma_wait3A_650 = arith.constant 0 : i32
      %dma_wait3A_651 = arith.constant 0 : i32
      %dma_wait3A_652 = tpu.memref_slice %arg4[%arg0, %dma_wait3A_650, %dma_wait3A_651] : memref<2x10000x128xf32, #tpu.memory_space<hbm>> -> memref<1x10000x128xf32, #tpu.memory_space<hbm>>
      %dma_wait3A_653 = tpu.memref_squeeze %dma_wait3A_652 : memref<1x10000x128xf32, #tpu.memory_space<hbm>> -> memref<10000x128xf32, #tpu.memory_space<hbm>>
      %dma_wait3A_654 = arith.constant 0 : i32
      %dma_wait3A_655 = tpu.memref_slice %dma_wait3A_653[%multiple_of3A_411, %dma_wait3A_654] : memref<10000x128xf32, #tpu.memory_space<hbm>> -> memref<80x128xf32, #tpu.memory_space<hbm>>
      tpu.wait_dma2 semaphore(%run_scoped3A : memref<!tpu.dma_semaphore, #tpu.memory_space<semaphore_mem>>) src(%arg7 : memref<80x128xf32, #tpu.memory_space<vmem>>) dst(%dma_wait3A_655 : memref<80x128xf32, #tpu.memory_space<hbm>>)
      tpu.yield
    }) : () -> ()
    %add3A_452 = arith.constant 240 : i32
    %add3A_453 = arith.addi %select_n3A, %add3A_452 : i32
    %multiple_of3A_454 = tpu.assume_multiple %add3A_453, 8 : i32
    %add3A_455 = arith.constant 0 : i32
    %add3A_456 = arith.addi %multiple_of3A_454, %add3A_455 : i32
    %add3A_457 = vector.broadcast %add3A_456 : i32 to vector<16xi32>
    %add3A_458 = arith.addi %add3A_457, %iota3A : vector<16xi32>
    %swap3A_459 = arith.constant 0 : index
    %swap3A_460 = tpu.vector_load %arg8[%swap3A_459] {strides = array<i32>} : memref<80xi32, #tpu.memory_space<vmem>>, vector<16xi32>,
    %swap3A_461 = vector.shape_cast %swap3A_460 : vector<16xi32> to vector<16xi32>
    %swap3A_462 = vector.shape_cast %add3A_458 : vector<16xi32> to vector<16xi32>
    tpu.vector_store %arg8[%swap3A_459], %swap3A_462 {strides = array<i32>} : memref<80xi32, #tpu.memory_space<vmem>>, vector<16xi32>,
    %add3A_463 = arith.constant 16 : i32
    %add3A_464 = arith.addi %multiple_of3A_454, %add3A_463 : i32
    %add3A_465 = vector.broadcast %add3A_464 : i32 to vector<16xi32>
    %add3A_466 = arith.addi %add3A_465, %iota3A : vector<16xi32>
    %swap3A_467 = arith.constant 16 : index
    %swap3A_468 = tpu.vector_load %arg8[%swap3A_467] {strides = array<i32>} : memref<80xi32, #tpu.memory_space<vmem>>, vector<16xi32>,
    %swap3A_469 = vector.shape_cast %swap3A_468 : vector<16xi32> to vector<16xi32>
    %swap3A_470 = vector.shape_cast %add3A_466 : vector<16xi32> to vector<16xi32>
    tpu.vector_store %arg8[%swap3A_467], %swap3A_470 {strides = array<i32>} : memref<80xi32, #tpu.memory_space<vmem>>, vector<16xi32>,
    %add3A_471 = arith.constant 32 : i32
    %add3A_472 = arith.addi %multiple_of3A_454, %add3A_471 : i32
    %add3A_473 = vector.broadcast %add3A_472 : i32 to vector<16xi32>
    %add3A_474 = arith.addi %add3A_473, %iota3A : vector<16xi32>
    %swap3A_475 = arith.constant 32 : index
    %swap3A_476 = tpu.vector_load %arg8[%swap3A_475] {strides = array<i32>} : memref<80xi32, #tpu.memory_space<vmem>>, vector<16xi32>,
    %swap3A_477 = vector.shape_cast %swap3A_476 : vector<16xi32> to vector<16xi32>
    %swap3A_478 = vector.shape_cast %add3A_474 : vector<16xi32> to vector<16xi32>
    tpu.vector_store %arg8[%swap3A_475], %swap3A_478 {strides = array<i32>} : memref<80xi32, #tpu.memory_space<vmem>>, vector<16xi32>,
    %add3A_479 = arith.constant 48 : i32
    %add3A_480 = arith.addi %multiple_of3A_454, %add3A_479 : i32
    %add3A_481 = vector.broadcast %add3A_480 : i32 to vector<16xi32>
    %add3A_482 = arith.addi %add3A_481, %iota3A : vector<16xi32>
    %swap3A_483 = arith.constant 48 : index
    %swap3A_484 = tpu.vector_load %arg8[%swap3A_483] {strides = array<i32>} : memref<80xi32, #tpu.memory_space<vmem>>, vector<16xi32>,
    %swap3A_485 = vector.shape_cast %swap3A_484 : vector<16xi32> to vector<16xi32>
    %swap3A_486 = vector.shape_cast %add3A_482 : vector<16xi32> to vector<16xi32>
    tpu.vector_store %arg8[%swap3A_483], %swap3A_486 {strides = array<i32>} : memref<80xi32, #tpu.memory_space<vmem>>, vector<16xi32>,
    %add3A_487 = arith.constant 64 : i32
    %add3A_488 = arith.addi %multiple_of3A_454, %add3A_487 : i32
    %add3A_489 = vector.broadcast %add3A_488 : i32 to vector<16xi32>
    %add3A_490 = arith.addi %add3A_489, %iota3A : vector<16xi32>
    %swap3A_491 = arith.constant 64 : index
    %swap3A_492 = tpu.vector_load %arg8[%swap3A_491] {strides = array<i32>} : memref<80xi32, #tpu.memory_space<vmem>>, vector<16xi32>,
    %swap3A_493 = vector.shape_cast %swap3A_492 : vector<16xi32> to vector<16xi32>
    %swap3A_494 = vector.shape_cast %add3A_490 : vector<16xi32> to vector<16xi32>
    tpu.vector_store %arg8[%swap3A_491], %swap3A_494 {strides = array<i32>} : memref<80xi32, #tpu.memory_space<vmem>>, vector<16xi32>,
    "tpu.region"() ({
      %run_scoped3A = tpu.sem_alloc : memref<!tpu.dma_semaphore, #tpu.memory_space<semaphore_mem>>
      %dma_start3A = arith.constant 0 : i32
      %dma_start3A_634 = arith.constant 0 : i32
      %dma_start3A_635 = tpu.memref_slice %arg10[%dma_start3A, %dma_start3A_634] : memref<10000x128xf32, #tpu.memory_space<vmem_shared>> -> memref<10000x128xf32, #tpu.memory_space<vmem_shared>>
      tpu.enqueue_indirect_dma source(%dma_start3A_635 : memref<10000x128xf32, #tpu.memory_space<vmem_shared>>) target(%arg7 : memref<80x128xf32, #tpu.memory_space<vmem>>) offsets(%arg8 : memref<80xi32, #tpu.memory_space<vmem>>) semaphore(%run_scoped3A : memref<!tpu.dma_semaphore, #tpu.memory_space<semaphore_mem>>)
      %dma_wait3A = arith.constant 0 : i32
      %dma_wait3A_636 = arith.constant 0 : i32
      %dma_wait3A_637 = tpu.memref_slice %arg10[%dma_wait3A, %dma_wait3A_636] : memref<10000x128xf32, #tpu.memory_space<vmem_shared>> -> memref<10000x128xf32, #tpu.memory_space<vmem_shared>>
      tpu.wait_indirect_dma semaphore(%run_scoped3A : memref<!tpu.dma_semaphore, #tpu.memory_space<semaphore_mem>>) src(%dma_wait3A_637 : memref<10000x128xf32, #tpu.memory_space<vmem_shared>>) dst(%arg7 : memref<80x128xf32, #tpu.memory_space<vmem>>)
      tpu.yield
    }) : () -> ()
    "tpu.region"() ({
      %run_scoped3A = tpu.sem_alloc : memref<!tpu.dma_semaphore, #tpu.memory_space<semaphore_mem>>
      %dma_start3A = arith.constant 0 : i32
      %dma_start3A_634 = arith.constant 0 : i32
      %dma_start3A_635 = tpu.memref_slice %arg4[%arg0, %dma_start3A, %dma_start3A_634] : memref<2x10000x128xf32, #tpu.memory_space<hbm>> -> memref<1x10000x128xf32, #tpu.memory_space<hbm>>
      %dma_start3A_636 = tpu.memref_squeeze %dma_start3A_635 : memref<1x10000x128xf32, #tpu.memory_space<hbm>> -> memref<10000x128xf32, #tpu.memory_space<hbm>>
      %dma_start3A_637 = arith.constant 0 : i32
      %dma_start3A_638 = tpu.memref_slice %dma_start3A_636[%multiple_of3A_454, %dma_start3A_637] : memref<10000x128xf32, #tpu.memory_space<hbm>> -> memref<80x128xf32, #tpu.memory_space<hbm>>
      %dma_start3A_639 = arith.constant 0 : i32
      %dma_start3A_640 = arith.constant 0 : i32
      %dma_start3A_641 = tpu.memref_slice %arg4[%arg0, %dma_start3A_639, %dma_start3A_640] : memref<2x10000x128xf32, #tpu.memory_space<hbm>> -> memref<1x10000x128xf32, #tpu.memory_space<hbm>>
      %dma_start3A_642 = tpu.memref_squeeze %dma_start3A_641 : memref<1x10000x128xf32, #tpu.memory_space<hbm>> -> memref<10000x128xf32, #tpu.memory_space<hbm>>
      %dma_start3A_643 = arith.constant 0 : i32
      %dma_start3A_644 = tpu.memref_slice %dma_start3A_642[%multiple_of3A_454, %dma_start3A_643] : memref<10000x128xf32, #tpu.memory_space<hbm>> -> memref<80x128xf32, #tpu.memory_space<hbm>>
      tpu.enqueue_dma source(%arg7 : memref<80x128xf32, #tpu.memory_space<vmem>>) target(%dma_start3A_644 : memref<80x128xf32, #tpu.memory_space<hbm>>) target_semaphore(%run_scoped3A : memref<!tpu.dma_semaphore, #tpu.memory_space<semaphore_mem>>)
      %dma_wait3A = arith.constant 0 : i32
      %dma_wait3A_645 = arith.constant 0 : i32
      %dma_wait3A_646 = tpu.memref_slice %arg4[%arg0, %dma_wait3A, %dma_wait3A_645] : memref<2x10000x128xf32, #tpu.memory_space<hbm>> -> memref<1x10000x128xf32, #tpu.memory_space<hbm>>
      %dma_wait3A_647 = tpu.memref_squeeze %dma_wait3A_646 : memref<1x10000x128xf32, #tpu.memory_space<hbm>> -> memref<10000x128xf32, #tpu.memory_space<hbm>>
      %dma_wait3A_648 = arith.constant 0 : i32
      %dma_wait3A_649 = tpu.memref_slice %dma_wait3A_647[%multiple_of3A_454, %dma_wait3A_648] : memref<10000x128xf32, #tpu.memory_space<hbm>> -> memref<80x128xf32, #tpu.memory_space<hbm>>
      %dma_wait3A_650 = arith.constant 0 : i32
      %dma_wait3A_651 = arith.constant 0 : i32
      %dma_wait3A_652 = tpu.memref_slice %arg4[%arg0, %dma_wait3A_650, %dma_wait3A_651] : memref<2x10000x128xf32, #tpu.memory_space<hbm>> -> memref<1x10000x128xf32, #tpu.memory_space<hbm>>
      %dma_wait3A_653 = tpu.memref_squeeze %dma_wait3A_652 : memref<1x10000x128xf32, #tpu.memory_space<hbm>> -> memref<10000x128xf32, #tpu.memory_space<hbm>>
      %dma_wait3A_654 = arith.constant 0 : i32
      %dma_wait3A_655 = tpu.memref_slice %dma_wait3A_653[%multiple_of3A_454, %dma_wait3A_654] : memref<10000x128xf32, #tpu.memory_space<hbm>> -> memref<80x128xf32, #tpu.memory_space<hbm>>
      tpu.wait_dma2 semaphore(%run_scoped3A : memref<!tpu.dma_semaphore, #tpu.memory_space<semaphore_mem>>) src(%arg7 : memref<80x128xf32, #tpu.memory_space<vmem>>) dst(%dma_wait3A_655 : memref<80x128xf32, #tpu.memory_space<hbm>>)
      tpu.yield
    }) : () -> ()
    %add3A_495 = arith.constant 320 : i32
    %add3A_496 = arith.addi %select_n3A, %add3A_495 : i32
    %multiple_of3A_497 = tpu.assume_multiple %add3A_496, 8 : i32
    %add3A_498 = arith.constant 0 : i32
    %add3A_499 = arith.addi %multiple_of3A_497, %add3A_498 : i32
    %add3A_500 = vector.broadcast %add3A_499 : i32 to vector<16xi32>
    %add3A_501 = arith.addi %add3A_500, %iota3A : vector<16xi32>
    %swap3A_502 = arith.constant 0 : index
    %swap3A_503 = tpu.vector_load %arg8[%swap3A_502] {strides = array<i32>} : memref<80xi32, #tpu.memory_space<vmem>>, vector<16xi32>,
    %swap3A_504 = vector.shape_cast %swap3A_503 : vector<16xi32> to vector<16xi32>
    %swap3A_505 = vector.shape_cast %add3A_501 : vector<16xi32> to vector<16xi32>
    tpu.vector_store %arg8[%swap3A_502], %swap3A_505 {strides = array<i32>} : memref<80xi32, #tpu.memory_space<vmem>>, vector<16xi32>,
    %add3A_506 = arith.constant 16 : i32
    %add3A_507 = arith.addi %multiple_of3A_497, %add3A_506 : i32
    %add3A_508 = vector.broadcast %add3A_507 : i32 to vector<16xi32>
    %add3A_509 = arith.addi %add3A_508, %iota3A : vector<16xi32>
    %swap3A_510 = arith.constant 16 : index
    %swap3A_511 = tpu.vector_load %arg8[%swap3A_510] {strides = array<i32>} : memref<80xi32, #tpu.memory_space<vmem>>, vector<16xi32>,
    %swap3A_512 = vector.shape_cast %swap3A_511 : vector<16xi32> to vector<16xi32>
    %swap3A_513 = vector.shape_cast %add3A_509 : vector<16xi32> to vector<16xi32>
    tpu.vector_store %arg8[%swap3A_510], %swap3A_513 {strides = array<i32>} : memref<80xi32, #tpu.memory_space<vmem>>, vector<16xi32>,
    %add3A_514 = arith.constant 32 : i32
    %add3A_515 = arith.addi %multiple_of3A_497, %add3A_514 : i32
    %add3A_516 = vector.broadcast %add3A_515 : i32 to vector<16xi32>
    %add3A_517 = arith.addi %add3A_516, %iota3A : vector<16xi32>
    %swap3A_518 = arith.constant 32 : index
    %swap3A_519 = tpu.vector_load %arg8[%swap3A_518] {strides = array<i32>} : memref<80xi32, #tpu.memory_space<vmem>>, vector<16xi32>,
    %swap3A_520 = vector.shape_cast %swap3A_519 : vector<16xi32> to vector<16xi32>
    %swap3A_521 = vector.shape_cast %add3A_517 : vector<16xi32> to vector<16xi32>
    tpu.vector_store %arg8[%swap3A_518], %swap3A_521 {strides = array<i32>} : memref<80xi32, #tpu.memory_space<vmem>>, vector<16xi32>,
    %add3A_522 = arith.constant 48 : i32
    %add3A_523 = arith.addi %multiple_of3A_497, %add3A_522 : i32
    %add3A_524 = vector.broadcast %add3A_523 : i32 to vector<16xi32>
    %add3A_525 = arith.addi %add3A_524, %iota3A : vector<16xi32>
    %swap3A_526 = arith.constant 48 : index
    %swap3A_527 = tpu.vector_load %arg8[%swap3A_526] {strides = array<i32>} : memref<80xi32, #tpu.memory_space<vmem>>, vector<16xi32>,
    %swap3A_528 = vector.shape_cast %swap3A_527 : vector<16xi32> to vector<16xi32>
    %swap3A_529 = vector.shape_cast %add3A_525 : vector<16xi32> to vector<16xi32>
    tpu.vector_store %arg8[%swap3A_526], %swap3A_529 {strides = array<i32>} : memref<80xi32, #tpu.memory_space<vmem>>, vector<16xi32>,
    %add3A_530 = arith.constant 64 : i32
    %add3A_531 = arith.addi %multiple_of3A_497, %add3A_530 : i32
    %add3A_532 = vector.broadcast %add3A_531 : i32 to vector<16xi32>
    %add3A_533 = arith.addi %add3A_532, %iota3A : vector<16xi32>
    %swap3A_534 = arith.constant 64 : index
    %swap3A_535 = tpu.vector_load %arg8[%swap3A_534] {strides = array<i32>} : memref<80xi32, #tpu.memory_space<vmem>>, vector<16xi32>,
    %swap3A_536 = vector.shape_cast %swap3A_535 : vector<16xi32> to vector<16xi32>
    %swap3A_537 = vector.shape_cast %add3A_533 : vector<16xi32> to vector<16xi32>
    tpu.vector_store %arg8[%swap3A_534], %swap3A_537 {strides = array<i32>} : memref<80xi32, #tpu.memory_space<vmem>>, vector<16xi32>,
    "tpu.region"() ({
      %run_scoped3A = tpu.sem_alloc : memref<!tpu.dma_semaphore, #tpu.memory_space<semaphore_mem>>
      %dma_start3A = arith.constant 0 : i32
      %dma_start3A_634 = arith.constant 0 : i32
      %dma_start3A_635 = tpu.memref_slice %arg10[%dma_start3A, %dma_start3A_634] : memref<10000x128xf32, #tpu.memory_space<vmem_shared>> -> memref<10000x128xf32, #tpu.memory_space<vmem_shared>>
      tpu.enqueue_indirect_dma source(%dma_start3A_635 : memref<10000x128xf32, #tpu.memory_space<vmem_shared>>) target(%arg7 : memref<80x128xf32, #tpu.memory_space<vmem>>) offsets(%arg8 : memref<80xi32, #tpu.memory_space<vmem>>) semaphore(%run_scoped3A : memref<!tpu.dma_semaphore, #tpu.memory_space<semaphore_mem>>)
      %dma_wait3A = arith.constant 0 : i32
      %dma_wait3A_636 = arith.constant 0 : i32
      %dma_wait3A_637 = tpu.memref_slice %arg10[%dma_wait3A, %dma_wait3A_636] : memref<10000x128xf32, #tpu.memory_space<vmem_shared>> -> memref<10000x128xf32, #tpu.memory_space<vmem_shared>>
      tpu.wait_indirect_dma semaphore(%run_scoped3A : memref<!tpu.dma_semaphore, #tpu.memory_space<semaphore_mem>>) src(%dma_wait3A_637 : memref<10000x128xf32, #tpu.memory_space<vmem_shared>>) dst(%arg7 : memref<80x128xf32, #tpu.memory_space<vmem>>)
      tpu.yield
    }) : () -> ()
    "tpu.region"() ({
      %run_scoped3A = tpu.sem_alloc : memref<!tpu.dma_semaphore, #tpu.memory_space<semaphore_mem>>
      %dma_start3A = arith.constant 0 : i32
      %dma_start3A_634 = arith.constant 0 : i32
      %dma_start3A_635 = tpu.memref_slice %arg4[%arg0, %dma_start3A, %dma_start3A_634] : memref<2x10000x128xf32, #tpu.memory_space<hbm>> -> memref<1x10000x128xf32, #tpu.memory_space<hbm>>
      %dma_start3A_636 = tpu.memref_squeeze %dma_start3A_635 : memref<1x10000x128xf32, #tpu.memory_space<hbm>> -> memref<10000x128xf32, #tpu.memory_space<hbm>>
      %dma_start3A_637 = arith.constant 0 : i32
      %dma_start3A_638 = tpu.memref_slice %dma_start3A_636[%multiple_of3A_497, %dma_start3A_637] : memref<10000x128xf32, #tpu.memory_space<hbm>> -> memref<80x128xf32, #tpu.memory_space<hbm>>
      %dma_start3A_639 = arith.constant 0 : i32
      %dma_start3A_640 = arith.constant 0 : i32
      %dma_start3A_641 = tpu.memref_slice %arg4[%arg0, %dma_start3A_639, %dma_start3A_640] : memref<2x10000x128xf32, #tpu.memory_space<hbm>> -> memref<1x10000x128xf32, #tpu.memory_space<hbm>>
      %dma_start3A_642 = tpu.memref_squeeze %dma_start3A_641 : memref<1x10000x128xf32, #tpu.memory_space<hbm>> -> memref<10000x128xf32, #tpu.memory_space<hbm>>
      %dma_start3A_643 = arith.constant 0 : i32
      %dma_start3A_644 = tpu.memref_slice %dma_start3A_642[%multiple_of3A_497, %dma_start3A_643] : memref<10000x128xf32, #tpu.memory_space<hbm>> -> memref<80x128xf32, #tpu.memory_space<hbm>>
      tpu.enqueue_dma source(%arg7 : memref<80x128xf32, #tpu.memory_space<vmem>>) target(%dma_start3A_644 : memref<80x128xf32, #tpu.memory_space<hbm>>) target_semaphore(%run_scoped3A : memref<!tpu.dma_semaphore, #tpu.memory_space<semaphore_mem>>)
      %dma_wait3A = arith.constant 0 : i32
      %dma_wait3A_645 = arith.constant 0 : i32
      %dma_wait3A_646 = tpu.memref_slice %arg4[%arg0, %dma_wait3A, %dma_wait3A_645] : memref<2x10000x128xf32, #tpu.memory_space<hbm>> -> memref<1x10000x128xf32, #tpu.memory_space<hbm>>
      %dma_wait3A_647 = tpu.memref_squeeze %dma_wait3A_646 : memref<1x10000x128xf32, #tpu.memory_space<hbm>> -> memref<10000x128xf32, #tpu.memory_space<hbm>>
      %dma_wait3A_648 = arith.constant 0 : i32
      %dma_wait3A_649 = tpu.memref_slice %dma_wait3A_647[%multiple_of3A_497, %dma_wait3A_648] : memref<10000x128xf32, #tpu.memory_space<hbm>> -> memref<80x128xf32, #tpu.memory_space<hbm>>
      %dma_wait3A_650 = arith.constant 0 : i32
      %dma_wait3A_651 = arith.constant 0 : i32
      %dma_wait3A_652 = tpu.memref_slice %arg4[%arg0, %dma_wait3A_650, %dma_wait3A_651] : memref<2x10000x128xf32, #tpu.memory_space<hbm>> -> memref<1x10000x128xf32, #tpu.memory_space<hbm>>
      %dma_wait3A_653 = tpu.memref_squeeze %dma_wait3A_652 : memref<1x10000x128xf32, #tpu.memory_space<hbm>> -> memref<10000x128xf32, #tpu.memory_space<hbm>>
      %dma_wait3A_654 = arith.constant 0 : i32
      %dma_wait3A_655 = tpu.memref_slice %dma_wait3A_653[%multiple_of3A_497, %dma_wait3A_654] : memref<10000x128xf32, #tpu.memory_space<hbm>> -> memref<80x128xf32, #tpu.memory_space<hbm>>
      tpu.wait_dma2 semaphore(%run_scoped3A : memref<!tpu.dma_semaphore, #tpu.memory_space<semaphore_mem>>) src(%arg7 : memref<80x128xf32, #tpu.memory_space<vmem>>) dst(%dma_wait3A_655 : memref<80x128xf32, #tpu.memory_space<hbm>>)
      tpu.yield
    }) : () -> ()
    %add3A_538 = arith.constant 400 : i32
    %add3A_539 = arith.addi %select_n3A, %add3A_538 : i32
    %multiple_of3A_540 = tpu.assume_multiple %add3A_539, 8 : i32
    %add3A_541 = arith.constant 0 : i32
    %add3A_542 = arith.addi %multiple_of3A_540, %add3A_541 : i32
    %add3A_543 = vector.broadcast %add3A_542 : i32 to vector<16xi32>
    %add3A_544 = arith.addi %add3A_543, %iota3A : vector<16xi32>
    %swap3A_545 = arith.constant 0 : index
    %swap3A_546 = tpu.vector_load %arg8[%swap3A_545] {strides = array<i32>} : memref<80xi32, #tpu.memory_space<vmem>>, vector<16xi32>,
    %swap3A_547 = vector.shape_cast %swap3A_546 : vector<16xi32> to vector<16xi32>
    %swap3A_548 = vector.shape_cast %add3A_544 : vector<16xi32> to vector<16xi32>
    tpu.vector_store %arg8[%swap3A_545], %swap3A_548 {strides = array<i32>} : memref<80xi32, #tpu.memory_space<vmem>>, vector<16xi32>,
    %add3A_549 = arith.constant 16 : i32
    %add3A_550 = arith.addi %multiple_of3A_540, %add3A_549 : i32
    %add3A_551 = vector.broadcast %add3A_550 : i32 to vector<16xi32>
    %add3A_552 = arith.addi %add3A_551, %iota3A : vector<16xi32>
    %swap3A_553 = arith.constant 16 : index
    %swap3A_554 = tpu.vector_load %arg8[%swap3A_553] {strides = array<i32>} : memref<80xi32, #tpu.memory_space<vmem>>, vector<16xi32>,
    %swap3A_555 = vector.shape_cast %swap3A_554 : vector<16xi32> to vector<16xi32>
    %swap3A_556 = vector.shape_cast %add3A_552 : vector<16xi32> to vector<16xi32>
    tpu.vector_store %arg8[%swap3A_553], %swap3A_556 {strides = array<i32>} : memref<80xi32, #tpu.memory_space<vmem>>, vector<16xi32>,
    %add3A_557 = arith.constant 32 : i32
    %add3A_558 = arith.addi %multiple_of3A_540, %add3A_557 : i32
    %add3A_559 = vector.broadcast %add3A_558 : i32 to vector<16xi32>
    %add3A_560 = arith.addi %add3A_559, %iota3A : vector<16xi32>
    %swap3A_561 = arith.constant 32 : index
    %swap3A_562 = tpu.vector_load %arg8[%swap3A_561] {strides = array<i32>} : memref<80xi32, #tpu.memory_space<vmem>>, vector<16xi32>,
    %swap3A_563 = vector.shape_cast %swap3A_562 : vector<16xi32> to vector<16xi32>
    %swap3A_564 = vector.shape_cast %add3A_560 : vector<16xi32> to vector<16xi32>
    tpu.vector_store %arg8[%swap3A_561], %swap3A_564 {strides = array<i32>} : memref<80xi32, #tpu.memory_space<vmem>>, vector<16xi32>,
    %add3A_565 = arith.constant 48 : i32
    %add3A_566 = arith.addi %multiple_of3A_540, %add3A_565 : i32
    %add3A_567 = vector.broadcast %add3A_566 : i32 to vector<16xi32>
    %add3A_568 = arith.addi %add3A_567, %iota3A : vector<16xi32>
    %swap3A_569 = arith.constant 48 : index
    %swap3A_570 = tpu.vector_load %arg8[%swap3A_569] {strides = array<i32>} : memref<80xi32, #tpu.memory_space<vmem>>, vector<16xi32>,
    %swap3A_571 = vector.shape_cast %swap3A_570 : vector<16xi32> to vector<16xi32>
    %swap3A_572 = vector.shape_cast %add3A_568 : vector<16xi32> to vector<16xi32>
    tpu.vector_store %arg8[%swap3A_569], %swap3A_572 {strides = array<i32>} : memref<80xi32, #tpu.memory_space<vmem>>, vector<16xi32>,
    %add3A_573 = arith.constant 64 : i32
    %add3A_574 = arith.addi %multiple_of3A_540, %add3A_573 : i32
    %add3A_575 = vector.broadcast %add3A_574 : i32 to vector<16xi32>
    %add3A_576 = arith.addi %add3A_575, %iota3A : vector<16xi32>
    %swap3A_577 = arith.constant 64 : index
    %swap3A_578 = tpu.vector_load %arg8[%swap3A_577] {strides = array<i32>} : memref<80xi32, #tpu.memory_space<vmem>>, vector<16xi32>,
    %swap3A_579 = vector.shape_cast %swap3A_578 : vector<16xi32> to vector<16xi32>
    %swap3A_580 = vector.shape_cast %add3A_576 : vector<16xi32> to vector<16xi32>
    tpu.vector_store %arg8[%swap3A_577], %swap3A_580 {strides = array<i32>} : memref<80xi32, #tpu.memory_space<vmem>>, vector<16xi32>,
    "tpu.region"() ({
      %run_scoped3A = tpu.sem_alloc : memref<!tpu.dma_semaphore, #tpu.memory_space<semaphore_mem>>
      %dma_start3A = arith.constant 0 : i32
      %dma_start3A_634 = arith.constant 0 : i32
      %dma_start3A_635 = tpu.memref_slice %arg10[%dma_start3A, %dma_start3A_634] : memref<10000x128xf32, #tpu.memory_space<vmem_shared>> -> memref<10000x128xf32, #tpu.memory_space<vmem_shared>>
      tpu.enqueue_indirect_dma source(%dma_start3A_635 : memref<10000x128xf32, #tpu.memory_space<vmem_shared>>) target(%arg7 : memref<80x128xf32, #tpu.memory_space<vmem>>) offsets(%arg8 : memref<80xi32, #tpu.memory_space<vmem>>) semaphore(%run_scoped3A : memref<!tpu.dma_semaphore, #tpu.memory_space<semaphore_mem>>)
      %dma_wait3A = arith.constant 0 : i32
      %dma_wait3A_636 = arith.constant 0 : i32
      %dma_wait3A_637 = tpu.memref_slice %arg10[%dma_wait3A, %dma_wait3A_636] : memref<10000x128xf32, #tpu.memory_space<vmem_shared>> -> memref<10000x128xf32, #tpu.memory_space<vmem_shared>>
      tpu.wait_indirect_dma semaphore(%run_scoped3A : memref<!tpu.dma_semaphore, #tpu.memory_space<semaphore_mem>>) src(%dma_wait3A_637 : memref<10000x128xf32, #tpu.memory_space<vmem_shared>>) dst(%arg7 : memref<80x128xf32, #tpu.memory_space<vmem>>)
      tpu.yield
    }) : () -> ()
    "tpu.region"() ({
      %run_scoped3A = tpu.sem_alloc : memref<!tpu.dma_semaphore, #tpu.memory_space<semaphore_mem>>
      %dma_start3A = arith.constant 0 : i32
      %dma_start3A_634 = arith.constant 0 : i32
      %dma_start3A_635 = tpu.memref_slice %arg4[%arg0, %dma_start3A, %dma_start3A_634] : memref<2x10000x128xf32, #tpu.memory_space<hbm>> -> memref<1x10000x128xf32, #tpu.memory_space<hbm>>
      %dma_start3A_636 = tpu.memref_squeeze %dma_start3A_635 : memref<1x10000x128xf32, #tpu.memory_space<hbm>> -> memref<10000x128xf32, #tpu.memory_space<hbm>>
      %dma_start3A_637 = arith.constant 0 : i32
      %dma_start3A_638 = tpu.memref_slice %dma_start3A_636[%multiple_of3A_540, %dma_start3A_637] : memref<10000x128xf32, #tpu.memory_space<hbm>> -> memref<80x128xf32, #tpu.memory_space<hbm>>
      %dma_start3A_639 = arith.constant 0 : i32
      %dma_start3A_640 = arith.constant 0 : i32
      %dma_start3A_641 = tpu.memref_slice %arg4[%arg0, %dma_start3A_639, %dma_start3A_640] : memref<2x10000x128xf32, #tpu.memory_space<hbm>> -> memref<1x10000x128xf32, #tpu.memory_space<hbm>>
      %dma_start3A_642 = tpu.memref_squeeze %dma_start3A_641 : memref<1x10000x128xf32, #tpu.memory_space<hbm>> -> memref<10000x128xf32, #tpu.memory_space<hbm>>
      %dma_start3A_643 = arith.constant 0 : i32
      %dma_start3A_644 = tpu.memref_slice %dma_start3A_642[%multiple_of3A_540, %dma_start3A_643] : memref<10000x128xf32, #tpu.memory_space<hbm>> -> memref<80x128xf32, #tpu.memory_space<hbm>>
      tpu.enqueue_dma source(%arg7 : memref<80x128xf32, #tpu.memory_space<vmem>>) target(%dma_start3A_644 : memref<80x128xf32, #tpu.memory_space<hbm>>) target_semaphore(%run_scoped3A : memref<!tpu.dma_semaphore, #tpu.memory_space<semaphore_mem>>)
      %dma_wait3A = arith.constant 0 : i32
      %dma_wait3A_645 = arith.constant 0 : i32
      %dma_wait3A_646 = tpu.memref_slice %arg4[%arg0, %dma_wait3A, %dma_wait3A_645] : memref<2x10000x128xf32, #tpu.memory_space<hbm>> -> memref<1x10000x128xf32, #tpu.memory_space<hbm>>
      %dma_wait3A_647 = tpu.memref_squeeze %dma_wait3A_646 : memref<1x10000x128xf32, #tpu.memory_space<hbm>> -> memref<10000x128xf32, #tpu.memory_space<hbm>>
      %dma_wait3A_648 = arith.constant 0 : i32
      %dma_wait3A_649 = tpu.memref_slice %dma_wait3A_647[%multiple_of3A_540, %dma_wait3A_648] : memref<10000x128xf32, #tpu.memory_space<hbm>> -> memref<80x128xf32, #tpu.memory_space<hbm>>
      %dma_wait3A_650 = arith.constant 0 : i32
      %dma_wait3A_651 = arith.constant 0 : i32
      %dma_wait3A_652 = tpu.memref_slice %arg4[%arg0, %dma_wait3A_650, %dma_wait3A_651] : memref<2x10000x128xf32, #tpu.memory_space<hbm>> -> memref<1x10000x128xf32, #tpu.memory_space<hbm>>
      %dma_wait3A_653 = tpu.memref_squeeze %dma_wait3A_652 : memref<1x10000x128xf32, #tpu.memory_space<hbm>> -> memref<10000x128xf32, #tpu.memory_space<hbm>>
      %dma_wait3A_654 = arith.constant 0 : i32
      %dma_wait3A_655 = tpu.memref_slice %dma_wait3A_653[%multiple_of3A_540, %dma_wait3A_654] : memref<10000x128xf32, #tpu.memory_space<hbm>> -> memref<80x128xf32, #tpu.memory_space<hbm>>
      tpu.wait_dma2 semaphore(%run_scoped3A : memref<!tpu.dma_semaphore, #tpu.memory_space<semaphore_mem>>) src(%arg7 : memref<80x128xf32, #tpu.memory_space<vmem>>) dst(%dma_wait3A_655 : memref<80x128xf32, #tpu.memory_space<hbm>>)
      tpu.yield
    }) : () -> ()
    %add3A_581 = arith.constant 480 : i32
    %add3A_582 = arith.addi %select_n3A, %add3A_581 : i32
    %multiple_of3A_583 = tpu.assume_multiple %add3A_582, 8 : i32
    %add3A_584 = arith.constant 0 : i32
    %add3A_585 = arith.addi %multiple_of3A_583, %add3A_584 : i32
    %add3A_586 = vector.broadcast %add3A_585 : i32 to vector<16xi32>
    %add3A_587 = arith.addi %add3A_586, %iota3A : vector<16xi32>
    %swap3A_588 = arith.constant 0 : index
    %swap3A_589 = tpu.vector_load %arg8[%swap3A_588] {strides = array<i32>} : memref<80xi32, #tpu.memory_space<vmem>>, vector<16xi32>,
    %swap3A_590 = vector.shape_cast %swap3A_589 : vector<16xi32> to vector<16xi32>
    %swap3A_591 = vector.shape_cast %add3A_587 : vector<16xi32> to vector<16xi32>
    tpu.vector_store %arg8[%swap3A_588], %swap3A_591 {strides = array<i32>} : memref<80xi32, #tpu.memory_space<vmem>>, vector<16xi32>,
    %add3A_592 = arith.constant 16 : i32
    %add3A_593 = arith.addi %multiple_of3A_583, %add3A_592 : i32
    %add3A_594 = vector.broadcast %add3A_593 : i32 to vector<16xi32>
    %add3A_595 = arith.addi %add3A_594, %iota3A : vector<16xi32>
    %swap3A_596 = arith.constant 16 : index
    %swap3A_597 = tpu.vector_load %arg8[%swap3A_596] {strides = array<i32>} : memref<80xi32, #tpu.memory_space<vmem>>, vector<16xi32>,
    %swap3A_598 = vector.shape_cast %swap3A_597 : vector<16xi32> to vector<16xi32>
    %swap3A_599 = vector.shape_cast %add3A_595 : vector<16xi32> to vector<16xi32>
    tpu.vector_store %arg8[%swap3A_596], %swap3A_599 {strides = array<i32>} : memref<80xi32, #tpu.memory_space<vmem>>, vector<16xi32>,
    %add3A_600 = arith.constant 32 : i32
    %add3A_601 = arith.addi %multiple_of3A_583, %add3A_600 : i32
    %add3A_602 = vector.broadcast %add3A_601 : i32 to vector<16xi32>
    %add3A_603 = arith.addi %add3A_602, %iota3A : vector<16xi32>
    %swap3A_604 = arith.constant 32 : index
    %swap3A_605 = tpu.vector_load %arg8[%swap3A_604] {strides = array<i32>} : memref<80xi32, #tpu.memory_space<vmem>>, vector<16xi32>,
    %swap3A_606 = vector.shape_cast %swap3A_605 : vector<16xi32> to vector<16xi32>
    %swap3A_607 = vector.shape_cast %add3A_603 : vector<16xi32> to vector<16xi32>
    tpu.vector_store %arg8[%swap3A_604], %swap3A_607 {strides = array<i32>} : memref<80xi32, #tpu.memory_space<vmem>>, vector<16xi32>,
    %add3A_608 = arith.constant 48 : i32
    %add3A_609 = arith.addi %multiple_of3A_583, %add3A_608 : i32
    %add3A_610 = vector.broadcast %add3A_609 : i32 to vector<16xi32>
    %add3A_611 = arith.addi %add3A_610, %iota3A : vector<16xi32>
    %swap3A_612 = arith.constant 48 : index
    %swap3A_613 = tpu.vector_load %arg8[%swap3A_612] {strides = array<i32>} : memref<80xi32, #tpu.memory_space<vmem>>, vector<16xi32>,
    %swap3A_614 = vector.shape_cast %swap3A_613 : vector<16xi32> to vector<16xi32>
    %swap3A_615 = vector.shape_cast %add3A_611 : vector<16xi32> to vector<16xi32>
    tpu.vector_store %arg8[%swap3A_612], %swap3A_615 {strides = array<i32>} : memref<80xi32, #tpu.memory_space<vmem>>, vector<16xi32>,
    %add3A_616 = arith.constant 64 : i32
    %add3A_617 = arith.addi %multiple_of3A_583, %add3A_616 : i32
    %add3A_618 = vector.broadcast %add3A_617 : i32 to vector<16xi32>
    %add3A_619 = arith.addi %add3A_618, %iota3A : vector<16xi32>
    %swap3A_620 = arith.constant 64 : index
    %swap3A_621 = tpu.vector_load %arg8[%swap3A_620] {strides = array<i32>} : memref<80xi32, #tpu.memory_space<vmem>>, vector<16xi32>,
    %swap3A_622 = vector.shape_cast %swap3A_621 : vector<16xi32> to vector<16xi32>
    %swap3A_623 = vector.shape_cast %add3A_619 : vector<16xi32> to vector<16xi32>
    tpu.vector_store %arg8[%swap3A_620], %swap3A_623 {strides = array<i32>} : memref<80xi32, #tpu.memory_space<vmem>>, vector<16xi32>,
    "tpu.region"() ({
      %run_scoped3A = tpu.sem_alloc : memref<!tpu.dma_semaphore, #tpu.memory_space<semaphore_mem>>
      %dma_start3A = arith.constant 0 : i32
      %dma_start3A_634 = arith.constant 0 : i32
      %dma_start3A_635 = tpu.memref_slice %arg10[%dma_start3A, %dma_start3A_634] : memref<10000x128xf32, #tpu.memory_space<vmem_shared>> -> memref<10000x128xf32, #tpu.memory_space<vmem_shared>>
      tpu.enqueue_indirect_dma source(%dma_start3A_635 : memref<10000x128xf32, #tpu.memory_space<vmem_shared>>) target(%arg7 : memref<80x128xf32, #tpu.memory_space<vmem>>) offsets(%arg8 : memref<80xi32, #tpu.memory_space<vmem>>) semaphore(%run_scoped3A : memref<!tpu.dma_semaphore, #tpu.memory_space<semaphore_mem>>)
      %dma_wait3A = arith.constant 0 : i32
      %dma_wait3A_636 = arith.constant 0 : i32
      %dma_wait3A_637 = tpu.memref_slice %arg10[%dma_wait3A, %dma_wait3A_636] : memref<10000x128xf32, #tpu.memory_space<vmem_shared>> -> memref<10000x128xf32, #tpu.memory_space<vmem_shared>>
      tpu.wait_indirect_dma semaphore(%run_scoped3A : memref<!tpu.dma_semaphore, #tpu.memory_space<semaphore_mem>>) src(%dma_wait3A_637 : memref<10000x128xf32, #tpu.memory_space<vmem_shared>>) dst(%arg7 : memref<80x128xf32, #tpu.memory_space<vmem>>)
      tpu.yield
    }) : () -> ()
    "tpu.region"() ({
      %run_scoped3A = tpu.sem_alloc : memref<!tpu.dma_semaphore, #tpu.memory_space<semaphore_mem>>
      %dma_start3A = arith.constant 0 : i32
      %dma_start3A_634 = arith.constant 0 : i32
      %dma_start3A_635 = tpu.memref_slice %arg4[%arg0, %dma_start3A, %dma_start3A_634] : memref<2x10000x128xf32, #tpu.memory_space<hbm>> -> memref<1x10000x128xf32, #tpu.memory_space<hbm>>
      %dma_start3A_636 = tpu.memref_squeeze %dma_start3A_635 : memref<1x10000x128xf32, #tpu.memory_space<hbm>> -> memref<10000x128xf32, #tpu.memory_space<hbm>>
      %dma_start3A_637 = arith.constant 0 : i32
      %dma_start3A_638 = tpu.memref_slice %dma_start3A_636[%multiple_of3A_583, %dma_start3A_637] : memref<10000x128xf32, #tpu.memory_space<hbm>> -> memref<80x128xf32, #tpu.memory_space<hbm>>
      %dma_start3A_639 = arith.constant 0 : i32
      %dma_start3A_640 = arith.constant 0 : i32
      %dma_start3A_641 = tpu.memref_slice %arg4[%arg0, %dma_start3A_639, %dma_start3A_640] : memref<2x10000x128xf32, #tpu.memory_space<hbm>> -> memref<1x10000x128xf32, #tpu.memory_space<hbm>>
      %dma_start3A_642 = tpu.memref_squeeze %dma_start3A_641 : memref<1x10000x128xf32, #tpu.memory_space<hbm>> -> memref<10000x128xf32, #tpu.memory_space<hbm>>
      %dma_start3A_643 = arith.constant 0 : i32
      %dma_start3A_644 = tpu.memref_slice %dma_start3A_642[%multiple_of3A_583, %dma_start3A_643] : memref<10000x128xf32, #tpu.memory_space<hbm>> -> memref<80x128xf32, #tpu.memory_space<hbm>>
      tpu.enqueue_dma source(%arg7 : memref<80x128xf32, #tpu.memory_space<vmem>>) target(%dma_start3A_644 : memref<80x128xf32, #tpu.memory_space<hbm>>) target_semaphore(%run_scoped3A : memref<!tpu.dma_semaphore, #tpu.memory_space<semaphore_mem>>)
      %dma_wait3A = arith.constant 0 : i32
      %dma_wait3A_645 = arith.constant 0 : i32
      %dma_wait3A_646 = tpu.memref_slice %arg4[%arg0, %dma_wait3A, %dma_wait3A_645] : memref<2x10000x128xf32, #tpu.memory_space<hbm>> -> memref<1x10000x128xf32, #tpu.memory_space<hbm>>
      %dma_wait3A_647 = tpu.memref_squeeze %dma_wait3A_646 : memref<1x10000x128xf32, #tpu.memory_space<hbm>> -> memref<10000x128xf32, #tpu.memory_space<hbm>>
      %dma_wait3A_648 = arith.constant 0 : i32
      %dma_wait3A_649 = tpu.memref_slice %dma_wait3A_647[%multiple_of3A_583, %dma_wait3A_648] : memref<10000x128xf32, #tpu.memory_space<hbm>> -> memref<80x128xf32, #tpu.memory_space<hbm>>
      %dma_wait3A_650 = arith.constant 0 : i32
      %dma_wait3A_651 = arith.constant 0 : i32
      %dma_wait3A_652 = tpu.memref_slice %arg4[%arg0, %dma_wait3A_650, %dma_wait3A_651] : memref<2x10000x128xf32, #tpu.memory_space<hbm>> -> memref<1x10000x128xf32, #tpu.memory_space<hbm>>
      %dma_wait3A_653 = tpu.memref_squeeze %dma_wait3A_652 : memref<1x10000x128xf32, #tpu.memory_space<hbm>> -> memref<10000x128xf32, #tpu.memory_space<hbm>>
      %dma_wait3A_654 = arith.constant 0 : i32
      %dma_wait3A_655 = tpu.memref_slice %dma_wait3A_653[%multiple_of3A_583, %dma_wait3A_654] : memref<10000x128xf32, #tpu.memory_space<hbm>> -> memref<80x128xf32, #tpu.memory_space<hbm>>
      tpu.wait_dma2 semaphore(%run_scoped3A : memref<!tpu.dma_semaphore, #tpu.memory_space<semaphore_mem>>) src(%arg7 : memref<80x128xf32, #tpu.memory_space<vmem>>) dst(%dma_wait3A_655 : memref<80x128xf32, #tpu.memory_space<hbm>>)
      tpu.yield
    }) : () -> ()
    %eq3A_624 = arith.constant 0 : i32
    %eq3A_625 = arith.cmpi eq, %arg1, %eq3A_624 : i32
    %convert_element_type3A_626 = arith.extui %eq3A_625 : i1 to i32
    %cond3A_627 = arith.constant 0 : i32
    %cond3A_628 = arith.cmpi ne, %convert_element_type3A_626, %cond3A_627 : i32
    scf.if %cond3A_628 {
      %add3A_634 = arith.constant 560 : i32
      %add3A_635 = vector.broadcast %add3A_634 : i32 to vector<16xi32>
      %add3A_636 = arith.addi %add3A_635, %iota3A : vector<16xi32>
      %swap3A_637 = arith.constant 0 : index
      %swap3A_638 = tpu.vector_load %arg8[%swap3A_637] {strides = array<i32>} : memref<80xi32, #tpu.memory_space<vmem>>, vector<16xi32>,
      %swap3A_639 = vector.shape_cast %swap3A_638 : vector<16xi32> to vector<16xi32>
      %swap3A_640 = vector.shape_cast %add3A_636 : vector<16xi32> to vector<16xi32>
      tpu.vector_store %arg8[%swap3A_637], %swap3A_640 {strides = array<i32>} : memref<80xi32, #tpu.memory_space<vmem>>, vector<16xi32>,
      %add3A_641 = arith.constant 576 : i32
      %add3A_642 = vector.broadcast %add3A_641 : i32 to vector<16xi32>
      %add3A_643 = arith.addi %add3A_642, %iota3A : vector<16xi32>
      %swap3A_644 = arith.constant 16 : index
      %swap3A_645 = tpu.vector_load %arg8[%swap3A_644] {strides = array<i32>} : memref<80xi32, #tpu.memory_space<vmem>>, vector<16xi32>,
      %swap3A_646 = vector.shape_cast %swap3A_645 : vector<16xi32> to vector<16xi32>
      %swap3A_647 = vector.shape_cast %add3A_643 : vector<16xi32> to vector<16xi32>
      tpu.vector_store %arg8[%swap3A_644], %swap3A_647 {strides = array<i32>} : memref<80xi32, #tpu.memory_space<vmem>>, vector<16xi32>,
      %add3A_648 = arith.constant 592 : i32
      %add3A_649 = vector.broadcast %add3A_648 : i32 to vector<16xi32>
      %add3A_650 = arith.addi %add3A_649, %iota3A : vector<16xi32>
      %swap3A_651 = arith.constant 32 : index
      %swap3A_652 = tpu.vector_load %arg8[%swap3A_651] {strides = array<i32>} : memref<80xi32, #tpu.memory_space<vmem>>, vector<16xi32>,
      %swap3A_653 = vector.shape_cast %swap3A_652 : vector<16xi32> to vector<16xi32>
      %swap3A_654 = vector.shape_cast %add3A_650 : vector<16xi32> to vector<16xi32>
      tpu.vector_store %arg8[%swap3A_651], %swap3A_654 {strides = array<i32>} : memref<80xi32, #tpu.memory_space<vmem>>, vector<16xi32>,
      %add3A_655 = arith.constant 608 : i32
      %add3A_656 = vector.broadcast %add3A_655 : i32 to vector<16xi32>
      %add3A_657 = arith.addi %add3A_656, %iota3A : vector<16xi32>
      %swap3A_658 = arith.constant 48 : index
      %swap3A_659 = tpu.vector_load %arg8[%swap3A_658] {strides = array<i32>} : memref<80xi32, #tpu.memory_space<vmem>>, vector<16xi32>,
      %swap3A_660 = vector.shape_cast %swap3A_659 : vector<16xi32> to vector<16xi32>
      %swap3A_661 = vector.shape_cast %add3A_657 : vector<16xi32> to vector<16xi32>
      tpu.vector_store %arg8[%swap3A_658], %swap3A_661 {strides = array<i32>} : memref<80xi32, #tpu.memory_space<vmem>>, vector<16xi32>,
      %add3A_662 = arith.constant 624 : i32
      %add3A_663 = vector.broadcast %add3A_662 : i32 to vector<16xi32>
      %add3A_664 = arith.addi %add3A_663, %iota3A : vector<16xi32>
      %swap3A_665 = arith.constant 64 : index
      %swap3A_666 = tpu.vector_load %arg8[%swap3A_665] {strides = array<i32>} : memref<80xi32, #tpu.memory_space<vmem>>, vector<16xi32>,
      %swap3A_667 = vector.shape_cast %swap3A_666 : vector<16xi32> to vector<16xi32>
      %swap3A_668 = vector.shape_cast %add3A_664 : vector<16xi32> to vector<16xi32>
      tpu.vector_store %arg8[%swap3A_665], %swap3A_668 {strides = array<i32>} : memref<80xi32, #tpu.memory_space<vmem>>, vector<16xi32>,
      "tpu.region"() ({
        %run_scoped3A = tpu.sem_alloc : memref<!tpu.dma_semaphore, #tpu.memory_space<semaphore_mem>>
        %dma_start3A = arith.constant 0 : i32
        %dma_start3A_669 = arith.constant 0 : i32
        %dma_start3A_670 = tpu.memref_slice %arg10[%dma_start3A, %dma_start3A_669] : memref<10000x128xf32, #tpu.memory_space<vmem_shared>> -> memref<10000x128xf32, #tpu.memory_space<vmem_shared>>
        tpu.enqueue_indirect_dma source(%dma_start3A_670 : memref<10000x128xf32, #tpu.memory_space<vmem_shared>>) target(%arg7 : memref<80x128xf32, #tpu.memory_space<vmem>>) offsets(%arg8 : memref<80xi32, #tpu.memory_space<vmem>>) semaphore(%run_scoped3A : memref<!tpu.dma_semaphore, #tpu.memory_space<semaphore_mem>>)
        %dma_wait3A = arith.constant 0 : i32
        %dma_wait3A_671 = arith.constant 0 : i32
        %dma_wait3A_672 = tpu.memref_slice %arg10[%dma_wait3A, %dma_wait3A_671] : memref<10000x128xf32, #tpu.memory_space<vmem_shared>> -> memref<10000x128xf32, #tpu.memory_space<vmem_shared>>
        tpu.wait_indirect_dma semaphore(%run_scoped3A : memref<!tpu.dma_semaphore, #tpu.memory_space<semaphore_mem>>) src(%dma_wait3A_672 : memref<10000x128xf32, #tpu.memory_space<vmem_shared>>) dst(%arg7 : memref<80x128xf32, #tpu.memory_space<vmem>>)
        tpu.yield
      }) : () -> ()
      "tpu.region"() ({
        %run_scoped3A = tpu.sem_alloc : memref<!tpu.dma_semaphore, #tpu.memory_space<semaphore_mem>>
        %dma_start3A = arith.constant 0 : i32
        %dma_start3A_669 = arith.constant 0 : i32
        %dma_start3A_670 = tpu.memref_slice %arg4[%arg0, %dma_start3A, %dma_start3A_669] : memref<2x10000x128xf32, #tpu.memory_space<hbm>> -> memref<1x10000x128xf32, #tpu.memory_space<hbm>>
        %dma_start3A_671 = tpu.memref_squeeze %dma_start3A_670 : memref<1x10000x128xf32, #tpu.memory_space<hbm>> -> memref<10000x128xf32, #tpu.memory_space<hbm>>
        %dma_start3A_672 = arith.constant 560 : i32
        %dma_start3A_673 = arith.constant 0 : i32
        %dma_start3A_674 = tpu.memref_slice %dma_start3A_671[%dma_start3A_672, %dma_start3A_673] : memref<10000x128xf32, #tpu.memory_space<hbm>> -> memref<80x128xf32, #tpu.memory_space<hbm>>
        %dma_start3A_675 = arith.constant 0 : i32
        %dma_start3A_676 = arith.constant 0 : i32
        %dma_start3A_677 = tpu.memref_slice %arg4[%arg0, %dma_start3A_675, %dma_start3A_676] : memref<2x10000x128xf32, #tpu.memory_space<hbm>> -> memref<1x10000x128xf32, #tpu.memory_space<hbm>>
        %dma_start3A_678 = tpu.memref_squeeze %dma_start3A_677 : memref<1x10000x128xf32, #tpu.memory_space<hbm>> -> memref<10000x128xf32, #tpu.memory_space<hbm>>
        %dma_start3A_679 = arith.constant 560 : i32
        %dma_start3A_680 = arith.constant 0 : i32
        %dma_start3A_681 = tpu.memref_slice %dma_start3A_678[%dma_start3A_679, %dma_start3A_680] : memref<10000x128xf32, #tpu.memory_space<hbm>> -> memref<80x128xf32, #tpu.memory_space<hbm>>
        tpu.enqueue_dma source(%arg7 : memref<80x128xf32, #tpu.memory_space<vmem>>) target(%dma_start3A_681 : memref<80x128xf32, #tpu.memory_space<hbm>>) target_semaphore(%run_scoped3A : memref<!tpu.dma_semaphore, #tpu.memory_space<semaphore_mem>>)
        %dma_wait3A = arith.constant 0 : i32
        %dma_wait3A_682 = arith.constant 0 : i32
        %dma_wait3A_683 = tpu.memref_slice %arg4[%arg0, %dma_wait3A, %dma_wait3A_682] : memref<2x10000x128xf32, #tpu.memory_space<hbm>> -> memref<1x10000x128xf32, #tpu.memory_space<hbm>>
        %dma_wait3A_684 = tpu.memref_squeeze %dma_wait3A_683 : memref<1x10000x128xf32, #tpu.memory_space<hbm>> -> memref<10000x128xf32, #tpu.memory_space<hbm>>
        %dma_wait3A_685 = arith.constant 560 : i32
        %dma_wait3A_686 = arith.constant 0 : i32
        %dma_wait3A_687 = tpu.memref_slice %dma_wait3A_684[%dma_wait3A_685, %dma_wait3A_686] : memref<10000x128xf32, #tpu.memory_space<hbm>> -> memref<80x128xf32, #tpu.memory_space<hbm>>
        %dma_wait3A_688 = arith.constant 0 : i32
        %dma_wait3A_689 = arith.constant 0 : i32
        %dma_wait3A_690 = tpu.memref_slice %arg4[%arg0, %dma_wait3A_688, %dma_wait3A_689] : memref<2x10000x128xf32, #tpu.memory_space<hbm>> -> memref<1x10000x128xf32, #tpu.memory_space<hbm>>
        %dma_wait3A_691 = tpu.memref_squeeze %dma_wait3A_690 : memref<1x10000x128xf32, #tpu.memory_space<hbm>> -> memref<10000x128xf32, #tpu.memory_space<hbm>>
        %dma_wait3A_692 = arith.constant 560 : i32
        %dma_wait3A_693 = arith.constant 0 : i32
        %dma_wait3A_694 = tpu.memref_slice %dma_wait3A_691[%dma_wait3A_692, %dma_wait3A_693] : memref<10000x128xf32, #tpu.memory_space<hbm>> -> memref<80x128xf32, #tpu.memory_space<hbm>>
        tpu.wait_dma2 semaphore(%run_scoped3A : memref<!tpu.dma_semaphore, #tpu.memory_space<semaphore_mem>>) src(%arg7 : memref<80x128xf32, #tpu.memory_space<vmem>>) dst(%dma_wait3A_694 : memref<80x128xf32, #tpu.memory_space<hbm>>)
        tpu.yield
      }) : () -> ()
    } else {
    }
    %gt3A_629 = arith.constant 0 : i32
    %gt3A_630 = arith.cmpi sgt, %arg1, %gt3A_629 : i32
    %convert_element_type3A_631 = arith.extui %gt3A_630 : i1 to i32
    %cond3A_632 = arith.constant 0 : i32
    %cond3A_633 = arith.cmpi ne, %convert_element_type3A_631, %cond3A_632 : i32
    scf.if %cond3A_633 {
      %add3A_634 = arith.constant 560 : i32
      %add3A_635 = arith.addi %select_n3A, %add3A_634 : i32
      %multiple_of3A_636 = tpu.assume_multiple %add3A_635, 8 : i32
      %add3A_637 = arith.constant 0 : i32
      %add3A_638 = arith.addi %multiple_of3A_636, %add3A_637 : i32
      %add3A_639 = vector.broadcast %add3A_638 : i32 to vector<16xi32>
      %add3A_640 = arith.addi %add3A_639, %iota3A : vector<16xi32>
      %swap3A_641 = arith.constant 0 : index
      %swap3A_642 = tpu.vector_load %arg9[%swap3A_641] {strides = array<i32>} : memref<64xi32, #tpu.memory_space<vmem>>, vector<16xi32>,
      %swap3A_643 = vector.shape_cast %swap3A_642 : vector<16xi32> to vector<16xi32>
      %swap3A_644 = vector.shape_cast %add3A_640 : vector<16xi32> to vector<16xi32>
      tpu.vector_store %arg9[%swap3A_641], %swap3A_644 {strides = array<i32>} : memref<64xi32, #tpu.memory_space<vmem>>, vector<16xi32>,
      %add3A_645 = arith.constant 16 : i32
      %add3A_646 = arith.addi %multiple_of3A_636, %add3A_645 : i32
      %add3A_647 = vector.broadcast %add3A_646 : i32 to vector<16xi32>
      %add3A_648 = arith.addi %add3A_647, %iota3A : vector<16xi32>
      %swap3A_649 = arith.constant 16 : index
      %swap3A_650 = tpu.vector_load %arg9[%swap3A_649] {strides = array<i32>} : memref<64xi32, #tpu.memory_space<vmem>>, vector<16xi32>,
      %swap3A_651 = vector.shape_cast %swap3A_650 : vector<16xi32> to vector<16xi32>
      %swap3A_652 = vector.shape_cast %add3A_648 : vector<16xi32> to vector<16xi32>
      tpu.vector_store %arg9[%swap3A_649], %swap3A_652 {strides = array<i32>} : memref<64xi32, #tpu.memory_space<vmem>>, vector<16xi32>,
      %add3A_653 = arith.constant 32 : i32
      %add3A_654 = arith.addi %multiple_of3A_636, %add3A_653 : i32
      %add3A_655 = vector.broadcast %add3A_654 : i32 to vector<16xi32>
      %add3A_656 = arith.addi %add3A_655, %iota3A : vector<16xi32>
      %swap3A_657 = arith.constant 32 : index
      %swap3A_658 = tpu.vector_load %arg9[%swap3A_657] {strides = array<i32>} : memref<64xi32, #tpu.memory_space<vmem>>, vector<16xi32>,
      %swap3A_659 = vector.shape_cast %swap3A_658 : vector<16xi32> to vector<16xi32>
      %swap3A_660 = vector.shape_cast %add3A_656 : vector<16xi32> to vector<16xi32>
      tpu.vector_store %arg9[%swap3A_657], %swap3A_660 {strides = array<i32>} : memref<64xi32, #tpu.memory_space<vmem>>, vector<16xi32>,
      %add3A_661 = arith.constant 48 : i32
      %add3A_662 = arith.addi %multiple_of3A_636, %add3A_661 : i32
      %add3A_663 = vector.broadcast %add3A_662 : i32 to vector<16xi32>
      %add3A_664 = arith.addi %add3A_663, %iota3A : vector<16xi32>
      %swap3A_665 = arith.constant 48 : index
      %swap3A_666 = tpu.vector_load %arg9[%swap3A_665] {strides = array<i32>} : memref<64xi32, #tpu.memory_space<vmem>>, vector<16xi32>,
      %swap3A_667 = vector.shape_cast %swap3A_666 : vector<16xi32> to vector<16xi32>
      %swap3A_668 = vector.shape_cast %add3A_664 : vector<16xi32> to vector<16xi32>
      tpu.vector_store %arg9[%swap3A_665], %swap3A_668 {strides = array<i32>} : memref<64xi32, #tpu.memory_space<vmem>>, vector<16xi32>,
      "tpu.region"() ({
        %run_scoped3A = tpu.sem_alloc : memref<!tpu.dma_semaphore, #tpu.memory_space<semaphore_mem>>
        %dma_start3A = arith.constant 0 : i32
        %dma_start3A_669 = arith.constant 0 : i32
        %dma_start3A_670 = tpu.memref_slice %arg7[%dma_start3A, %dma_start3A_669] : memref<80x128xf32, #tpu.memory_space<vmem>> -> memref<64x128xf32, #tpu.memory_space<vmem>>
        %dma_start3A_671 = arith.constant 0 : i32
        %dma_start3A_672 = arith.constant 0 : i32
        %dma_start3A_673 = tpu.memref_slice %arg10[%dma_start3A_671, %dma_start3A_672] : memref<10000x128xf32, #tpu.memory_space<vmem_shared>> -> memref<10000x128xf32, #tpu.memory_space<vmem_shared>>
        tpu.enqueue_indirect_dma source(%dma_start3A_673 : memref<10000x128xf32, #tpu.memory_space<vmem_shared>>) target(%dma_start3A_670 : memref<64x128xf32, #tpu.memory_space<vmem>>) offsets(%arg9 : memref<64xi32, #tpu.memory_space<vmem>>) semaphore(%run_scoped3A : memref<!tpu.dma_semaphore, #tpu.memory_space<semaphore_mem>>)
        %dma_wait3A = arith.constant 0 : i32
        %dma_wait3A_674 = arith.constant 0 : i32
        %dma_wait3A_675 = tpu.memref_slice %arg7[%dma_wait3A, %dma_wait3A_674] : memref<80x128xf32, #tpu.memory_space<vmem>> -> memref<64x128xf32, #tpu.memory_space<vmem>>
        %dma_wait3A_676 = arith.constant 0 : i32
        %dma_wait3A_677 = arith.constant 0 : i32
        %dma_wait3A_678 = tpu.memref_slice %arg10[%dma_wait3A_676, %dma_wait3A_677] : memref<10000x128xf32, #tpu.memory_space<vmem_shared>> -> memref<10000x128xf32, #tpu.memory_space<vmem_shared>>
        tpu.wait_indirect_dma semaphore(%run_scoped3A : memref<!tpu.dma_semaphore, #tpu.memory_space<semaphore_mem>>) src(%dma_wait3A_678 : memref<10000x128xf32, #tpu.memory_space<vmem_shared>>) dst(%dma_wait3A_675 : memref<64x128xf32, #tpu.memory_space<vmem>>)
        tpu.yield
      }) : () -> ()
      "tpu.region"() ({
        %run_scoped3A = tpu.sem_alloc : memref<!tpu.dma_semaphore, #tpu.memory_space<semaphore_mem>>
        %dma_start3A = arith.constant 0 : i32
        %dma_start3A_669 = arith.constant 0 : i32
        %dma_start3A_670 = tpu.memref_slice %arg7[%dma_start3A, %dma_start3A_669] : memref<80x128xf32, #tpu.memory_space<vmem>> -> memref<64x128xf32, #tpu.memory_space<vmem>>
        %dma_start3A_671 = arith.constant 0 : i32
        %dma_start3A_672 = arith.constant 0 : i32
        %dma_start3A_673 = tpu.memref_slice %arg4[%arg0, %dma_start3A_671, %dma_start3A_672] : memref<2x10000x128xf32, #tpu.memory_space<hbm>> -> memref<1x10000x128xf32, #tpu.memory_space<hbm>>
        %dma_start3A_674 = tpu.memref_squeeze %dma_start3A_673 : memref<1x10000x128xf32, #tpu.memory_space<hbm>> -> memref<10000x128xf32, #tpu.memory_space<hbm>>
        %dma_start3A_675 = arith.constant 0 : i32
        %dma_start3A_676 = tpu.memref_slice %dma_start3A_674[%multiple_of3A_636, %dma_start3A_675] : memref<10000x128xf32, #tpu.memory_space<hbm>> -> memref<64x128xf32, #tpu.memory_space<hbm>>
        %dma_start3A_677 = arith.constant 0 : i32
        %dma_start3A_678 = arith.constant 0 : i32
        %dma_start3A_679 = tpu.memref_slice %arg4[%arg0, %dma_start3A_677, %dma_start3A_678] : memref<2x10000x128xf32, #tpu.memory_space<hbm>> -> memref<1x10000x128xf32, #tpu.memory_space<hbm>>
        %dma_start3A_680 = tpu.memref_squeeze %dma_start3A_679 : memref<1x10000x128xf32, #tpu.memory_space<hbm>> -> memref<10000x128xf32, #tpu.memory_space<hbm>>
        %dma_start3A_681 = arith.constant 0 : i32
        %dma_start3A_682 = tpu.memref_slice %dma_start3A_680[%multiple_of3A_636, %dma_start3A_681] : memref<10000x128xf32, #tpu.memory_space<hbm>> -> memref<64x128xf32, #tpu.memory_space<hbm>>
        %dma_start3A_683 = arith.constant 0 : i32
        %dma_start3A_684 = arith.constant 0 : i32
        %dma_start3A_685 = tpu.memref_slice %arg7[%dma_start3A_683, %dma_start3A_684] : memref<80x128xf32, #tpu.memory_space<vmem>> -> memref<64x128xf32, #tpu.memory_space<vmem>>
        tpu.enqueue_dma source(%dma_start3A_685 : memref<64x128xf32, #tpu.memory_space<vmem>>) target(%dma_start3A_682 : memref<64x128xf32, #tpu.memory_space<hbm>>) target_semaphore(%run_scoped3A : memref<!tpu.dma_semaphore, #tpu.memory_space<semaphore_mem>>)
        %dma_wait3A = arith.constant 0 : i32
        %dma_wait3A_686 = arith.constant 0 : i32
        %dma_wait3A_687 = tpu.memref_slice %arg7[%dma_wait3A, %dma_wait3A_686] : memref<80x128xf32, #tpu.memory_space<vmem>> -> memref<64x128xf32, #tpu.memory_space<vmem>>
        %dma_wait3A_688 = arith.constant 0 : i32
        %dma_wait3A_689 = arith.constant 0 : i32
        %dma_wait3A_690 = tpu.memref_slice %arg4[%arg0, %dma_wait3A_688, %dma_wait3A_689] : memref<2x10000x128xf32, #tpu.memory_space<hbm>> -> memref<1x10000x128xf32, #tpu.memory_space<hbm>>
        %dma_wait3A_691 = tpu.memref_squeeze %dma_wait3A_690 : memref<1x10000x128xf32, #tpu.memory_space<hbm>> -> memref<10000x128xf32, #tpu.memory_space<hbm>>
        %dma_wait3A_692 = arith.constant 0 : i32
        %dma_wait3A_693 = tpu.memref_slice %dma_wait3A_691[%multiple_of3A_636, %dma_wait3A_692] : memref<10000x128xf32, #tpu.memory_space<hbm>> -> memref<64x128xf32, #tpu.memory_space<hbm>>
        %dma_wait3A_694 = arith.constant 0 : i32
        %dma_wait3A_695 = arith.constant 0 : i32
        %dma_wait3A_696 = tpu.memref_slice %arg4[%arg0, %dma_wait3A_694, %dma_wait3A_695] : memref<2x10000x128xf32, #tpu.memory_space<hbm>> -> memref<1x10000x128xf32, #tpu.memory_space<hbm>>
        %dma_wait3A_697 = tpu.memref_squeeze %dma_wait3A_696 : memref<1x10000x128xf32, #tpu.memory_space<hbm>> -> memref<10000x128xf32, #tpu.memory_space<hbm>>
        %dma_wait3A_698 = arith.constant 0 : i32
        %dma_wait3A_699 = tpu.memref_slice %dma_wait3A_697[%multiple_of3A_636, %dma_wait3A_698] : memref<10000x128xf32, #tpu.memory_space<hbm>> -> memref<64x128xf32, #tpu.memory_space<hbm>>
        %dma_wait3A_700 = arith.constant 0 : i32
        %dma_wait3A_701 = arith.constant 0 : i32
        %dma_wait3A_702 = tpu.memref_slice %arg7[%dma_wait3A_700, %dma_wait3A_701] : memref<80x128xf32, #tpu.memory_space<vmem>> -> memref<64x128xf32, #tpu.memory_space<vmem>>
        tpu.wait_dma2 semaphore(%run_scoped3A : memref<!tpu.dma_semaphore, #tpu.memory_space<semaphore_mem>>) src(%dma_wait3A_702 : memref<64x128xf32, #tpu.memory_space<vmem>>) dst(%dma_wait3A_699 : memref<64x128xf32, #tpu.memory_space<hbm>>)
        tpu.yield
      }) : () -> ()
    } else {
    }
    return
  }
}

module attributes {stable_mosaic.version = 14 : i64} {
  func.func @_proj_body(%arg0: i32, %arg1: i32, %arg2: memref<1000x128xf32, #tpu.memory_space<vmem>>, %arg3: memref<1000x8xf32, #tpu.memory_space<vmem>>, %arg4: memref<3x128x128xf32, #tpu.memory_space<vmem>>, %arg5: memref<3x128x128xf32, #tpu.memory_space<vmem>>, %arg6: memref<3x128x128xf32, #tpu.memory_space<vmem>>, %arg7: memref<1x128x128xf32, #tpu.memory_space<vmem>>, %arg8: memref<1x128x128xf32, #tpu.memory_space<vmem>>, %arg9: memref<1000x128xf32, #tpu.memory_space<vmem>>, %arg10: memref<1000x128xf32, #tpu.memory_space<vmem>>, %arg11: memref<1000x128xf32, #tpu.memory_space<vmem>>) attributes {dimension_semantics = [#tpu.dimension_semantics<arbitrary>, #tpu.dimension_semantics<arbitrary>], iteration_bounds = array<i64: 10, 4>, scalar_prefetch = 0 : i64, scratch_operands = 0 : i64, tpu.core_type = #tpu.core_type<tc>, window_params = [{transform_indices = @transform_0, window_bounds = array<i64: 1000, 128>}, {transform_indices = @transform_1, window_bounds = array<i64: 1000, 8>}, {pipeline_mode = #tpu.pipeline_mode<synchronous>, transform_indices = @transform_2, window_bounds = array<i64: 3, 128, 128>}, {pipeline_mode = #tpu.pipeline_mode<synchronous>, transform_indices = @transform_3, window_bounds = array<i64: 3, 128, 128>}, {pipeline_mode = #tpu.pipeline_mode<synchronous>, transform_indices = @transform_4, window_bounds = array<i64: 3, 128, 128>}, {transform_indices = @transform_5, window_bounds = array<i64: 1, 128, 128>}, {transform_indices = @transform_6, window_bounds = array<i64: 1, 128, 128>}, {transform_indices = @transform_7, window_bounds = array<i64: 1000, 128>}, {transform_indices = @transform_8, window_bounds = array<i64: 1000, 128>}, {transform_indices = @transform_9, window_bounds = array<i64: 1000, 128>}]} {
    %get3A = arith.constant 0 : index
    %get3A_0 = arith.constant 0 : index
    %get3A_1 = vector.load %arg2[%get3A, %get3A_0] : memref<1000x128xf32, #tpu.memory_space<vmem>>, vector<1000x128xf32>
    %get3A_2 = arith.constant 0 : index
    %get3A_3 = arith.constant 0 : index
    %get3A_4 = vector.load %arg3[%get3A_2, %get3A_3] : memref<1000x8xf32, #tpu.memory_space<vmem>>, vector<1000x8xf32>
    %broadcast_in_dim3A = arith.constant 0.000000e+00 : f32
    %broadcast_in_dim3A_5 = vector.broadcast %broadcast_in_dim3A : f32 to vector<1000x128xf32>
    %broadcast_in_dim3A_6 = arith.constant 0.000000e+00 : f32
    %broadcast_in_dim3A_7 = vector.broadcast %broadcast_in_dim3A_6 : f32 to vector<1000x128xf32>
    %broadcast_in_dim3A_8 = arith.constant 0.000000e+00 : f32
    %broadcast_in_dim3A_9 = vector.broadcast %broadcast_in_dim3A_8 : f32 to vector<1000x128xf32>
    %slice3A = vector.extract_strided_slice %get3A_4 {offsets = [0, 0], sizes = [1000, 1], strides = [1, 1]} : vector<1000x8xf32> to vector<1000x1xf32>
    %squeeze3A = vector.shape_cast %slice3A : vector<1000x1xf32> to vector<1000xf32>
    %broadcast_in_dim3A_10 = vector.shape_cast %squeeze3A : vector<1000xf32> to vector<1000x1xf32>
    %get3A_11 = arith.constant 0 : index
    %get3A_12 = arith.constant 0 : index
    %get3A_13 = arith.constant 0 : index
    %get3A_14 = vector.load %arg4[%get3A_11, %get3A_12, %get3A_13] : memref<3x128x128xf32, #tpu.memory_space<vmem>>, vector<1x128x128xf32>
    %get3A_15 = vector.shape_cast %get3A_14 : vector<1x128x128xf32> to vector<128x128xf32>
    %dot_general3A = arith.constant dense<0.000000e+00> : vector<1000x128xf32>
    %dot_general3A_16 = tpu.matmul %get3A_1, %get3A_15, %dot_general3A {dimension_numbers = #tpu.dot_dimension_numbers<[1], [0], [0], [1], [0, 0, 1, 1], [], []>, transpose_lhs_hint = false} : vector<1000x128xf32>, vector<128x128xf32>, vector<1000x128xf32> -> vector<1000x128xf32>
    %mul3A = vector.broadcast %broadcast_in_dim3A_10 : vector<1000x1xf32> to vector<1000x128xf32>
    %mul3A_17 = arith.mulf %dot_general3A_16, %mul3A : vector<1000x128xf32>
    %add3A = arith.addf %broadcast_in_dim3A_5, %mul3A_17 : vector<1000x128xf32>
    %get3A_18 = arith.constant 0 : index
    %get3A_19 = arith.constant 0 : index
    %get3A_20 = arith.constant 0 : index
    %get3A_21 = vector.load %arg6[%get3A_18, %get3A_19, %get3A_20] : memref<3x128x128xf32, #tpu.memory_space<vmem>>, vector<1x128x128xf32>
    %get3A_22 = vector.shape_cast %get3A_21 : vector<1x128x128xf32> to vector<128x128xf32>
    %dot_general3A_23 = arith.constant dense<0.000000e+00> : vector<1000x128xf32>
    %dot_general3A_24 = tpu.matmul %get3A_1, %get3A_22, %dot_general3A_23 {dimension_numbers = #tpu.dot_dimension_numbers<[1], [0], [0], [1], [0, 0, 1, 1], [], []>, transpose_lhs_hint = false} : vector<1000x128xf32>, vector<128x128xf32>, vector<1000x128xf32> -> vector<1000x128xf32>
    %mul3A_25 = vector.broadcast %broadcast_in_dim3A_10 : vector<1000x1xf32> to vector<1000x128xf32>
    %mul3A_26 = arith.mulf %dot_general3A_24, %mul3A_25 : vector<1000x128xf32>
    %add3A_27 = arith.addf %broadcast_in_dim3A_7, %mul3A_26 : vector<1000x128xf32>
    %get3A_28 = arith.constant 0 : index
    %get3A_29 = arith.constant 0 : index
    %get3A_30 = arith.constant 0 : index
    %get3A_31 = vector.load %arg5[%get3A_28, %get3A_29, %get3A_30] : memref<3x128x128xf32, #tpu.memory_space<vmem>>, vector<1x128x128xf32>
    %get3A_32 = vector.shape_cast %get3A_31 : vector<1x128x128xf32> to vector<128x128xf32>
    %dot_general3A_33 = arith.constant dense<0.000000e+00> : vector<1000x128xf32>
    %dot_general3A_34 = tpu.matmul %get3A_1, %get3A_32, %dot_general3A_33 {dimension_numbers = #tpu.dot_dimension_numbers<[1], [0], [0], [1], [0, 0, 1, 1], [], []>, transpose_lhs_hint = false} : vector<1000x128xf32>, vector<128x128xf32>, vector<1000x128xf32> -> vector<1000x128xf32>
    %mul3A_35 = vector.broadcast %broadcast_in_dim3A_10 : vector<1000x1xf32> to vector<1000x128xf32>
    %mul3A_36 = arith.mulf %dot_general3A_34, %mul3A_35 : vector<1000x128xf32>
    %add3A_37 = arith.addf %broadcast_in_dim3A_9, %mul3A_36 : vector<1000x128xf32>
    %slice3A_38 = vector.extract_strided_slice %get3A_4 {offsets = [0, 1], sizes = [1000, 1], strides = [1, 1]} : vector<1000x8xf32> to vector<1000x1xf32>
    %squeeze3A_39 = vector.shape_cast %slice3A_38 : vector<1000x1xf32> to vector<1000xf32>
    %broadcast_in_dim3A_40 = vector.shape_cast %squeeze3A_39 : vector<1000xf32> to vector<1000x1xf32>
    %get3A_41 = arith.constant 1 : index
    %get3A_42 = arith.constant 0 : index
    %get3A_43 = arith.constant 0 : index
    %get3A_44 = vector.load %arg4[%get3A_41, %get3A_42, %get3A_43] : memref<3x128x128xf32, #tpu.memory_space<vmem>>, vector<1x128x128xf32>
    %get3A_45 = vector.shape_cast %get3A_44 : vector<1x128x128xf32> to vector<128x128xf32>
    %dot_general3A_46 = arith.constant dense<0.000000e+00> : vector<1000x128xf32>
    %dot_general3A_47 = tpu.matmul %get3A_1, %get3A_45, %dot_general3A_46 {dimension_numbers = #tpu.dot_dimension_numbers<[1], [0], [0], [1], [0, 0, 1, 1], [], []>, transpose_lhs_hint = false} : vector<1000x128xf32>, vector<128x128xf32>, vector<1000x128xf32> -> vector<1000x128xf32>
    %mul3A_48 = vector.broadcast %broadcast_in_dim3A_40 : vector<1000x1xf32> to vector<1000x128xf32>
    %mul3A_49 = arith.mulf %dot_general3A_47, %mul3A_48 : vector<1000x128xf32>
    %add3A_50 = arith.addf %add3A, %mul3A_49 : vector<1000x128xf32>
    %get3A_51 = arith.constant 1 : index
    %get3A_52 = arith.constant 0 : index
    %get3A_53 = arith.constant 0 : index
    %get3A_54 = vector.load %arg6[%get3A_51, %get3A_52, %get3A_53] : memref<3x128x128xf32, #tpu.memory_space<vmem>>, vector<1x128x128xf32>
    %get3A_55 = vector.shape_cast %get3A_54 : vector<1x128x128xf32> to vector<128x128xf32>
    %dot_general3A_56 = arith.constant dense<0.000000e+00> : vector<1000x128xf32>
    %dot_general3A_57 = tpu.matmul %get3A_1, %get3A_55, %dot_general3A_56 {dimension_numbers = #tpu.dot_dimension_numbers<[1], [0], [0], [1], [0, 0, 1, 1], [], []>, transpose_lhs_hint = false} : vector<1000x128xf32>, vector<128x128xf32>, vector<1000x128xf32> -> vector<1000x128xf32>
    %mul3A_58 = vector.broadcast %broadcast_in_dim3A_40 : vector<1000x1xf32> to vector<1000x128xf32>
    %mul3A_59 = arith.mulf %dot_general3A_57, %mul3A_58 : vector<1000x128xf32>
    %add3A_60 = arith.addf %add3A_27, %mul3A_59 : vector<1000x128xf32>
    %get3A_61 = arith.constant 1 : index
    %get3A_62 = arith.constant 0 : index
    %get3A_63 = arith.constant 0 : index
    %get3A_64 = vector.load %arg5[%get3A_61, %get3A_62, %get3A_63] : memref<3x128x128xf32, #tpu.memory_space<vmem>>, vector<1x128x128xf32>
    %get3A_65 = vector.shape_cast %get3A_64 : vector<1x128x128xf32> to vector<128x128xf32>
    %dot_general3A_66 = arith.constant dense<0.000000e+00> : vector<1000x128xf32>
    %dot_general3A_67 = tpu.matmul %get3A_1, %get3A_65, %dot_general3A_66 {dimension_numbers = #tpu.dot_dimension_numbers<[1], [0], [0], [1], [0, 0, 1, 1], [], []>, transpose_lhs_hint = false} : vector<1000x128xf32>, vector<128x128xf32>, vector<1000x128xf32> -> vector<1000x128xf32>
    %mul3A_68 = vector.broadcast %broadcast_in_dim3A_40 : vector<1000x1xf32> to vector<1000x128xf32>
    %mul3A_69 = arith.mulf %dot_general3A_67, %mul3A_68 : vector<1000x128xf32>
    %add3A_70 = arith.addf %add3A_37, %mul3A_69 : vector<1000x128xf32>
    %slice3A_71 = vector.extract_strided_slice %get3A_4 {offsets = [0, 2], sizes = [1000, 1], strides = [1, 1]} : vector<1000x8xf32> to vector<1000x1xf32>
    %squeeze3A_72 = vector.shape_cast %slice3A_71 : vector<1000x1xf32> to vector<1000xf32>
    %broadcast_in_dim3A_73 = vector.shape_cast %squeeze3A_72 : vector<1000xf32> to vector<1000x1xf32>
    %get3A_74 = arith.constant 2 : index
    %get3A_75 = arith.constant 0 : index
    %get3A_76 = arith.constant 0 : index
    %get3A_77 = vector.load %arg4[%get3A_74, %get3A_75, %get3A_76] : memref<3x128x128xf32, #tpu.memory_space<vmem>>, vector<1x128x128xf32>
    %get3A_78 = vector.shape_cast %get3A_77 : vector<1x128x128xf32> to vector<128x128xf32>
    %dot_general3A_79 = arith.constant dense<0.000000e+00> : vector<1000x128xf32>
    %dot_general3A_80 = tpu.matmul %get3A_1, %get3A_78, %dot_general3A_79 {dimension_numbers = #tpu.dot_dimension_numbers<[1], [0], [0], [1], [0, 0, 1, 1], [], []>, transpose_lhs_hint = false} : vector<1000x128xf32>, vector<128x128xf32>, vector<1000x128xf32> -> vector<1000x128xf32>
    %mul3A_81 = vector.broadcast %broadcast_in_dim3A_73 : vector<1000x1xf32> to vector<1000x128xf32>
    %mul3A_82 = arith.mulf %dot_general3A_80, %mul3A_81 : vector<1000x128xf32>
    %add3A_83 = arith.addf %add3A_50, %mul3A_82 : vector<1000x128xf32>
    %get3A_84 = arith.constant 2 : index
    %get3A_85 = arith.constant 0 : index
    %get3A_86 = arith.constant 0 : index
    %get3A_87 = vector.load %arg6[%get3A_84, %get3A_85, %get3A_86] : memref<3x128x128xf32, #tpu.memory_space<vmem>>, vector<1x128x128xf32>
    %get3A_88 = vector.shape_cast %get3A_87 : vector<1x128x128xf32> to vector<128x128xf32>
    %dot_general3A_89 = arith.constant dense<0.000000e+00> : vector<1000x128xf32>
    %dot_general3A_90 = tpu.matmul %get3A_1, %get3A_88, %dot_general3A_89 {dimension_numbers = #tpu.dot_dimension_numbers<[1], [0], [0], [1], [0, 0, 1, 1], [], []>, transpose_lhs_hint = false} : vector<1000x128xf32>, vector<128x128xf32>, vector<1000x128xf32> -> vector<1000x128xf32>
    %mul3A_91 = vector.broadcast %broadcast_in_dim3A_73 : vector<1000x1xf32> to vector<1000x128xf32>
    %mul3A_92 = arith.mulf %dot_general3A_90, %mul3A_91 : vector<1000x128xf32>
    %add3A_93 = arith.addf %add3A_60, %mul3A_92 : vector<1000x128xf32>
    %get3A_94 = arith.constant 2 : index
    %get3A_95 = arith.constant 0 : index
    %get3A_96 = arith.constant 0 : index
    %get3A_97 = vector.load %arg5[%get3A_94, %get3A_95, %get3A_96] : memref<3x128x128xf32, #tpu.memory_space<vmem>>, vector<1x128x128xf32>
    %get3A_98 = vector.shape_cast %get3A_97 : vector<1x128x128xf32> to vector<128x128xf32>
    %dot_general3A_99 = arith.constant dense<0.000000e+00> : vector<1000x128xf32>
    %dot_general3A_100 = tpu.matmul %get3A_1, %get3A_98, %dot_general3A_99 {dimension_numbers = #tpu.dot_dimension_numbers<[1], [0], [0], [1], [0, 0, 1, 1], [], []>, transpose_lhs_hint = false} : vector<1000x128xf32>, vector<128x128xf32>, vector<1000x128xf32> -> vector<1000x128xf32>
    %mul3A_101 = vector.broadcast %broadcast_in_dim3A_73 : vector<1000x1xf32> to vector<1000x128xf32>
    %mul3A_102 = arith.mulf %dot_general3A_100, %mul3A_101 : vector<1000x128xf32>
    %add3A_103 = arith.addf %add3A_70, %mul3A_102 : vector<1000x128xf32>
    %swap3A = arith.constant 0 : index
    %swap3A_104 = arith.constant 0 : index
    %swap3A_105 = vector.load %arg11[%swap3A, %swap3A_104] : memref<1000x128xf32, #tpu.memory_space<vmem>>, vector<1000x128xf32>
    tpu.vector_store %arg11[%swap3A, %swap3A_104], %add3A_103 {strides = array<i32>} : memref<1000x128xf32, #tpu.memory_space<vmem>>, vector<1000x128xf32>,
    %get3A_106 = arith.constant 0 : index
    %get3A_107 = arith.constant 0 : index
    %get3A_108 = arith.constant 0 : index
    %get3A_109 = vector.load %arg7[%get3A_106, %get3A_107, %get3A_108] : memref<1x128x128xf32, #tpu.memory_space<vmem>>, vector<1x128x128xf32>
    %get3A_110 = vector.shape_cast %get3A_109 : vector<1x128x128xf32> to vector<128x128xf32>
    %dot_general3A_111 = arith.constant dense<0.000000e+00> : vector<1000x128xf32>
    %dot_general3A_112 = tpu.matmul %add3A_83, %get3A_110, %dot_general3A_111 {dimension_numbers = #tpu.dot_dimension_numbers<[1], [0], [0], [1], [0, 0, 1, 1], [], []>, transpose_lhs_hint = false} : vector<1000x128xf32>, vector<128x128xf32>, vector<1000x128xf32> -> vector<1000x128xf32>
    %swap3A_113 = arith.constant 0 : index
    %swap3A_114 = arith.constant 0 : index
    %swap3A_115 = vector.load %arg9[%swap3A_113, %swap3A_114] : memref<1000x128xf32, #tpu.memory_space<vmem>>, vector<1000x128xf32>
    tpu.vector_store %arg9[%swap3A_113, %swap3A_114], %dot_general3A_112 {strides = array<i32>} : memref<1000x128xf32, #tpu.memory_space<vmem>>, vector<1000x128xf32>,
    %get3A_116 = arith.constant 0 : index
    %get3A_117 = arith.constant 0 : index
    %get3A_118 = arith.constant 0 : index
    %get3A_119 = vector.load %arg8[%get3A_116, %get3A_117, %get3A_118] : memref<1x128x128xf32, #tpu.memory_space<vmem>>, vector<1x128x128xf32>
    %get3A_120 = vector.shape_cast %get3A_119 : vector<1x128x128xf32> to vector<128x128xf32>
    %dot_general3A_121 = arith.constant dense<0.000000e+00> : vector<1000x128xf32>
    %dot_general3A_122 = tpu.matmul %add3A_93, %get3A_120, %dot_general3A_121 {dimension_numbers = #tpu.dot_dimension_numbers<[1], [0], [0], [1], [0, 0, 1, 1], [], []>, transpose_lhs_hint = false} : vector<1000x128xf32>, vector<128x128xf32>, vector<1000x128xf32> -> vector<1000x128xf32>
    %swap3A_123 = arith.constant 0 : index
    %swap3A_124 = arith.constant 0 : index
    %swap3A_125 = vector.load %arg10[%swap3A_123, %swap3A_124] : memref<1000x128xf32, #tpu.memory_space<vmem>>, vector<1000x128xf32>
    tpu.vector_store %arg10[%swap3A_123, %swap3A_124], %dot_general3A_122 {strides = array<i32>} : memref<1000x128xf32, #tpu.memory_space<vmem>>, vector<1000x128xf32>,
    return
  }
  func.func @transform_0(%arg0: i32, %arg1: i32) -> (i32, i32) {
    %c0_i32 = arith.constant 0 : i32
    %c0_i32_0 = arith.constant 0 : i32
    return %arg0, %c0_i32 : i32, i32
  }
  func.func @transform_1(%arg0: i32, %arg1: i32) -> (i32, i32) {
    %c0_i32 = arith.constant 0 : i32
    %c0_i32_0 = arith.constant 0 : i32
    return %arg0, %c0_i32 : i32, i32
  }
  func.func @transform_2(%arg0: i32, %arg1: i32) -> (i32, i32, i32) {
    %c0_i32 = arith.constant 0 : i32
    %c0_i32_0 = arith.constant 0 : i32
    %c0_i32_1 = arith.constant 0 : i32
    %c0_i32_2 = arith.constant 0 : i32
    return %c0_i32, %c0_i32_0, %c0_i32_1 : i32, i32, i32
  }
  func.func @transform_3(%arg0: i32, %arg1: i32) -> (i32, i32, i32) {
    %c0_i32 = arith.constant 0 : i32
    %c0_i32_0 = arith.constant 0 : i32
    %c0_i32_1 = arith.constant 0 : i32
    %c0_i32_2 = arith.constant 0 : i32
    return %c0_i32, %c0_i32_0, %c0_i32_1 : i32, i32, i32
  }
  func.func @transform_4(%arg0: i32, %arg1: i32) -> (i32, i32, i32) {
    %c0_i32 = arith.constant 0 : i32
    %c0_i32_0 = arith.constant 0 : i32
    %c0_i32_1 = arith.constant 0 : i32
    %c0_i32_2 = arith.constant 0 : i32
    return %c0_i32, %c0_i32_0, %c0_i32_1 : i32, i32, i32
  }
  func.func @transform_5(%arg0: i32, %arg1: i32) -> (i32, i32, i32) {
    %c0_i32 = arith.constant 0 : i32
    %c0_i32_0 = arith.constant 0 : i32
    %c0_i32_1 = arith.constant 0 : i32
    return %arg1, %c0_i32, %c0_i32_0 : i32, i32, i32
  }
  func.func @transform_6(%arg0: i32, %arg1: i32) -> (i32, i32, i32) {
    %c0_i32 = arith.constant 0 : i32
    %c0_i32_0 = arith.constant 0 : i32
    %c0_i32_1 = arith.constant 0 : i32
    return %arg1, %c0_i32, %c0_i32_0 : i32, i32, i32
  }
  func.func @transform_7(%arg0: i32, %arg1: i32) -> (i32, i32) {
    %mul3A = arith.constant 10 : i32
    %mul3A_0 = arith.muli %arg1, %mul3A : i32
    %add3A = arith.addi %mul3A_0, %arg0 : i32
    %c0_i32 = arith.constant 0 : i32
    %c0_i32_1 = arith.constant 0 : i32
    return %add3A, %c0_i32 : i32, i32
  }
  func.func @transform_8(%arg0: i32, %arg1: i32) -> (i32, i32) {
    %mul3A = arith.constant 10 : i32
    %mul3A_0 = arith.muli %arg1, %mul3A : i32
    %add3A = arith.addi %mul3A_0, %arg0 : i32
    %c0_i32 = arith.constant 0 : i32
    %c0_i32_1 = arith.constant 0 : i32
    return %add3A, %c0_i32 : i32, i32
  }
  func.func @transform_9(%arg0: i32, %arg1: i32) -> (i32, i32) {
    %c0_i32 = arith.constant 0 : i32
    %c0_i32_0 = arith.constant 0 : i32
    return %arg0, %c0_i32 : i32, i32
  }
}

module attributes {stable_mosaic.version = 14 : i64} {
  func.func @_epi_body(%arg0: i32, %arg1: memref<2x1000x128xf32, #tpu.memory_space<vmem>>, %arg2: memref<2x1000x128xf32, #tpu.memory_space<vmem>>, %arg3: memref<1000x128xf32, #tpu.memory_space<vmem>>, %arg4: memref<1000x8xf32, #tpu.memory_space<vmem>>, %arg5: memref<1000x8xf32, #tpu.memory_space<vmem>>, %arg6: memref<3x128x128xf32, #tpu.memory_space<vmem>>, %arg7: memref<1000x128xf32, #tpu.memory_space<vmem>>) attributes {dimension_semantics = [#tpu.dimension_semantics<arbitrary>], iteration_bounds = array<i64: 10>, scalar_prefetch = 0 : i64, scratch_operands = 0 : i64, tpu.core_type = #tpu.core_type<tc>, window_params = [{transform_indices = @transform_0, window_bounds = array<i64: 2, 1000, 128>}, {transform_indices = @transform_1, window_bounds = array<i64: 2, 1000, 128>}, {transform_indices = @transform_2, window_bounds = array<i64: 1000, 128>}, {transform_indices = @transform_3, window_bounds = array<i64: 1000, 8>}, {transform_indices = @transform_4, window_bounds = array<i64: 1000, 8>}, {pipeline_mode = #tpu.pipeline_mode<synchronous>, transform_indices = @transform_5, window_bounds = array<i64: 3, 128, 128>}, {transform_indices = @transform_6, window_bounds = array<i64: 1000, 128>}]} {
    %get3A = arith.constant 0 : index
    %get3A_0 = arith.constant 0 : index
    %get3A_1 = arith.constant 0 : index
    %get3A_2 = vector.load %arg1[%get3A, %get3A_0, %get3A_1] : memref<2x1000x128xf32, #tpu.memory_space<vmem>>, vector<1x1000x128xf32>
    %get3A_3 = vector.shape_cast %get3A_2 : vector<1x1000x128xf32> to vector<1000x128xf32>
    %get3A_4 = arith.constant 1 : index
    %get3A_5 = arith.constant 0 : index
    %get3A_6 = arith.constant 0 : index
    %get3A_7 = vector.load %arg1[%get3A_4, %get3A_5, %get3A_6] : memref<2x1000x128xf32, #tpu.memory_space<vmem>>, vector<1x1000x128xf32>
    %get3A_8 = vector.shape_cast %get3A_7 : vector<1x1000x128xf32> to vector<1000x128xf32>
    %add3A = arith.addf %get3A_3, %get3A_8 : vector<1000x128xf32>
    %get3A_9 = arith.constant 0 : index
    %get3A_10 = arith.constant 0 : index
    %get3A_11 = arith.constant 0 : index
    %get3A_12 = vector.load %arg2[%get3A_9, %get3A_10, %get3A_11] : memref<2x1000x128xf32, #tpu.memory_space<vmem>>, vector<1x1000x128xf32>
    %get3A_13 = vector.shape_cast %get3A_12 : vector<1x1000x128xf32> to vector<1000x128xf32>
    %get3A_14 = arith.constant 1 : index
    %get3A_15 = arith.constant 0 : index
    %get3A_16 = arith.constant 0 : index
    %get3A_17 = vector.load %arg2[%get3A_14, %get3A_15, %get3A_16] : memref<2x1000x128xf32, #tpu.memory_space<vmem>>, vector<1x1000x128xf32>
    %get3A_18 = vector.shape_cast %get3A_17 : vector<1x1000x128xf32> to vector<1000x128xf32>
    %add3A_19 = arith.addf %get3A_13, %get3A_18 : vector<1000x128xf32>
    %iota3A = tpu.iota {dimensions = array<i32: 0>} : vector<128x128xi32>
    %iota3A_20 = tpu.iota {dimensions = array<i32: 1>} : vector<128x128xi32>
    %jit3A = arith.constant 16 : i32
    %div3A = vector.broadcast %jit3A : i32 to vector<128x128xi32>
    %div3A_21 = arith.divsi %iota3A_20, %div3A : vector<128x128xi32>
    %sign3A = arith.constant 0 : i32
    %sign3A_22 = vector.broadcast %sign3A : i32 to vector<128x128xi32>
    %sign3A_23 = arith.cmpi sgt, %iota3A_20, %sign3A_22 : vector<128x128xi32>
    %sign3A_24 = arith.extui %sign3A_23 : vector<128x128xi1> to vector<128x128xi32>
    %sign3A_25 = arith.constant 0 : i32
    %sign3A_26 = vector.broadcast %sign3A_25 : i32 to vector<128x128xi32>
    %sign3A_27 = arith.cmpi slt, %iota3A_20, %sign3A_26 : vector<128x128xi32>
    %sign3A_28 = arith.extui %sign3A_27 : vector<128x128xi1> to vector<128x128xi32>
    %sign3A_29 = arith.subi %sign3A_24, %sign3A_28 : vector<128x128xi32>
    %sign3A_30 = arith.constant 0 : i32
    %sign3A_31 = arith.cmpi sgt, %jit3A, %sign3A_30 : i32
    %sign3A_32 = arith.extui %sign3A_31 : i1 to i32
    %sign3A_33 = arith.constant 0 : i32
    %sign3A_34 = arith.cmpi slt, %jit3A, %sign3A_33 : i32
    %sign3A_35 = arith.extui %sign3A_34 : i1 to i32
    %sign3A_36 = arith.subi %sign3A_32, %sign3A_35 : i32
    %ne3A = vector.broadcast %sign3A_36 : i32 to vector<128x128xi32>
    %ne3A_37 = arith.cmpi ne, %sign3A_29, %ne3A : vector<128x128xi32>
    %rem3A = vector.broadcast %jit3A : i32 to vector<128x128xi32>
    %rem3A_38 = arith.remsi %iota3A_20, %rem3A : vector<128x128xi32>
    %ne3A_39 = arith.constant 0 : i32
    %ne3A_40 = vector.broadcast %ne3A_39 : i32 to vector<128x128xi32>
    %ne3A_41 = arith.cmpi ne, %rem3A_38, %ne3A_40 : vector<128x128xi32>
    %and3A = arith.andi %ne3A_37, %ne3A_41 : vector<128x128xi1>
    %sub3A = arith.constant 1 : i32
    %sub3A_42 = vector.broadcast %sub3A : i32 to vector<128x128xi32>
    %sub3A_43 = arith.subi %div3A_21, %sub3A_42 : vector<128x128xi32>
    %select_n3A = arith.select %and3A, %sub3A_43, %div3A_21 : vector<128x128xi1>, vector<128x128xi32>
    %eq3A = arith.cmpi eq, %select_n3A, %iota3A : vector<128x128xi32>
    %jit3A_44 = arith.constant 1.000000e+00 : f32
    %jit3A_45 = arith.constant 0.000000e+00 : f32
    %broadcast_in_dim3A = vector.broadcast %jit3A_44 : f32 to vector<128x128xf32>
    %broadcast_in_dim3A_46 = vector.broadcast %jit3A_45 : f32 to vector<128x128xf32>
    %select_n3A_47 = arith.select %eq3A, %broadcast_in_dim3A, %broadcast_in_dim3A_46 : vector<128x128xi1>, vector<128x128xf32>
    %dot_general3A = arith.constant dense<0.000000e+00> : vector<1000x128xf32>
    %dot_general3A_48 = tpu.matmul %add3A_19, %select_n3A_47, %dot_general3A {dimension_numbers = #tpu.dot_dimension_numbers<[1], [0], [0], [1], [0, 0, 1, 1], [], []>, transpose_lhs_hint = false} : vector<1000x128xf32>, vector<128x128xf32>, vector<1000x128xf32> -> vector<1000x128xf32>
    %add3A_49 = arith.constant 9.99999971E-10 : f32
    %add3A_50 = vector.broadcast %add3A_49 : f32 to vector<1000x128xf32>
    %add3A_51 = arith.addf %dot_general3A_48, %add3A_50 : vector<1000x128xf32>
    %div3A_52 = arith.divf %add3A, %add3A_51 : vector<1000x128xf32>
    %integer_pow3A = arith.mulf %div3A_52, %div3A_52 : vector<1000x128xf32>
    %integer_pow3A_53 = arith.mulf %div3A_52, %integer_pow3A : vector<1000x128xf32>
    %mul3A = arith.constant 4.471500e-02 : f32
    %mul3A_54 = vector.broadcast %mul3A : f32 to vector<1000x128xf32>
    %mul3A_55 = arith.mulf %mul3A_54, %integer_pow3A_53 : vector<1000x128xf32>
    %add3A_56 = arith.addf %div3A_52, %mul3A_55 : vector<1000x128xf32>
    %mul3A_57 = arith.constant 0.797884583 : f32
    %mul3A_58 = vector.broadcast %mul3A_57 : f32 to vector<1000x128xf32>
    %mul3A_59 = arith.mulf %mul3A_58, %add3A_56 : vector<1000x128xf32>
    %tanh3A = math.tanh %mul3A_59 : vector<1000x128xf32>
    %add3A_60 = arith.constant 1.000000e+00 : f32
    %add3A_61 = vector.broadcast %add3A_60 : f32 to vector<1000x128xf32>
    %add3A_62 = arith.addf %add3A_61, %tanh3A : vector<1000x128xf32>
    %mul3A_63 = arith.constant 5.000000e-01 : f32
    %mul3A_64 = vector.broadcast %mul3A_63 : f32 to vector<1000x128xf32>
    %mul3A_65 = arith.mulf %mul3A_64, %add3A_62 : vector<1000x128xf32>
    %mul3A_66 = arith.mulf %div3A_52, %mul3A_65 : vector<1000x128xf32>
    %get3A_67 = arith.constant 0 : index
    %get3A_68 = arith.constant 0 : index
    %get3A_69 = vector.load %arg4[%get3A_67, %get3A_68] : memref<1000x8xf32, #tpu.memory_space<vmem>>, vector<1000x8xf32>
    %broadcast_in_dim3A_70 = arith.constant 0.000000e+00 : f32
    %broadcast_in_dim3A_71 = vector.broadcast %broadcast_in_dim3A_70 : f32 to vector<1000x128xf32>
    %get3A_72 = arith.constant 0 : index
    %get3A_73 = arith.constant 0 : index
    %get3A_74 = arith.constant 0 : index
    %get3A_75 = vector.load %arg6[%get3A_72, %get3A_73, %get3A_74] : memref<3x128x128xf32, #tpu.memory_space<vmem>>, vector<1x128x128xf32>
    %get3A_76 = vector.shape_cast %get3A_75 : vector<1x128x128xf32> to vector<128x128xf32>
    %dot_general3A_77 = arith.constant dense<0.000000e+00> : vector<1000x128xf32>
    %dot_general3A_78 = tpu.matmul %mul3A_66, %get3A_76, %dot_general3A_77 {dimension_numbers = #tpu.dot_dimension_numbers<[1], [0], [0], [1], [0, 0, 1, 1], [], []>, transpose_lhs_hint = false} : vector<1000x128xf32>, vector<128x128xf32>, vector<1000x128xf32> -> vector<1000x128xf32>
    %slice3A = vector.extract_strided_slice %get3A_69 {offsets = [0, 0], sizes = [1000, 1], strides = [1, 1]} : vector<1000x8xf32> to vector<1000x1xf32>
    %squeeze3A = vector.shape_cast %slice3A : vector<1000x1xf32> to vector<1000xf32>
    %broadcast_in_dim3A_79 = vector.shape_cast %squeeze3A : vector<1000xf32> to vector<1000x1xf32>
    %mul3A_80 = vector.broadcast %broadcast_in_dim3A_79 : vector<1000x1xf32> to vector<1000x128xf32>
    %mul3A_81 = arith.mulf %dot_general3A_78, %mul3A_80 : vector<1000x128xf32>
    %add3A_82 = arith.addf %broadcast_in_dim3A_71, %mul3A_81 : vector<1000x128xf32>
    %get3A_83 = arith.constant 1 : index
    %get3A_84 = arith.constant 0 : index
    %get3A_85 = arith.constant 0 : index
    %get3A_86 = vector.load %arg6[%get3A_83, %get3A_84, %get3A_85] : memref<3x128x128xf32, #tpu.memory_space<vmem>>, vector<1x128x128xf32>
    %get3A_87 = vector.shape_cast %get3A_86 : vector<1x128x128xf32> to vector<128x128xf32>
    %dot_general3A_88 = arith.constant dense<0.000000e+00> : vector<1000x128xf32>
    %dot_general3A_89 = tpu.matmul %mul3A_66, %get3A_87, %dot_general3A_88 {dimension_numbers = #tpu.dot_dimension_numbers<[1], [0], [0], [1], [0, 0, 1, 1], [], []>, transpose_lhs_hint = false} : vector<1000x128xf32>, vector<128x128xf32>, vector<1000x128xf32> -> vector<1000x128xf32>
    %slice3A_90 = vector.extract_strided_slice %get3A_69 {offsets = [0, 1], sizes = [1000, 1], strides = [1, 1]} : vector<1000x8xf32> to vector<1000x1xf32>
    %squeeze3A_91 = vector.shape_cast %slice3A_90 : vector<1000x1xf32> to vector<1000xf32>
    %broadcast_in_dim3A_92 = vector.shape_cast %squeeze3A_91 : vector<1000xf32> to vector<1000x1xf32>
    %mul3A_93 = vector.broadcast %broadcast_in_dim3A_92 : vector<1000x1xf32> to vector<1000x128xf32>
    %mul3A_94 = arith.mulf %dot_general3A_89, %mul3A_93 : vector<1000x128xf32>
    %add3A_95 = arith.addf %add3A_82, %mul3A_94 : vector<1000x128xf32>
    %get3A_96 = arith.constant 2 : index
    %get3A_97 = arith.constant 0 : index
    %get3A_98 = arith.constant 0 : index
    %get3A_99 = vector.load %arg6[%get3A_96, %get3A_97, %get3A_98] : memref<3x128x128xf32, #tpu.memory_space<vmem>>, vector<1x128x128xf32>
    %get3A_100 = vector.shape_cast %get3A_99 : vector<1x128x128xf32> to vector<128x128xf32>
    %dot_general3A_101 = arith.constant dense<0.000000e+00> : vector<1000x128xf32>
    %dot_general3A_102 = tpu.matmul %mul3A_66, %get3A_100, %dot_general3A_101 {dimension_numbers = #tpu.dot_dimension_numbers<[1], [0], [0], [1], [0, 0, 1, 1], [], []>, transpose_lhs_hint = false} : vector<1000x128xf32>, vector<128x128xf32>, vector<1000x128xf32> -> vector<1000x128xf32>
    %slice3A_103 = vector.extract_strided_slice %get3A_69 {offsets = [0, 2], sizes = [1000, 1], strides = [1, 1]} : vector<1000x8xf32> to vector<1000x1xf32>
    %squeeze3A_104 = vector.shape_cast %slice3A_103 : vector<1000x1xf32> to vector<1000xf32>
    %broadcast_in_dim3A_105 = vector.shape_cast %squeeze3A_104 : vector<1000xf32> to vector<1000x1xf32>
    %mul3A_106 = vector.broadcast %broadcast_in_dim3A_105 : vector<1000x1xf32> to vector<1000x128xf32>
    %mul3A_107 = arith.mulf %dot_general3A_102, %mul3A_106 : vector<1000x128xf32>
    %add3A_108 = arith.addf %add3A_95, %mul3A_107 : vector<1000x128xf32>
    %get3A_109 = arith.constant 0 : index
    %get3A_110 = arith.constant 0 : index
    %get3A_111 = vector.load %arg5[%get3A_109, %get3A_110] : memref<1000x8xf32, #tpu.memory_space<vmem>>, vector<1000x8xf32>
    %reduce_sum3A = arith.constant dense<0.000000e+00> : vector<1000xf32>
    %reduce_sum3A_112 = vector.multi_reduction <add>, %get3A_111, %reduce_sum3A [1] : vector<1000x8xf32> to vector<1000xf32>
    %broadcast_in_dim3A_113 = vector.shape_cast %reduce_sum3A_112 : vector<1000xf32> to vector<1000x1xf32>
    %mul3A_114 = vector.broadcast %broadcast_in_dim3A_113 : vector<1000x1xf32> to vector<1000x128xf32>
    %mul3A_115 = arith.mulf %mul3A_114, %add3A_108 : vector<1000x128xf32>
    %sub3A_116 = arith.constant 1.000000e+00 : f32
    %sub3A_117 = vector.broadcast %sub3A_116 : f32 to vector<1000x1xf32>
    %sub3A_118 = arith.subf %sub3A_117, %broadcast_in_dim3A_113 : vector<1000x1xf32>
    %get3A_119 = arith.constant 0 : index
    %get3A_120 = arith.constant 0 : index
    %get3A_121 = vector.load %arg3[%get3A_119, %get3A_120] : memref<1000x128xf32, #tpu.memory_space<vmem>>, vector<1000x128xf32>
    %mul3A_122 = vector.broadcast %sub3A_118 : vector<1000x1xf32> to vector<1000x128xf32>
    %mul3A_123 = arith.mulf %mul3A_122, %get3A_121 : vector<1000x128xf32>
    %add3A_124 = arith.addf %mul3A_115, %mul3A_123 : vector<1000x128xf32>
    %swap3A = arith.constant 0 : index
    %swap3A_125 = arith.constant 0 : index
    %swap3A_126 = vector.load %arg7[%swap3A, %swap3A_125] : memref<1000x128xf32, #tpu.memory_space<vmem>>, vector<1000x128xf32>
    tpu.vector_store %arg7[%swap3A, %swap3A_125], %add3A_124 {strides = array<i32>} : memref<1000x128xf32, #tpu.memory_space<vmem>>, vector<1000x128xf32>,
    return
  }
  func.func @transform_0(%arg0: i32) -> (i32, i32, i32) {
    %c0_i32 = arith.constant 0 : i32
    %c0_i32_0 = arith.constant 0 : i32
    %c0_i32_1 = arith.constant 0 : i32
    return %c0_i32, %arg0, %c0_i32_0 : i32, i32, i32
  }
  func.func @transform_1(%arg0: i32) -> (i32, i32, i32) {
    %c0_i32 = arith.constant 0 : i32
    %c0_i32_0 = arith.constant 0 : i32
    %c0_i32_1 = arith.constant 0 : i32
    return %c0_i32, %arg0, %c0_i32_0 : i32, i32, i32
  }
  func.func @transform_2(%arg0: i32) -> (i32, i32) {
    %c0_i32 = arith.constant 0 : i32
    %c0_i32_0 = arith.constant 0 : i32
    return %arg0, %c0_i32 : i32, i32
  }
  func.func @transform_3(%arg0: i32) -> (i32, i32) {
    %c0_i32 = arith.constant 0 : i32
    %c0_i32_0 = arith.constant 0 : i32
    return %arg0, %c0_i32 : i32, i32
  }
  func.func @transform_4(%arg0: i32) -> (i32, i32) {
    %c0_i32 = arith.constant 0 : i32
    %c0_i32_0 = arith.constant 0 : i32
    return %arg0, %c0_i32 : i32, i32
  }
  func.func @transform_5(%arg0: i32) -> (i32, i32, i32) {
    %c0_i32 = arith.constant 0 : i32
    %c0_i32_0 = arith.constant 0 : i32
    %c0_i32_1 = arith.constant 0 : i32
    %c0_i32_2 = arith.constant 0 : i32
    return %c0_i32, %c0_i32_0, %c0_i32_1 : i32, i32, i32
  }
  func.func @transform_6(%arg0: i32) -> (i32, i32) {
    %c0_i32 = arith.constant 0 : i32
    %c0_i32_0 = arith.constant 0 : i32
    return %arg0, %c0_i32 : i32, i32
  }
}

</mosaic_0001>

<sc_bundles>
// kernel: kernel.6.cloned.1.call-start
scs
__scs_entry_jumppad:
0x0: {  	(pc) =	sbr.rel $0x88, $3  }
0x1: {  	(tag) =	ssettag $0x0;
	lr =	simm.s32 $0x1  }
0x2: {  	[smem:$0x3F95] =	sst lr;
	_ =	strace $0xD0000000  }
0x3: {  	_ = 	snop  }
0x4: {  	_ = 	snop  }
0x5: {  	_ = 	snop  }
0x6: {  	_ = 	snop  }
0x7: {  	_ = 	snop  }
__scs_overlays_trampoline_lowered:
0x8: {  	[smem:$0x3FA4] =	sst s0  }
0x9: {  	[smem:$0x3FA5] =	sst s1  }
0xa: {  	[smem:$0x3FA6] =	sst s2  }
0xb: {  	[smem:$0x3FA7] =	sst s3  }
0xc: {  	[smem:$0x3FA8] =	sst s4  }
0xd: {  	[smem:$0x3FA9] =	sst s5  }
0xe: {  	[smem:$0x3FAA] =	sst s6  }
0xf: {  	[smem:$0x3FAB] =	sst s7  }
0x10: {  	[smem:$0x3FAC] =	sst s8  }
0x11: {  	[smem:$0x3FAD] =	sst s9;
	s0 =	simm.s32 @!p0 $0x0  }
0x12: {  	s1 =	sld [smem:$0x3F93];
	s0 =	simm.s32 @p0 $0x1  }
0x13: {  	[smem:$0x3FAE] =	sst s0;
	s0 =	simm.s32 @!p1 $0x0  }
0x14: {  	s2 =	sld [smem:$0x3F92];
	s0 =	simm.s32 @p1 $0x1  }
0x15: {  	[smem:$0x3FAF] =	sst s0;
	s0 =	simm.s32 @!p2 $0x0  }
0x16: {  	s3 =	sld [smem:$0x3FDB];
	s0 =	simm.s32 @p2 $0x1  }
0x17: {  	s4 =	simm.s32 $0x1BF5;
	[smem:$0x3FB1] =	sst s0  }
0x18: {  	s0 =	sld [smem:$0x3F94];
	_ =	swait.ge [sflag:s4], $0x0  }
0x19: {  	s7 =	sld [smem:$0x3F95]  }
0x1a: {  	s8 =	sadd.s32 $0xFFFFE003, lr  }
0x1b: {  	s9 =	sadd.s32 $0xFFFFFEF7, lr;
	s5 =	simm.s32 $0xFFFFFFFF;
	p2 =	slt.u32 s8, $0xFFFFF086  }
0x1c: {  	p1 =	slt.u32 s9, $0xF7A;
	s5 =	simm.s32 @!p2 $0x0  }
0x1d: {  	s5 =	simm.s32 @p1 $0x1;
	p0 =	seq.s32 s7, s2  }
0x1e: {  	s7 =	smul.u32 @!p0 $0xF7A, s2;
	p2 =	seq.s32 @!p0 s5, $0x0  }
0x1f: {  	s9 =	smul.u32 $0xF7A, s1;
	s8 =	simm.s32 @!p0 $0x1BF5;
	p2 =	por !p2, p0  }
0x20: {  	[sflag:s8] =	ssyncset.s32 @!p0 $0xFFFFF086;
	s6 =	sadd.s32 @!p0 s3, s7;
	s7 =	simm.s32 @!p0 $0x108  }
0x21: {  	s3 =	sadd.s32 s3, s9;
	s6 =	sadd.s32 @!p0 $0x88, s6;
	s7 =	simm.s32 @p2 $0x1082  }
0x22: {  	[simem:s7], [sflag:s8] =	dma.local @!p0 [hbm:s6], $0xF7A  }
0x23: {  	s9 =	sor.u32 $0xD0000000, s2;
	s6 =	simm.s32 $0x108;
	_ =	swait.ge @!p0 [sflag:s8], $0x0  }
0x24: {  	s3 =	sadd.s32 $0x88, s3;
	s6 =	simm.s32 @!p1 $0x1082;
	[sflag:s4] =	ssyncset.s32 $0xFFFFF086  }
0x25: {  	[simem:s6], [sflag:s4] =	dma.local [hbm:s3], $0xF7A  }
0x26: {  	[smem:$0x3F95] =	sst s1;
	(tag) =	ssettag s2;
	_ =	strace s9  }
0x27: {  	s1 =	sld [smem:$0x3FA5]  }
0x28: {  	s2 =	sld [smem:$0x3FA6]  }
0x29: {  	s4 =	sld [smem:$0x3FA8]  }
0x2a: {  	p0 =	seq.s32 s5, $0x0;
	s5 =	sld [smem:$0x3FA9]  }
0x2b: {  	s6 =	sld [smem:$0x3FAA]  }
0x2c: {  	s7 =	sld [smem:$0x3FAB]  }
0x2d: {  	s3 =	simm.s32 $0x108;
	s8 =	sld [smem:$0x3FAC]  }
0x2e: {  	s3 =	simm.s32 @!p0 $0x1082;
	s9 =	sld [smem:$0x3FAD]  }
0x2f: {  	lr =	sadd.s32 s0, s3;
	s0 =	sld [smem:$0x3FA4]  }
0x30: {  	s3 =	sld [smem:$0x3FA7]  }
0x31: {  	[smem:$0x3FB0] =	sst s10  }
0x32: {  	s10 =	sld [smem:$0x3FAE];
	_ =	sdelay $0x3  }
0x33: {  	p0 =	seq.s32 s10, $0x1;
	s10 =	sld [smem:$0x3FB0];
	_ =	sdelay $0x3  }
0x34: {  	[smem:$0x3FB0] =	sst s10  }
0x35: {  	s10 =	sld [smem:$0x3FAF];
	_ =	sdelay $0x3  }
0x36: {  	p1 =	seq.s32 s10, $0x1;
	s10 =	sld [smem:$0x3FB0];
	_ =	sdelay $0x3  }
0x37: {  	[smem:$0x3FB0] =	sst s10  }
0x38: {  	s10 =	sld [smem:$0x3FB1]  }
0x39: {  	_ = 	snop;
	(pc) =	sbr.ind lr, $3  }
0x3a: {  	_ = 	snop  }
0x3b: {  	_ = 	snop  }
0x3c: {  	p2 =	seq.s32 s10, $0x1;
	s10 =	sld [smem:$0x3FB0]  }
0x3d: {  	_ =	shalt  }
0x3e: {  	_ =	shalt  }
0x3f: {  	_ =	shalt  }
0x40: {  	_ =	shalt  }
0x41: {  	_ =	shalt  }
0x42: {  	_ =	shalt  }
0x43: {  	_ =	shalt  }
0x44: {  	_ =	shalt  }
0x45: {  	_ =	shalt  }
0x46: {  	_ =	shalt  }
0x47: {  	_ =	shalt  }
0x48: {  	_ =	shalt  }
0x49: {  	_ =	shalt  }
0x4a: {  	_ =	shalt  }
0x4b: {  	_ =	shalt  }
0x4c: {  	_ =	shalt  }
0x4d: {  	_ =	shalt  }
0x4e: {  	_ =	shalt  }
0x4f: {  	_ =	shalt  }
0x50: {  	_ =	shalt  }
0x51: {  	_ =	shalt  }
0x52: {  	_ =	shalt  }
0x53: {  	_ =	shalt  }
0x54: {  	_ =	shalt  }
0x55: {  	_ =	shalt  }
0x56: {  	_ =	shalt  }
0x57: {  	_ =	shalt  }
0x58: {  	_ =	shalt  }
0x59: {  	_ =	shalt  }
0x5a: {  	_ =	shalt  }
0x5b: {  	_ =	shalt  }
0x5c: {  	_ =	shalt  }
0x5d: {  	_ =	shalt  }
0x5e: {  	_ =	shalt  }
0x5f: {  	_ =	shalt  }
0x60: {  	_ =	shalt  }
0x61: {  	_ =	shalt  }
0x62: {  	_ =	shalt  }
0x63: {  	_ =	shalt  }
0x64: {  	_ =	shalt  }
0x65: {  	_ =	shalt  }
0x66: {  	_ =	shalt  }
0x67: {  	_ =	shalt  }
0x68: {  	_ =	shalt  }
0x69: {  	_ =	shalt  }
0x6a: {  	_ =	shalt  }
0x6b: {  	_ =	shalt  }
0x6c: {  	_ =	shalt  }
0x6d: {  	_ =	shalt  }
0x6e: {  	_ =	shalt  }
0x6f: {  	_ =	shalt  }
0x70: {  	_ =	shalt  }
0x71: {  	_ =	shalt  }
0x72: {  	_ =	shalt  }
0x73: {  	_ =	shalt  }
0x74: {  	_ =	shalt  }
0x75: {  	_ =	shalt  }
0x76: {  	_ =	shalt  }
0x77: {  	_ =	shalt  }
0x78: {  	_ =	shalt  }
0x79: {  	_ =	shalt  }
0x7a: {  	_ =	shalt  }
0x7b: {  	_ =	shalt  }
0x7c: {  	_ =	shalt  }
0x7d: {  	_ =	shalt  }
0x7e: {  	_ =	shalt  }
0x7f: {  	_ =	shalt  }
0x80: {  	_ =	shalt  }
0x81: {  	_ =	shalt  }
0x82: {  	_ =	shalt  }
0x83: {  	_ =	shalt  }
0x84: {  	_ =	shalt  }
0x85: {  	_ =	shalt  }
0x86: {  	_ =	shalt  }
0x87: {  	_ =	shalt  }
.Lfunc_end0:
.L_simem_size_0:
called_computation_lowered:
.L_overlay_start_0:
0x88: {  	s2 =	sld [smem:$0x3FD9]  }
0x89: {  	s3 =	sld [smem:$0x3FFE];
	_ =	sdelay $0x1  }
0x8a: {  	s1 =	srdreg.scid  }
0x8b: {  	s0 =	sand.u32 $0x1, s1  }
0x8c: {  	s17 =	sshll.u32 s0, $0xA;
	s2 =	sadd.s32 s3, s2  }
0x8d: {  	s2 =	sadd.s32 s2, s17  }
0x8e: {  	[smem:$0x3FBC] =	sst s2  }
0x8f: {  	_ = 	snop  }
0x90: {  	s2 =	sld [smem:$0x3FC6]  }
0x91: {  	s18 =	sld [smem:$0x3FD0];
	(tm) =	ssettm $0x1  }
0x92: {  	s4 =	sld [smem:$0x3FFB];
	_ =	sdelay $0x3  }
0x93: {  	_ =	strace s4  }
0x94: {  	s4 =	sld [smem:$0x3FFC];
	_ =	sdelay $0x3  }
0x95: {  	_ =	strace s4  }
0x96: {  	s4 =	sld [smem:$0x3FFD];
	_ =	sdelay $0x3  }
0x97: {  	_ =	strace s4  }
0x98: {  	_ =	strace $0x8FFFFFFF  }
0x99: {  	s19 =	sld [smem:$0x3FDB];
	_ =	sdelay $0x1  }
0x9a: {  	s5 =	simm.s32 $_scs_section_size  }
0x9b: {  	s6 =	simm.s32 $_size__tile_overlayer_lowered;
	s7 =	simm.s32 $_tile_overlayer_lowered  }
0x9c: {  	s22 =	simm.s32 $0x1BFF;
	s21 =	sshll.u32 s7, $0x1;
	s4 =	sadd.s32 s5, s19  }
0x9d: {  	s8 =	simm.s32 $0x0;
	s20 =	sshll.u32 s6, $0x1;
	s6 =	sadd.s32 s21, s4  }
0x9e: {  	[timem:s8], [sflag:s22] =	dma.local [hbm:s6], s20  }
0x9f: {  	_ =	swait.ge [sflag:s22], s20  }
0xa0: {  	s5 =	ssub.s32 $0x0, s20;
	[sflag:s22] =	ssyncset.done $0x0  }
0xa1: {  	[sflag:s22] =	ssyncadd.s32 s5;
	_ =	sdelay $0x1  }
0xa2: {  	s23 =	simm.s32 $0x1B8B  }
0xa3: {  	_ =	swait.ge [sflag:s23], $0x1  }
0xa4: {  	[sflag:s23] =	ssyncset.done $0x0  }
0xa5: {  	s25 =	simm.s32 $0x1B8E;
	s24 =	sld [smem:$0x3FFE];
	[sflag:s23] =	ssyncadd.s32 $0xFFFFFFFF  }
0xa6: {  	s26 =	simm.s32 $execute0_lowered;
	[smem:$0x3FD2] =	sst s25  }
0xa7: {  	s6 =	sshll.u32 s26, $0x1;
	_ =	strace $0x80000046;
	[dreg:$0x1] =	wrdreg $0xFFFFFFFF  }
0xa8: {  	s28 =	simm.s32 $_size_execute0_lowered;
	s4 =	sadd.s32 s4, s6;
	[dreg:$0x0] =	wrdreg $0x0  }
0xa9: {  	s6 =	sshll.u32 s28, $0x1;
	[dreg:$0x2] =	wrdreg s4  }
0xaa: {  	[dreg:$0x3] =	wrdreg s6  }
0xab: {  	[dreg:$0x4] =	wrdreg $0xC0  }
0xac: {  	_ =	task [dreg:s8], $0x5FFFF  }
0xad: {  	[dreg:$0x1] =	wrdreg $0xFFFFFFFF  }
0xae: {  	[dreg:$0x0] =	wrdreg $0x60  }
0xaf: {  	[dreg:$0x2] =	wrdreg s24  }
0xb0: {  	[dreg:$0x3] =	wrdreg s18  }
0xb1: {  	[dreg:$0x4] =	wrdreg s2  }
0xb2: {  	[dreg:$0x5] =	wrdreg $0xA3000  }
0xb3: {  	[dreg:$0x6] =	wrdreg $0x9  }
0xb4: {  	_ =	task.clear_ibuf [dreg:s8], $0x7FFFF;
	_ =	strace $0x90000046  }
0xb5: {  	s29 =	simm.s32 $0x9;
	_ =	strace $0x80000048  }
0xb6: {  	_ =	swait.ge [sflag:s29], $0x1  }
0xb7: {  	[sflag:s29] =	ssyncadd.s32 $0xFFFFFFFF  }
0xb8: {  	_ =	strace $0x90000048  }
0xb9: {  	_ =	sfence  }
0xba: {  	s30 =	sld [smem:$0x0];
	_ =	sdelay $0x2  }
0xbb: {  	s31 =	sshll.u32 s1, $0xD;
	s1 =	sshrl.u32 s1, $0x2  }
0xbc: {  	s3 =	sand.u32 $0x4000, s31;
	s1 =	sadd.s32 s1, s30  }
0xbd: {  	s0 =	sor.u32 s3, s0;
	s1 =	sshll.u32 s1, $0x11  }
0xbe: {  	s0 =	sor.u32 s1, s0  }
0xbf: {  	s0 =	sadd.s32 $0x8F2B, s0  }
0xc0: {  	[sflag:s0] =	ssyncadd.remote.s32 $0x1  }
0xc1: {  	_ =	sfence.sel $0xFFFF  }
0xc2: {  	[dreg:$0x0] =	wrdreg $0xFFFFFFFF;
	(pc) =	sbr.abs _section_cstart, $3  }
0xc3: {  	[dreg:$0x1] =	wrdreg $0xFFFFFFFF  }
0xc4: {  	_ =	task.clear_ibuf [dreg:s8], $0x2FFFF;
	_ =	strace $0x9FFFFFFF  }
0xc5: {  	(tm) =	ssettm $0x7FFFFFFF  }
tec
execute0_lowered:
.L_overlay_start_1:
0x0: {  	(tag) =	ssettag $0x1  }
0x1: {  	s2 =	stileid.u32  }
0x2: {  	s7 =	smul.u32 $0x270, s2;
	_ =	sdelay $0x1  }
0x3: {  	p0 =	seq.s32 s2, $0x0;
	s11 =	sadd.s32 $0x10, s7  }
0x4: {  	s11 =	simm.s32 @p0 $0x0  }
0x5: {  	v44 =	vlaneseq.u32;
	s0 =	sadd.s32 $0x10, s11;
	s1 =	sadd.s32 $0x20, s11;
	s20 =	sadd.s32 $0xB0, s11  }
0x6: {  	s3 =	sadd.s32 $0x30, s11;
	s21 =	sadd.s32 $0xC0, s11;
	v19 =	vor.u32 s20, v44;
	s20 =	sadd.s32 $0x200, s11  }
0x7: {  	s18 =	sadd.s32 $0x80, s11;
	s22 =	sadd.s32 $0xD0, s11;
	v20 =	vor.u32 s21, v44;
	s21 =	sadd.s32 $0x210, s11;
	v0 =	vor.u32 s20, v44  }
0x8: {  	s23 =	sadd.s32 $0xE0, s11;
	s24 =	sadd.s32 $0x100, s11;
	v9 =	vor.u32 s0, v44;
	v21 =	vor.u32 s22, v44;
	s22 =	sadd.s32 $0x220, s11;
	v1 =	vor.u32 s21, v44;
	[tilespmem:$0x1FDB0] =	vst v0  }
0x9: {  	s4 =	sadd.s32 $0x160, s11;
	s9 =	sadd.s32 $0x1B0, s11;
	v16 =	vor.u32 s18, v44;
	v22 =	vor.u32 s23, v44;
	s23 =	sadd.s32 $0x250, s7;
	v53 =	vor.u32 s22, v44;
	[tilespmem:$0x1FDC0] =	vst v1  }
0xa: {  	v24 =	vor.u32 s24, v44;
	v35 =	vor.u32 s9, v44;
	s18 =	sadd.s32 $0x1D0, s11;
	s9 =	rddreg [dreg:$0x0];
	s24 =	sadd.s32 $0x260, s7;
	v55 =	vor.u32 s23, v44;
	[tilespmem:$0x1FDD0] =	vst v53  }
0xb: {  	v10 =	vor.u32 s1, v44;
	s1 =	sadd.s32 $0x130, s11;
	s0 =	rddreg [dreg:$0x1];
	v61 =	vor.u32 s18, v44;
	s18 =	sadd.s32 $0x240, s7;
	v2 =	vor.u32 s24, v44;
	[tilespmem:$0x1FDF0] =	vst v55  }
0xc: {  	v30 =	vor.u32 s4, v44;
	s4 =	simm.s32 $0x0;
	v27 =	vor.u32 s1, v44;
	s1 =	rddreg [dreg:$0x2];
	s20 =	sadd.s32 $0x270, s7;
	v54 =	vor.u32 s18, v44;
	[tilespmem:$0x1FE00] =	vst v2  }
0xd: {  	v11 =	vor.u32 s3, v44;
	s3 =	sadd.s32 $0x150, s11;
	[smem:$0x7FF] =	sst s4;
	v37 =	vor.u32 s20, v44;
	[tilespmem:$0x1FDE0] =	vst v54  }
0xe: {  	v29 =	vor.u32 s3, v44;
	s3 =	rddreg [dreg:$0x3];
	_ =	strace $0x80000047;
	[tilespmem:$0x1FE10] =	vst v37  }
0xf: {  	v52 =	vimm.s32 $0xFEDCBA98;
	s15 =	sadd.s32 $0x40, s11;
	[tilespmem:$0x1FE20] =	vst v10  }
0x10: {  	v56 =	vimm.s32 $0x76543210;
	s12 =	sadd.s32 $0x50, s11;
	v12 =	vor.u32 s15, v44;
	[tilespmem:$0x1FE30] =	vst v11  }
0x11: {  	v57 =	vimm.s32 $0xBA98FEDC;
	v3 =	vimm.s32 $0x32107654;
	s16 =	sadd.s32 $0x60, s11;
	v13 =	vor.u32 s12, v44;
	[tilespmem:$0x1FE40] =	vst v12  }
0x12: {  	v4 =	vimm.s32 $0xDCFE98BA;
	s17 =	sadd.s32 $0x70, s11;
	v14 =	vor.u32 s16, v44;
	[tilespmem:$0x1FE50] =	vst v13  }
0x13: {  	v5 =	vimm.s32 $0x54761032;
	v6 =	vimm.s32 $0xEFCDAB89;
	v15 =	vor.u32 s17, v44;
	[tilespmem:$0x1FE60] =	vst v14  }
0x14: {  	v7 =	vimm.s32 $0x67452301;
	vm1 =	vcmask $0x33C;
	vm2 =	vcmask $0x73C;
	s19 =	sadd.s32 $0x90, s11;
	[tilespmem:$0x1FE70] =	vst v15  }
0x15: {  	vm3 =	vcmask $0x738;
	vm4 =	vcmask $0xB38;
	s28 =	simm.s32 $0x1;
	s29 =	simm.s32 $0x2;
	s13 =	sadd.s32 $0xA0, s11;
	v17 =	vor.u32 s19, v44;
	[tilespmem:$0x1FE80] =	vst v16  }
0x16: {  	vm5 =	vcmask $0xB34;
	vm6 =	vcmask $0xF34;
	s30 =	simm.s32 $0x3;
	s31 =	simm.s32 $0x180;
	p0 =	sne.s32 s2, $0x0;
	v18 =	vor.u32 s13, v44;
	[tilespmem:$0x1FE90] =	vst v17  }
0x17: {  	vm7 =	vcmask $0xF30;
	vm8 =	vcmask $0x1330;
	s14 =	sadd.s32 $0xF0, s11;
	s25 =	sadd.s32 $0x110, s11;
	s26 =	sadd.s32 $0x120, s11;
	[tilespmem:$0x1FEA0] =	vst v18  }
0x18: {  	v39 =	vimm.f32 $0.0e+00;
	vm9 =	vcmask $0x132C;
	vm10 =	vcmask $0x172C;
	s5 =	sadd.s32 $0x170, s11;
	s6 =	sadd.s32 $0x180, s11;
	s8 =	sadd.s32 $0x1A0, s11;
	[tilespmem:$0x1FEB0] =	vst v19  }
0x19: {  	vm0 =	vmmov $0x1;
	vm11 =	vcmask $0x1728;
	vm12 =	vcmask $0x1B28;
	s10 =	sadd.s32 $0x1C0, s11;
	s15 =	sadd.s32 $0x140, s11;
	s16 =	sadd.s32 $0x190, s11;
	[tilespmem:$0x1FEC0] =	vst v20  }
0x1a: {  	vm13 =	vcmask $0x1B24;
	vm14 =	vcmask $0x1F24;
	v32 =	vor.u32 s6, v44;
	s17 =	sadd.s32 $0x1E0, s11;
	s19 =	sadd.s32 $0x1F0, s11;
	s6 =	srdreg.scid;
	[tilespmem:$0x1FED0] =	vst v21  }
0x1b: {  	vm15 =	vmmov $0xff;
	v8 =	vor.u32 s11, v44;
	v23 =	vor.u32 s14, v44;
	s11 =	sshll.u32 s11, $0x4;
	s12 =	sshll.u32 s12, $0x4;
	s14 =	sshll.u32 s14, $0x4;
	[tilespmem:$0x1FEE0] =	vst v22  }
0x1c: {  	v45 =	vimm.s32 $0x0;
	v31 =	vor.u32 s5, v44;
	v36 =	vor.u32 s10, v44;
	s5 =	sadd.s32 $0x47A00, s9;
	s10 =	sand.u32 $0x1, s6;
	s6 =	sadd.s32 $0xE3E00, s9;
	[tilespmem:$0x1FEF0] =	vst v23  }
0x1d: {  	v46 =	vimm.s32 $0xF;
	v25 =	vor.u32 s25, v44;
	v34 =	vor.u32 s8, v44;
	s7 =	sadd.s32 $0x33E00, s9;
	s8 =	sadd.s32 $0x3DC00, s9;
	s21 =	ssub.s32 $0x2, s10;
	[tilespmem:$0x1FF00] =	vst v24  }
0x1e: {  	v4 =	vunpack.c.l.s4.s8 v4;
	v26 =	vor.u32 s26, v44;
	v63 =	vor.u32 s19, v44;
	s22 =	sshll.u32 s16, $0x4;
	s19 =	smul.u32 $0x27100, s10;
	s25 =	sshrl.u32 s21, $0x1;
	[tilespmem:$0x1FF10] =	vst v25  }
0x1f: {  	v5 =	vunpack.c.l.s4.s8 v5;
	v6 =	vunpack.c.l.s4.s8 v6;
	v33 =	vor.u32 s16, v44;
	s23 =	sshll.u32 s17, $0x4;
	s16 =	simm.s32 $0x6;
	s20 =	ssub.s32 s21, s25;
	[tilespmem:$0x1FF20] =	vst v26  }
0x20: {  	v7 =	vunpack.c.l.s4.s8 v7;
	v28 =	vor.u32 s15, v44;
	v62 =	vor.u32 s17, v44;
	s17 =	simm.s32 $0x80;
	s19 =	sadd.s32 s19, s9;
	[tilespmem:$0x1FF30] =	vst v27;
	s26 =	smax.u32 s20, $0x1  }
0x21: {  	v47 =	vimm.s32 $0x1;
	v4 =	vunpack.c.0.s8.s32 v4;
	v5 =	vunpack.c.0.s8.s32 v5;
	s10 =	sshll.u32 s10, $0x4;
	[tilespmem:$0x1FF40] =	vst v28;
	s24 =	sadd.s32 $0x662200, s19;
	[dreg:$0x6] =	wrdreg s26  }
0x22: {  	v48 =	vimm.s32 $0xE;
	v6 =	vunpack.c.0.s8.s32 v6;
	v7 =	vunpack.c.0.s8.s32 v7;
	s18 =	sshll.u32 s18, $0x4;
	[tilespmem:$0x1FF50] =	vst v29;
	s11 =	sadd.s32 s11, s24;
	[dreg:$0x5] =	wrdreg s24  }
0x23: {  	v49 =	vimm.s32 $0x2;
	v3 =	vunpack.c.l.s4.s8 v3;
	v58 =	vcombine.low v5, v4;
	[tilespmem:$0x1FF60] =	vst v30;
	s19 =	sshll.u32 s13, $0x4;
	s12 =	sadd.s32 s12, s24;
	[dreg:$0x7] =	wrdreg s11  }
0x24: {  	v50 =	vimm.s32 $0xD;
	v51 =	vimm.s32 $0x3;
	v59 =	vcombine.low v7, v6;
	s10 =	sor.u32 s2, s10;
	[tilespmem:$0x1FF70] =	vst v31;
	s19 =	sadd.s32 s19, s24;
	[dreg:$0x8] =	wrdreg s12  }
0x25: {  	v60 =	vmul.u32 $0xFFFFFFFF, v44;
	v3 =	vunpack.c.0.s8.s32 v3;
	v42 =	vand.u32 $0xF, v58;
	s21 =	sshll.u32 s15, $0x4;
	[tilespmem:$0x1FF80] =	vst v32;
	s20 =	sadd.s32 s14, s24;
	[dreg:$0x9] =	wrdreg s19  }
0x26: {  	v43 =	vand.u32 $0xF, v59;
	v58 =	vimm.s32 $0x9;
	v2 =	vunpack.c.l.s4.s8 v57;
	s9 =	sadd.s32 $0x180200, s9;
	[tilespmem:$0x1FF90] =	vst v33;
	s21 =	sadd.s32 s21, s24;
	[dreg:$0xa] =	wrdreg s20  }
0x27: {  	v59 =	vimm.s32 $0x7;
	v0 =	vunpack.c.l.s4.s8 v52;
	v1 =	vunpack.c.l.s4.s8 v56;
	s10 =	smul.u32 $0x2710, s10;
	[tilespmem:$0x1FFA0] =	vst v34;
	s22 =	sadd.s32 s22, s24;
	[dreg:$0xb] =	wrdreg s21  }
0x28: {  	v44 =	vadd.s32 $0xF, v60;
	v52 =	vimm.s32 $0xC;
	v2 =	vunpack.c.0.s8.s32 v2;
	s25 =	simm.s32 $0xA200;
	[tilespmem:$0x1FFB0] =	vst v35;
	s26 =	sadd.s32 s23, s24;
	[dreg:$0xc] =	wrdreg s22  }
0x29: {  	v53 =	vimm.s32 $0x4;
	v55 =	vimm.s32 $0x5;
	v0 =	vunpack.c.0.s8.s32 v0;
	s15 =	simm.s32 $0x200;
	[tilespmem:$0x1FFC0] =	vst v36;
	s2 =	sadd.s32 @p0 s18, s24;
	[dreg:$0xd] =	wrdreg s26  }
0x2a: {  	v56 =	vimm.s32 $0xA;
	v1 =	vunpack.c.0.s8.s32 v1;
	[tilespmem:$0x1FFD0] =	vst v61;
	s13 =	simm.s32 $0x50;
	v2 =	vcombine.low v3, v2;
	s18 =	simm.s32 $0x7A00;
	[dreg:$0xe] =	wrdreg s2  }
0x2b: {  	v57 =	vimm.s32 $0x6;
	v60 =	vimm.s32 $0x8;
	[tilespmem:$0x1FFE0] =	vst v62;
	v0 =	vand.u32 $0xF, v0;
	s26 =	simm.s32 $0x100;
	s2 =	simm.s32 $0x2A00;
	s12 =	simm.s32 $0x5200  }
0x2c: {  	v54 =	vimm.s32 $0xB;
	[tilespmem:$0x1FFF0] =	vst v63;
	v40 =	vcombine.low v0, v1;
	s19 =	simm.s32 $0x4;
	s20 =	simm.s32 $0x5;
	s21 =	simm.s32 $0x0;
	v41 =	vand.u32 $0xF, v2  }
.LBB2_1:
0x2d: {  	[dreg:$0xf] =	wrdreg s21;
	s11 =	simm.s32 $0x0;
	s14 =	simm.s32 $0x200  }
.LBB2_2:
0x2e: {  	p1 =	sne.s32 s14, $0x9E00;
	[tilespmem:s11+$0x270] =	vst v39  }
0x2f: {  	[tilespmem:s11+$0x200] =	vst v39  }
0x30: {  	[tilespmem:s11+$0x210] =	vst v39  }
.Ltmp0:
0x31: {  	[tilespmem:s11+$0x220] =	vst v39;
	(pc) =	sbr.rel @p1 .LBB2_2-.Ltmp0, $4  }
0x32: {  	[tilespmem:s11+$0x230] =	vst v39  }
0x33: {  	[tilespmem:s11+$0x240] =	vst v39  }
0x34: {  	[tilespmem:s11+$0x250] =	vst v39  }
0x35: {  	[tilespmem:s11+$0x260] =	vst v39;
	s11 =	sshra.s32 s14, $0x2;
	s14 =	sadd.s32 $0x200, s14  }
0x36: {  	[tilespmem:s11+$0x270] =	vst v39  }
0x37: {  	[tilespmem:s11+$0x200] =	vst v39  }
0x38: {  	[tilespmem:s11+$0x210] =	vst v39  }
0x39: {  	[tilespmem:s11+$0x220] =	vst v39  }
0x3a: {  	[tilespmem:s11+$0x230] =	vst v39  }
0x3b: {  	[tilespmem:s11+$0x240] =	vst v39  }
0x3c: {  	[tilespmem:s11+$0x250] =	vst v39  }
0x3d: {  	[tilespmem:s11+$0x260] =	vst v39  }
0x3e: {  	[tilespmem:$0xA200] =	vst v8  }
0x3f: {  	[tilespmem:$0xA210] =	vst v9  }
0x40: {  	[tilespmem:$0xA220] =	vst v10  }
0x41: {  	[tilespmem:$0xA230] =	vst v11  }
0x42: {  	[tilespmem:$0xA240] =	vst v12  }
0x43: {  	[spmem:s3] =	stream.indirect.scatter [tilespmem:s15], [sflag:$0x6], $0x80, s25, s13, $0xb8;
	[tilespmem:$0x1DB80] =	vst v63  }
0x44: {  	_ =	swait.ge [sflag:s16], $0x2800  }
0x45: {  	[sflag:s16] =	ssyncset.done $0x0  }
0x46: {  	[sflag:s16] =	ssyncadd.s32 $0xFFFFD800  }
0x47: {  	[tilespmem:$0xA200] =	vst v13  }
0x48: {  	[tilespmem:$0xA210] =	vst v14  }
0x49: {  	[tilespmem:$0xA220] =	vst v15  }
0x4a: {  	[tilespmem:$0xA230] =	vst v16  }
0x4b: {  	[tilespmem:$0xA240] =	vst v17  }
0x4c: {  	[spmem:s3] =	stream.indirect.scatter [tilespmem:s15], [sflag:$0x6], $0x80, s25, s13, $0xb8;
	[tilespmem:$0x1DB80] =	vst v63  }
0x4d: {  	_ =	swait.ge [sflag:s16], $0x2800  }
0x4e: {  	[sflag:s16] =	ssyncset.done $0x0  }
0x4f: {  	[sflag:s16] =	ssyncadd.s32 $0xFFFFD800  }
0x50: {  	[tilespmem:$0xA200] =	vst v18  }
0x51: {  	[tilespmem:$0xA210] =	vst v19  }
0x52: {  	[tilespmem:$0xA220] =	vst v20  }
0x53: {  	[tilespmem:$0xA230] =	vst v21  }
0x54: {  	[tilespmem:$0xA240] =	vst v22  }
0x55: {  	[spmem:s3] =	stream.indirect.scatter [tilespmem:s15], [sflag:$0x6], $0x80, s25, s13, $0xb8;
	[tilespmem:$0x1DB80] =	vst v63  }
0x56: {  	_ =	swait.ge [sflag:s16], $0x2800  }
0x57: {  	[sflag:s16] =	ssyncset.done $0x0  }
0x58: {  	[sflag:s16] =	ssyncadd.s32 $0xFFFFD800  }
0x59: {  	[tilespmem:$0xA200] =	vst v23  }
0x5a: {  	[tilespmem:$0xA210] =	vst v24  }
0x5b: {  	[tilespmem:$0xA220] =	vst v25  }
0x5c: {  	[tilespmem:$0xA230] =	vst v26  }
0x5d: {  	[tilespmem:$0xA240] =	vst v27  }
0x5e: {  	[spmem:s3] =	stream.indirect.scatter [tilespmem:s15], [sflag:$0x6], $0x80, s25, s13, $0xb8;
	[tilespmem:$0x1DB80] =	vst v63  }
0x5f: {  	_ =	swait.ge [sflag:s16], $0x2800  }
0x60: {  	[sflag:s16] =	ssyncset.done $0x0  }
0x61: {  	[sflag:s16] =	ssyncadd.s32 $0xFFFFD800  }
0x62: {  	[tilespmem:$0xA200] =	vst v28  }
0x63: {  	[tilespmem:$0xA210] =	vst v29  }
0x64: {  	[tilespmem:$0xA220] =	vst v30  }
0x65: {  	[tilespmem:$0xA230] =	vst v31  }
0x66: {  	[tilespmem:$0xA240] =	vst v32  }
0x67: {  	[spmem:s3] =	stream.indirect.scatter [tilespmem:s15], [sflag:$0x6], $0x80, s25, s13, $0xb8;
	[tilespmem:$0x1DB80] =	vst v63  }
0x68: {  	_ =	swait.ge [sflag:s16], $0x2800  }
0x69: {  	[sflag:s16] =	ssyncset.done $0x0  }
0x6a: {  	[sflag:s16] =	ssyncadd.s32 $0xFFFFD800  }
0x6b: {  	[tilespmem:$0xA200] =	vst v33  }
0x6c: {  	[tilespmem:$0xA210] =	vst v34  }
0x6d: {  	[tilespmem:$0xA220] =	vst v35  }
0x6e: {  	[tilespmem:$0xA230] =	vst v36  }
0x6f: {  	[tilespmem:$0xA240] =	vst v61  }
0x70: {  	[spmem:s3] =	stream.indirect.scatter [tilespmem:s15], [sflag:$0x6], $0x80, s25, s13, $0xb8;
	[tilespmem:$0x1DB80] =	vst v63  }
0x71: {  	_ =	swait.ge [sflag:s16], $0x2800  }
0x72: {  	[sflag:s16] =	ssyncset.done $0x0  }
0x73: {  	v0 =	vld [tilespmem:$0x1FDB0];
	[sflag:s16] =	ssyncadd.s32 $0xFFFFD800  }
0x74: {  	[tilespmem:$0xA200] =	vst v62;
	v62 =	vld [tilespmem:$0x1FDC0]  }
0x75: {  	[tilespmem:$0xA210] =	vst v63;
	v63 =	vld [tilespmem:$0x1FDD0];
	_ =	sdelay $0x2  }
0x76: {  	[tilespmem:$0xA220] =	vst v0  }
0x77: {  	[tilespmem:$0xA230] =	vst v62  }
0x78: {  	[tilespmem:$0xA240] =	vst v63  }
0x79: {  	[spmem:s3] =	stream.indirect.scatter [tilespmem:s15], [sflag:$0x6], $0x80, s25, s13, $0xb8;
	[tilespmem:$0x1DB80] =	vst v63  }
0x7a: {  	_ =	swait.ge [sflag:s16], $0x2800  }
0x7b: {  	v0 =	vld [tilespmem:$0x1FDE0];
	_ =	sdelay $0x2  }
0x7c: {  	[sflag:s16] =	ssyncset.done $0x0  }
0x7d: {  	[sflag:s16] =	ssyncadd.s32 $0xFFFFD800  }
0x7e: {  	[tilespmem:$0xA280] =	vst @p0 v0;
	v0 =	vld [tilespmem:$0x1FDF0];
	_ =	sdelay $0x4  }
0x7f: {  	[tilespmem:$0xA290] =	vst @p0 v0;
	v0 =	vld [tilespmem:$0x1FE00];
	_ =	sdelay $0x4  }
0x80: {  	[tilespmem:$0xA2A0] =	vst @p0 v0;
	v0 =	vld [tilespmem:$0x1FE10];
	_ =	sdelay $0x4  }
0x81: {  	s11 =	simm.s32 @p0 $0x40;
	s14 =	simm.s32 @p0 $0xA280;
	s21 =	simm.s32 @p0 $0x200;
	[tilespmem:$0xA2B0] =	vst @p0 v0  }
0x82: {  	[spmem:s3] =	stream.indirect.scatter @p0 [tilespmem:s21], [sflag:$0x6], $0x80, s14, s11, $0xb8;
	[tilespmem:$0x1DB80] =	vst v63  }
0x83: {  	s11 =	simm.s32 @p0 $0x6  }
0x84: {  	_ =	swait.ge @p0 [sflag:s11], $0x2000  }
0x85: {  	v0 =	vlaneseq.u32 @!p0;
	[sflag:s11] =	ssyncset.done @p0 $0x0  }
0x86: {  	v1 =	vor.u32 @!p0 $0x230, v0;
	[sflag:s11] =	ssyncadd.s32 @p0 $0xFFFFE000  }
0x87: {  	[tilespmem:$0xA200] =	vst @!p0 v1;
	v1 =	vor.u32 @!p0 $0x240, v0  }
0x88: {  	[tilespmem:$0xA210] =	vst @!p0 v1;
	v1 =	vor.u32 @!p0 $0x250, v0  }
0x89: {  	[tilespmem:$0xA220] =	vst @!p0 v1;
	v1 =	vor.u32 @!p0 $0x260, v0  }
0x8a: {  	v0 =	vor.u32 @!p0 $0x270, v0;
	[tilespmem:$0xA230] =	vst @!p0 v1  }
0x8b: {  	s14 =	simm.s32 @!p0 $0xA200;
	s21 =	simm.s32 @!p0 $0x200;
	s11 =	simm.s32 @!p0 $0x50;
	[tilespmem:$0xA240] =	vst @!p0 v0  }
0x8c: {  	[spmem:s3] =	stream.indirect.scatter @!p0 [tilespmem:s21], [sflag:$0x6], $0x80, s14, s11, $0xb8;
	[tilespmem:$0x1DB80] =	vst v63  }
0x8d: {  	s11 =	simm.s32 @!p0 $0x6  }
0x8e: {  	_ =	swait.ge @!p0 [sflag:s11], $0x2800  }
0x8f: {  	[sflag:s11] =	ssyncset.done @!p0 $0x0  }
0x90: {  	[sflag:s11] =	ssyncadd.s32 @!p0 $0xFFFFD800  }
0x91: {  	v37 =	vmov v8;
	v38 =	vmov v9;
	s22 =	simm.s32 $0x0;
	s23 =	simm.s32 $0x0;
	[bflag:$0x0] =	sbarrier.arrive $0xFFFF  }
.LBB2_4:
0x92: {  	s11 =	smul.u32 $0x50, s23;
	_ =	sdelay $0x1  }
0x93: {  	s24 =	sadd.s32 s10, s11  }
0x94: {  	s11 =	sshrl.u32 s24, $0x3  }
0x95: {  	s14 =	sadd.s32 s7, s11  }
0x96: {  	[tilespmem:s22], [sflag:$0x1] =	stream.linear.gather [hbm4b:s14+s22], $0x50, $0x38;
	[tilespmem:$0x1DB80] =	vst v63  }
0x97: {  	s25 =	sadd.s32 s8, s11  }
0x98: {  	[tilespmem:s17], [sflag:$0x2] =	stream.linear.gather [hbm4b:s25+s22], $0x50, $0x38;
	[tilespmem:$0x1DB80] =	vst v63  }
0x99: {  	s11 =	sadd.s32 s1, s11  }
0x9a: {  	[tilespmem:s26], [sflag:$0x3] =	stream.linear.gather [hbm4b:s11+s22], $0x50, $0x38;
	[tilespmem:$0x1DB80] =	vst v63  }
0x9b: {  	_ =	swait.ge [sflag:s28], $0x50  }
0x9c: {  	[sflag:s28] =	ssyncset.done $0x0  }
0x9d: {  	[sflag:s28] =	ssyncadd.s32 $0xFFFFFFB0  }
0x9e: {  	_ =	swait.ge [sflag:s29], $0x50  }
0x9f: {  	[sflag:s29] =	ssyncset.done $0x0  }
0xa0: {  	[sflag:s29] =	ssyncadd.s32 $0xFFFFFFB0  }
0xa1: {  	_ =	swait.ge [sflag:s30], $0x50  }
0xa2: {  	[sflag:s30] =	ssyncset.done $0x0  }
0xa3: {  	[sflag:s30] =	ssyncadd.s32 $0xFFFFFFB0  }
0xa4: {  	v0 =	vld [tilespmem:$0x0]  }
0xa5: {  	v1 =	vld [tilespmem:$0x100]  }
0xa6: {  	v2 =	vld [tilespmem:$0x10]  }
0xa7: {  	v3 =	vld [tilespmem:$0x110]  }
0xa8: {  	v4 =	vld [tilespmem:$0x20]  }
0xa9: {  	v5 =	vld [tilespmem:$0x120]  }
0xaa: {  	v6 =	vld [tilespmem:$0x130]  }
0xab: {  	v7 =	vld [tilespmem:$0x140]  }
0xac: {  	v8 =	vld [tilespmem:$0x30];
	v1 =	vmul.u32 $0x2710, v1  }
0xad: {  	v9 =	vld [tilespmem:$0x40];
	v3 =	vmul.u32 $0x2710, v3  }
0xae: {  	v0 =	vadd.s32 v0, v1;
	v1 =	vmul.u32 $0x2710, v5  }
0xaf: {  	[tilespmem:$0x180] =	vst v0;
	v0 =	vadd.s32 v2, v3;
	v2 =	vmul.u32 $0x2710, v6  }
0xb0: {  	[tilespmem:$0x190] =	vst v0;
	v0 =	vadd.s32 v4, v1;
	v1 =	vmul.u32 $0x2710, v7  }
0xb1: {  	[tilespmem:$0x1A0] =	vst v0;
	v0 =	vadd.s32 v8, v2  }
0xb2: {  	[tilespmem:$0x1B0] =	vst v0;
	v0 =	vadd.s32 v9, v1  }
0xb3: {  	[tilespmem:$0x1C0] =	vst v0  }
0xb4: {  	[tilespmem:s15], [sflag:$0x1] =	stream.indirect.gather [hbm4b:s5+s13], $0x80, s31, s13, $0xb8;
	[tilespmem:$0x1DB80] =	vst v63  }
0xb5: {  	_ = 	snop  }
0xb6: {  	[tilespmem:s2], [sflag:$0x2] =	stream.indirect.gather [hbm4b:s0+s13], $0x80, s17, s13, $0xb8;
	[tilespmem:$0x1DB80] =	vst v63  }
0xb7: {  	_ = 	snop  }
0xb8: {  	[tilespmem:s12], [sflag:$0x3] =	stream.indirect.gather [hbm4b:s6+s13], $0x80, s31, s13, $0xb8;
	[tilespmem:$0x1DB80] =	vst v63  }
0xb9: {  	_ =	swait.ge [sflag:s28], $0x2800  }
0xba: {  	[sflag:s28] =	ssyncset.done $0x0  }
0xbb: {  	[sflag:s28] =	ssyncadd.s32 $0xFFFFD800  }
0xbc: {  	_ =	swait.ge [sflag:s29], $0x2800  }
0xbd: {  	[sflag:s29] =	ssyncset.done $0x0  }
0xbe: {  	[sflag:s29] =	ssyncadd.s32 $0xFFFFD800  }
0xbf: {  	_ =	swait.ge [sflag:s30], $0x2800  }
0xc0: {  	[sflag:s30] =	ssyncset.done $0x0  }
0xc1: {  	s25 =	simm.s32 $0x0;
	[sflag:s30] =	ssyncadd.s32 $0xFFFFD800  }
0xc2: {  	v0 =	vld [tilespmem:s25+$0x2F0]  }
0xc3: {  	v1 =	vld [tilespmem:s25+$0x2AF0]  }
0xc4: {  	v2 =	vld [tilespmem:s25+$0x270]  }
0xc5: {  	v3 =	vld [tilespmem:s25+$0x2A70]  }
0xc6: {  	v4 =	vld [tilespmem:s25+$0x2E0]  }
0xc7: {  	v5 =	vld [tilespmem:s25+$0x2AE0]  }
0xc8: {  	v6 =	vld [tilespmem:s25+$0x260]  }
0xc9: {  	v7 =	vld [tilespmem:s25+$0x2A60]  }
0xca: {  	v8 =	vld [tilespmem:s25+$0x2D0]  }
0xcb: {  	v9 =	vld [tilespmem:s25+$0x2AD0]  }
0xcc: {  	v10 =	vld [tilespmem:s25+$0x250]  }
0xcd: {  	v11 =	vld [tilespmem:s25+$0x2A50]  }
0xce: {  	v12 =	vld [tilespmem:s25+$0x2C0]  }
0xcf: {  	v13 =	vld [tilespmem:s25+$0x2AC0]  }
0xd0: {  	v14 =	vld [tilespmem:s25+$0x240]  }
0xd1: {  	v15 =	vld [tilespmem:s25+$0x2A40]  }
0xd2: {  	v16 =	vld [tilespmem:s25+$0x2B0]  }
0xd3: {  	v17 =	vld [tilespmem:s25+$0x2AB0]  }
0xd4: {  	v18 =	vld [tilespmem:s25+$0x230]  }
0xd5: {  	v19 =	vld [tilespmem:s25+$0x2A30]  }
0xd6: {  	v20 =	vld [tilespmem:s25+$0x2A0]  }
0xd7: {  	v21 =	vld [tilespmem:s25+$0x2AA0]  }
0xd8: {  	v61 =	vld [tilespmem:s25+$0x220]  }
0xd9: {  	v62 =	vld [tilespmem:s25+$0x2A20]  }
0xda: {  	v63 =	vld [tilespmem:s25+$0x290]  }
0xdb: {  	v22 =	vld [tilespmem:s25+$0x2A90];
	v0 =	vmul.f32 v1, v0  }
0xdc: {  	v23 =	vld [tilespmem:s25+$0x210];
	v4 =	vmul.f32 v5, v4;
	v2 =	vmul.f32 v3, v2  }
0xdd: {  	v24 =	vld [tilespmem:s25+$0x2A10];
	v5 =	vmul.f32 v9, v8;
	v6 =	vmul.f32 v7, v6  }
0xde: {  	v8 =	vmul.f32 v13, v12;
	v9 =	vmul.f32 v11, v10  }
0xdf: {  	v10 =	vmul.f32 v17, v16;
	v11 =	vmul.f32 v15, v14  }
0xe0: {  	v12 =	vmul.f32 v21, v20;
	v13 =	vmul.f32 v19, v18  }
0xe1: {  	v14 =	vmul.f32 v22, v63;
	v15 =	vmul.f32 v62, v61  }
0xe2: {  	v25 =	vld [tilespmem:s25+$0x200];
	v16 =	vmul.f32 v24, v23;
	v17 =	vperm.xlane v2, v40  }
0xe3: {  	v1 =	vld [tilespmem:s25+$0x2A00];
	v18 =	vperm.xlane v4, v40;
	v19 =	vperm.xlane v5, v40  }
0xe4: {  	v3 =	vld [tilespmem:s25+$0x280];
	v20 =	vperm.xlane v6, v40;
	v21 =	vperm.xlane v8, v40  }
0xe5: {  	v7 =	vld [tilespmem:s25+$0x2A80];
	v22 =	vperm.xlane v9, v40;
	v23 =	vperm.xlane v10, v40  }
0xe6: {  	v28 =	vperm.xlane v11, v40;
	v29 =	vperm.xlane v12, v40;
	v2 =	vadd.f32 v17, v2  }
0xe7: {  	v30 =	vperm.xlane v13, v40;
	v6 =	vadd.f32 v20, v6;
	v4 =	vadd.f32 v18, v4  }
0xe8: {  	v62 =	vperm.xlane v15, v40;
	v9 =	vadd.f32 v22, v9;
	v5 =	vadd.f32 v19, v5  }
0xe9: {  	v17 =	vperm.xlane v16, v40;
	v11 =	vadd.f32 v28, v11;
	v8 =	vadd.f32 v21, v8  }
0xea: {  	v13 =	vadd.f32 v30, v13;
	v1 =	vmul.f32 v1, v25;
	v3 =	vmul.f32 v7, v3  }
0xeb: {  	v12 =	vadd.f32 v29, v12;
	v7 =	vperm.xlane v0, v40;
	v21 =	vperm.xlane v2, v41  }
0xec: {  	v16 =	vadd.f32 v17, v16;
	v17 =	vperm.xlane v5, v41;
	v22 =	vperm.xlane v6, v41  }
0xed: {  	v10 =	vadd.f32 v23, v10;
	v23 =	vperm.xlane v9, v41;
	v24 =	vperm.xlane v11, v41  }
0xee: {  	v15 =	vadd.f32 v62, v15;
	v25 =	vperm.xlane v12, v41;
	v61 =	vperm.xlane v13, v41  }
0xef: {  	v0 =	vadd.f32 v7, v0;
	v7 =	vperm.xlane v14, v40;
	v2 =	vadd.f32 v21, v2  }
0xf0: {  	v18 =	vperm.xlane v1, v40;
	v5 =	vadd.f32 v17, v5;
	v6 =	vadd.f32 v22, v6  }
0xf1: {  	v19 =	vperm.xlane v3, v40;
	v9 =	vadd.f32 v23, v9;
	v11 =	vadd.f32 v24, v11  }
0xf2: {  	v17 =	vperm.xlane v16, v41;
	v12 =	vadd.f32 v25, v12;
	v13 =	vadd.f32 v61, v13  }
0xf3: {  	v20 =	vperm.xlane v0, v41;
	v7 =	vadd.f32 v7, v14;
	v14 =	vperm.xlane v4, v41  }
0xf4: {  	v1 =	vadd.f32 v18, v1;
	v18 =	vperm.xlane v8, v41;
	v3 =	vadd.f32 v19, v3  }
0xf5: {  	v19 =	vperm.xlane v10, v41;
	v16 =	vadd.f32 v17, v16;
	v17 =	vperm.xlane v9, v42  }
0xf6: {  	v23 =	vperm.xlane v5, v42;
	v33 =	vperm.xlane v12, v42;
	v0 =	vadd.f32 v20, v0  }
0xf7: {  	v20 =	vperm.xlane v15, v41;
	v4 =	vadd.f32 v14, v4;
	v14 =	vperm.xlane v7, v41  }
0xf8: {  	v8 =	vadd.f32 v18, v8;
	v18 =	vperm.xlane v1, v41;
	v10 =	vadd.f32 v19, v10  }
0xf9: {  	v19 =	vperm.xlane v3, v41;
	v9 =	vadd.f32 v17, v9;
	v5 =	vadd.f32 v23, v5  }
0xfa: {  	v17 =	vperm.xlane v16, v42;
	v12 =	vadd.f32 v33, v12;
	v15 =	vadd.f32 v20, v15  }
0xfb: {  	v20 =	vperm.xlane v2, v42;
	v21 =	vperm.xlane v0, v42;
	v7 =	vadd.f32 v14, v7  }
0xfc: {  	v14 =	vperm.xlane v6, v42;
	v22 =	vperm.xlane v4, v42;
	v1 =	vadd.f32 v18, v1  }
0xfd: {  	v18 =	vperm.xlane v11, v42;
	v31 =	vperm.xlane v8, v42;
	v3 =	vadd.f32 v19, v3  }
0xfe: {  	v19 =	vperm.xlane v13, v42;
	v16 =	vadd.f32 v17, v16;
	v2 =	vadd.f32 v20, v2  }
0xff: {  	v20 =	vperm.xlane v1, v42;
	v6 =	vadd.f32 v14, v6;
	v14 =	vperm.xlane v3, v42  }
0x100: {  	v32 =	vperm.xlane v10, v42;
	v0 =	vadd.f32 v21, v0;
	v4 =	vadd.f32 v22, v4  }
0x101: {  	s11 =	simm.s32 $0x100;
	v1 =	vadd.f32 v20, v1;
	v3 =	vadd.f32 v14, v3;
	v14 =	vperm.xlane v7, v42  }
0x102: {  	v26 =	vld [tilespmem:s11+$0x200];
	v11 =	vadd.f32 v18, v11;
	v8 =	vadd.f32 v31, v8;
	v17 =	vperm.xlane v15, v42  }
0x103: {  	v27 =	vld [tilespmem:s11+$0x2A00];
	v22 =	vperm.xlane v1, v43;
	v23 =	vperm.xlane v3, v43;
	v7 =	vadd.f32 v14, v7  }
0x104: {  	v63 =	vld [tilespmem:s11+$0x2A10];
	v10 =	vadd.f32 v32, v10;
	v34 =	vperm.xlane v16, v43;
	v15 =	vadd.f32 v17, v15  }
0x105: {  	v62 =	vld [tilespmem:s11+$0x2A90];
	v1 =	vadd.f32 v22, v1;
	v3 =	vadd.f32 v23, v3;
	v22 =	vperm.xlane v7, v43  }
0x106: {  	v28 =	vld [tilespmem:s11+$0x280];
	v13 =	vadd.f32 v19, v13;
	v16 =	vadd.f32 v34, v16;
	v35 =	vperm.xlane v15, v43  }
0x107: {  	v24 =	vld [tilespmem:s11+$0x2D0];
	v1 =	vsel vm0, v1, v3;
	v3 =	vadd.f32 v22, v7;
	v7 =	vperm.xlane v12, v43  }
0x108: {  	v25 =	vld [tilespmem:s11+$0x290];
	v15 =	vadd.f32 v35, v15;
	v1 =	vsel vm1, v1, v16;
	v16 =	vperm.xlane v13, v43  }
0x109: {  	v18 =	vld [tilespmem:s11+$0x2F0];
	v1 =	vsel vm2, v1, v3;
	v3 =	vadd.f32 v7, v12;
	v7 =	vperm.xlane v10, v43  }
0x10a: {  	v21 =	vld [tilespmem:s11+$0x270];
	v1 =	vsel vm3, v1, v15;
	v13 =	vadd.f32 v16, v13;
	v15 =	vperm.xlane v11, v43  }
0x10b: {  	v19 =	vld [tilespmem:s11+$0x260];
	v1 =	vsel vm4, v1, v3;
	v3 =	vadd.f32 v7, v10;
	v7 =	vperm.xlane v8, v43  }
0x10c: {  	v20 =	vld [tilespmem:s11+$0x2AF0];
	v1 =	vsel vm5, v1, v13;
	v11 =	vadd.f32 v15, v11;
	v13 =	vperm.xlane v9, v43  }
0x10d: {  	v17 =	vld [tilespmem:s11+$0x2E0];
	v1 =	vsel vm6, v1, v3;
	v3 =	vadd.f32 v7, v8;
	v7 =	vperm.xlane v5, v43  }
0x10e: {  	v14 =	vld [tilespmem:s11+$0x2A70];
	v1 =	vsel vm7, v1, v11;
	v9 =	vadd.f32 v13, v9;
	v11 =	vperm.xlane v6, v43  }
0x10f: {  	v23 =	vld [tilespmem:s11+$0x2AE0];
	v1 =	vsel vm8, v1, v3;
	v3 =	vadd.f32 v7, v5;
	v5 =	vperm.xlane v4, v43  }
0x110: {  	v22 =	vld [tilespmem:s11+$0x2A60];
	v1 =	vsel vm9, v1, v9;
	v6 =	vadd.f32 v11, v6;
	v9 =	vperm.xlane v2, v43  }
0x111: {  	v12 =	vld [tilespmem:s11+$0x2AD0];
	v1 =	vsel vm10, v1, v3;
	v3 =	vadd.f32 v5, v4;
	v4 =	vperm.xlane v0, v43  }
0x112: {  	v16 =	vld [tilespmem:s11+$0x250];
	v1 =	vsel vm11, v1, v6;
	v2 =	vadd.f32 v9, v2  }
0x113: {  	v10 =	vld [tilespmem:s11+$0x2A50];
	v1 =	vsel vm12, v1, v3;
	v0 =	vadd.f32 v4, v0  }
0x114: {  	v15 =	vld [tilespmem:s11+$0x2C0];
	v1 =	vsel vm13, v1, v2  }
0x115: {  	v8 =	vld [tilespmem:s11+$0x2AC0];
	v0 =	vsel vm14, v1, v0  }
0x116: {  	v13 =	vld [tilespmem:s11+$0x240];
	v0 =	vmax.f32 v0, $-6.000000000e+01  }
0x117: {  	v7 =	vld [tilespmem:s11+$0x2A40];
	v0 =	vmin.f32 v0, $6.000000000e+01  }
0x118: {  	v11 =	vld [tilespmem:s11+$0x2B0];
	v0 =	vmul.f32 $1.442695020e+00, v0  }
0x119: {  	v5 =	vld [tilespmem:s11+$0x2AB0]  }
0x11a: {  	v6 =	vld [tilespmem:s11+$0x230];
	(erf) = vpow2.f32 v0  }
0x11b: {  	v9 =	vld [tilespmem:s11+$0x2A20]  }
0x11c: {  	v3 =	vld [tilespmem:s11+$0x2A30]  }
0x11d: {  	v18 =	vmul.f32 v20, v18;
	v4 =	vld [tilespmem:s11+$0x220]  }
0x11e: {  	v14 =	vmul.f32 v14, v21;
	v17 =	vmul.f32 v23, v17;
	v2 =	vld [tilespmem:s11+$0x2A0]  }
0x11f: {  	v19 =	vmul.f32 v22, v19;
	v12 =	vmul.f32 v12, v24;
	v1 =	vld [tilespmem:s11+$0x2AA0]  }
0x120: {  	v10 =	vmul.f32 v10, v16;
	v8 =	vmul.f32 v8, v15;
	v0 =	vld [tilespmem:s11+$0x210]  }
0x121: {  	v31 =	vld [tilespmem:s25+$0x5280];
	v7 =	vmul.f32 v7, v13;
	v5 =	vmul.f32 v5, v11  }
0x122: {  	v30 =	vld [tilespmem:s25+$0x5200];
	v3 =	vmul.f32 v3, v6;
	v6 =	vmul.f32 v62, v25  }
0x123: {  	v29 =	vld [tilespmem:s11+$0x2A80];
	v4 =	vmul.f32 v9, v4;
	v9 =	vmul.f32 v27, v26;
	v61 =	vpop (erf)  }
0x124: {  	v32 =	vld [tilespmem:s25+$0x5210];
	v1 =	vmul.f32 v1, v2;
	v36 =	vperm.xlane v61, v46  }
0x125: {  	v34 =	vld [tilespmem:s25+$0x5290];
	v0 =	vmul.f32 v63, v0;
	v35 =	vperm.xlane v61, v45  }
0x126: {  	v11 =	vld [tilespmem:s25+$0x52C0];
	v63 =	vperm.xlane v14, v40;
	v33 =	vnsel vm15, $0x0, v61;
	v23 =	vmul.f32 v31, v36  }
0x127: {  	[tilespmem:s25+$0x7A00] =	vst v33;
	v33 =	vld [tilespmem:s25+$0x5220];
	v30 =	vmul.f32 v30, v35;
	v36 =	vperm.xlane v61, v47  }
0x128: {  	v31 =	vperm.xlane v10, v40;
	[tilespmem:s25+$0x5280] =	vst v23;
	v23 =	vperm.xlane v61, v48  }
0x129: {  	v35 =	vld [tilespmem:s25+$0x52A0];
	v32 =	vmul.f32 v32, v36;
	v36 =	vperm.xlane v61, v54  }
0x12a: {  	v22 =	vmul.f32 v34, v23;
	v23 =	vperm.xlane v61, v49  }
0x12b: {  	v20 =	vld [tilespmem:s25+$0x5230];
	[tilespmem:s25+$0x5200] =	vst v30;
	v30 =	vperm.xlane v19, v40;
	v24 =	vmul.f32 v11, v36  }
0x12c: {  	v15 =	vld [tilespmem:s25+$0x5240];
	v16 =	vmul.f32 v33, v23;
	[tilespmem:s25+$0x5290] =	vst v22;
	v22 =	vperm.xlane v61, v50  }
0x12d: {  	v21 =	vld [tilespmem:s25+$0x52B0];
	[tilespmem:s25+$0x5210] =	vst v32;
	v11 =	vperm.xlane v61, v56;
	v32 =	vperm.xlane v5, v40  }
0x12e: {  	v2 =	vld [tilespmem:s25+$0x5250];
	v13 =	vmul.f32 v35, v22;
	[tilespmem:s25+$0x5220] =	vst v16;
	v16 =	vperm.xlane v61, v51  }
0x12f: {  	v34 =	vperm.xlane v9, v40;
	v23 =	vperm.xlane v61, v53;
	v22 =	vld [tilespmem:s25+$0x52D0]  }
0x130: {  	v16 =	vmul.f32 v20, v16;
	v20 =	vperm.xlane v61, v52;
	[tilespmem:s25+$0x52A0] =	vst v13;
	v13 =	vld [tilespmem:s25+$0x5260]  }
0x131: {  	v15 =	vmul.f32 v15, v23;
	v23 =	vperm.xlane v61, v55  }
0x132: {  	v14 =	vadd.f32 v63, v14;
	v33 =	vperm.xlane v1, v40;
	v20 =	vmul.f32 v21, v20;
	v21 =	vld [tilespmem:s25+$0x52E0]  }
0x133: {  	v62 =	vld [tilespmem:s25+$0x5270];
	v10 =	vadd.f32 v31, v10;
	[tilespmem:s25+$0x5240] =	vst v15;
	v15 =	vmul.f32 v2, v23;
	v2 =	vperm.xlane v61, v57  }
0x134: {  	v19 =	vadd.f32 v30, v19;
	v23 =	vld [tilespmem:s25+$0x52F0];
	v22 =	vmul.f32 v22, v11;
	[tilespmem:s25+$0x52B0] =	vst v20;
	v20 =	vperm.xlane v18, v40  }
0x135: {  	v5 =	vadd.f32 v32, v5;
	v11 =	vperm.xlane v61, v58;
	v13 =	vmul.f32 v13, v2  }
0x136: {  	v2 =	vperm.xlane v61, v59;
	v18 =	vadd.f32 v20, v18;
	v20 =	vperm.xlane v8, v40  }
0x137: {  	v9 =	vadd.f32 v34, v9;
	v21 =	vmul.f32 v21, v11;
	v11 =	vperm.xlane v61, v60  }
0x138: {  	v1 =	vadd.f32 v33, v1;
	v25 =	vmul.f32 v62, v2;
	v2 =	vperm.xlane v17, v40  }
0x139: {  	v8 =	vadd.f32 v20, v8;
	v23 =	vmul.f32 v23, v11;
	v11 =	vperm.xlane v12, v40  }
0x13a: {  	v20 =	vperm.xlane v6, v40;
	v2 =	vadd.f32 v2, v17;
	v17 =	vperm.xlane v7, v40  }
0x13b: {  	[tilespmem:s25+$0x5230] =	vst v16;
	v16 =	vmul.f32 v29, v28;
	v11 =	vadd.f32 v11, v12;
	v12 =	vperm.xlane v3, v40  }
0x13c: {  	v20 =	vadd.f32 v20, v6;
	v17 =	vadd.f32 v17, v7;
	v7 =	vperm.xlane v4, v40  }
0x13d: {  	v6 =	vperm.xlane v2, v41;
	v12 =	vadd.f32 v12, v3;
	v3 =	vperm.xlane v0, v40  }
0x13e: {  	v35 =	vadd.f32 v7, v4;
	v4 =	vperm.xlane v16, v40;
	v7 =	vperm.xlane v18, v41  }
0x13f: {  	v36 =	vperm.xlane v11, v41;
	v29 =	vadd.f32 v6, v2;
	v2 =	vperm.xlane v10, v41  }
0x140: {  	v0 =	vadd.f32 v3, v0;
	v3 =	vperm.xlane v14, v41;
	v16 =	vadd.f32 v4, v16  }
0x141: {  	v4 =	vperm.xlane v19, v41;
	v27 =	vadd.f32 v7, v18;
	v7 =	vperm.xlane v8, v41  }
0x142: {  	v6 =	vadd.f32 v36, v11;
	v11 =	vperm.xlane v17, v41;
	v10 =	vadd.f32 v2, v10  }
0x143: {  	v18 =	vperm.xlane v35, v41;
	v36 =	vperm.xlane v29, v42;
	v30 =	vadd.f32 v3, v14  }
0x144: {  	v3 =	vperm.xlane v5, v41;
	v26 =	vadd.f32 v4, v19;
	v14 =	vperm.xlane v1, v41  }
0x145: {  	v7 =	vadd.f32 v7, v8;
	v8 =	vperm.xlane v12, v41;
	v19 =	vperm.xlane v20, v41  }
0x146: {  	v11 =	vadd.f32 v11, v17;
	v17 =	vperm.xlane v0, v41;
	v62 =	vperm.xlane v16, v41  }
0x147: {  	v28 =	vperm.xlane v27, v42;
	v4 =	vadd.f32 v3, v5;
	v3 =	vadd.f32 v14, v1  }
0x148: {  	[tilespmem:s25+$0x52C0] =	vst v24;
	v1 =	vperm.xlane v9, v41;
	v2 =	vadd.f32 v8, v12;
	v5 =	vadd.f32 v18, v35  }
0x149: {  	[tilespmem:s25+$0x5250] =	vst v15;
	v63 =	vperm.xlane v30, v42;
	v8 =	vadd.f32 v19, v20;
	v32 =	vperm.xlane v26, v42  }
0x14a: {  	[tilespmem:s25+$0x52D0] =	vst v22;
	v12 =	vadd.f32 v17, v0;
	v17 =	vperm.xlane v10, v42;
	v18 =	vperm.xlane v6, v42  }
0x14b: {  	[tilespmem:s25+$0x5260] =	vst v13;
	v19 =	vperm.xlane v11, v42;
	v20 =	vperm.xlane v7, v42;
	v16 =	vadd.f32 v62, v16  }
0x14c: {  	[tilespmem:s25+$0x52E0] =	vst v21;
	v62 =	vadd.f32 v28, v27;
	v14 =	vadd.f32 v1, v9;
	v9 =	vperm.xlane v2, v42  }
0x14d: {  	[tilespmem:s25+$0x5270] =	vst v25;
	v0 =	vadd.f32 v36, v29;
	v15 =	vperm.xlane v4, v42;
	v13 =	vperm.xlane v3, v42  }
0x14e: {  	s14 =	simm.s32 $0x800;
	[tilespmem:s25+$0x52F0] =	vst v23;
	v63 =	vadd.f32 v63, v30;
	v1 =	vadd.f32 v32, v26;
	v21 =	vperm.xlane v14, v42  }
.LBB2_5:
0x14f: {  	s21 =	sshra.s32 s14, $0x2;
	p1 =	sne.s32 s14, $0x9C00;
	v22 =	vperm.xlane v16, v42;
	v10 =	vadd.f32 v17, v10;
	v6 =	vadd.f32 v18, v6  }
0x150: {  	v18 =	vperm.xlane v12, v42;
	v11 =	vadd.f32 v19, v11;
	v7 =	vadd.f32 v20, v7;
	v17 =	vld [tilespmem:s21+$0x2F0]  }
0x151: {  	v20 =	vperm.xlane v8, v42;
	v14 =	vadd.f32 v21, v14;
	v19 =	vld [tilespmem:s21+$0x2AF0];
	v16 =	vadd.f32 v22, v16  }
0x152: {  	v4 =	vadd.f32 v15, v4;
	v12 =	vadd.f32 v18, v12;
	v18 =	vperm.xlane v5, v42;
	v21 =	vld [tilespmem:s21+$0x270]  }
0x153: {  	v8 =	vadd.f32 v20, v8;
	v22 =	vperm.xlane v14, v43;
	v15 =	vld [tilespmem:s21+$0x2A70];
	v23 =	vperm.xlane v16, v43  }
0x154: {  	v3 =	vadd.f32 v13, v3;
	v24 =	vperm.xlane v12, v43;
	v5 =	vadd.f32 v18, v5;
	v20 =	vld [tilespmem:s21+$0x2E0]  }
0x155: {  	v18 =	vperm.xlane v8, v43;
	v14 =	vadd.f32 v22, v14;
	v13 =	vld [tilespmem:s21+$0x2AE0];
	v16 =	vadd.f32 v23, v16  }
0x156: {  	v2 =	vadd.f32 v9, v2;
	v12 =	vadd.f32 v24, v12;
	v23 =	vperm.xlane v5, v43;
	v22 =	vld [tilespmem:s21+$0x260]  }
0x157: {  	v8 =	vadd.f32 v18, v8;
	v9 =	vld [tilespmem:s21+$0x2A60];
	v14 =	vsel vm0, v14, v16;
	v16 =	vperm.xlane v3, v43  }
0x158: {  	v5 =	vadd.f32 v23, v5;
	v18 =	vld [tilespmem:s21+$0x2D0];
	v12 =	vsel vm1, v14, v12;
	v14 =	vperm.xlane v2, v43  }
0x159: {  	v23 =	vld [tilespmem:s21+$0x2AD0];
	v8 =	vsel vm2, v12, v8;
	v3 =	vadd.f32 v16, v3;
	v12 =	vperm.xlane v4, v43  }
0x15a: {  	v16 =	vld [tilespmem:s21+$0x250];
	v5 =	vsel vm3, v8, v5;
	v2 =	vadd.f32 v14, v2;
	v8 =	vperm.xlane v11, v43  }
0x15b: {  	v14 =	vld [tilespmem:s21+$0x2A50];
	v3 =	vsel vm4, v5, v3;
	v4 =	vadd.f32 v12, v4;
	v5 =	vperm.xlane v7, v43  }
0x15c: {  	v12 =	vld [tilespmem:s21+$0x2C0];
	v2 =	vsel vm5, v3, v2;
	v3 =	vadd.f32 v8, v11;
	v8 =	vperm.xlane v10, v43  }
0x15d: {  	v11 =	vld [tilespmem:s21+$0x2AC0];
	v2 =	vsel vm6, v2, v4;
	v4 =	vadd.f32 v5, v7;
	v5 =	vperm.xlane v6, v43  }
0x15e: {  	v7 =	vperm.xlane v1, v43;
	v24 =	vld [tilespmem:s21+$0x240];
	v2 =	vsel vm7, v2, v3;
	v3 =	vadd.f32 v8, v10  }
0x15f: {  	v8 =	vld [tilespmem:s21+$0x2A40];
	v2 =	vsel vm8, v2, v4;
	v4 =	vadd.f32 v5, v6;
	v5 =	vperm.xlane v0, v43  }
0x160: {  	v1 =	vadd.f32 v7, v1;
	v6 =	vld [tilespmem:s21+$0x2B0];
	v2 =	vsel vm9, v2, v3;
	v3 =	vperm.xlane v63, v43  }
0x161: {  	v10 =	vld [tilespmem:s21+$0x2AB0];
	v2 =	vsel vm10, v2, v4;
	v0 =	vadd.f32 v5, v0;
	v4 =	vperm.xlane v62, v43  }
0x162: {  	v25 =	vld [tilespmem:s21+$0x230];
	v1 =	vsel vm11, v2, v1;
	v2 =	vadd.f32 v3, v63;
	v3 =	vperm.xlane v61, v44  }
0x163: {  	v26 =	vld [tilespmem:s21+$0x2A30];
	v0 =	vsel vm12, v1, v0;
	v1 =	vadd.f32 v4, v62  }
0x164: {  	v27 =	vld [tilespmem:s21+$0x2A0];
	v0 =	vsel vm13, v0, v2;
	v2 =	vnsel vm15, $0x0, v3  }
0x165: {  	v28 =	vld [tilespmem:s21+$0x2AA0];
	v0 =	vsel vm14, v0, v1;
	[tilespmem:s25+$0x7A80] =	vst v2;
	s25 =	smov.u32 s11;
	s11 =	smov.u32 s21  }
0x166: {  	v1 =	vld [tilespmem:s11+$0x220];
	v0 =	vmax.f32 v0, $-6.000000000e+01  }
0x167: {  	v29 =	vld [tilespmem:s11+$0x2A20];
	v0 =	vmin.f32 v0, $6.000000000e+01  }
0x168: {  	v2 =	vld [tilespmem:s11+$0x290];
	v0 =	vmul.f32 $1.442695020e+00, v0  }
0x169: {  	v30 =	vld [tilespmem:s11+$0x2A90]  }
0x16a: {  	v31 =	vld [tilespmem:s11+$0x210];
	(erf) = vpow2.f32 v0  }
0x16b: {  	v32 =	vld [tilespmem:s11+$0x2A10]  }
0x16c: {  	v7 =	vmul.f32 v19, v17;
	v0 =	vld [tilespmem:s11+$0x200]  }
0x16d: {  	v5 =	vmul.f32 v13, v20;
	v13 =	vmul.f32 v15, v21;
	v17 =	vld [tilespmem:s11+$0x2A00]  }
0x16e: {  	v9 =	vmul.f32 v9, v22;
	v4 =	vmul.f32 v23, v18;
	v15 =	vld [tilespmem:s11+$0x280]  }
0x16f: {  	v3 =	vmul.f32 v11, v12;
	v11 =	vmul.f32 v14, v16;
	v18 =	vld [tilespmem:s11+$0x2A80]  }
0x170: {  	v8 =	vmul.f32 v8, v24;
	v63 =	vmul.f32 v10, v6  }
0x171: {  	v10 =	vmul.f32 v26, v25;
	v62 =	vmul.f32 v28, v27;
	v12 =	vld [tilespmem:s25+$0x5200]  }
0x172: {  	v14 =	vmul.f32 v29, v1;
	v2 =	vmul.f32 v30, v2;
	v16 =	vld [tilespmem:s25+$0x5280]  }
0x173: {  	v6 =	vmul.f32 v32, v31;
	v0 =	vmul.f32 v17, v0;
	v17 =	vld [tilespmem:s25+$0x5210];
	v61 =	vpop (erf)  }
0x174: {  	v1 =	vmul.f32 v18, v15;
	v15 =	vnsel vm15, $0x0, v61;
	v18 =	vperm.xlane v61, v45;
	v19 =	vld [tilespmem:s25+$0x5290]  }
0x175: {  	v20 =	vperm.xlane v7, v40;
	[tilespmem:s25+$0x7A00] =	vst v15;
	v15 =	vperm.xlane v61, v46;
	v21 =	vld [tilespmem:s25+$0x5220]  }
0x176: {  	v12 =	vmul.f32 v12, v18;
	v18 =	vperm.xlane v61, v47;
	v22 =	vld [tilespmem:s25+$0x52A0]  }
0x177: {  	v15 =	vmul.f32 v16, v15;
	v16 =	vperm.xlane v61, v48;
	v23 =	vld [tilespmem:s25+$0x5230]  }
0x178: {  	[tilespmem:s25+$0x5200] =	vst v12;
	v12 =	vmul.f32 v17, v18;
	v17 =	vperm.xlane v61, v49;
	v18 =	vld [tilespmem:s25+$0x52B0]  }
0x179: {  	[tilespmem:s25+$0x5280] =	vst v15;
	v15 =	vmul.f32 v19, v16;
	v16 =	vperm.xlane v61, v50;
	v19 =	vld [tilespmem:s25+$0x5240]  }
0x17a: {  	[tilespmem:s25+$0x5210] =	vst v12;
	v12 =	vmul.f32 v21, v17;
	v17 =	vperm.xlane v61, v51;
	v21 =	vld [tilespmem:s25+$0x52C0]  }
0x17b: {  	[tilespmem:s25+$0x5290] =	vst v15;
	v15 =	vmul.f32 v22, v16;
	v16 =	vperm.xlane v61, v52;
	v22 =	vld [tilespmem:s25+$0x5250]  }
0x17c: {  	[tilespmem:s25+$0x5220] =	vst v12;
	v12 =	vmul.f32 v23, v17;
	v17 =	vperm.xlane v61, v53;
	v23 =	vld [tilespmem:s25+$0x52D0]  }
0x17d: {  	[tilespmem:s25+$0x52A0] =	vst v15;
	v15 =	vmul.f32 v18, v16;
	v16 =	vperm.xlane v61, v54;
	v18 =	vld [tilespmem:s25+$0x5260]  }
0x17e: {  	[tilespmem:s25+$0x5230] =	vst v12;
	v12 =	vmul.f32 v19, v17;
	v17 =	vperm.xlane v61, v55;
	v19 =	vld [tilespmem:s25+$0x52E0]  }
0x17f: {  	[tilespmem:s25+$0x52B0] =	vst v15;
	v15 =	vmul.f32 v21, v16;
	v16 =	vperm.xlane v61, v56;
	v21 =	vld [tilespmem:s25+$0x5270]  }
0x180: {  	[tilespmem:s25+$0x5240] =	vst v12;
	v12 =	vmul.f32 v22, v17;
	v17 =	vperm.xlane v61, v57;
	v22 =	vld [tilespmem:s25+$0x52F0]  }
0x181: {  	[tilespmem:s25+$0x52C0] =	vst v15;
	v15 =	vmul.f32 v23, v16;
	v16 =	vperm.xlane v61, v58  }
0x182: {  	[tilespmem:s25+$0x5250] =	vst v12;
	v12 =	vmul.f32 v18, v17;
	v17 =	vperm.xlane v61, v59  }
0x183: {  	[tilespmem:s25+$0x52D0] =	vst v15;
	v15 =	vmul.f32 v19, v16;
	v16 =	vperm.xlane v61, v60  }
0x184: {  	v18 =	vperm.xlane v13, v40;
	[tilespmem:s25+$0x5260] =	vst v12;
	v12 =	vmul.f32 v21, v17  }
0x185: {  	v17 =	vperm.xlane v5, v40;
	[tilespmem:s25+$0x52E0] =	vst v15;
	v15 =	vmul.f32 v22, v16  }
0x186: {  	v19 =	vperm.xlane v9, v40;
	v16 =	vperm.xlane v4, v40;
	[tilespmem:s25+$0x5270] =	vst v12  }
0x187: {  	v21 =	vperm.xlane v11, v40;
	v12 =	vperm.xlane v3, v40;
	[tilespmem:s25+$0x52F0] =	vst v15  }
0x188: {  	v22 =	vperm.xlane v8, v40;
	v15 =	vperm.xlane v63, v40  }
0x189: {  	v24 =	vperm.xlane v10, v40;
	v23 =	vperm.xlane v62, v40  }
0x18a: {  	v7 =	vadd.f32 v20, v7;
	v25 =	vperm.xlane v14, v40;
	v13 =	vadd.f32 v18, v13  }
0x18b: {  	v18 =	vperm.xlane v2, v40;
	v9 =	vadd.f32 v19, v9;
	v5 =	vadd.f32 v17, v5  }
0x18c: {  	v17 =	vperm.xlane v6, v40;
	v11 =	vadd.f32 v21, v11;
	v4 =	vadd.f32 v16, v4  }
0x18d: {  	v16 =	vperm.xlane v0, v40;
	v8 =	vadd.f32 v22, v8;
	v3 =	vadd.f32 v12, v3  }
0x18e: {  	v19 =	vadd.f32 v24, v10;
	v12 =	vperm.xlane v1, v40;
	v15 =	vadd.f32 v15, v63  }
0x18f: {  	v14 =	vadd.f32 v25, v14;
	v20 =	vadd.f32 v23, v62;
	v10 =	vperm.xlane v7, v41  }
0x190: {  	v18 =	vadd.f32 v18, v2;
	v21 =	vperm.xlane v13, v41;
	v2 =	vperm.xlane v5, v41  }
0x191: {  	v22 =	vperm.xlane v9, v41;
	v17 =	vadd.f32 v17, v6;
	v6 =	vperm.xlane v4, v41  }
0x192: {  	v23 =	vperm.xlane v11, v41;
	v0 =	vadd.f32 v16, v0;
	v16 =	vperm.xlane v3, v41  }
0x193: {  	v24 =	vperm.xlane v8, v41;
	v1 =	vadd.f32 v12, v1;
	v12 =	vperm.xlane v15, v41  }
0x194: {  	v25 =	vperm.xlane v20, v41;
	v26 =	vperm.xlane v19, v41;
	v27 =	vadd.f32 v10, v7  }
0x195: {  	v28 =	vperm.xlane v14, v41;
	v21 =	vadd.f32 v21, v13;
	v29 =	vadd.f32 v2, v5  }
0x196: {  	v13 =	vperm.xlane v18, v41;
	v22 =	vadd.f32 v22, v9;
	v6 =	vadd.f32 v6, v4  }
0x197: {  	v9 =	vperm.xlane v17, v41;
	v10 =	vadd.f32 v23, v11;
	v7 =	vadd.f32 v16, v3  }
0x198: {  	v11 =	vadd.f32 v24, v8;
	v16 =	vperm.xlane v0, v41;
	v4 =	vadd.f32 v12, v15  }
0x199: {  	v2 =	vadd.f32 v26, v19;
	v3 =	vadd.f32 v25, v20;
	v15 =	vperm.xlane v1, v41  }
0x19a: {  	v5 =	vadd.f32 v28, v14;
	v23 =	vperm.xlane v21, v42;
	v24 =	vperm.xlane v27, v42  }
0x19b: {  	v8 =	vadd.f32 v13, v18;
	v25 =	vperm.xlane v22, v42;
	v26 =	vperm.xlane v29, v42  }
.Ltmp1:
0x19c: {  	v12 =	vadd.f32 v9, v17;
	v17 =	vperm.xlane v10, v42;
	v18 =	vperm.xlane v6, v42;
	(pc) =	sbr.rel @p1 .LBB2_5-.Ltmp1, $4  }
0x19d: {  	v19 =	vperm.xlane v11, v42;
	v14 =	vadd.f32 v16, v0;
	v20 =	vperm.xlane v7, v42  }
0x19e: {  	v9 =	vperm.xlane v2, v42;
	v16 =	vadd.f32 v15, v1;
	v15 =	vperm.xlane v4, v42  }
0x19f: {  	v63 =	vadd.f32 v23, v21;
	v62 =	vadd.f32 v24, v27;
	v13 =	vperm.xlane v3, v42  }
0x1a0: {  	s14 =	sadd.s32 $0x400, s14;
	v0 =	vadd.f32 v26, v29;
	v1 =	vadd.f32 v25, v22;
	v21 =	vperm.xlane v14, v42  }
0x1a1: {  	v22 =	vperm.xlane v16, v42;
	v10 =	vadd.f32 v17, v10;
	v6 =	vadd.f32 v18, v6  }
0x1a2: {  	v24 =	vperm.xlane v12, v42;
	v11 =	vadd.f32 v19, v11;
	v7 =	vadd.f32 v20, v7  }
0x1a3: {  	v25 =	vperm.xlane v8, v42;
	v14 =	vadd.f32 v21, v14;
	v16 =	vadd.f32 v22, v16  }
0x1a4: {  	v26 =	vperm.xlane v5, v42;
	v4 =	vadd.f32 v15, v4;
	v12 =	vadd.f32 v24, v12  }
0x1a5: {  	v8 =	vadd.f32 v25, v8;
	v27 =	vperm.xlane v14, v43;
	v28 =	vperm.xlane v16, v43  }
0x1a6: {  	v3 =	vadd.f32 v13, v3;
	v5 =	vadd.f32 v26, v5;
	v29 =	vperm.xlane v12, v43  }
0x1a7: {  	v32 =	vperm.xlane v8, v43;
	v30 =	vadd.f32 v27, v14;
	v31 =	vadd.f32 v28, v16  }
0x1a8: {  	v2 =	vadd.f32 v9, v2;
	v33 =	vperm.xlane v5, v43;
	v12 =	vadd.f32 v29, v12  }
0x1a9: {  	v35 =	vperm.xlane v3, v43;
	v8 =	vadd.f32 v32, v8;
	v34 =	vsel vm0, v30, v31  }
0x1aa: {  	v36 =	vperm.xlane v2, v43;
	v5 =	vadd.f32 v33, v5;
	v9 =	vsel vm1, v34, v12  }
0x1ab: {  	v13 =	vperm.xlane v4, v43;
	v3 =	vadd.f32 v35, v3;
	v8 =	vsel vm2, v9, v8  }
0x1ac: {  	v2 =	vadd.f32 v36, v2;
	v14 =	vperm.xlane v11, v43;
	v5 =	vsel vm3, v8, v5  }
0x1ad: {  	v15 =	vperm.xlane v7, v43;
	v4 =	vadd.f32 v13, v4;
	v3 =	vsel vm4, v5, v3  }
0x1ae: {  	v17 =	vperm.xlane v10, v43;
	v16 =	vadd.f32 v14, v11;
	v2 =	vsel vm5, v3, v2  }
0x1af: {  	v19 =	vperm.xlane v6, v43;
	v18 =	vadd.f32 v15, v7;
	v2 =	vsel vm6, v2, v4  }
0x1b0: {  	v21 =	vperm.xlane v1, v43;
	v20 =	vadd.f32 v17, v10;
	v2 =	vsel vm7, v2, v16  }
0x1b1: {  	v23 =	vperm.xlane v0, v43;
	v22 =	vadd.f32 v19, v6;
	v2 =	vsel vm8, v2, v18  }
0x1b2: {  	v24 =	vperm.xlane v63, v43;
	v1 =	vadd.f32 v21, v1;
	v2 =	vsel vm9, v2, v20  }
0x1b3: {  	v25 =	vperm.xlane v62, v43;
	v0 =	vadd.f32 v23, v0;
	v2 =	vsel vm10, v2, v22  }
0x1b4: {  	v26 =	vadd.f32 v24, v63;
	v1 =	vsel vm11, v2, v1  }
0x1b5: {  	v27 =	vadd.f32 v25, v62;
	v0 =	vsel vm12, v1, v0  }
0x1b6: {  	v0 =	vsel vm13, v0, v26  }
0x1b7: {  	v0 =	vsel vm14, v0, v27  }
0x1b8: {  	v0 =	vmax.f32 v0, $-6.000000000e+01  }
0x1b9: {  	v0 =	vmin.f32 v0, $6.000000000e+01  }
0x1ba: {  	v0 =	vmul.f32 $1.442695020e+00, v0;
	_ =	sdelay $0x1  }
0x1bb: {  	(erf) = vpow2.f32 v0;
	_ =	sdelay $0x2  }
0x1bc: {  	v28 =	vperm.xlane v61, v44;
	_ =	sdelay $0x1  }
0x1bd: {  	v0 =	vnsel vm15, $0x0, v28  }
0x1be: {  	[tilespmem:s25+$0x7A80] =	vst v0  }
0x1bf: {  	v0 =	vld [tilespmem:s11+$0x5200]  }
0x1c0: {  	v29 =	vld [tilespmem:s11+$0x5280]  }
0x1c1: {  	v30 =	vld [tilespmem:s11+$0x5210];
	v3 =	vpop (erf)  }
0x1c2: {  	v32 =	vld [tilespmem:s11+$0x5290];
	v33 =	vperm.xlane v3, v45  }
0x1c3: {  	v34 =	vld [tilespmem:s11+$0x5220];
	v35 =	vperm.xlane v3, v46  }
0x1c4: {  	v36 =	vld [tilespmem:s11+$0x52A0];
	v31 =	vnsel vm15, $0x0, v3;
	v62 =	vperm.xlane v3, v47;
	v0 =	vmul.f32 v0, v33  }
0x1c5: {  	v61 =	vld [tilespmem:s11+$0x5230];
	v12 =	vperm.xlane v3, v48;
	[tilespmem:s11+$0x7A00] =	vst v31;
	v1 =	vmul.f32 v29, v35  }
0x1c6: {  	v19 =	vld [tilespmem:s11+$0x52D0];
	v14 =	vperm.xlane v3, v49;
	v2 =	vmul.f32 v30, v62;
	[tilespmem:s11+$0x5200] =	vst v0  }
0x1c7: {  	v21 =	vld [tilespmem:s11+$0x5260];
	v16 =	vperm.xlane v3, v50;
	v5 =	vmul.f32 v32, v12;
	[tilespmem:s11+$0x5280] =	vst v1  }
0x1c8: {  	v23 =	vld [tilespmem:s11+$0x52E0];
	v18 =	vperm.xlane v3, v51;
	v4 =	vmul.f32 v34, v14;
	[tilespmem:s11+$0x5210] =	vst v2  }
0x1c9: {  	v27 =	vperm.xlane v3, v56;
	v6 =	vmul.f32 v36, v16;
	[tilespmem:s11+$0x5290] =	vst v5  }
0x1ca: {  	v63 =	vld [tilespmem:s11+$0x52B0];
	v28 =	vperm.xlane v3, v57;
	v8 =	vmul.f32 v61, v18;
	[tilespmem:s11+$0x5220] =	vst v4  }
0x1cb: {  	v13 =	vld [tilespmem:s11+$0x5240];
	v31 =	vperm.xlane v3, v58;
	v30 =	vmul.f32 v19, v27;
	[tilespmem:s11+$0x52A0] =	vst v6  }
0x1cc: {  	v15 =	vld [tilespmem:s11+$0x52C0];
	v20 =	vperm.xlane v3, v52;
	v32 =	vmul.f32 v21, v28;
	[tilespmem:s11+$0x5230] =	vst v8  }
0x1cd: {  	v26 =	vld [tilespmem:s11+$0x5270];
	v62 =	vperm.xlane v3, v44;
	v34 =	vmul.f32 v23, v31;
	[tilespmem:s11+$0x52D0] =	vst v30  }
0x1ce: {  	v17 =	vld [tilespmem:s11+$0x5250];
	v22 =	vperm.xlane v3, v53;
	[tilespmem:s11+$0x5260] =	vst v32  }
0x1cf: {  	v24 =	vperm.xlane v3, v54;
	v29 =	vld [tilespmem:s11+$0x52F0];
	v0 =	vmul.f32 v63, v20;
	v63 =	vnsel vm15, $0x0, v62;
	[tilespmem:s11+$0x52E0] =	vst v34  }
0x1d0: {  	v33 =	vperm.xlane v3, v59;
	v1 =	vmul.f32 v13, v22;
	[tilespmem:s11+$0x7A80] =	vst v63  }
0x1d1: {  	v25 =	vperm.xlane v3, v55;
	v2 =	vmul.f32 v15, v24;
	[tilespmem:s11+$0x52B0] =	vst v0  }
0x1d2: {  	v35 =	vperm.xlane v3, v60;
	v36 =	vmul.f32 v26, v33;
	[tilespmem:s11+$0x5240] =	vst v1  }
0x1d3: {  	v0 =	vmul.f32 v17, v25;
	[tilespmem:s11+$0x52C0] =	vst v2  }
0x1d4: {  	[tilespmem:s11+$0x5270] =	vst v36;
	v61 =	vmul.f32 v29, v35  }
0x1d5: {  	[tilespmem:s11+$0x5250] =	vst v0  }
0x1d6: {  	s25 =	sshll.u32 s24, $0x4;
	[tilespmem:s11+$0x52F0] =	vst v61  }
0x1d7: {  	[spmem:s3] =	stream.indirect.scatter.add.f32 [tilespmem:s12], [sflag:$0x4], $0x80, s17, s13, $0xb8;
	[tilespmem:$0x1DB80] =	vst v63  }
0x1d8: {  	s23 =	sadd.s32 $0x1, s23;
	s11 =	sadd.s32 s9, s25  }
0x1d9: {  	[hbm4b:s11+s4] =	stream.linear.scatter [tilespmem:s18], [sflag:$0x5], $0x2800, $0x38;
	[tilespmem:$0x1DB80] =	vst v63  }
0x1da: {  	p1 =	sne.s32 s23, $0x7D;
	_ =	swait.ge [sflag:s19], $0x2800  }
.Ltmp2:
0x1db: {  	[sflag:s19] =	ssyncset.done $0x0;
	(pc) =	sbr.rel @p1 .LBB2_4-.Ltmp2, $4  }
0x1dc: {  	[sflag:s19] =	ssyncadd.s32 $0xFFFFD800  }
0x1dd: {  	_ =	swait.ge [sflag:s20], $0x2800  }
0x1de: {  	[sflag:s20] =	ssyncset.done $0x0  }
0x1df: {  	[sflag:s20] =	ssyncadd.s32 $0xFFFFD800  }
0x1e0: {  	[bflag:$0x0] =	sbarrier.arrive $0xFFFF  }
0x1e1: {  	v10 =	vld [tilespmem:$0x1FE20]  }
0x1e2: {  	v11 =	vld [tilespmem:$0x1FE30]  }
0x1e3: {  	v12 =	vld [tilespmem:$0x1FE40]  }
0x1e4: {  	[tilespmem:$0xA200] =	vst v37  }
0x1e5: {  	[tilespmem:$0xA210] =	vst v38  }
0x1e6: {  	[tilespmem:$0xA220] =	vst v10  }
0x1e7: {  	[tilespmem:$0xA230] =	vst v11  }
0x1e8: {  	s25 =	simm.s32 $0xA200;
	[tilespmem:$0xA240] =	vst v12  }
0x1e9: {  	[tilespmem:s15], [sflag:$0x6] =	stream.indirect.gather [spmem:s3], $0x80, s25, s13, $0xb8;
	[tilespmem:$0x1DB80] =	vst v63  }
0x1ea: {  	_ =	swait.ge [sflag:s16], $0x2800  }
0x1eb: {  	[sflag:s16] =	ssyncset.done $0x0  }
0x1ec: {  	s11 =	rddreg [dreg:$0x7];
	[sflag:s16] =	ssyncadd.s32 $0xFFFFD800  }
0x1ed: {  	[hbm4b:s11+s4] =	stream.linear.scatter [tilespmem:s15], [sflag:$0x6], $0x2800, $0x38;
	[tilespmem:$0x1DB80] =	vst v63  }
0x1ee: {  	_ =	swait.ge [sflag:s16], $0x2800  }
0x1ef: {  	v13 =	vld [tilespmem:$0x1FE50]  }
0x1f0: {  	v14 =	vld [tilespmem:$0x1FE60]  }
0x1f1: {  	v15 =	vld [tilespmem:$0x1FE70]  }
0x1f2: {  	[sflag:s16] =	ssyncset.done $0x0;
	v16 =	vld [tilespmem:$0x1FE80]  }
0x1f3: {  	v17 =	vld [tilespmem:$0x1FE90];
	[sflag:s16] =	ssyncadd.s32 $0xFFFFD800  }
0x1f4: {  	[tilespmem:$0xA200] =	vst v13  }
0x1f5: {  	[tilespmem:$0xA210] =	vst v14  }
0x1f6: {  	[tilespmem:$0xA220] =	vst v15  }
0x1f7: {  	[tilespmem:$0xA230] =	vst v16  }
0x1f8: {  	[tilespmem:$0xA240] =	vst v17  }
0x1f9: {  	[tilespmem:s15], [sflag:$0x6] =	stream.indirect.gather [spmem:s3], $0x80, s25, s13, $0xb8;
	[tilespmem:$0x1DB80] =	vst v63  }
0x1fa: {  	_ =	swait.ge [sflag:s16], $0x2800  }
0x1fb: {  	[sflag:s16] =	ssyncset.done $0x0  }
0x1fc: {  	s22 =	rddreg [dreg:$0x8];
	[sflag:s16] =	ssyncadd.s32 $0xFFFFD800  }
0x1fd: {  	[hbm4b:s22+s4] =	stream.linear.scatter [tilespmem:s15], [sflag:$0x6], $0x2800, $0x38;
	[tilespmem:$0x1DB80] =	vst v63  }
0x1fe: {  	_ =	swait.ge [sflag:s16], $0x2800  }
0x1ff: {  	v18 =	vld [tilespmem:$0x1FEA0]  }
0x200: {  	v19 =	vld [tilespmem:$0x1FEB0]  }
0x201: {  	v20 =	vld [tilespmem:$0x1FEC0]  }
0x202: {  	[sflag:s16] =	ssyncset.done $0x0;
	v21 =	vld [tilespmem:$0x1FED0]  }
0x203: {  	v22 =	vld [tilespmem:$0x1FEE0];
	[sflag:s16] =	ssyncadd.s32 $0xFFFFD800  }
0x204: {  	[tilespmem:$0xA200] =	vst v18  }
0x205: {  	[tilespmem:$0xA210] =	vst v19  }
0x206: {  	[tilespmem:$0xA220] =	vst v20  }
0x207: {  	[tilespmem:$0xA230] =	vst v21  }
0x208: {  	[tilespmem:$0xA240] =	vst v22  }
0x209: {  	[tilespmem:s15], [sflag:$0x6] =	stream.indirect.gather [spmem:s3], $0x80, s25, s13, $0xb8;
	[tilespmem:$0x1DB80] =	vst v63  }
0x20a: {  	_ =	swait.ge [sflag:s16], $0x2800  }
0x20b: {  	[sflag:s16] =	ssyncset.done $0x0  }
0x20c: {  	s23 =	rddreg [dreg:$0x9];
	[sflag:s16] =	ssyncadd.s32 $0xFFFFD800  }
0x20d: {  	[hbm4b:s23+s4] =	stream.linear.scatter [tilespmem:s15], [sflag:$0x6], $0x2800, $0x38;
	[tilespmem:$0x1DB80] =	vst v63  }
0x20e: {  	_ =	swait.ge [sflag:s16], $0x2800  }
0x20f: {  	v23 =	vld [tilespmem:$0x1FEF0]  }
0x210: {  	v24 =	vld [tilespmem:$0x1FF00]  }
0x211: {  	v25 =	vld [tilespmem:$0x1FF10]  }
0x212: {  	[sflag:s16] =	ssyncset.done $0x0;
	v26 =	vld [tilespmem:$0x1FF20]  }
0x213: {  	v27 =	vld [tilespmem:$0x1FF30];
	[sflag:s16] =	ssyncadd.s32 $0xFFFFD800  }
0x214: {  	[tilespmem:$0xA200] =	vst v23  }
0x215: {  	[tilespmem:$0xA210] =	vst v24  }
0x216: {  	[tilespmem:$0xA220] =	vst v25  }
0x217: {  	[tilespmem:$0xA230] =	vst v26  }
0x218: {  	[tilespmem:$0xA240] =	vst v27  }
0x219: {  	[tilespmem:s15], [sflag:$0x6] =	stream.indirect.gather [spmem:s3], $0x80, s25, s13, $0xb8;
	[tilespmem:$0x1DB80] =	vst v63  }
0x21a: {  	_ =	swait.ge [sflag:s16], $0x2800  }
0x21b: {  	[sflag:s16] =	ssyncset.done $0x0  }
0x21c: {  	s24 =	rddreg [dreg:$0xa];
	[sflag:s16] =	ssyncadd.s32 $0xFFFFD800  }
0x21d: {  	[hbm4b:s24+s4] =	stream.linear.scatter [tilespmem:s15], [sflag:$0x6], $0x2800, $0x38;
	[tilespmem:$0x1DB80] =	vst v63  }
0x21e: {  	_ =	swait.ge [sflag:s16], $0x2800  }
0x21f: {  	v28 =	vld [tilespmem:$0x1FF40]  }
0x220: {  	v29 =	vld [tilespmem:$0x1FF50]  }
0x221: {  	v30 =	vld [tilespmem:$0x1FF60]  }
0x222: {  	[sflag:s16] =	ssyncset.done $0x0;
	v31 =	vld [tilespmem:$0x1FF70]  }
0x223: {  	v32 =	vld [tilespmem:$0x1FF80];
	[sflag:s16] =	ssyncadd.s32 $0xFFFFD800  }
0x224: {  	[tilespmem:$0xA200] =	vst v28  }
0x225: {  	[tilespmem:$0xA210] =	vst v29  }
0x226: {  	[tilespmem:$0xA220] =	vst v30  }
0x227: {  	[tilespmem:$0xA230] =	vst v31  }
0x228: {  	[tilespmem:$0xA240] =	vst v32  }
0x229: {  	[tilespmem:s15], [sflag:$0x6] =	stream.indirect.gather [spmem:s3], $0x80, s25, s13, $0xb8;
	[tilespmem:$0x1DB80] =	vst v63  }
0x22a: {  	_ =	swait.ge [sflag:s16], $0x2800  }
0x22b: {  	[sflag:s16] =	ssyncset.done $0x0  }
0x22c: {  	s14 =	rddreg [dreg:$0xb];
	[sflag:s16] =	ssyncadd.s32 $0xFFFFD800  }
0x22d: {  	[hbm4b:s14+s4] =	stream.linear.scatter [tilespmem:s15], [sflag:$0x6], $0x2800, $0x38;
	[tilespmem:$0x1DB80] =	vst v63  }
0x22e: {  	_ =	swait.ge [sflag:s16], $0x2800  }
0x22f: {  	v33 =	vld [tilespmem:$0x1FF90]  }
0x230: {  	v34 =	vld [tilespmem:$0x1FFA0]  }
0x231: {  	v35 =	vld [tilespmem:$0x1FFB0]  }
0x232: {  	[sflag:s16] =	ssyncset.done $0x0;
	v36 =	vld [tilespmem:$0x1FFC0]  }
0x233: {  	v61 =	vld [tilespmem:$0x1FFD0];
	[sflag:s16] =	ssyncadd.s32 $0xFFFFD800  }
0x234: {  	[tilespmem:$0xA200] =	vst v33  }
0x235: {  	[tilespmem:$0xA210] =	vst v34  }
0x236: {  	[tilespmem:$0xA220] =	vst v35  }
0x237: {  	[tilespmem:$0xA230] =	vst v36  }
0x238: {  	[tilespmem:$0xA240] =	vst v61  }
0x239: {  	[tilespmem:s15], [sflag:$0x6] =	stream.indirect.gather [spmem:s3], $0x80, s25, s13, $0xb8;
	[tilespmem:$0x1DB80] =	vst v63  }
0x23a: {  	_ =	swait.ge [sflag:s16], $0x2800  }
0x23b: {  	[sflag:s16] =	ssyncset.done $0x0  }
0x23c: {  	s21 =	rddreg [dreg:$0xc];
	[sflag:s16] =	ssyncadd.s32 $0xFFFFD800  }
0x23d: {  	[hbm4b:s21+s4] =	stream.linear.scatter [tilespmem:s15], [sflag:$0x6], $0x2800, $0x38;
	[tilespmem:$0x1DB80] =	vst v63  }
0x23e: {  	_ =	swait.ge [sflag:s16], $0x2800  }
0x23f: {  	v62 =	vld [tilespmem:$0x1FFE0]  }
0x240: {  	v63 =	vld [tilespmem:$0x1FFF0]  }
0x241: {  	v0 =	vld [tilespmem:$0x1FDB0]  }
0x242: {  	v8 =	vmov v37;
	[sflag:s16] =	ssyncset.done $0x0;
	v37 =	vld [tilespmem:$0x1FDC0]  }
0x243: {  	v9 =	vmov v38;
	v38 =	vld [tilespmem:$0x1FDD0];
	[sflag:s16] =	ssyncadd.s32 $0xFFFFD800  }
0x244: {  	[tilespmem:$0xA200] =	vst v62  }
0x245: {  	[tilespmem:$0xA210] =	vst v63  }
0x246: {  	[tilespmem:$0xA220] =	vst v0  }
0x247: {  	[tilespmem:$0xA230] =	vst v37  }
0x248: {  	[tilespmem:$0xA240] =	vst v38  }
0x249: {  	[tilespmem:s15], [sflag:$0x6] =	stream.indirect.gather [spmem:s3], $0x80, s25, s13, $0xb8;
	[tilespmem:$0x1DB80] =	vst v63  }
0x24a: {  	_ =	swait.ge [sflag:s16], $0x2800  }
0x24b: {  	[sflag:s16] =	ssyncset.done $0x0  }
0x24c: {  	s22 =	rddreg [dreg:$0xd];
	[sflag:s16] =	ssyncadd.s32 $0xFFFFD800  }
0x24d: {  	[hbm4b:s22+s4] =	stream.linear.scatter [tilespmem:s15], [sflag:$0x6], $0x2800, $0x38;
	[tilespmem:$0x1DB80] =	vst v63  }
0x24e: {  	_ =	swait.ge [sflag:s16], $0x2800  }
0x24f: {  	v0 =	vld [tilespmem:$0x1FDE0];
	_ =	sdelay $0x2  }
0x250: {  	[sflag:s16] =	ssyncset.done $0x0  }
0x251: {  	[sflag:s16] =	ssyncadd.s32 $0xFFFFD800  }
0x252: {  	[tilespmem:$0xA280] =	vst @p0 v0;
	v0 =	vld [tilespmem:$0x1FDF0];
	_ =	sdelay $0x4  }
0x253: {  	[tilespmem:$0xA290] =	vst @p0 v0;
	v0 =	vld [tilespmem:$0x1FE00];
	_ =	sdelay $0x4  }
0x254: {  	[tilespmem:$0xA2A0] =	vst @p0 v0;
	v0 =	vld [tilespmem:$0x1FE10];
	_ =	sdelay $0x4  }
0x255: {  	s11 =	simm.s32 @p0 $0x40;
	s14 =	simm.s32 @p0 $0xA280;
	s21 =	simm.s32 @p0 $0x200;
	[tilespmem:$0xA2B0] =	vst @p0 v0  }
0x256: {  	[tilespmem:s21], [sflag:$0x6] =	stream.indirect.gather @p0 [spmem:s3], $0x80, s14, s11, $0xb8;
	[tilespmem:$0x1DB80] =	vst v63  }
0x257: {  	s11 =	simm.s32 @p0 $0x6  }
0x258: {  	_ =	swait.ge @p0 [sflag:s11], $0x2000  }
0x259: {  	[sflag:s11] =	ssyncset.done @p0 $0x0  }
0x25a: {  	s14 =	simm.s32 @p0 $0x0;
	s22 =	rddreg [dreg:$0xe];
	[sflag:s11] =	ssyncadd.s32 @p0 $0xFFFFE000  }
0x25b: {  	[hbm4b:s22+s14] =	stream.linear.scatter @p0 [tilespmem:s21], [sflag:$0x6], $0x2000, $0x38;
	[tilespmem:$0x1DB80] =	vst v63  }
0x25c: {  	_ =	swait.ge @p0 [sflag:s11], $0x2000  }
0x25d: {  	v0 =	vlaneseq.u32 @!p0;
	[sflag:s11] =	ssyncset.done @p0 $0x0  }
0x25e: {  	v1 =	vor.u32 @!p0 $0x230, v0;
	[sflag:s11] =	ssyncadd.s32 @p0 $0xFFFFE000  }
0x25f: {  	[tilespmem:$0xA200] =	vst @!p0 v1;
	v1 =	vor.u32 @!p0 $0x240, v0  }
0x260: {  	[tilespmem:$0xA210] =	vst @!p0 v1;
	v1 =	vor.u32 @!p0 $0x250, v0  }
0x261: {  	[tilespmem:$0xA220] =	vst @!p0 v1;
	v1 =	vor.u32 @!p0 $0x260, v0  }
0x262: {  	v0 =	vor.u32 @!p0 $0x270, v0;
	[tilespmem:$0xA230] =	vst @!p0 v1  }
0x263: {  	s14 =	simm.s32 @!p0 $0xA200;
	s21 =	simm.s32 @!p0 $0x200;
	s11 =	simm.s32 @!p0 $0x50;
	[tilespmem:$0xA240] =	vst @!p0 v0  }
0x264: {  	[tilespmem:s21], [sflag:$0x6] =	stream.indirect.gather @!p0 [spmem:s3], $0x80, s14, s11, $0xb8;
	[tilespmem:$0x1DB80] =	vst v63  }
0x265: {  	s11 =	simm.s32 @!p0 $0x6  }
0x266: {  	_ =	swait.ge @!p0 [sflag:s11], $0x2800  }
0x267: {  	[sflag:s11] =	ssyncset.done @!p0 $0x0;
	s14 =	rddreg [dreg:$0x5]  }
0x268: {  	s22 =	simm.s32 @!p0 $0x0;
	[sflag:s11] =	ssyncadd.s32 @!p0 $0xFFFFD800;
	s14 =	sadd.s32 @!p0 $0x2300, s14  }
0x269: {  	[hbm4b:s14+s22] =	stream.linear.scatter @!p0 [tilespmem:s21], [sflag:$0x6], $0x2800, $0x38;
	[tilespmem:$0x1DB80] =	vst v63  }
0x26a: {  	_ =	swait.ge @!p0 [sflag:s11], $0x2800  }
0x26b: {  	s23 =	rddreg [dreg:$0xf]  }
0x26c: {  	s24 =	rddreg [dreg:$0x6];
	s21 =	sadd.s32 $0x1, s23  }
0x26d: {  	p1 =	sne.s32 s21, s24  }
.Ltmp3:
0x26e: {  	_ = 	snop;
	(pc) =	sbr.rel @p1 .LBB2_1-.Ltmp3, $3  }
0x26f: {  	_ =	sdelay $0x1  }
0x270: {  	[sflag:s11] =	ssyncset.done @!p0 $0x0  }
0x271: {  	[sflag:s11] =	ssyncadd.s32 @!p0 $0xFFFFD800  }
0x272: {  	_ =	sfence.sel $0x180000  }
0x273: {  	[bflag:$0x0] =	sbarrier.arrive $0xFFFF  }
0x274: {  	_ =	strace $0x90000047  }
0x275: {  	[bflag:$0x2] =	sbarrier.arrive $0xFFFF  }
0x276: {  	s0 =	rddreg [dreg:$0x4]  }
0x277: {  	s0 =	sadd.s32 @!p0 $0x100000, s0  }
0x278: {  	[sflag:s0] =	ssyncadd.tile.s32 @!p0 $0x1;
	_ =	shalt  }
.Lfunc_end2:
_tile_overlayer_lowered:
.L_overlay_start_2:
0x279: {  	(tag) =	ssettag $0x2  }
0x27a: {  	s0 =	rddreg [dreg:$0x0];
	s2 =	stileid.u32  }
0x27b: {  	s1 =	rddreg [dreg:$0x1];
	p0 =	sne.s32 s2, $0x0  }
0x27c: {  	s3 =	rddreg [dreg:$0x2];
	[bflag:$0x3] =	sbarrier.arrive $0xFFFF;
	s2 =	simm.s32 @!p0 $0x1C06  }
0x27d: {  	[timem:s3], [sflag:s2] =	dma.local @!p0 [hbm:s0], s1  }
0x27e: {  	s0 =	simm.s32 @!p0 $0x6  }
0x27f: {  	_ =	swait.ge @!p0 [sflag:s0], s1  }
0x280: {  	s1 =	ssub.s32 @!p0 $0x0, s1;
	[sflag:s0] =	ssyncset.done @!p0 $0x0  }
0x281: {  	[sflag:s0] =	ssyncadd.s32 @!p0 s1  }
0x282: {  	[bflag:$0x3] =	sbarrier.arrive $0xFFFF  }
0x283: {  	_ =	shalt  }

// kernel: kernel.9.cloned.1.call-start
scs
__scs_entry_jumppad:
0x0: {  	(pc) =	sbr.rel $0x88, $3  }
0x1: {  	(tag) =	ssettag $0x0;
	lr =	simm.s32 $0x1  }
0x2: {  	[smem:$0x3F95] =	sst lr;
	_ =	strace $0xD0000000  }
0x3: {  	_ = 	snop  }
0x4: {  	_ = 	snop  }
0x5: {  	_ = 	snop  }
0x6: {  	_ = 	snop  }
0x7: {  	_ = 	snop  }
__scs_overlays_trampoline_lowered:
0x8: {  	[smem:$0x3FA4] =	sst s0  }
0x9: {  	[smem:$0x3FA5] =	sst s1  }
0xa: {  	[smem:$0x3FA6] =	sst s2  }
0xb: {  	[smem:$0x3FA7] =	sst s3  }
0xc: {  	[smem:$0x3FA8] =	sst s4  }
0xd: {  	[smem:$0x3FA9] =	sst s5  }
0xe: {  	[smem:$0x3FAA] =	sst s6  }
0xf: {  	[smem:$0x3FAB] =	sst s7  }
0x10: {  	[smem:$0x3FAC] =	sst s8  }
0x11: {  	[smem:$0x3FAD] =	sst s9;
	s0 =	simm.s32 @!p0 $0x0  }
0x12: {  	s1 =	sld [smem:$0x3F93];
	s0 =	simm.s32 @p0 $0x1  }
0x13: {  	[smem:$0x3FAE] =	sst s0;
	s0 =	simm.s32 @!p1 $0x0  }
0x14: {  	s2 =	sld [smem:$0x3F92];
	s0 =	simm.s32 @p1 $0x1  }
0x15: {  	[smem:$0x3FAF] =	sst s0;
	s0 =	simm.s32 @!p2 $0x0  }
0x16: {  	s3 =	sld [smem:$0x3FDB];
	s0 =	simm.s32 @p2 $0x1  }
0x17: {  	s4 =	simm.s32 $0x1BF5;
	[smem:$0x3FB1] =	sst s0  }
0x18: {  	s0 =	sld [smem:$0x3F94];
	_ =	swait.ge [sflag:s4], $0x0  }
0x19: {  	s7 =	sld [smem:$0x3F95]  }
0x1a: {  	s8 =	sadd.s32 $0xFFFFE003, lr  }
0x1b: {  	s9 =	sadd.s32 $0xFFFFFEF7, lr;
	s5 =	simm.s32 $0xFFFFFFFF;
	p2 =	slt.u32 s8, $0xFFFFF086  }
0x1c: {  	p1 =	slt.u32 s9, $0xF7A;
	s5 =	simm.s32 @!p2 $0x0  }
0x1d: {  	s5 =	simm.s32 @p1 $0x1;
	p0 =	seq.s32 s7, s2  }
0x1e: {  	s7 =	smul.u32 @!p0 $0xF7A, s2;
	p2 =	seq.s32 @!p0 s5, $0x0  }
0x1f: {  	s9 =	smul.u32 $0xF7A, s1;
	s8 =	simm.s32 @!p0 $0x1BF5;
	p2 =	por !p2, p0  }
0x20: {  	[sflag:s8] =	ssyncset.s32 @!p0 $0xFFFFF086;
	s6 =	sadd.s32 @!p0 s3, s7;
	s7 =	simm.s32 @!p0 $0x108  }
0x21: {  	s3 =	sadd.s32 s3, s9;
	s6 =	sadd.s32 @!p0 $0x88, s6;
	s7 =	simm.s32 @p2 $0x1082  }
0x22: {  	[simem:s7], [sflag:s8] =	dma.local @!p0 [hbm:s6], $0xF7A  }
0x23: {  	s9 =	sor.u32 $0xD0000000, s2;
	s6 =	simm.s32 $0x108;
	_ =	swait.ge @!p0 [sflag:s8], $0x0  }
0x24: {  	s3 =	sadd.s32 $0x88, s3;
	s6 =	simm.s32 @!p1 $0x1082;
	[sflag:s4] =	ssyncset.s32 $0xFFFFF086  }
0x25: {  	[simem:s6], [sflag:s4] =	dma.local [hbm:s3], $0xF7A  }
0x26: {  	[smem:$0x3F95] =	sst s1;
	(tag) =	ssettag s2;
	_ =	strace s9  }
0x27: {  	s1 =	sld [smem:$0x3FA5]  }
0x28: {  	s2 =	sld [smem:$0x3FA6]  }
0x29: {  	s4 =	sld [smem:$0x3FA8]  }
0x2a: {  	p0 =	seq.s32 s5, $0x0;
	s5 =	sld [smem:$0x3FA9]  }
0x2b: {  	s6 =	sld [smem:$0x3FAA]  }
0x2c: {  	s7 =	sld [smem:$0x3FAB]  }
0x2d: {  	s3 =	simm.s32 $0x108;
	s8 =	sld [smem:$0x3FAC]  }
0x2e: {  	s3 =	simm.s32 @!p0 $0x1082;
	s9 =	sld [smem:$0x3FAD]  }
0x2f: {  	lr =	sadd.s32 s0, s3;
	s0 =	sld [smem:$0x3FA4]  }
0x30: {  	s3 =	sld [smem:$0x3FA7]  }
0x31: {  	[smem:$0x3FB0] =	sst s10  }
0x32: {  	s10 =	sld [smem:$0x3FAE];
	_ =	sdelay $0x3  }
0x33: {  	p0 =	seq.s32 s10, $0x1;
	s10 =	sld [smem:$0x3FB0];
	_ =	sdelay $0x3  }
0x34: {  	[smem:$0x3FB0] =	sst s10  }
0x35: {  	s10 =	sld [smem:$0x3FAF];
	_ =	sdelay $0x3  }
0x36: {  	p1 =	seq.s32 s10, $0x1;
	s10 =	sld [smem:$0x3FB0];
	_ =	sdelay $0x3  }
0x37: {  	[smem:$0x3FB0] =	sst s10  }
0x38: {  	s10 =	sld [smem:$0x3FB1]  }
0x39: {  	_ = 	snop;
	(pc) =	sbr.ind lr, $3  }
0x3a: {  	_ = 	snop  }
0x3b: {  	_ = 	snop  }
0x3c: {  	p2 =	seq.s32 s10, $0x1;
	s10 =	sld [smem:$0x3FB0]  }
0x3d: {  	_ =	shalt  }
0x3e: {  	_ =	shalt  }
0x3f: {  	_ =	shalt  }
0x40: {  	_ =	shalt  }
0x41: {  	_ =	shalt  }
0x42: {  	_ =	shalt  }
0x43: {  	_ =	shalt  }
0x44: {  	_ =	shalt  }
0x45: {  	_ =	shalt  }
0x46: {  	_ =	shalt  }
0x47: {  	_ =	shalt  }
0x48: {  	_ =	shalt  }
0x49: {  	_ =	shalt  }
0x4a: {  	_ =	shalt  }
0x4b: {  	_ =	shalt  }
0x4c: {  	_ =	shalt  }
0x4d: {  	_ =	shalt  }
0x4e: {  	_ =	shalt  }
0x4f: {  	_ =	shalt  }
0x50: {  	_ =	shalt  }
0x51: {  	_ =	shalt  }
0x52: {  	_ =	shalt  }
0x53: {  	_ =	shalt  }
0x54: {  	_ =	shalt  }
0x55: {  	_ =	shalt  }
0x56: {  	_ =	shalt  }
0x57: {  	_ =	shalt  }
0x58: {  	_ =	shalt  }
0x59: {  	_ =	shalt  }
0x5a: {  	_ =	shalt  }
0x5b: {  	_ =	shalt  }
0x5c: {  	_ =	shalt  }
0x5d: {  	_ =	shalt  }
0x5e: {  	_ =	shalt  }
0x5f: {  	_ =	shalt  }
0x60: {  	_ =	shalt  }
0x61: {  	_ =	shalt  }
0x62: {  	_ =	shalt  }
0x63: {  	_ =	shalt  }
0x64: {  	_ =	shalt  }
0x65: {  	_ =	shalt  }
0x66: {  	_ =	shalt  }
0x67: {  	_ =	shalt  }
0x68: {  	_ =	shalt  }
0x69: {  	_ =	shalt  }
0x6a: {  	_ =	shalt  }
0x6b: {  	_ =	shalt  }
0x6c: {  	_ =	shalt  }
0x6d: {  	_ =	shalt  }
0x6e: {  	_ =	shalt  }
0x6f: {  	_ =	shalt  }
0x70: {  	_ =	shalt  }
0x71: {  	_ =	shalt  }
0x72: {  	_ =	shalt  }
0x73: {  	_ =	shalt  }
0x74: {  	_ =	shalt  }
0x75: {  	_ =	shalt  }
0x76: {  	_ =	shalt  }
0x77: {  	_ =	shalt  }
0x78: {  	_ =	shalt  }
0x79: {  	_ =	shalt  }
0x7a: {  	_ =	shalt  }
0x7b: {  	_ =	shalt  }
0x7c: {  	_ =	shalt  }
0x7d: {  	_ =	shalt  }
0x7e: {  	_ =	shalt  }
0x7f: {  	_ =	shalt  }
0x80: {  	_ =	shalt  }
0x81: {  	_ =	shalt  }
0x82: {  	_ =	shalt  }
0x83: {  	_ =	shalt  }
0x84: {  	_ =	shalt  }
0x85: {  	_ =	shalt  }
0x86: {  	_ =	shalt  }
0x87: {  	_ =	shalt  }
.Lfunc_end0:
.L_simem_size_0:
called_computation.1_lowered:
.L_overlay_start_0:
0x88: {  	s2 =	sld [smem:$0x3FD9]  }
0x89: {  	s3 =	sld [smem:$0x3FFE];
	_ =	sdelay $0x1  }
0x8a: {  	s1 =	srdreg.scid  }
0x8b: {  	s0 =	sand.u32 $0x1, s1  }
0x8c: {  	s16 =	sshll.u32 s0, $0xA;
	s2 =	sadd.s32 s3, s2  }
0x8d: {  	s2 =	sadd.s32 s2, s16  }
0x8e: {  	[smem:$0x3FBC] =	sst s2  }
0x8f: {  	_ = 	snop  }
0x90: {  	(tm) =	ssettm $0x1  }
0x91: {  	s17 =	sld [smem:$0x3FFB];
	_ =	sdelay $0x3  }
0x92: {  	_ =	strace s17  }
0x93: {  	s2 =	sld [smem:$0x3FFC];
	_ =	sdelay $0x3  }
0x94: {  	_ =	strace s2  }
0x95: {  	s2 =	sld [smem:$0x3FFD];
	_ =	sdelay $0x3  }
0x96: {  	_ =	strace s2  }
0x97: {  	_ =	strace $0x8FFFFFFF  }
0x98: {  	s18 =	sld [smem:$0x3FDB];
	_ =	sdelay $0x1  }
0x99: {  	s19 =	simm.s32 $_scs_section_size  }
0x9a: {  	s4 =	simm.s32 $_size__tile_overlayer_lowered;
	s5 =	simm.s32 $_tile_overlayer_lowered  }
0x9b: {  	s22 =	simm.s32 $0x1BFF;
	s21 =	sshll.u32 s5, $0x1;
	s2 =	sadd.s32 s19, s18  }
0x9c: {  	s6 =	simm.s32 $0x0;
	s20 =	sshll.u32 s4, $0x1;
	s4 =	sadd.s32 s21, s2  }
0x9d: {  	[timem:s6], [sflag:s22] =	dma.local [hbm:s4], s20  }
0x9e: {  	_ =	swait.ge [sflag:s22], s20  }
0x9f: {  	s3 =	ssub.s32 $0x0, s20;
	[sflag:s22] =	ssyncset.done $0x0  }
0xa0: {  	[sflag:s22] =	ssyncadd.s32 s3;
	_ =	sdelay $0x1  }
0xa1: {  	s23 =	simm.s32 $0x1B8B  }
0xa2: {  	_ =	swait.ge [sflag:s23], $0x1  }
0xa3: {  	[sflag:s23] =	ssyncset.done $0x0  }
0xa4: {  	s25 =	simm.s32 $0x1B8E;
	s24 =	sld [smem:$0x3FFE];
	[sflag:s23] =	ssyncadd.s32 $0xFFFFFFFF  }
0xa5: {  	s26 =	simm.s32 $execute0_lowered;
	[smem:$0x3FD2] =	sst s25  }
0xa6: {  	s4 =	sshll.u32 s26, $0x1;
	_ =	strace $0x80000049;
	[dreg:$0x1] =	wrdreg $0xFFFFFFFF  }
0xa7: {  	s28 =	simm.s32 $_size_execute0_lowered;
	s2 =	sadd.s32 s2, s4;
	[dreg:$0x0] =	wrdreg $0x0  }
0xa8: {  	s4 =	sshll.u32 s28, $0x1;
	[dreg:$0x2] =	wrdreg s2  }
0xa9: {  	[dreg:$0x3] =	wrdreg s4  }
0xaa: {  	[dreg:$0x4] =	wrdreg $0xC0  }
0xab: {  	_ =	task [dreg:s6], $0x5FFFF  }
0xac: {  	[dreg:$0x1] =	wrdreg $0xFFFFFFFF  }
0xad: {  	[dreg:$0x0] =	wrdreg $0x60  }
0xae: {  	[dreg:$0x2] =	wrdreg s24  }
0xaf: {  	[dreg:$0x3] =	wrdreg $0x51800  }
0xb0: {  	[dreg:$0x4] =	wrdreg $0x9  }
0xb1: {  	_ =	task.clear_ibuf [dreg:s6], $0x5FFFF;
	_ =	strace $0x90000049  }
0xb2: {  	s29 =	simm.s32 $0x9;
	_ =	strace $0x8000004B  }
0xb3: {  	_ =	swait.ge [sflag:s29], $0x1  }
0xb4: {  	[sflag:s29] =	ssyncadd.s32 $0xFFFFFFFF  }
0xb5: {  	_ =	strace $0x9000004B  }
0xb6: {  	_ =	sfence  }
0xb7: {  	s30 =	sld [smem:$0x0];
	_ =	sdelay $0x2  }
0xb8: {  	s31 =	sshll.u32 s1, $0xD;
	s1 =	sshrl.u32 s1, $0x2  }
0xb9: {  	s3 =	sand.u32 $0x4000, s31;
	s1 =	sadd.s32 s1, s30  }
0xba: {  	s0 =	sor.u32 s3, s0;
	s1 =	sshll.u32 s1, $0x11  }
0xbb: {  	s0 =	sor.u32 s1, s0  }
0xbc: {  	s0 =	sadd.s32 $0x8F2B, s0  }
0xbd: {  	[sflag:s0] =	ssyncadd.remote.s32 $0x1  }
0xbe: {  	_ =	sfence.sel $0xFFFF  }
0xbf: {  	[dreg:$0x0] =	wrdreg $0xFFFFFFFF;
	(pc) =	sbr.abs _section_cstart, $3  }
0xc0: {  	[dreg:$0x1] =	wrdreg $0xFFFFFFFF  }
0xc1: {  	_ =	task.clear_ibuf [dreg:s6], $0x2FFFF;
	_ =	strace $0x9FFFFFFF  }
0xc2: {  	(tm) =	ssettm $0x7FFFFFFF  }
0xc3: {  	_ =	shalt  }
tec
execute0_lowered:
.L_overlay_start_1:
0x0: {  	(tag) =	ssettag $0x1  }
0x1: {  	s5 =	rddreg [dreg:$0x0]  }
0x2: {  	s1 =	rddreg [dreg:$0x1];
	s2 =	simm.s32 $0x0;
	s3 =	srdreg.scid  }
0x3: {  	s9 =	stileid.u32;
	[smem:$0x7FF] =	sst s2;
	s6 =	sand.u32 $0x1, s3  }
0x4: {  	s10 =	smul.u32 $0x270, s9;
	s3 =	sadd.s32 $0x3DC00, s5;
	s4 =	sadd.s32 $0x180200, s5  }
0x5: {  	p0 =	seq.s32 s9, $0x0;
	s7 =	smul.u32 $0x27100, s6;
	_ =	strace $0x8000004A  }
0x6: {  	s31 =	ssub.s32 $0x2, s6;
	s6 =	sshll.u32 s6, $0x4;
	s8 =	sadd.s32 $0x10, s10  }
0x7: {  	s0 =	sshrl.u32 s31, $0x1;
	s6 =	sor.u32 s9, s6;
	s20 =	sadd.s32 $0x240, s10  }
0x8: {  	s16 =	sadd.s32 $0x260, s10;
	s17 =	sadd.s32 $0x270, s10;
	s11 =	sadd.s32 s7, s5  }
0x9: {  	s8 =	simm.s32 @p0 $0x0;
	s7 =	ssub.s32 s31, s0;
	[dreg:$0x3] =	wrdreg s16  }
0xa: {  	s0 =	sadd.s32 $0x250, s10;
	p0 =	sne.s32 s9, $0x0;
	[dreg:$0x4] =	wrdreg s17  }
0xb: {  	s5 =	smul.u32 $0x2710, s6;
	s9 =	simm.s32 $0x5080;
	s12 =	sadd.s32 $0x10, s8  }
0xc: {  	s13 =	sadd.s32 $0x20, s8;
	s14 =	sadd.s32 $0x30, s8;
	s15 =	sadd.s32 $0x40, s8  }
0xd: {  	s18 =	sadd.s32 $0x50, s8;
	s21 =	sadd.s32 $0x60, s8;
	s22 =	sadd.s32 $0x70, s8  }
0xe: {  	s23 =	sadd.s32 $0x80, s8;
	s24 =	sadd.s32 $0x90, s8;
	s25 =	sadd.s32 $0xA0, s8  }
0xf: {  	s26 =	sadd.s32 $0xB0, s8;
	s28 =	sadd.s32 $0xC0, s8;
	s29 =	sadd.s32 $0xD0, s8  }
0x10: {  	[dreg:$0x5] =	wrdreg s0;
	s6 =	sadd.s32 $0x47A00, s11;
	s19 =	sadd.s32 $0xE0, s8  }
0x11: {  	s10 =	sadd.s32 $0xF0, s8;
	s31 =	sadd.s32 $0x100, s8;
	s0 =	sadd.s32 $0x110, s8  }
0x12: {  	v38 =	vlaneseq.u32;
	v39 =	vimm.f32 $0.0e+00;
	s30 =	sadd.s32 $0x120, s8;
	s16 =	sadd.s32 $0x130, s8;
	s17 =	sadd.s32 $0x150, s8  }
0x13: {  	v35 =	vor.u32 s20, v38;
	s11 =	sadd.s32 $0x1C0, s8;
	v17 =	vor.u32 s8, v38;
	s7 =	smax.u32 s7, $0x1;
	v2 =	vor.u32 s14, v38;
	s14 =	sadd.s32 $0x140, s8  }
0x14: {  	v4 =	vor.u32 s21, v38;
	v5 =	vor.u32 s22, v38;
	v6 =	vor.u32 s23, v38;
	s21 =	sadd.s32 $0x160, s8;
	s22 =	sadd.s32 $0x170, s8;
	s23 =	sadd.s32 $0x180, s8  }
0x15: {  	v7 =	vor.u32 s24, v38;
	v8 =	vor.u32 s26, v38;
	v9 =	vor.u32 s28, v38;
	s24 =	sadd.s32 $0x190, s8;
	s26 =	sadd.s32 $0x1A0, s8;
	s28 =	sadd.s32 $0x1B0, s8  }
0x16: {  	v1 =	vor.u32 s13, v38;
	v10 =	vor.u32 s29, v38;
	v12 =	vor.u32 s31, v38;
	s29 =	sadd.s32 $0x1D0, s8;
	s31 =	sadd.s32 $0x1E0, s8;
	s13 =	sadd.s32 $0x1F0, s8  }
0x17: {  	v11 =	vor.u32 s19, v38;
	v14 =	vor.u32 s30, v38;
	v15 =	vor.u32 s16, v38;
	s30 =	sadd.s32 $0x200, s8;
	s19 =	sadd.s32 $0x210, s8;
	s16 =	sadd.s32 $0x220, s8  }
0x18: {  	v3 =	vor.u32 s15, v38;
	v18 =	vor.u32 s18, v38;
	s15 =	sshll.u32 s8, $0x4;
	s18 =	sshll.u32 s18, $0x4;
	v19 =	vor.u32 s25, v38;
	s25 =	sshll.u32 s25, $0x4  }
0x19: {  	v0 =	vor.u32 s12, v38;
	v13 =	vor.u32 s0, v38;
	v20 =	vor.u32 s10, v38;
	s0 =	sshll.u32 s10, $0x4;
	s8 =	simm.s32 $0x50;
	s10 =	simm.s32 $0x2880  }
0x1a: {  	v16 =	vor.u32 s17, v38;
	v28 =	vor.u32 s11, v38;
	s11 =	simm.s32 $0x1;
	s12 =	simm.s32 $0x80;
	v21 =	vor.u32 s14, v38;
	s17 =	sshll.u32 s14, $0x4  }
0x1b: {  	v22 =	vor.u32 s21, v38;
	v23 =	vor.u32 s22, v38;
	v24 =	vor.u32 s23, v38;
	s21 =	sshll.u32 s24, $0x4;
	s22 =	sshll.u32 s31, $0x4;
	s23 =	sshll.u32 s20, $0x4  }
0x1c: {  	v25 =	vor.u32 s24, v38;
	v29 =	vor.u32 s29, v38;
	v31 =	vor.u32 s13, v38;
	s13 =	sadd.s32 s15, s6;
	s14 =	sadd.s32 s18, s6;
	s29 =	rddreg [dreg:$0x5]  }
0x1d: {  	v26 =	vor.u32 s26, v38;
	v32 =	vor.u32 s30, v38;
	s15 =	sadd.s32 s25, s6;
	v34 =	vor.u32 s16, v38;
	s16 =	sadd.s32 s0, s6;
	s30 =	rddreg [dreg:$0x3]  }
0x1e: {  	v27 =	vor.u32 s28, v38;
	v30 =	vor.u32 s31, v38;
	v33 =	vor.u32 s19, v38;
	s31 =	rddreg [dreg:$0x4];
	s17 =	sadd.s32 s17, s6;
	s18 =	sadd.s32 s21, s6  }
0x1f: {  	v36 =	vor.u32 s29, v38;
	v37 =	vor.u32 s30, v38;
	v38 =	vor.u32 s31, v38;
	s19 =	sadd.s32 s22, s6;
	s20 =	sadd.s32 @p0 s23, s6;
	s21 =	simm.s32 $0x0  }
.LBB2_1:
0x20: {  	s22 =	simm.s32 $0x0;
	s23 =	simm.s32 $0x200  }
.LBB2_2:
0x21: {  	p1 =	sne.s32 s23, $0x9E00;
	[tilespmem:s22+$0x28F0] =	vst v39  }
0x22: {  	[tilespmem:s22+$0x2880] =	vst v39  }
0x23: {  	[tilespmem:s22+$0x2890] =	vst v39  }
.Ltmp0:
0x24: {  	[tilespmem:s22+$0x28A0] =	vst v39;
	(pc) =	sbr.rel @p1 .LBB2_2-.Ltmp0, $4  }
0x25: {  	[tilespmem:s22+$0x28B0] =	vst v39  }
0x26: {  	[tilespmem:s22+$0x28C0] =	vst v39  }
0x27: {  	[tilespmem:s22+$0x28D0] =	vst v39  }
0x28: {  	[tilespmem:s22+$0x28E0] =	vst v39;
	s22 =	sshra.s32 s23, $0x2;
	s23 =	sadd.s32 $0x200, s23  }
0x29: {  	[tilespmem:s22+$0x28F0] =	vst v39  }
0x2a: {  	[tilespmem:s22+$0x2880] =	vst v39  }
0x2b: {  	[tilespmem:s22+$0x2890] =	vst v39  }
0x2c: {  	[tilespmem:s22+$0x28A0] =	vst v39  }
0x2d: {  	[tilespmem:s22+$0x28B0] =	vst v39  }
0x2e: {  	[tilespmem:s22+$0x28C0] =	vst v39  }
0x2f: {  	[tilespmem:s22+$0x28D0] =	vst v39  }
0x30: {  	[tilespmem:s22+$0x28E0] =	vst v39  }
0x31: {  	[tilespmem:$0x5080] =	vst v17  }
0x32: {  	[tilespmem:$0x5090] =	vst v0  }
0x33: {  	[tilespmem:$0x50A0] =	vst v1  }
0x34: {  	[tilespmem:$0x50B0] =	vst v2  }
0x35: {  	[tilespmem:$0x50C0] =	vst v3  }
0x36: {  	[spmem:s1] =	stream.indirect.scatter [tilespmem:s10], [sflag:$0x1], $0x80, s9, s8, $0xb8;
	[tilespmem:$0x18A00] =	vst v63  }
0x37: {  	_ =	swait.ge [sflag:s11], $0x2800  }
0x38: {  	[sflag:s11] =	ssyncset.done $0x0  }
0x39: {  	[sflag:s11] =	ssyncadd.s32 $0xFFFFD800  }
0x3a: {  	[tilespmem:$0x5080] =	vst v18  }
0x3b: {  	[tilespmem:$0x5090] =	vst v4  }
0x3c: {  	[tilespmem:$0x50A0] =	vst v5  }
0x3d: {  	[tilespmem:$0x50B0] =	vst v6  }
0x3e: {  	[tilespmem:$0x50C0] =	vst v7  }
0x3f: {  	[spmem:s1] =	stream.indirect.scatter [tilespmem:s10], [sflag:$0x1], $0x80, s9, s8, $0xb8;
	[tilespmem:$0x18A00] =	vst v63  }
0x40: {  	_ =	swait.ge [sflag:s11], $0x2800  }
0x41: {  	[sflag:s11] =	ssyncset.done $0x0  }
0x42: {  	[sflag:s11] =	ssyncadd.s32 $0xFFFFD800  }
0x43: {  	[tilespmem:$0x5080] =	vst v19  }
0x44: {  	[tilespmem:$0x5090] =	vst v8  }
0x45: {  	[tilespmem:$0x50A0] =	vst v9  }
0x46: {  	[tilespmem:$0x50B0] =	vst v10  }
0x47: {  	[tilespmem:$0x50C0] =	vst v11  }
0x48: {  	[spmem:s1] =	stream.indirect.scatter [tilespmem:s10], [sflag:$0x1], $0x80, s9, s8, $0xb8;
	[tilespmem:$0x18A00] =	vst v63  }
0x49: {  	_ =	swait.ge [sflag:s11], $0x2800  }
0x4a: {  	[sflag:s11] =	ssyncset.done $0x0  }
0x4b: {  	[sflag:s11] =	ssyncadd.s32 $0xFFFFD800  }
0x4c: {  	[tilespmem:$0x5080] =	vst v20  }
0x4d: {  	[tilespmem:$0x5090] =	vst v12  }
0x4e: {  	[tilespmem:$0x50A0] =	vst v13  }
0x4f: {  	[tilespmem:$0x50B0] =	vst v14  }
0x50: {  	[tilespmem:$0x50C0] =	vst v15  }
0x51: {  	[spmem:s1] =	stream.indirect.scatter [tilespmem:s10], [sflag:$0x1], $0x80, s9, s8, $0xb8;
	[tilespmem:$0x18A00] =	vst v63  }
0x52: {  	_ =	swait.ge [sflag:s11], $0x2800  }
0x53: {  	[sflag:s11] =	ssyncset.done $0x0  }
0x54: {  	[sflag:s11] =	ssyncadd.s32 $0xFFFFD800  }
0x55: {  	[tilespmem:$0x5080] =	vst v21  }
0x56: {  	[tilespmem:$0x5090] =	vst v16  }
0x57: {  	[tilespmem:$0x50A0] =	vst v22  }
0x58: {  	[tilespmem:$0x50B0] =	vst v23  }
0x59: {  	[tilespmem:$0x50C0] =	vst v24  }
0x5a: {  	[spmem:s1] =	stream.indirect.scatter [tilespmem:s10], [sflag:$0x1], $0x80, s9, s8, $0xb8;
	[tilespmem:$0x18A00] =	vst v63  }
0x5b: {  	_ =	swait.ge [sflag:s11], $0x2800  }
0x5c: {  	[sflag:s11] =	ssyncset.done $0x0  }
0x5d: {  	[sflag:s11] =	ssyncadd.s32 $0xFFFFD800  }
0x5e: {  	[tilespmem:$0x5080] =	vst v25  }
0x5f: {  	[tilespmem:$0x5090] =	vst v26  }
0x60: {  	[tilespmem:$0x50A0] =	vst v27  }
0x61: {  	[tilespmem:$0x50B0] =	vst v28  }
0x62: {  	[tilespmem:$0x50C0] =	vst v29  }
0x63: {  	[spmem:s1] =	stream.indirect.scatter [tilespmem:s10], [sflag:$0x1], $0x80, s9, s8, $0xb8;
	[tilespmem:$0x18A00] =	vst v63  }
0x64: {  	_ =	swait.ge [sflag:s11], $0x2800  }
0x65: {  	[sflag:s11] =	ssyncset.done $0x0  }
0x66: {  	[sflag:s11] =	ssyncadd.s32 $0xFFFFD800  }
0x67: {  	[tilespmem:$0x5080] =	vst v30  }
0x68: {  	[tilespmem:$0x5090] =	vst v31  }
0x69: {  	[tilespmem:$0x50A0] =	vst v32  }
0x6a: {  	[tilespmem:$0x50B0] =	vst v33  }
0x6b: {  	[tilespmem:$0x50C0] =	vst v34  }
0x6c: {  	[spmem:s1] =	stream.indirect.scatter [tilespmem:s10], [sflag:$0x1], $0x80, s9, s8, $0xb8;
	[tilespmem:$0x18A00] =	vst v63  }
0x6d: {  	_ =	swait.ge [sflag:s11], $0x2800  }
0x6e: {  	[sflag:s11] =	ssyncset.done $0x0  }
0x6f: {  	[sflag:s11] =	ssyncadd.s32 $0xFFFFD800  }
0x70: {  	[tilespmem:$0x5100] =	vst @p0 v35  }
0x71: {  	[tilespmem:$0x5110] =	vst @p0 v36  }
0x72: {  	[tilespmem:$0x5120] =	vst @p0 v37  }
0x73: {  	s0 =	simm.s32 @p0 $0x40;
	s22 =	simm.s32 @p0 $0x5100;
	s23 =	simm.s32 @p0 $0x2880;
	[tilespmem:$0x5130] =	vst @p0 v38  }
0x74: {  	[spmem:s1] =	stream.indirect.scatter @p0 [tilespmem:s23], [sflag:$0x1], $0x80, s22, s0, $0xb8;
	[tilespmem:$0x18A00] =	vst v63  }
0x75: {  	s0 =	simm.s32 @p0 $0x1  }
0x76: {  	_ =	swait.ge @p0 [sflag:s0], $0x2000  }
0x77: {  	v40 =	vlaneseq.u32 @!p0;
	[sflag:s0] =	ssyncset.done @p0 $0x0  }
0x78: {  	v41 =	vor.u32 @!p0 $0x230, v40;
	[sflag:s0] =	ssyncadd.s32 @p0 $0xFFFFE000  }
0x79: {  	[tilespmem:$0x5080] =	vst @!p0 v41;
	v41 =	vor.u32 @!p0 $0x240, v40  }
0x7a: {  	[tilespmem:$0x5090] =	vst @!p0 v41;
	v41 =	vor.u32 @!p0 $0x250, v40  }
0x7b: {  	[tilespmem:$0x50A0] =	vst @!p0 v41;
	v41 =	vor.u32 @!p0 $0x260, v40  }
0x7c: {  	v40 =	vor.u32 @!p0 $0x270, v40;
	[tilespmem:$0x50B0] =	vst @!p0 v41  }
0x7d: {  	s22 =	simm.s32 @!p0 $0x5080;
	s23 =	simm.s32 @!p0 $0x2880;
	s0 =	simm.s32 @!p0 $0x50;
	[tilespmem:$0x50C0] =	vst @!p0 v40  }
0x7e: {  	[spmem:s1] =	stream.indirect.scatter @!p0 [tilespmem:s23], [sflag:$0x1], $0x80, s22, s0, $0xb8;
	[tilespmem:$0x18A00] =	vst v63  }
0x7f: {  	s0 =	simm.s32 @!p0 $0x1  }
0x80: {  	_ =	swait.ge @!p0 [sflag:s0], $0x2800  }
0x81: {  	[sflag:s0] =	ssyncset.done @!p0 $0x0  }
0x82: {  	[sflag:s0] =	ssyncadd.s32 @!p0 $0xFFFFD800  }
0x83: {  	s22 =	simm.s32 $0x0;
	s23 =	simm.s32 $0x0;
	[bflag:$0x0] =	sbarrier.arrive $0xFFFF  }
.LBB2_4:
0x84: {  	s0 =	smul.u32 $0x50, s23;
	_ =	sdelay $0x1  }
0x85: {  	s0 =	sadd.s32 s5, s0  }
0x86: {  	s24 =	sshrl.u32 s0, $0x3  }
0x87: {  	s24 =	sadd.s32 s3, s24  }
0x88: {  	[tilespmem:s22], [sflag:$0x1] =	stream.linear.gather [hbm4b:s24+s22], $0x50, $0x38;
	[tilespmem:$0x18A00] =	vst v63  }
0x89: {  	_ =	swait.ge [sflag:s11], $0x50  }
0x8a: {  	s0 =	sshll.u32 s0, $0x4;
	[sflag:s11] =	ssyncset.done $0x0  }
0x8b: {  	s0 =	sadd.s32 s4, s0;
	[sflag:s11] =	ssyncadd.s32 $0xFFFFFFB0  }
0x8c: {  	[tilespmem:s12], [sflag:$0x1] =	stream.linear.gather [hbm4b:s0+s22], $0x2800, $0x38;
	[tilespmem:$0x18A00] =	vst v63  }
0x8d: {  	_ =	swait.ge [sflag:s11], $0x2800  }
0x8e: {  	[sflag:s11] =	ssyncset.done $0x0  }
0x8f: {  	s24 =	simm.s32 $0x0;
	[sflag:s11] =	ssyncadd.s32 $0xFFFFD800  }
0x90: {  	s25 =	simm.s32 $0x200;
	v40 =	vld [tilespmem:s24+$0x80]  }
.LBB2_5:
0x91: {  	p1 =	sne.s32 s25, $0x9E00  }
.Ltmp1:
0x92: {  	_ = 	snop;
	(pc) =	sbr.rel @p1 .LBB2_5-.Ltmp1, $3  }
0x93: {  	_ =	sdelay $0x1  }
0x94: {  	[tilespmem:s24+$0x2880] =	vst v40;
	s24 =	sshra.s32 s25, $0x2;
	s25 =	sadd.s32 $0x200, s25  }
0x95: {  	v40 =	vld [tilespmem:s24+$0x80]  }
0x96: {  	_ =	sdelay $0x1  }
0x97: {  	s23 =	sadd.s32 $0x1, s23  }
0x98: {  	p1 =	sne.s32 s23, $0x7D  }
.Ltmp2:
0x99: {  	[tilespmem:s24+$0x2880] =	vst v40;
	(pc) =	sbr.rel @p1 .LBB2_4-.Ltmp2, $4  }
0x9a: {  	[spmem:s1] =	stream.indirect.scatter.add.f32 [tilespmem:s10], [sflag:$0x1], $0x80, s2, s8, $0xb8;
	[tilespmem:$0x18A00] =	vst v63  }
0x9b: {  	_ =	swait.ge [sflag:s11], $0x2800  }
0x9c: {  	[sflag:s11] =	ssyncset.done $0x0  }
0x9d: {  	[sflag:s11] =	ssyncadd.s32 $0xFFFFD800  }
0x9e: {  	[bflag:$0x0] =	sbarrier.arrive $0xFFFF  }
0x9f: {  	[tilespmem:$0x5080] =	vst v17  }
0xa0: {  	[tilespmem:$0x5090] =	vst v0  }
0xa1: {  	[tilespmem:$0x50A0] =	vst v1  }
0xa2: {  	[tilespmem:$0x50B0] =	vst v2  }
0xa3: {  	[tilespmem:$0x50C0] =	vst v3  }
0xa4: {  	[tilespmem:s10], [sflag:$0x1] =	stream.indirect.gather [spmem:s1], $0x80, s9, s8, $0xb8;
	[tilespmem:$0x18A00] =	vst v63  }
0xa5: {  	_ =	swait.ge [sflag:s11], $0x2800  }
0xa6: {  	[sflag:s11] =	ssyncset.done $0x0  }
0xa7: {  	[sflag:s11] =	ssyncadd.s32 $0xFFFFD800  }
0xa8: {  	[hbm4b:s13+s2] =	stream.linear.scatter [tilespmem:s10], [sflag:$0x1], $0x2800, $0x38;
	[tilespmem:$0x18A00] =	vst v63  }
0xa9: {  	_ =	swait.ge [sflag:s11], $0x2800  }
0xaa: {  	[sflag:s11] =	ssyncset.done $0x0  }
0xab: {  	[sflag:s11] =	ssyncadd.s32 $0xFFFFD800  }
0xac: {  	[tilespmem:$0x5080] =	vst v18  }
0xad: {  	[tilespmem:$0x5090] =	vst v4  }
0xae: {  	[tilespmem:$0x50A0] =	vst v5  }
0xaf: {  	[tilespmem:$0x50B0] =	vst v6  }
0xb0: {  	[tilespmem:$0x50C0] =	vst v7  }
0xb1: {  	[tilespmem:s10], [sflag:$0x1] =	stream.indirect.gather [spmem:s1], $0x80, s9, s8, $0xb8;
	[tilespmem:$0x18A00] =	vst v63  }
0xb2: {  	_ =	swait.ge [sflag:s11], $0x2800  }
0xb3: {  	[sflag:s11] =	ssyncset.done $0x0  }
0xb4: {  	[sflag:s11] =	ssyncadd.s32 $0xFFFFD800  }
0xb5: {  	[hbm4b:s14+s2] =	stream.linear.scatter [tilespmem:s10], [sflag:$0x1], $0x2800, $0x38;
	[tilespmem:$0x18A00] =	vst v63  }
0xb6: {  	_ =	swait.ge [sflag:s11], $0x2800  }
0xb7: {  	[sflag:s11] =	ssyncset.done $0x0  }
0xb8: {  	[sflag:s11] =	ssyncadd.s32 $0xFFFFD800  }
0xb9: {  	[tilespmem:$0x5080] =	vst v19  }
0xba: {  	[tilespmem:$0x5090] =	vst v8  }
0xbb: {  	[tilespmem:$0x50A0] =	vst v9  }
0xbc: {  	[tilespmem:$0x50B0] =	vst v10  }
0xbd: {  	[tilespmem:$0x50C0] =	vst v11  }
0xbe: {  	[tilespmem:s10], [sflag:$0x1] =	stream.indirect.gather [spmem:s1], $0x80, s9, s8, $0xb8;
	[tilespmem:$0x18A00] =	vst v63  }
0xbf: {  	_ =	swait.ge [sflag:s11], $0x2800  }
0xc0: {  	[sflag:s11] =	ssyncset.done $0x0  }
0xc1: {  	[sflag:s11] =	ssyncadd.s32 $0xFFFFD800  }
0xc2: {  	[hbm4b:s15+s2] =	stream.linear.scatter [tilespmem:s10], [sflag:$0x1], $0x2800, $0x38;
	[tilespmem:$0x18A00] =	vst v63  }
0xc3: {  	_ =	swait.ge [sflag:s11], $0x2800  }
0xc4: {  	[sflag:s11] =	ssyncset.done $0x0  }
0xc5: {  	[sflag:s11] =	ssyncadd.s32 $0xFFFFD800  }
0xc6: {  	[tilespmem:$0x5080] =	vst v20  }
0xc7: {  	[tilespmem:$0x5090] =	vst v12  }
0xc8: {  	[tilespmem:$0x50A0] =	vst v13  }
0xc9: {  	[tilespmem:$0x50B0] =	vst v14  }
0xca: {  	[tilespmem:$0x50C0] =	vst v15  }
0xcb: {  	[tilespmem:s10], [sflag:$0x1] =	stream.indirect.gather [spmem:s1], $0x80, s9, s8, $0xb8;
	[tilespmem:$0x18A00] =	vst v63  }
0xcc: {  	_ =	swait.ge [sflag:s11], $0x2800  }
0xcd: {  	[sflag:s11] =	ssyncset.done $0x0  }
0xce: {  	[sflag:s11] =	ssyncadd.s32 $0xFFFFD800  }
0xcf: {  	[hbm4b:s16+s2] =	stream.linear.scatter [tilespmem:s10], [sflag:$0x1], $0x2800, $0x38;
	[tilespmem:$0x18A00] =	vst v63  }
0xd0: {  	_ =	swait.ge [sflag:s11], $0x2800  }
0xd1: {  	[sflag:s11] =	ssyncset.done $0x0  }
0xd2: {  	[sflag:s11] =	ssyncadd.s32 $0xFFFFD800  }
0xd3: {  	[tilespmem:$0x5080] =	vst v21  }
0xd4: {  	[tilespmem:$0x5090] =	vst v16  }
0xd5: {  	[tilespmem:$0x50A0] =	vst v22  }
0xd6: {  	[tilespmem:$0x50B0] =	vst v23  }
0xd7: {  	[tilespmem:$0x50C0] =	vst v24  }
0xd8: {  	[tilespmem:s10], [sflag:$0x1] =	stream.indirect.gather [spmem:s1], $0x80, s9, s8, $0xb8;
	[tilespmem:$0x18A00] =	vst v63  }
0xd9: {  	_ =	swait.ge [sflag:s11], $0x2800  }
0xda: {  	[sflag:s11] =	ssyncset.done $0x0  }
0xdb: {  	[sflag:s11] =	ssyncadd.s32 $0xFFFFD800  }
0xdc: {  	[hbm4b:s17+s2] =	stream.linear.scatter [tilespmem:s10], [sflag:$0x1], $0x2800, $0x38;
	[tilespmem:$0x18A00] =	vst v63  }
0xdd: {  	_ =	swait.ge [sflag:s11], $0x2800  }
0xde: {  	[sflag:s11] =	ssyncset.done $0x0  }
0xdf: {  	[sflag:s11] =	ssyncadd.s32 $0xFFFFD800  }
0xe0: {  	[tilespmem:$0x5080] =	vst v25  }
0xe1: {  	[tilespmem:$0x5090] =	vst v26  }
0xe2: {  	[tilespmem:$0x50A0] =	vst v27  }
0xe3: {  	[tilespmem:$0x50B0] =	vst v28  }
0xe4: {  	[tilespmem:$0x50C0] =	vst v29  }
0xe5: {  	[tilespmem:s10], [sflag:$0x1] =	stream.indirect.gather [spmem:s1], $0x80, s9, s8, $0xb8;
	[tilespmem:$0x18A00] =	vst v63  }
0xe6: {  	_ =	swait.ge [sflag:s11], $0x2800  }
0xe7: {  	[sflag:s11] =	ssyncset.done $0x0  }
0xe8: {  	[sflag:s11] =	ssyncadd.s32 $0xFFFFD800  }
0xe9: {  	[hbm4b:s18+s2] =	stream.linear.scatter [tilespmem:s10], [sflag:$0x1], $0x2800, $0x38;
	[tilespmem:$0x18A00] =	vst v63  }
0xea: {  	_ =	swait.ge [sflag:s11], $0x2800  }
0xeb: {  	[sflag:s11] =	ssyncset.done $0x0  }
0xec: {  	[sflag:s11] =	ssyncadd.s32 $0xFFFFD800  }
0xed: {  	[tilespmem:$0x5080] =	vst v30  }
0xee: {  	[tilespmem:$0x5090] =	vst v31  }
0xef: {  	[tilespmem:$0x50A0] =	vst v32  }
0xf0: {  	[tilespmem:$0x50B0] =	vst v33  }
0xf1: {  	[tilespmem:$0x50C0] =	vst v34  }
0xf2: {  	[tilespmem:s10], [sflag:$0x1] =	stream.indirect.gather [spmem:s1], $0x80, s9, s8, $0xb8;
	[tilespmem:$0x18A00] =	vst v63  }
0xf3: {  	_ =	swait.ge [sflag:s11], $0x2800  }
0xf4: {  	[sflag:s11] =	ssyncset.done $0x0  }
0xf5: {  	[sflag:s11] =	ssyncadd.s32 $0xFFFFD800  }
0xf6: {  	[hbm4b:s19+s2] =	stream.linear.scatter [tilespmem:s10], [sflag:$0x1], $0x2800, $0x38;
	[tilespmem:$0x18A00] =	vst v63  }
0xf7: {  	_ =	swait.ge [sflag:s11], $0x2800  }
0xf8: {  	[sflag:s11] =	ssyncset.done $0x0  }
0xf9: {  	[sflag:s11] =	ssyncadd.s32 $0xFFFFD800  }
0xfa: {  	[tilespmem:$0x5100] =	vst @p0 v35  }
0xfb: {  	[tilespmem:$0x5110] =	vst @p0 v36  }
0xfc: {  	[tilespmem:$0x5120] =	vst @p0 v37  }
0xfd: {  	s0 =	simm.s32 @p0 $0x40;
	s22 =	simm.s32 @p0 $0x5100;
	s23 =	simm.s32 @p0 $0x2880;
	[tilespmem:$0x5130] =	vst @p0 v38  }
0xfe: {  	[tilespmem:s23], [sflag:$0x1] =	stream.indirect.gather @p0 [spmem:s1], $0x80, s22, s0, $0xb8;
	[tilespmem:$0x18A00] =	vst v63  }
0xff: {  	s0 =	simm.s32 @p0 $0x1  }
0x100: {  	_ =	swait.ge @p0 [sflag:s0], $0x2000  }
0x101: {  	[sflag:s0] =	ssyncset.done @p0 $0x0  }
0x102: {  	s22 =	simm.s32 @p0 $0x0;
	[sflag:s0] =	ssyncadd.s32 @p0 $0xFFFFE000  }
0x103: {  	[hbm4b:s20+s22] =	stream.linear.scatter @p0 [tilespmem:s23], [sflag:$0x1], $0x2000, $0x38;
	[tilespmem:$0x18A00] =	vst v63  }
0x104: {  	_ =	swait.ge @p0 [sflag:s0], $0x2000  }
0x105: {  	v40 =	vlaneseq.u32 @!p0;
	[sflag:s0] =	ssyncset.done @p0 $0x0  }
0x106: {  	v41 =	vor.u32 @!p0 $0x230, v40;
	[sflag:s0] =	ssyncadd.s32 @p0 $0xFFFFE000  }
0x107: {  	[tilespmem:$0x5080] =	vst @!p0 v41;
	v41 =	vor.u32 @!p0 $0x240, v40  }
0x108: {  	[tilespmem:$0x5090] =	vst @!p0 v41;
	v41 =	vor.u32 @!p0 $0x250, v40  }
0x109: {  	[tilespmem:$0x50A0] =	vst @!p0 v41;
	v41 =	vor.u32 @!p0 $0x260, v40  }
0x10a: {  	v40 =	vor.u32 @!p0 $0x270, v40;
	[tilespmem:$0x50B0] =	vst @!p0 v41  }
0x10b: {  	s22 =	simm.s32 @!p0 $0x5080;
	s23 =	simm.s32 @!p0 $0x2880;
	s0 =	simm.s32 @!p0 $0x50;
	[tilespmem:$0x50C0] =	vst @!p0 v40  }
0x10c: {  	[tilespmem:s23], [sflag:$0x1] =	stream.indirect.gather @!p0 [spmem:s1], $0x80, s22, s0, $0xb8;
	[tilespmem:$0x18A00] =	vst v63  }
0x10d: {  	s0 =	simm.s32 @!p0 $0x1  }
0x10e: {  	s21 =	sadd.s32 $0x1, s21;
	_ =	swait.ge @!p0 [sflag:s0], $0x2800  }
0x10f: {  	s24 =	simm.s32 @!p0 $0x0;
	p1 =	sne.s32 s21, s7;
	[sflag:s0] =	ssyncset.done @!p0 $0x0  }
.Ltmp3:
0x110: {  	s22 =	sadd.s32 @!p0 $0x2300, s6;
	[sflag:s0] =	ssyncadd.s32 @!p0 $0xFFFFD800;
	(pc) =	sbr.rel @p1 .LBB2_1-.Ltmp3, $4  }
0x111: {  	[hbm4b:s22+s24] =	stream.linear.scatter @!p0 [tilespmem:s23], [sflag:$0x1], $0x2800, $0x38;
	[tilespmem:$0x18A00] =	vst v63  }
0x112: {  	_ =	swait.ge @!p0 [sflag:s0], $0x2800  }
0x113: {  	[sflag:s0] =	ssyncset.done @!p0 $0x0  }
0x114: {  	[sflag:s0] =	ssyncadd.s32 @!p0 $0xFFFFD800  }
0x115: {  	_ =	sfence.sel $0x180000  }
0x116: {  	[bflag:$0x0] =	sbarrier.arrive $0xFFFF  }
0x117: {  	_ =	strace $0x9000004A  }
0x118: {  	[bflag:$0x2] =	sbarrier.arrive $0xFFFF  }
0x119: {  	s0 =	rddreg [dreg:$0x2]  }
0x11a: {  	s0 =	sadd.s32 @!p0 $0x100000, s0  }
0x11b: {  	[sflag:s0] =	ssyncadd.tile.s32 @!p0 $0x1;
	_ =	shalt  }
.Lfunc_end2:
_tile_overlayer_lowered:
.L_overlay_start_2:
0x11c: {  	(tag) =	ssettag $0x2  }
0x11d: {  	s0 =	rddreg [dreg:$0x0];
	s2 =	stileid.u32  }
0x11e: {  	s1 =	rddreg [dreg:$0x1];
	p0 =	sne.s32 s2, $0x0  }
0x11f: {  	s3 =	rddreg [dreg:$0x2];
	[bflag:$0x3] =	sbarrier.arrive $0xFFFF;
	s2 =	simm.s32 @!p0 $0x1C01  }
0x120: {  	[timem:s3], [sflag:s2] =	dma.local @!p0 [hbm:s0], s1  }
0x121: {  	s0 =	simm.s32 @!p0 $0x1  }
0x122: {  	_ =	swait.ge @!p0 [sflag:s0], s1  }
0x123: {  	s1 =	ssub.s32 @!p0 $0x0, s1;
	[sflag:s0] =	ssyncset.done @!p0 $0x0  }
0x124: {  	[sflag:s0] =	ssyncadd.s32 @!p0 s1  }
0x125: {  	[bflag:$0x3] =	sbarrier.arrive $0xFFFF  }
0x126: {  	_ =	shalt  }

</sc_bundles>
